<compile_context>
chip_gen: v7x
topology: tpu7x:2x2x1
jax: 0.10.2.dev20260603
libtpu: 0.0.44.dev20260713+nightly
codegen_flags: <defaults>
</compile_context>

<pallas_src>
import functools

import jax
import jax.numpy as jnp
from jax import lax
from jax.experimental import pallas as pl
from jax.experimental.pallas import tpu as pltpu
from jax.experimental.pallas import tpu_sc as plsc

N = 10000
H = 16
NC, NS = 2, 16
NW = NC * NS
NP = 10240
RPS = NP // NS
E = 320000
CH = 128
NCHT = E // CH
CPW = NCHT // NW
NX = NCHT - NW * CPW
GRP = 6
NG = CPW // GRP
GR = GRP * CH

_mesh = plsc.VectorSubcoreMesh(core_axis_name="c", subcore_axis_name="s")
_sc_params = pltpu.CompilerParams(use_tc_tiling_on_sc=False,
                                  needs_layout_passes=False)

_partial_out = (jax.ShapeDtypeStruct((NP, H), jnp.float32),
                jax.ShapeDtypeStruct((NP, H), jnp.float32))


@functools.partial(
    pl.kernel,
    out_type=_partial_out,
    mesh=_mesh,
    compiler_params=_sc_params,
    scratch_types=[
        pltpu.VMEM((CPW, CH), jnp.int32),
        pltpu.VMEM((1, CH), jnp.int32),
        pltpu.VMEM((CH, H), jnp.float32),
        pltpu.VMEM_SHARED((NP, H), jnp.float32),
        pltpu.SemaphoreType.DMA((2,)),
    ],
)
def _sc_degree(dst_hbm, ones_hbm, zeros_hbm, out0_hbm, out1_hbm,
               dst_v, dste_v, ones_v, acc_sh, ssem):
    c = lax.axis_index("c")
    s = lax.axis_index("s")
    w = c * NS + s
    pltpu.sync_copy(zeros_hbm.at[pl.ds(s * RPS, RPS)],
                    acc_sh.at[pl.ds(s * RPS, RPS)])
    pltpu.sync_copy(dst_hbm.at[pl.ds(w * CPW, CPW)], dst_v)
    pltpu.sync_copy(ones_hbm, ones_v)

    @pl.when(w < NX)
    def _():
        pltpu.sync_copy(dst_hbm.at[pl.ds(NW * CPW + w, 1)], dste_v)

    plsc.subcore_barrier()

    def body(j, carry):
        b = lax.rem(j, 2)
        for k in range(GRP):
            pltpu.async_copy(ones_v, acc_sh.at[dst_v.at[j * GRP + k]],
                             ssem.at[b], add=True)

        @pl.when(j >= 1)
        def _():
            for k in range(GRP):
                pltpu.make_async_copy(
                    ones_v, acc_sh.at[dst_v.at[(j - 1) * GRP + k]],
                    ssem.at[1 - b]).wait()

        return carry

    lax.fori_loop(0, NG, body, 0)
    for k in range(GRP):
        pltpu.make_async_copy(ones_v,
                              acc_sh.at[dst_v.at[(NG - 1) * GRP + k]],
                              ssem.at[(NG - 1) % 2]).wait()

    @pl.when(w < NX)
    def _():
        pltpu.sync_copy(ones_v, acc_sh.at[dste_v.at[0]], add=True)

    plsc.subcore_barrier()

    @pl.when(c == 0)
    def _():
        pltpu.sync_copy(acc_sh.at[pl.ds(s * RPS, RPS)],
                        out0_hbm.at[pl.ds(s * RPS, RPS)])

    @pl.when(c == 1)
    def _():
        pltpu.sync_copy(acc_sh.at[pl.ds(s * RPS, RPS)],
                        out1_hbm.at[pl.ds(s * RPS, RPS)])


def _edge_phase(table_sh, src_v, dst_v, srce_v, dste_v, rows_v, acc_sh,
                gsem, ssem, w):

    def _issue_gathers(g, b):
        for k in range(GRP):
            pltpu.async_copy(table_sh.at[src_v.at[g * GRP + k]],
                             rows_v.at[b].at[pl.ds(k * CH, CH)],
                             gsem.at[b])

    def _wait_gathers(g, b):
        for k in range(GRP):
            pltpu.make_async_copy(table_sh.at[src_v.at[g * GRP + k]],
                                  rows_v.at[b].at[pl.ds(k * CH, CH)],
                                  gsem.at[b]).wait()

    def _issue_scatters(g, b):
        for k in range(GRP):
            pltpu.async_copy(rows_v.at[b].at[pl.ds(k * CH, CH)],
                             acc_sh.at[dst_v.at[g * GRP + k]],
                             ssem.at[b], add=True)

    def _drain_scatters(g, b):
        for k in range(GRP):
            pltpu.make_async_copy(rows_v.at[b].at[pl.ds(k * CH, CH)],
                                  acc_sh.at[dst_v.at[g * GRP + k]],
                                  ssem.at[b]).wait()

    _issue_gathers(0, 0)

    def body(g, carry):
        b = lax.rem(g, 2)
        _wait_gathers(g, b)

        @pl.when(g >= 1)
        def _():
            _drain_scatters(g - 1, 1 - b)

        @pl.when(g + 1 < NG)
        def _():
            _issue_gathers(g + 1, 1 - b)

        _issue_scatters(g, b)
        return carry

    lax.fori_loop(0, NG, body, 0)
    _drain_scatters(NG - 1, (NG - 1) % 2)

    @pl.when(w < NX)
    def _():
        pltpu.sync_copy(table_sh.at[srce_v.at[0]],
                        rows_v.at[0].at[pl.ds(0, CH)])
        pltpu.sync_copy(rows_v.at[0].at[pl.ds(0, CH)],
                        acc_sh.at[dste_v.at[0]], add=True)


_prop_scratch = [
    pltpu.VMEM((CPW, CH), jnp.int32),
    pltpu.VMEM((CPW, CH), jnp.int32),
    pltpu.VMEM((1, CH), jnp.int32),
    pltpu.VMEM((1, CH), jnp.int32),
    pltpu.VMEM((2, GR, H), jnp.float32),
    pltpu.VMEM_SHARED((NP, H), jnp.float32),
    pltpu.VMEM_SHARED((NP, H), jnp.float32),
    pltpu.SemaphoreType.DMA((2,)),
    pltpu.SemaphoreType.DMA((2,)),
]

def _rsqrt_newton(d):
    y = plsc.bitcast(0x5F3759DF - lax.shift_right_arithmetic(
        plsc.bitcast(d, jnp.int32), 1), jnp.float32)
    for _ in range(2):
        y = y * (1.5 - 0.5 * d * y * y)
    return y


@functools.partial(
    pl.kernel,
    out_type=(jax.ShapeDtypeStruct((NP, H), jnp.float32),) * 3,
    mesh=_mesh,
    compiler_params=_sc_params,
    scratch_types=_prop_scratch + [
        pltpu.VMEM((RPS, H), jnp.float32),
        pltpu.VMEM((RPS, H), jnp.float32),
        pltpu.VMEM((RPS, H), jnp.float32),
    ],
)
def _sc_prop1(h1_hbm, d0_hbm, d1_hbm, src_hbm, dst_hbm, zeros_hbm,
              out0_hbm, out1_hbm, disw_hbm,
              src_v, dst_v, srce_v, dste_v, rows_v, acc_sh, hp_sh,
              gsem, ssem, t0_v, d0_v, d1_v):
    c = lax.axis_index("c")
    s = lax.axis_index("s")
    w = c * NS + s
    pltpu.sync_copy(h1_hbm.at[pl.ds(s * RPS, RPS)], t0_v)
    pltpu.sync_copy(d0_hbm.at[pl.ds(s * RPS, RPS)], d0_v)
    pltpu.sync_copy(d1_hbm.at[pl.ds(s * RPS, RPS)], d1_v)
    pltpu.sync_copy(src_hbm.at[pl.ds(w * CPW, CPW)], src_v)
    pltpu.sync_copy(dst_hbm.at[pl.ds(w * CPW, CPW)], dst_v)

    @pl.when(w < NX)
    def _():
        pltpu.sync_copy(src_hbm.at[pl.ds(NW * CPW + w, 1)], srce_v)
        pltpu.sync_copy(dst_hbm.at[pl.ds(NW * CPW + w, 1)], dste_v)

    @plsc.parallel_loop(0, RPS, step=1, unroll=8)
    def _(r):
        dis = _rsqrt_newton(d0_v[r] + d1_v[r] + 1.0)
        t0_v[r] = t0_v[r] * dis
        d0_v[r] = dis
    pltpu.sync_copy(t0_v, hp_sh.at[pl.ds(s * RPS, RPS)])

    @pl.when(c == 0)
    def _():
        pltpu.sync_copy(t0_v, acc_sh.at[pl.ds(s * RPS, RPS)])
        pltpu.sync_copy(d0_v, disw_hbm.at[pl.ds(s * RPS, RPS)])

    @pl.when(c == 1)
    def _():
        pltpu.sync_copy(zeros_hbm.at[pl.ds(s * RPS, RPS)],
                        acc_sh.at[pl.ds(s * RPS, RPS)])

    plsc.subcore_barrier()
    _edge_phase(hp_sh, src_v, dst_v, srce_v, dste_v, rows_v, acc_sh,
                gsem, ssem, w)
    plsc.subcore_barrier()

    @pl.when(c == 0)
    def _():
        pltpu.sync_copy(acc_sh.at[pl.ds(s * RPS, RPS)],
                        out0_hbm.at[pl.ds(s * RPS, RPS)])

    @pl.when(c == 1)
    def _():
        pltpu.sync_copy(acc_sh.at[pl.ds(s * RPS, RPS)],
                        out1_hbm.at[pl.ds(s * RPS, RPS)])


@functools.partial(
    pl.kernel,
    out_type=_partial_out,
    mesh=_mesh,
    compiler_params=_sc_params,
    scratch_types=_prop_scratch + [
        pltpu.VMEM((RPS, H), jnp.float32),
        pltpu.VMEM((RPS, H), jnp.float32),
        pltpu.VMEM((RPS, H), jnp.float32),
        pltpu.VMEM((H,), jnp.float32),
    ],
)
def _sc_prop2(e10_hbm, e11_hbm, disw_hbm, b1_hbm, src_hbm, dst_hbm,
              zeros_hbm, out0_hbm, out1_hbm,
              src_v, dst_v, srce_v, dste_v, rows_v, acc_sh, hp2_sh,
              gsem, ssem, t0_v, t1_v, dw_v, b1_v):
    c = lax.axis_index("c")
    s = lax.axis_index("s")
    w = c * NS + s
    pltpu.sync_copy(e10_hbm.at[pl.ds(s * RPS, RPS)], t0_v)
    pltpu.sync_copy(e11_hbm.at[pl.ds(s * RPS, RPS)], t1_v)
    pltpu.sync_copy(disw_hbm.at[pl.ds(s * RPS, RPS)], dw_v)
    pltpu.sync_copy(b1_hbm, b1_v)
    pltpu.sync_copy(src_hbm.at[pl.ds(w * CPW, CPW)], src_v)
    pltpu.sync_copy(dst_hbm.at[pl.ds(w * CPW, CPW)], dst_v)

    @pl.when(w < NX)
    def _():
        pltpu.sync_copy(src_hbm.at[pl.ds(NW * CPW + w, 1)], srce_v)
        pltpu.sync_copy(dst_hbm.at[pl.ds(NW * CPW + w, 1)], dste_v)

    b1r = b1_v[...]

    @plsc.parallel_loop(0, RPS, step=1, unroll=8)
    def _(r):
        dw = dw_v[r]
        t0_v[r] = jnp.maximum((t0_v[r] + t1_v[r]) * dw + b1r, 0.0) * dw
    pltpu.sync_copy(t0_v, hp2_sh.at[pl.ds(s * RPS, RPS)])

    @pl.when(c == 0)
    def _():
        pltpu.sync_copy(t0_v, acc_sh.at[pl.ds(s * RPS, RPS)])

    @pl.when(c == 1)
    def _():
        pltpu.sync_copy(zeros_hbm.at[pl.ds(s * RPS, RPS)],
                        acc_sh.at[pl.ds(s * RPS, RPS)])

    plsc.subcore_barrier()
    _edge_phase(hp2_sh, src_v, dst_v, srce_v, dste_v, rows_v, acc_sh,
                gsem, ssem, w)
    plsc.subcore_barrier()

    @pl.when(c == 0)
    def _():
        pltpu.sync_copy(acc_sh.at[pl.ds(s * RPS, RPS)],
                        out0_hbm.at[pl.ds(s * RPS, RPS)])

    @pl.when(c == 1)
    def _():
        pltpu.sync_copy(acc_sh.at[pl.ds(s * RPS, RPS)],
                        out1_hbm.at[pl.ds(s * RPS, RPS)])


R = 2000
G = N // R


def _tc_matmul_body(x_ref, w1_ref, h_ref):
    h_ref[...] = jnp.dot(x_ref[...], w1_ref[...],
                         preferred_element_type=jnp.float32)


def _tc_final_body(e0_ref, e1_ref, disw_ref, w2_ref, b2_ref, out_ref):
    t = disw_ref[...] * (e0_ref[...] + e1_ref[...])
    out_ref[...] = (jnp.dot(t, w2_ref[...], preferred_element_type=jnp.float32)
                    + b2_ref[...])


def _row_spec(width):
    return pl.BlockSpec((R, width), lambda i: (i, 0))


def _full_spec(h, width):
    return pl.BlockSpec((h, width), lambda i: (0, 0))


def _tc_matmul(x, W1):
    return pl.pallas_call(
        _tc_matmul_body,
        grid=(G,),
        in_specs=[_row_spec(128), _full_spec(128, H)],
        out_specs=_row_spec(H),
        out_shape=jax.ShapeDtypeStruct((NP, H), jnp.float32),
    )(x, W1)


def _tc_final(e0, e1, disw, W2, b2):
    return pl.pallas_call(
        _tc_final_body,
        grid=(G,),
        in_specs=[_row_spec(H)] * 3 + [_full_spec(H, 128), _full_spec(1, 128)],
        out_specs=_row_spec(128),
        out_shape=jax.ShapeDtypeStruct((N, 128), jnp.float32),
    )(e0, e1, disw, W2, b2)


def kernel(x, edge_index, W1, b1, W2, b2):
    ei = edge_index.astype(jnp.int32)
    src = ei[0].reshape(NCHT, CH)
    dst = ei[1].reshape(NCHT, CH)
    zeros_p = jnp.zeros((NP, H), jnp.float32)
    ones_c = jnp.ones((CH, H), jnp.float32)

    h1 = _tc_matmul(x, W1)
    d0, d1 = _sc_degree(dst, ones_c, zeros_p)
    e10, e11, disw = _sc_prop1(h1, d0, d1, src, dst, zeros_p)
    e20, e21 = _sc_prop2(e10, e11, disw, b1.astype(jnp.float32), src, dst,
                         zeros_p)
    return _tc_final(e20, e21, disw, W2, b2.reshape(1, 128))

# --- scband reference (transcript-rebuilt; emitter-appended) ---
"""Pipeline reference for scband-gcnencoder-87101936763176 (READ-ONLY COPY).

The authoritative reference and input builder live on the scoring server;
editing this copy changes nothing except your own understanding.
"""

import jax, jax.numpy as jnp
import numpy as np

N_NODES = 10000


def gcn_conv(x, W, b, edge_index):
    # GCNConv with symmetric normalization and self-loops:
    # out = D^{-1/2} (A + I) D^{-1/2} (x W) + b
    num_nodes = x.shape[0]
    src = edge_index[0]
    dst = edge_index[1]
    loop = jnp.arange(num_nodes, dtype=edge_index.dtype)
    src = jnp.concatenate([src, loop])
    dst = jnp.concatenate([dst, loop])
    h = x @ W
    deg = jnp.zeros((num_nodes,), dtype=h.dtype).at[dst].add(1.0)
    deg_inv_sqrt = jnp.where(deg > 0, jax.lax.rsqrt(jnp.maximum(deg, 1e-12)), 0.0)
    norm = deg_inv_sqrt[src] * deg_inv_sqrt[dst]
    msg = h[src] * norm[:, None]
    out = jnp.zeros((num_nodes, h.shape[1]), dtype=h.dtype).at[dst].add(msg)
    return out + b


def setup_inputs(seed: int = 0) -> dict:
    key = jax.random.key(seed)
    k1, k2, k3, k4 = jax.random.split(key, 4)
    in_channels, hidden_channels, out_channels = 128, 16, 128
    x = jax.random.normal(k1, (N_NODES, in_channels), dtype=jnp.float32)
    edge_index = jax.random.randint(k2, (2, 320000), 0, N_NODES, dtype=jnp.int64)
    # glorot-style init for GCN layer weights
    W1 = jax.random.normal(k3, (in_channels, hidden_channels), dtype=jnp.float32) * (1.0 / np.sqrt(in_channels))
    b1 = jnp.zeros((hidden_channels,), dtype=jnp.float32)
    W2 = jax.random.normal(k4, (hidden_channels, out_channels), dtype=jnp.float32) * (1.0 / np.sqrt(hidden_channels))
    b2 = jnp.zeros((out_channels,), dtype=jnp.float32)
    return {"x": x, "edge_index": edge_index, "W1": W1, "b1": b1, "W2": W2, "b2": b2}


def reference(x, edge_index, W1, b1, W2, b2):
    h = gcn_conv(x, W1, b1, edge_index)
    h = jax.nn.relu(h)
    out = gcn_conv(h, W2, b2, edge_index)
    return out

if __name__ == "__main__":
    import jax
    _d = setup_inputs()
    print(jax.jit(kernel)(*tuple(_d.values())))

</pallas_src>

<mosaic_0001>
#map = affine_map<(d0, d1) -> (0, 0)>
module attributes {stable_mosaic.version = 14 : i64} {
  func.func @_sc_degree(%arg0: i32, %arg1: i32, %arg2: memref<2500x128xi32, #tpu.memory_space<hbm>>, %arg3: memref<128x16xf32, #tpu.memory_space<hbm>>, %arg4: memref<10240x16xf32, #tpu.memory_space<hbm>>, %arg5: memref<10240x16xf32, #tpu.memory_space<hbm>>, %arg6: memref<10240x16xf32, #tpu.memory_space<hbm>>, %arg7: memref<78x128xi32, #tpu.memory_space<vmem>>, %arg8: memref<1x128xi32, #tpu.memory_space<vmem>>, %arg9: memref<128x16xf32, #tpu.memory_space<vmem>>, %arg10: memref<10240x16xf32, #tpu.memory_space<vmem_shared>>, %arg11: memref<2x!tpu.dma_semaphore, #tpu.memory_space<semaphore_mem>>) attributes {dimension_semantics = [#tpu.dimension_semantics<core_parallel>, #tpu.dimension_semantics<subcore_parallel>], iteration_bounds = array<i64: 2, 16>, scalar_prefetch = 0 : i64, scratch_operands = 5 : i64, tpu.core_type = #tpu.core_type<sc_vector_subcore>, window_params = [{transform_indices = #map}, {transform_indices = #map}, {transform_indices = #map}, {transform_indices = #map}, {transform_indices = #map}]} {
    %mul3A = arith.constant 16 : i32
    %mul3A_0 = arith.muli %arg0, %mul3A : i32
    %add3A = arith.addi %mul3A_0, %arg1 : i32
    %mul3A_1 = arith.constant 640 : i32
    %mul3A_2 = arith.muli %arg1, %mul3A_1 : i32
    %mul3A_3 = arith.constant 640 : i32
    %mul3A_4 = arith.muli %arg1, %mul3A_3 : i32
    "tpu.region"() ({
      %run_scoped3A = tpu.sem_alloc : memref<!tpu.dma_semaphore, #tpu.memory_space<semaphore_mem>>
      %dma_start3A = arith.constant 0 : i32
      %dma_start3A_88 = tpu.memref_slice %arg10[%mul3A_4, %dma_start3A] : memref<10240x16xf32, #tpu.memory_space<vmem_shared>> -> memref<640x16xf32, #tpu.memory_space<vmem_shared>>
      %dma_start3A_89 = arith.constant 0 : i32
      %dma_start3A_90 = tpu.memref_slice %arg4[%mul3A_2, %dma_start3A_89] : memref<10240x16xf32, #tpu.memory_space<hbm>> -> memref<640x16xf32, #tpu.memory_space<hbm>>
      tpu.enqueue_dma source(%dma_start3A_90 : memref<640x16xf32, #tpu.memory_space<hbm>>) target(%dma_start3A_88 : memref<640x16xf32, #tpu.memory_space<vmem_shared>>) target_semaphore(%run_scoped3A : memref<!tpu.dma_semaphore, #tpu.memory_space<semaphore_mem>>)
      %dma_wait3A_91 = arith.constant 0 : i32
      %dma_wait3A_92 = tpu.memref_slice %arg10[%mul3A_4, %dma_wait3A_91] : memref<10240x16xf32, #tpu.memory_space<vmem_shared>> -> memref<640x16xf32, #tpu.memory_space<vmem_shared>>
      %dma_wait3A_93 = arith.constant 0 : i32
      %dma_wait3A_94 = tpu.memref_slice %arg4[%mul3A_2, %dma_wait3A_93] : memref<10240x16xf32, #tpu.memory_space<hbm>> -> memref<640x16xf32, #tpu.memory_space<hbm>>
      tpu.wait_dma2 semaphore(%run_scoped3A : memref<!tpu.dma_semaphore, #tpu.memory_space<semaphore_mem>>) src(%dma_wait3A_94 : memref<640x16xf32, #tpu.memory_space<hbm>>) dst(%dma_wait3A_92 : memref<640x16xf32, #tpu.memory_space<vmem_shared>>)
      tpu.yield
    }) : () -> ()
    %mul3A_5 = arith.constant 78 : i32
    %mul3A_6 = arith.muli %add3A, %mul3A_5 : i32
    "tpu.region"() ({
      %run_scoped3A = tpu.sem_alloc : memref<!tpu.dma_semaphore, #tpu.memory_space<semaphore_mem>>
      %dma_start3A = arith.constant 0 : i32
      %dma_start3A_88 = tpu.memref_slice %arg2[%mul3A_6, %dma_start3A] : memref<2500x128xi32, #tpu.memory_space<hbm>> -> memref<78x128xi32, #tpu.memory_space<hbm>>
      %dma_start3A_89 = arith.constant 0 : i32
      %dma_start3A_90 = tpu.memref_slice %arg2[%mul3A_6, %dma_start3A_89] : memref<2500x128xi32, #tpu.memory_space<hbm>> -> memref<78x128xi32, #tpu.memory_space<hbm>>
      tpu.enqueue_dma source(%dma_start3A_90 : memref<78x128xi32, #tpu.memory_space<hbm>>) target(%arg7 : memref<78x128xi32, #tpu.memory_space<vmem>>) target_semaphore(%run_scoped3A : memref<!tpu.dma_semaphore, #tpu.memory_space<semaphore_mem>>)
      %dma_wait3A_91 = arith.constant 0 : i32
      %dma_wait3A_92 = tpu.memref_slice %arg2[%mul3A_6, %dma_wait3A_91] : memref<2500x128xi32, #tpu.memory_space<hbm>> -> memref<78x128xi32, #tpu.memory_space<hbm>>
      %dma_wait3A_93 = arith.constant 0 : i32
      %dma_wait3A_94 = tpu.memref_slice %arg2[%mul3A_6, %dma_wait3A_93] : memref<2500x128xi32, #tpu.memory_space<hbm>> -> memref<78x128xi32, #tpu.memory_space<hbm>>
      tpu.wait_dma2 semaphore(%run_scoped3A : memref<!tpu.dma_semaphore, #tpu.memory_space<semaphore_mem>>) src(%dma_wait3A_94 : memref<78x128xi32, #tpu.memory_space<hbm>>) dst(%arg7 : memref<78x128xi32, #tpu.memory_space<vmem>>)
      tpu.yield
    }) : () -> ()
    "tpu.region"() ({
      %run_scoped3A = tpu.sem_alloc : memref<!tpu.dma_semaphore, #tpu.memory_space<semaphore_mem>>
      tpu.enqueue_dma source(%arg3 : memref<128x16xf32, #tpu.memory_space<hbm>>) target(%arg9 : memref<128x16xf32, #tpu.memory_space<vmem>>) target_semaphore(%run_scoped3A : memref<!tpu.dma_semaphore, #tpu.memory_space<semaphore_mem>>)
      tpu.wait_dma2 semaphore(%run_scoped3A : memref<!tpu.dma_semaphore, #tpu.memory_space<semaphore_mem>>) src(%arg3 : memref<128x16xf32, #tpu.memory_space<hbm>>) dst(%arg9 : memref<128x16xf32, #tpu.memory_space<vmem>>)
      tpu.yield
    }) : () -> ()
    %lt3A = arith.constant 4 : i32
    %lt3A_7 = arith.cmpi slt, %add3A, %lt3A : i32
    %convert_element_type3A = arith.extui %lt3A_7 : i1 to i32
    %cond3A = arith.constant 0 : i32
    %cond3A_8 = arith.cmpi ne, %convert_element_type3A, %cond3A : i32
    scf.if %cond3A_8 {
      %add3A_88 = arith.constant 2496 : i32
      %add3A_89 = arith.addi %add3A_88, %add3A : i32
      "tpu.region"() ({
        %run_scoped3A = tpu.sem_alloc : memref<!tpu.dma_semaphore, #tpu.memory_space<semaphore_mem>>
        %dma_start3A = arith.constant 0 : i32
        %dma_start3A_90 = tpu.memref_slice %arg2[%add3A_89, %dma_start3A] : memref<2500x128xi32, #tpu.memory_space<hbm>> -> memref<1x128xi32, #tpu.memory_space<hbm>>
        %dma_start3A_91 = arith.constant 0 : i32
        %dma_start3A_92 = tpu.memref_slice %arg2[%add3A_89, %dma_start3A_91] : memref<2500x128xi32, #tpu.memory_space<hbm>> -> memref<1x128xi32, #tpu.memory_space<hbm>>
        tpu.enqueue_dma source(%dma_start3A_92 : memref<1x128xi32, #tpu.memory_space<hbm>>) target(%arg8 : memref<1x128xi32, #tpu.memory_space<vmem>>) target_semaphore(%run_scoped3A : memref<!tpu.dma_semaphore, #tpu.memory_space<semaphore_mem>>)
        %dma_wait3A_93 = arith.constant 0 : i32
        %dma_wait3A_94 = tpu.memref_slice %arg2[%add3A_89, %dma_wait3A_93] : memref<2500x128xi32, #tpu.memory_space<hbm>> -> memref<1x128xi32, #tpu.memory_space<hbm>>
        %dma_wait3A_95 = arith.constant 0 : i32
        %dma_wait3A_96 = tpu.memref_slice %arg2[%add3A_89, %dma_wait3A_95] : memref<2500x128xi32, #tpu.memory_space<hbm>> -> memref<1x128xi32, #tpu.memory_space<hbm>>
        tpu.wait_dma2 semaphore(%run_scoped3A : memref<!tpu.dma_semaphore, #tpu.memory_space<semaphore_mem>>) src(%dma_wait3A_96 : memref<1x128xi32, #tpu.memory_space<hbm>>) dst(%arg8 : memref<1x128xi32, #tpu.memory_space<vmem>>)
        tpu.yield
      }) : () -> ()
    } else {
    }
    %barrier3A = arith.constant 0 : index
    tpu.barrier barrier_id(%barrier3A)
    %scan3A = arith.constant 0 : i32
    %scan3A_9 = arith.constant 0 : i32
    %scan3A_10 = arith.constant 13 : i32
    %scan3A_11 = arith.addi %scan3A_9, %scan3A_10 : i32
    %scan3A_12 = arith.constant 1 : i32
    scf.for %scan3A_88 = %scan3A_9 to %scan3A_11 step %scan3A_12  : i32 {
      %rem3A = arith.constant 2 : i32
      %rem3A_89 = arith.remsi %scan3A_88, %rem3A : i32
      %mul3A_90 = arith.constant 6 : i32
      %mul3A_91 = arith.muli %scan3A_88, %mul3A_90 : i32
      %add3A_92 = arith.constant 0 : i32
      %add3A_93 = arith.addi %mul3A_91, %add3A_92 : i32
      %dma_start3A = arith.constant 0 : i32
      %dma_start3A_94 = tpu.memref_slice %arg7[%add3A_93, %dma_start3A] : memref<78x128xi32, #tpu.memory_space<vmem>> -> memref<1x128xi32, #tpu.memory_space<vmem>>
      %dma_start3A_95 = tpu.memref_squeeze %dma_start3A_94 : memref<1x128xi32, #tpu.memory_space<vmem>> -> memref<128xi32, #tpu.memory_space<vmem>>
      %dma_start3A_96 = arith.constant 0 : i32
      %dma_start3A_97 = arith.constant 0 : i32
      %dma_start3A_98 = tpu.memref_slice %arg10[%dma_start3A_96, %dma_start3A_97] : memref<10240x16xf32, #tpu.memory_space<vmem_shared>> -> memref<10240x16xf32, #tpu.memory_space<vmem_shared>>
      %dma_start3A_99 = tpu.memref_slice %arg11[%rem3A_89] : memref<2x!tpu.dma_semaphore, #tpu.memory_space<semaphore_mem>> -> memref<1x!tpu.dma_semaphore, #tpu.memory_space<semaphore_mem>>
      %dma_start3A_100 = tpu.memref_squeeze %dma_start3A_99 : memref<1x!tpu.dma_semaphore, #tpu.memory_space<semaphore_mem>> -> memref<!tpu.dma_semaphore, #tpu.memory_space<semaphore_mem>>
      tpu.enqueue_indirect_dma source(%arg9 : memref<128x16xf32, #tpu.memory_space<vmem>>) target(%dma_start3A_98 : memref<10240x16xf32, #tpu.memory_space<vmem_shared>>) offsets(%dma_start3A_95 : memref<128xi32, #tpu.memory_space<vmem>>) semaphore(%dma_start3A_100 : memref<!tpu.dma_semaphore, #tpu.memory_space<semaphore_mem>>) {add = true}
      %mul3A_101 = arith.constant 6 : i32
      %mul3A_102 = arith.muli %scan3A_88, %mul3A_101 : i32
      %add3A_103 = arith.constant 1 : i32
      %add3A_104 = arith.addi %mul3A_102, %add3A_103 : i32
      %dma_start3A_105 = arith.constant 0 : i32
      %dma_start3A_106 = tpu.memref_slice %arg7[%add3A_104, %dma_start3A_105] : memref<78x128xi32, #tpu.memory_space<vmem>> -> memref<1x128xi32, #tpu.memory_space<vmem>>
      %dma_start3A_107 = tpu.memref_squeeze %dma_start3A_106 : memref<1x128xi32, #tpu.memory_space<vmem>> -> memref<128xi32, #tpu.memory_space<vmem>>
      %dma_start3A_108 = arith.constant 0 : i32
      %dma_start3A_109 = arith.constant 0 : i32
      %dma_start3A_110 = tpu.memref_slice %arg10[%dma_start3A_108, %dma_start3A_109] : memref<10240x16xf32, #tpu.memory_space<vmem_shared>> -> memref<10240x16xf32, #tpu.memory_space<vmem_shared>>
      %dma_start3A_111 = tpu.memref_slice %arg11[%rem3A_89] : memref<2x!tpu.dma_semaphore, #tpu.memory_space<semaphore_mem>> -> memref<1x!tpu.dma_semaphore, #tpu.memory_space<semaphore_mem>>
      %dma_start3A_112 = tpu.memref_squeeze %dma_start3A_111 : memref<1x!tpu.dma_semaphore, #tpu.memory_space<semaphore_mem>> -> memref<!tpu.dma_semaphore, #tpu.memory_space<semaphore_mem>>
      tpu.enqueue_indirect_dma source(%arg9 : memref<128x16xf32, #tpu.memory_space<vmem>>) target(%dma_start3A_110 : memref<10240x16xf32, #tpu.memory_space<vmem_shared>>) offsets(%dma_start3A_107 : memref<128xi32, #tpu.memory_space<vmem>>) semaphore(%dma_start3A_112 : memref<!tpu.dma_semaphore, #tpu.memory_space<semaphore_mem>>) {add = true}
      %mul3A_113 = arith.constant 6 : i32
      %mul3A_114 = arith.muli %scan3A_88, %mul3A_113 : i32
      %add3A_115 = arith.constant 2 : i32
      %add3A_116 = arith.addi %mul3A_114, %add3A_115 : i32
      %dma_start3A_117 = arith.constant 0 : i32
      %dma_start3A_118 = tpu.memref_slice %arg7[%add3A_116, %dma_start3A_117] : memref<78x128xi32, #tpu.memory_space<vmem>> -> memref<1x128xi32, #tpu.memory_space<vmem>>
      %dma_start3A_119 = tpu.memref_squeeze %dma_start3A_118 : memref<1x128xi32, #tpu.memory_space<vmem>> -> memref<128xi32, #tpu.memory_space<vmem>>
      %dma_start3A_120 = arith.constant 0 : i32
      %dma_start3A_121 = arith.constant 0 : i32
      %dma_start3A_122 = tpu.memref_slice %arg10[%dma_start3A_120, %dma_start3A_121] : memref<10240x16xf32, #tpu.memory_space<vmem_shared>> -> memref<10240x16xf32, #tpu.memory_space<vmem_shared>>
      %dma_start3A_123 = tpu.memref_slice %arg11[%rem3A_89] : memref<2x!tpu.dma_semaphore, #tpu.memory_space<semaphore_mem>> -> memref<1x!tpu.dma_semaphore, #tpu.memory_space<semaphore_mem>>
      %dma_start3A_124 = tpu.memref_squeeze %dma_start3A_123 : memref<1x!tpu.dma_semaphore, #tpu.memory_space<semaphore_mem>> -> memref<!tpu.dma_semaphore, #tpu.memory_space<semaphore_mem>>
      tpu.enqueue_indirect_dma source(%arg9 : memref<128x16xf32, #tpu.memory_space<vmem>>) target(%dma_start3A_122 : memref<10240x16xf32, #tpu.memory_space<vmem_shared>>) offsets(%dma_start3A_119 : memref<128xi32, #tpu.memory_space<vmem>>) semaphore(%dma_start3A_124 : memref<!tpu.dma_semaphore, #tpu.memory_space<semaphore_mem>>) {add = true}
      %mul3A_125 = arith.constant 6 : i32
      %mul3A_126 = arith.muli %scan3A_88, %mul3A_125 : i32
      %add3A_127 = arith.constant 3 : i32
      %add3A_128 = arith.addi %mul3A_126, %add3A_127 : i32
      %dma_start3A_129 = arith.constant 0 : i32
      %dma_start3A_130 = tpu.memref_slice %arg7[%add3A_128, %dma_start3A_129] : memref<78x128xi32, #tpu.memory_space<vmem>> -> memref<1x128xi32, #tpu.memory_space<vmem>>
      %dma_start3A_131 = tpu.memref_squeeze %dma_start3A_130 : memref<1x128xi32, #tpu.memory_space<vmem>> -> memref<128xi32, #tpu.memory_space<vmem>>
      %dma_start3A_132 = arith.constant 0 : i32
      %dma_start3A_133 = arith.constant 0 : i32
      %dma_start3A_134 = tpu.memref_slice %arg10[%dma_start3A_132, %dma_start3A_133] : memref<10240x16xf32, #tpu.memory_space<vmem_shared>> -> memref<10240x16xf32, #tpu.memory_space<vmem_shared>>
      %dma_start3A_135 = tpu.memref_slice %arg11[%rem3A_89] : memref<2x!tpu.dma_semaphore, #tpu.memory_space<semaphore_mem>> -> memref<1x!tpu.dma_semaphore, #tpu.memory_space<semaphore_mem>>
      %dma_start3A_136 = tpu.memref_squeeze %dma_start3A_135 : memref<1x!tpu.dma_semaphore, #tpu.memory_space<semaphore_mem>> -> memref<!tpu.dma_semaphore, #tpu.memory_space<semaphore_mem>>
      tpu.enqueue_indirect_dma source(%arg9 : memref<128x16xf32, #tpu.memory_space<vmem>>) target(%dma_start3A_134 : memref<10240x16xf32, #tpu.memory_space<vmem_shared>>) offsets(%dma_start3A_131 : memref<128xi32, #tpu.memory_space<vmem>>) semaphore(%dma_start3A_136 : memref<!tpu.dma_semaphore, #tpu.memory_space<semaphore_mem>>) {add = true}
      %mul3A_137 = arith.constant 6 : i32
      %mul3A_138 = arith.muli %scan3A_88, %mul3A_137 : i32
      %add3A_139 = arith.constant 4 : i32
      %add3A_140 = arith.addi %mul3A_138, %add3A_139 : i32
      %dma_start3A_141 = arith.constant 0 : i32
      %dma_start3A_142 = tpu.memref_slice %arg7[%add3A_140, %dma_start3A_141] : memref<78x128xi32, #tpu.memory_space<vmem>> -> memref<1x128xi32, #tpu.memory_space<vmem>>
      %dma_start3A_143 = tpu.memref_squeeze %dma_start3A_142 : memref<1x128xi32, #tpu.memory_space<vmem>> -> memref<128xi32, #tpu.memory_space<vmem>>
      %dma_start3A_144 = arith.constant 0 : i32
      %dma_start3A_145 = arith.constant 0 : i32
      %dma_start3A_146 = tpu.memref_slice %arg10[%dma_start3A_144, %dma_start3A_145] : memref<10240x16xf32, #tpu.memory_space<vmem_shared>> -> memref<10240x16xf32, #tpu.memory_space<vmem_shared>>
      %dma_start3A_147 = tpu.memref_slice %arg11[%rem3A_89] : memref<2x!tpu.dma_semaphore, #tpu.memory_space<semaphore_mem>> -> memref<1x!tpu.dma_semaphore, #tpu.memory_space<semaphore_mem>>
      %dma_start3A_148 = tpu.memref_squeeze %dma_start3A_147 : memref<1x!tpu.dma_semaphore, #tpu.memory_space<semaphore_mem>> -> memref<!tpu.dma_semaphore, #tpu.memory_space<semaphore_mem>>
      tpu.enqueue_indirect_dma source(%arg9 : memref<128x16xf32, #tpu.memory_space<vmem>>) target(%dma_start3A_146 : memref<10240x16xf32, #tpu.memory_space<vmem_shared>>) offsets(%dma_start3A_143 : memref<128xi32, #tpu.memory_space<vmem>>) semaphore(%dma_start3A_148 : memref<!tpu.dma_semaphore, #tpu.memory_space<semaphore_mem>>) {add = true}
      %mul3A_149 = arith.constant 6 : i32
      %mul3A_150 = arith.muli %scan3A_88, %mul3A_149 : i32
      %add3A_151 = arith.constant 5 : i32
      %add3A_152 = arith.addi %mul3A_150, %add3A_151 : i32
      %dma_start3A_153 = arith.constant 0 : i32
      %dma_start3A_154 = tpu.memref_slice %arg7[%add3A_152, %dma_start3A_153] : memref<78x128xi32, #tpu.memory_space<vmem>> -> memref<1x128xi32, #tpu.memory_space<vmem>>
      %dma_start3A_155 = tpu.memref_squeeze %dma_start3A_154 : memref<1x128xi32, #tpu.memory_space<vmem>> -> memref<128xi32, #tpu.memory_space<vmem>>
      %dma_start3A_156 = arith.constant 0 : i32
      %dma_start3A_157 = arith.constant 0 : i32
      %dma_start3A_158 = tpu.memref_slice %arg10[%dma_start3A_156, %dma_start3A_157] : memref<10240x16xf32, #tpu.memory_space<vmem_shared>> -> memref<10240x16xf32, #tpu.memory_space<vmem_shared>>
      %dma_start3A_159 = tpu.memref_slice %arg11[%rem3A_89] : memref<2x!tpu.dma_semaphore, #tpu.memory_space<semaphore_mem>> -> memref<1x!tpu.dma_semaphore, #tpu.memory_space<semaphore_mem>>
      %dma_start3A_160 = tpu.memref_squeeze %dma_start3A_159 : memref<1x!tpu.dma_semaphore, #tpu.memory_space<semaphore_mem>> -> memref<!tpu.dma_semaphore, #tpu.memory_space<semaphore_mem>>
      tpu.enqueue_indirect_dma source(%arg9 : memref<128x16xf32, #tpu.memory_space<vmem>>) target(%dma_start3A_158 : memref<10240x16xf32, #tpu.memory_space<vmem_shared>>) offsets(%dma_start3A_155 : memref<128xi32, #tpu.memory_space<vmem>>) semaphore(%dma_start3A_160 : memref<!tpu.dma_semaphore, #tpu.memory_space<semaphore_mem>>) {add = true}
      %ge3A = arith.constant 1 : i32
      %ge3A_161 = arith.cmpi sge, %scan3A_88, %ge3A : i32
      %convert_element_type3A_162 = arith.extui %ge3A_161 : i1 to i32
      %cond3A_163 = arith.constant 0 : i32
      %cond3A_164 = arith.cmpi ne, %convert_element_type3A_162, %cond3A_163 : i32
      scf.if %cond3A_164 {
        %sub3A = arith.constant 1 : i32
        %sub3A_165 = arith.subi %scan3A_88, %sub3A : i32
        %mul3A_166 = arith.constant 6 : i32
        %mul3A_167 = arith.muli %sub3A_165, %mul3A_166 : i32
        %add3A_168 = arith.constant 0 : i32
        %add3A_169 = arith.addi %mul3A_167, %add3A_168 : i32
        %sub3A_170 = arith.constant 1 : i32
        %sub3A_171 = arith.subi %sub3A_170, %rem3A_89 : i32
        %dma_wait3A_172 = arith.constant 0 : i32
        %dma_wait3A_173 = tpu.memref_slice %arg7[%add3A_169, %dma_wait3A_172] : memref<78x128xi32, #tpu.memory_space<vmem>> -> memref<1x128xi32, #tpu.memory_space<vmem>>
        %dma_wait3A_174 = tpu.memref_squeeze %dma_wait3A_173 : memref<1x128xi32, #tpu.memory_space<vmem>> -> memref<128xi32, #tpu.memory_space<vmem>>
        %dma_wait3A_175 = arith.constant 0 : i32
        %dma_wait3A_176 = arith.constant 0 : i32
        %dma_wait3A_177 = tpu.memref_slice %arg10[%dma_wait3A_175, %dma_wait3A_176] : memref<10240x16xf32, #tpu.memory_space<vmem_shared>> -> memref<10240x16xf32, #tpu.memory_space<vmem_shared>>
        %dma_wait3A_178 = tpu.memref_slice %arg11[%sub3A_171] : memref<2x!tpu.dma_semaphore, #tpu.memory_space<semaphore_mem>> -> memref<1x!tpu.dma_semaphore, #tpu.memory_space<semaphore_mem>>
        %dma_wait3A_179 = tpu.memref_squeeze %dma_wait3A_178 : memref<1x!tpu.dma_semaphore, #tpu.memory_space<semaphore_mem>> -> memref<!tpu.dma_semaphore, #tpu.memory_space<semaphore_mem>>
        tpu.wait_indirect_dma semaphore(%dma_wait3A_179 : memref<!tpu.dma_semaphore, #tpu.memory_space<semaphore_mem>>) src(%arg9 : memref<128x16xf32, #tpu.memory_space<vmem>>) dst(%dma_wait3A_177 : memref<10240x16xf32, #tpu.memory_space<vmem_shared>>)
        %sub3A_180 = arith.constant 1 : i32
        %sub3A_181 = arith.subi %scan3A_88, %sub3A_180 : i32
        %mul3A_182 = arith.constant 6 : i32
        %mul3A_183 = arith.muli %sub3A_181, %mul3A_182 : i32
        %add3A_184 = arith.constant 1 : i32
        %add3A_185 = arith.addi %mul3A_183, %add3A_184 : i32
        %sub3A_186 = arith.constant 1 : i32
        %sub3A_187 = arith.subi %sub3A_186, %rem3A_89 : i32
        %dma_wait3A_188 = arith.constant 0 : i32
        %dma_wait3A_189 = tpu.memref_slice %arg7[%add3A_185, %dma_wait3A_188] : memref<78x128xi32, #tpu.memory_space<vmem>> -> memref<1x128xi32, #tpu.memory_space<vmem>>
        %dma_wait3A_190 = tpu.memref_squeeze %dma_wait3A_189 : memref<1x128xi32, #tpu.memory_space<vmem>> -> memref<128xi32, #tpu.memory_space<vmem>>
        %dma_wait3A_191 = arith.constant 0 : i32
        %dma_wait3A_192 = arith.constant 0 : i32
        %dma_wait3A_193 = tpu.memref_slice %arg10[%dma_wait3A_191, %dma_wait3A_192] : memref<10240x16xf32, #tpu.memory_space<vmem_shared>> -> memref<10240x16xf32, #tpu.memory_space<vmem_shared>>
        %dma_wait3A_194 = tpu.memref_slice %arg11[%sub3A_187] : memref<2x!tpu.dma_semaphore, #tpu.memory_space<semaphore_mem>> -> memref<1x!tpu.dma_semaphore, #tpu.memory_space<semaphore_mem>>
        %dma_wait3A_195 = tpu.memref_squeeze %dma_wait3A_194 : memref<1x!tpu.dma_semaphore, #tpu.memory_space<semaphore_mem>> -> memref<!tpu.dma_semaphore, #tpu.memory_space<semaphore_mem>>
        tpu.wait_indirect_dma semaphore(%dma_wait3A_195 : memref<!tpu.dma_semaphore, #tpu.memory_space<semaphore_mem>>) src(%arg9 : memref<128x16xf32, #tpu.memory_space<vmem>>) dst(%dma_wait3A_193 : memref<10240x16xf32, #tpu.memory_space<vmem_shared>>)
        %sub3A_196 = arith.constant 1 : i32
        %sub3A_197 = arith.subi %scan3A_88, %sub3A_196 : i32
        %mul3A_198 = arith.constant 6 : i32
        %mul3A_199 = arith.muli %sub3A_197, %mul3A_198 : i32
        %add3A_200 = arith.constant 2 : i32
        %add3A_201 = arith.addi %mul3A_199, %add3A_200 : i32
        %sub3A_202 = arith.constant 1 : i32
        %sub3A_203 = arith.subi %sub3A_202, %rem3A_89 : i32
        %dma_wait3A_204 = arith.constant 0 : i32
        %dma_wait3A_205 = tpu.memref_slice %arg7[%add3A_201, %dma_wait3A_204] : memref<78x128xi32, #tpu.memory_space<vmem>> -> memref<1x128xi32, #tpu.memory_space<vmem>>
        %dma_wait3A_206 = tpu.memref_squeeze %dma_wait3A_205 : memref<1x128xi32, #tpu.memory_space<vmem>> -> memref<128xi32, #tpu.memory_space<vmem>>
        %dma_wait3A_207 = arith.constant 0 : i32
        %dma_wait3A_208 = arith.constant 0 : i32
        %dma_wait3A_209 = tpu.memref_slice %arg10[%dma_wait3A_207, %dma_wait3A_208] : memref<10240x16xf32, #tpu.memory_space<vmem_shared>> -> memref<10240x16xf32, #tpu.memory_space<vmem_shared>>
        %dma_wait3A_210 = tpu.memref_slice %arg11[%sub3A_203] : memref<2x!tpu.dma_semaphore, #tpu.memory_space<semaphore_mem>> -> memref<1x!tpu.dma_semaphore, #tpu.memory_space<semaphore_mem>>
        %dma_wait3A_211 = tpu.memref_squeeze %dma_wait3A_210 : memref<1x!tpu.dma_semaphore, #tpu.memory_space<semaphore_mem>> -> memref<!tpu.dma_semaphore, #tpu.memory_space<semaphore_mem>>
        tpu.wait_indirect_dma semaphore(%dma_wait3A_211 : memref<!tpu.dma_semaphore, #tpu.memory_space<semaphore_mem>>) src(%arg9 : memref<128x16xf32, #tpu.memory_space<vmem>>) dst(%dma_wait3A_209 : memref<10240x16xf32, #tpu.memory_space<vmem_shared>>)
        %sub3A_212 = arith.constant 1 : i32
        %sub3A_213 = arith.subi %scan3A_88, %sub3A_212 : i32
        %mul3A_214 = arith.constant 6 : i32
        %mul3A_215 = arith.muli %sub3A_213, %mul3A_214 : i32
        %add3A_216 = arith.constant 3 : i32
        %add3A_217 = arith.addi %mul3A_215, %add3A_216 : i32
        %sub3A_218 = arith.constant 1 : i32
        %sub3A_219 = arith.subi %sub3A_218, %rem3A_89 : i32
        %dma_wait3A_220 = arith.constant 0 : i32
        %dma_wait3A_221 = tpu.memref_slice %arg7[%add3A_217, %dma_wait3A_220] : memref<78x128xi32, #tpu.memory_space<vmem>> -> memref<1x128xi32, #tpu.memory_space<vmem>>
        %dma_wait3A_222 = tpu.memref_squeeze %dma_wait3A_221 : memref<1x128xi32, #tpu.memory_space<vmem>> -> memref<128xi32, #tpu.memory_space<vmem>>
        %dma_wait3A_223 = arith.constant 0 : i32
        %dma_wait3A_224 = arith.constant 0 : i32
        %dma_wait3A_225 = tpu.memref_slice %arg10[%dma_wait3A_223, %dma_wait3A_224] : memref<10240x16xf32, #tpu.memory_space<vmem_shared>> -> memref<10240x16xf32, #tpu.memory_space<vmem_shared>>
        %dma_wait3A_226 = tpu.memref_slice %arg11[%sub3A_219] : memref<2x!tpu.dma_semaphore, #tpu.memory_space<semaphore_mem>> -> memref<1x!tpu.dma_semaphore, #tpu.memory_space<semaphore_mem>>
        %dma_wait3A_227 = tpu.memref_squeeze %dma_wait3A_226 : memref<1x!tpu.dma_semaphore, #tpu.memory_space<semaphore_mem>> -> memref<!tpu.dma_semaphore, #tpu.memory_space<semaphore_mem>>
        tpu.wait_indirect_dma semaphore(%dma_wait3A_227 : memref<!tpu.dma_semaphore, #tpu.memory_space<semaphore_mem>>) src(%arg9 : memref<128x16xf32, #tpu.memory_space<vmem>>) dst(%dma_wait3A_225 : memref<10240x16xf32, #tpu.memory_space<vmem_shared>>)
        %sub3A_228 = arith.constant 1 : i32
        %sub3A_229 = arith.subi %scan3A_88, %sub3A_228 : i32
        %mul3A_230 = arith.constant 6 : i32
        %mul3A_231 = arith.muli %sub3A_229, %mul3A_230 : i32
        %add3A_232 = arith.constant 4 : i32
        %add3A_233 = arith.addi %mul3A_231, %add3A_232 : i32
        %sub3A_234 = arith.constant 1 : i32
        %sub3A_235 = arith.subi %sub3A_234, %rem3A_89 : i32
        %dma_wait3A_236 = arith.constant 0 : i32
        %dma_wait3A_237 = tpu.memref_slice %arg7[%add3A_233, %dma_wait3A_236] : memref<78x128xi32, #tpu.memory_space<vmem>> -> memref<1x128xi32, #tpu.memory_space<vmem>>
        %dma_wait3A_238 = tpu.memref_squeeze %dma_wait3A_237 : memref<1x128xi32, #tpu.memory_space<vmem>> -> memref<128xi32, #tpu.memory_space<vmem>>
        %dma_wait3A_239 = arith.constant 0 : i32
        %dma_wait3A_240 = arith.constant 0 : i32
        %dma_wait3A_241 = tpu.memref_slice %arg10[%dma_wait3A_239, %dma_wait3A_240] : memref<10240x16xf32, #tpu.memory_space<vmem_shared>> -> memref<10240x16xf32, #tpu.memory_space<vmem_shared>>
        %dma_wait3A_242 = tpu.memref_slice %arg11[%sub3A_235] : memref<2x!tpu.dma_semaphore, #tpu.memory_space<semaphore_mem>> -> memref<1x!tpu.dma_semaphore, #tpu.memory_space<semaphore_mem>>
        %dma_wait3A_243 = tpu.memref_squeeze %dma_wait3A_242 : memref<1x!tpu.dma_semaphore, #tpu.memory_space<semaphore_mem>> -> memref<!tpu.dma_semaphore, #tpu.memory_space<semaphore_mem>>
        tpu.wait_indirect_dma semaphore(%dma_wait3A_243 : memref<!tpu.dma_semaphore, #tpu.memory_space<semaphore_mem>>) src(%arg9 : memref<128x16xf32, #tpu.memory_space<vmem>>) dst(%dma_wait3A_241 : memref<10240x16xf32, #tpu.memory_space<vmem_shared>>)
        %sub3A_244 = arith.constant 1 : i32
        %sub3A_245 = arith.subi %scan3A_88, %sub3A_244 : i32
        %mul3A_246 = arith.constant 6 : i32
        %mul3A_247 = arith.muli %sub3A_245, %mul3A_246 : i32
        %add3A_248 = arith.constant 5 : i32
        %add3A_249 = arith.addi %mul3A_247, %add3A_248 : i32
        %sub3A_250 = arith.constant 1 : i32
        %sub3A_251 = arith.subi %sub3A_250, %rem3A_89 : i32
        %dma_wait3A_252 = arith.constant 0 : i32
        %dma_wait3A_253 = tpu.memref_slice %arg7[%add3A_249, %dma_wait3A_252] : memref<78x128xi32, #tpu.memory_space<vmem>> -> memref<1x128xi32, #tpu.memory_space<vmem>>
        %dma_wait3A_254 = tpu.memref_squeeze %dma_wait3A_253 : memref<1x128xi32, #tpu.memory_space<vmem>> -> memref<128xi32, #tpu.memory_space<vmem>>
        %dma_wait3A_255 = arith.constant 0 : i32
        %dma_wait3A_256 = arith.constant 0 : i32
        %dma_wait3A_257 = tpu.memref_slice %arg10[%dma_wait3A_255, %dma_wait3A_256] : memref<10240x16xf32, #tpu.memory_space<vmem_shared>> -> memref<10240x16xf32, #tpu.memory_space<vmem_shared>>
        %dma_wait3A_258 = tpu.memref_slice %arg11[%sub3A_251] : memref<2x!tpu.dma_semaphore, #tpu.memory_space<semaphore_mem>> -> memref<1x!tpu.dma_semaphore, #tpu.memory_space<semaphore_mem>>
        %dma_wait3A_259 = tpu.memref_squeeze %dma_wait3A_258 : memref<1x!tpu.dma_semaphore, #tpu.memory_space<semaphore_mem>> -> memref<!tpu.dma_semaphore, #tpu.memory_space<semaphore_mem>>
        tpu.wait_indirect_dma semaphore(%dma_wait3A_259 : memref<!tpu.dma_semaphore, #tpu.memory_space<semaphore_mem>>) src(%arg9 : memref<128x16xf32, #tpu.memory_space<vmem>>) dst(%dma_wait3A_257 : memref<10240x16xf32, #tpu.memory_space<vmem_shared>>)
      } else {
      }
    }
    %scan3A_13 = arith.constant 13 : i32
    %dma_wait3A = arith.constant 72 : i32
    %dma_wait3A_14 = arith.constant 0 : i32
    %dma_wait3A_15 = arith.constant 0 : i32
    %dma_wait3A_16 = tpu.memref_slice %arg7[%dma_wait3A, %dma_wait3A_15] : memref<78x128xi32, #tpu.memory_space<vmem>> -> memref<1x128xi32, #tpu.memory_space<vmem>>
    %dma_wait3A_17 = tpu.memref_squeeze %dma_wait3A_16 : memref<1x128xi32, #tpu.memory_space<vmem>> -> memref<128xi32, #tpu.memory_space<vmem>>
    %dma_wait3A_18 = arith.constant 0 : i32
    %dma_wait3A_19 = arith.constant 0 : i32
    %dma_wait3A_20 = tpu.memref_slice %arg10[%dma_wait3A_18, %dma_wait3A_19] : memref<10240x16xf32, #tpu.memory_space<vmem_shared>> -> memref<10240x16xf32, #tpu.memory_space<vmem_shared>>
    %dma_wait3A_21 = tpu.memref_slice %arg11[%dma_wait3A_14] : memref<2x!tpu.dma_semaphore, #tpu.memory_space<semaphore_mem>> -> memref<1x!tpu.dma_semaphore, #tpu.memory_space<semaphore_mem>>
    %dma_wait3A_22 = tpu.memref_squeeze %dma_wait3A_21 : memref<1x!tpu.dma_semaphore, #tpu.memory_space<semaphore_mem>> -> memref<!tpu.dma_semaphore, #tpu.memory_space<semaphore_mem>>
    tpu.wait_indirect_dma semaphore(%dma_wait3A_22 : memref<!tpu.dma_semaphore, #tpu.memory_space<semaphore_mem>>) src(%arg9 : memref<128x16xf32, #tpu.memory_space<vmem>>) dst(%dma_wait3A_20 : memref<10240x16xf32, #tpu.memory_space<vmem_shared>>)
    %dma_wait3A_23 = arith.constant 73 : i32
    %dma_wait3A_24 = arith.constant 0 : i32
    %dma_wait3A_25 = arith.constant 0 : i32
    %dma_wait3A_26 = tpu.memref_slice %arg7[%dma_wait3A_23, %dma_wait3A_25] : memref<78x128xi32, #tpu.memory_space<vmem>> -> memref<1x128xi32, #tpu.memory_space<vmem>>
    %dma_wait3A_27 = tpu.memref_squeeze %dma_wait3A_26 : memref<1x128xi32, #tpu.memory_space<vmem>> -> memref<128xi32, #tpu.memory_space<vmem>>
    %dma_wait3A_28 = arith.constant 0 : i32
    %dma_wait3A_29 = arith.constant 0 : i32
    %dma_wait3A_30 = tpu.memref_slice %arg10[%dma_wait3A_28, %dma_wait3A_29] : memref<10240x16xf32, #tpu.memory_space<vmem_shared>> -> memref<10240x16xf32, #tpu.memory_space<vmem_shared>>
    %dma_wait3A_31 = tpu.memref_slice %arg11[%dma_wait3A_24] : memref<2x!tpu.dma_semaphore, #tpu.memory_space<semaphore_mem>> -> memref<1x!tpu.dma_semaphore, #tpu.memory_space<semaphore_mem>>
    %dma_wait3A_32 = tpu.memref_squeeze %dma_wait3A_31 : memref<1x!tpu.dma_semaphore, #tpu.memory_space<semaphore_mem>> -> memref<!tpu.dma_semaphore, #tpu.memory_space<semaphore_mem>>
    tpu.wait_indirect_dma semaphore(%dma_wait3A_32 : memref<!tpu.dma_semaphore, #tpu.memory_space<semaphore_mem>>) src(%arg9 : memref<128x16xf32, #tpu.memory_space<vmem>>) dst(%dma_wait3A_30 : memref<10240x16xf32, #tpu.memory_space<vmem_shared>>)
    %dma_wait3A_33 = arith.constant 74 : i32
    %dma_wait3A_34 = arith.constant 0 : i32
    %dma_wait3A_35 = arith.constant 0 : i32
    %dma_wait3A_36 = tpu.memref_slice %arg7[%dma_wait3A_33, %dma_wait3A_35] : memref<78x128xi32, #tpu.memory_space<vmem>> -> memref<1x128xi32, #tpu.memory_space<vmem>>
    %dma_wait3A_37 = tpu.memref_squeeze %dma_wait3A_36 : memref<1x128xi32, #tpu.memory_space<vmem>> -> memref<128xi32, #tpu.memory_space<vmem>>
    %dma_wait3A_38 = arith.constant 0 : i32
    %dma_wait3A_39 = arith.constant 0 : i32
    %dma_wait3A_40 = tpu.memref_slice %arg10[%dma_wait3A_38, %dma_wait3A_39] : memref<10240x16xf32, #tpu.memory_space<vmem_shared>> -> memref<10240x16xf32, #tpu.memory_space<vmem_shared>>
    %dma_wait3A_41 = tpu.memref_slice %arg11[%dma_wait3A_34] : memref<2x!tpu.dma_semaphore, #tpu.memory_space<semaphore_mem>> -> memref<1x!tpu.dma_semaphore, #tpu.memory_space<semaphore_mem>>
    %dma_wait3A_42 = tpu.memref_squeeze %dma_wait3A_41 : memref<1x!tpu.dma_semaphore, #tpu.memory_space<semaphore_mem>> -> memref<!tpu.dma_semaphore, #tpu.memory_space<semaphore_mem>>
    tpu.wait_indirect_dma semaphore(%dma_wait3A_42 : memref<!tpu.dma_semaphore, #tpu.memory_space<semaphore_mem>>) src(%arg9 : memref<128x16xf32, #tpu.memory_space<vmem>>) dst(%dma_wait3A_40 : memref<10240x16xf32, #tpu.memory_space<vmem_shared>>)
    %dma_wait3A_43 = arith.constant 75 : i32
    %dma_wait3A_44 = arith.constant 0 : i32
    %dma_wait3A_45 = arith.constant 0 : i32
    %dma_wait3A_46 = tpu.memref_slice %arg7[%dma_wait3A_43, %dma_wait3A_45] : memref<78x128xi32, #tpu.memory_space<vmem>> -> memref<1x128xi32, #tpu.memory_space<vmem>>
    %dma_wait3A_47 = tpu.memref_squeeze %dma_wait3A_46 : memref<1x128xi32, #tpu.memory_space<vmem>> -> memref<128xi32, #tpu.memory_space<vmem>>
    %dma_wait3A_48 = arith.constant 0 : i32
    %dma_wait3A_49 = arith.constant 0 : i32
    %dma_wait3A_50 = tpu.memref_slice %arg10[%dma_wait3A_48, %dma_wait3A_49] : memref<10240x16xf32, #tpu.memory_space<vmem_shared>> -> memref<10240x16xf32, #tpu.memory_space<vmem_shared>>
    %dma_wait3A_51 = tpu.memref_slice %arg11[%dma_wait3A_44] : memref<2x!tpu.dma_semaphore, #tpu.memory_space<semaphore_mem>> -> memref<1x!tpu.dma_semaphore, #tpu.memory_space<semaphore_mem>>
    %dma_wait3A_52 = tpu.memref_squeeze %dma_wait3A_51 : memref<1x!tpu.dma_semaphore, #tpu.memory_space<semaphore_mem>> -> memref<!tpu.dma_semaphore, #tpu.memory_space<semaphore_mem>>
    tpu.wait_indirect_dma semaphore(%dma_wait3A_52 : memref<!tpu.dma_semaphore, #tpu.memory_space<semaphore_mem>>) src(%arg9 : memref<128x16xf32, #tpu.memory_space<vmem>>) dst(%dma_wait3A_50 : memref<10240x16xf32, #tpu.memory_space<vmem_shared>>)
    %dma_wait3A_53 = arith.constant 76 : i32
    %dma_wait3A_54 = arith.constant 0 : i32
    %dma_wait3A_55 = arith.constant 0 : i32
    %dma_wait3A_56 = tpu.memref_slice %arg7[%dma_wait3A_53, %dma_wait3A_55] : memref<78x128xi32, #tpu.memory_space<vmem>> -> memref<1x128xi32, #tpu.memory_space<vmem>>
    %dma_wait3A_57 = tpu.memref_squeeze %dma_wait3A_56 : memref<1x128xi32, #tpu.memory_space<vmem>> -> memref<128xi32, #tpu.memory_space<vmem>>
    %dma_wait3A_58 = arith.constant 0 : i32
    %dma_wait3A_59 = arith.constant 0 : i32
    %dma_wait3A_60 = tpu.memref_slice %arg10[%dma_wait3A_58, %dma_wait3A_59] : memref<10240x16xf32, #tpu.memory_space<vmem_shared>> -> memref<10240x16xf32, #tpu.memory_space<vmem_shared>>
    %dma_wait3A_61 = tpu.memref_slice %arg11[%dma_wait3A_54] : memref<2x!tpu.dma_semaphore, #tpu.memory_space<semaphore_mem>> -> memref<1x!tpu.dma_semaphore, #tpu.memory_space<semaphore_mem>>
    %dma_wait3A_62 = tpu.memref_squeeze %dma_wait3A_61 : memref<1x!tpu.dma_semaphore, #tpu.memory_space<semaphore_mem>> -> memref<!tpu.dma_semaphore, #tpu.memory_space<semaphore_mem>>
    tpu.wait_indirect_dma semaphore(%dma_wait3A_62 : memref<!tpu.dma_semaphore, #tpu.memory_space<semaphore_mem>>) src(%arg9 : memref<128x16xf32, #tpu.memory_space<vmem>>) dst(%dma_wait3A_60 : memref<10240x16xf32, #tpu.memory_space<vmem_shared>>)
    %dma_wait3A_63 = arith.constant 77 : i32
    %dma_wait3A_64 = arith.constant 0 : i32
    %dma_wait3A_65 = arith.constant 0 : i32
    %dma_wait3A_66 = tpu.memref_slice %arg7[%dma_wait3A_63, %dma_wait3A_65] : memref<78x128xi32, #tpu.memory_space<vmem>> -> memref<1x128xi32, #tpu.memory_space<vmem>>
    %dma_wait3A_67 = tpu.memref_squeeze %dma_wait3A_66 : memref<1x128xi32, #tpu.memory_space<vmem>> -> memref<128xi32, #tpu.memory_space<vmem>>
    %dma_wait3A_68 = arith.constant 0 : i32
    %dma_wait3A_69 = arith.constant 0 : i32
    %dma_wait3A_70 = tpu.memref_slice %arg10[%dma_wait3A_68, %dma_wait3A_69] : memref<10240x16xf32, #tpu.memory_space<vmem_shared>> -> memref<10240x16xf32, #tpu.memory_space<vmem_shared>>
    %dma_wait3A_71 = tpu.memref_slice %arg11[%dma_wait3A_64] : memref<2x!tpu.dma_semaphore, #tpu.memory_space<semaphore_mem>> -> memref<1x!tpu.dma_semaphore, #tpu.memory_space<semaphore_mem>>
    %dma_wait3A_72 = tpu.memref_squeeze %dma_wait3A_71 : memref<1x!tpu.dma_semaphore, #tpu.memory_space<semaphore_mem>> -> memref<!tpu.dma_semaphore, #tpu.memory_space<semaphore_mem>>
    tpu.wait_indirect_dma semaphore(%dma_wait3A_72 : memref<!tpu.dma_semaphore, #tpu.memory_space<semaphore_mem>>) src(%arg9 : memref<128x16xf32, #tpu.memory_space<vmem>>) dst(%dma_wait3A_70 : memref<10240x16xf32, #tpu.memory_space<vmem_shared>>)
    %lt3A_73 = arith.constant 4 : i32
    %lt3A_74 = arith.cmpi slt, %add3A, %lt3A_73 : i32
    %convert_element_type3A_75 = arith.extui %lt3A_74 : i1 to i32
    %cond3A_76 = arith.constant 0 : i32
    %cond3A_77 = arith.cmpi ne, %convert_element_type3A_75, %cond3A_76 : i32
    scf.if %cond3A_77 {
      %run_scoped3A = arith.constant 0 : i32
      "tpu.region"() ({
        %run_scoped3A_88 = tpu.sem_alloc : memref<!tpu.dma_semaphore, #tpu.memory_space<semaphore_mem>>
        %dma_start3A = arith.constant 0 : i32
        %dma_start3A_89 = tpu.memref_slice %arg8[%run_scoped3A, %dma_start3A] : memref<1x128xi32, #tpu.memory_space<vmem>> -> memref<1x128xi32, #tpu.memory_space<vmem>>
        %dma_start3A_90 = tpu.memref_squeeze %dma_start3A_89 : memref<1x128xi32, #tpu.memory_space<vmem>> -> memref<128xi32, #tpu.memory_space<vmem>>
        %dma_start3A_91 = arith.constant 0 : i32
        %dma_start3A_92 = arith.constant 0 : i32
        %dma_start3A_93 = tpu.memref_slice %arg10[%dma_start3A_91, %dma_start3A_92] : memref<10240x16xf32, #tpu.memory_space<vmem_shared>> -> memref<10240x16xf32, #tpu.memory_space<vmem_shared>>
        tpu.enqueue_indirect_dma source(%arg9 : memref<128x16xf32, #tpu.memory_space<vmem>>) target(%dma_start3A_93 : memref<10240x16xf32, #tpu.memory_space<vmem_shared>>) offsets(%dma_start3A_90 : memref<128xi32, #tpu.memory_space<vmem>>) semaphore(%run_scoped3A_88 : memref<!tpu.dma_semaphore, #tpu.memory_space<semaphore_mem>>) {add = true}
        %dma_wait3A_94 = arith.constant 0 : i32
        %dma_wait3A_95 = tpu.memref_slice %arg8[%run_scoped3A, %dma_wait3A_94] : memref<1x128xi32, #tpu.memory_space<vmem>> -> memref<1x128xi32, #tpu.memory_space<vmem>>
        %dma_wait3A_96 = tpu.memref_squeeze %dma_wait3A_95 : memref<1x128xi32, #tpu.memory_space<vmem>> -> memref<128xi32, #tpu.memory_space<vmem>>
        %dma_wait3A_97 = arith.constant 0 : i32
        %dma_wait3A_98 = arith.constant 0 : i32
        %dma_wait3A_99 = tpu.memref_slice %arg10[%dma_wait3A_97, %dma_wait3A_98] : memref<10240x16xf32, #tpu.memory_space<vmem_shared>> -> memref<10240x16xf32, #tpu.memory_space<vmem_shared>>
        tpu.wait_indirect_dma semaphore(%run_scoped3A_88 : memref<!tpu.dma_semaphore, #tpu.memory_space<semaphore_mem>>) src(%arg9 : memref<128x16xf32, #tpu.memory_space<vmem>>) dst(%dma_wait3A_99 : memref<10240x16xf32, #tpu.memory_space<vmem_shared>>)
        tpu.yield
      }) : () -> ()
    } else {
    }
    %barrier3A_78 = arith.constant 0 : index
    tpu.barrier barrier_id(%barrier3A_78)
    %eq3A = arith.constant 0 : i32
    %eq3A_79 = arith.cmpi eq, %arg0, %eq3A : i32
    %convert_element_type3A_80 = arith.extui %eq3A_79 : i1 to i32
    %cond3A_81 = arith.constant 0 : i32
    %cond3A_82 = arith.cmpi ne, %convert_element_type3A_80, %cond3A_81 : i32
    scf.if %cond3A_82 {
      %mul3A_88 = arith.constant 640 : i32
      %mul3A_89 = arith.muli %arg1, %mul3A_88 : i32
      %mul3A_90 = arith.constant 640 : i32
      %mul3A_91 = arith.muli %arg1, %mul3A_90 : i32
      "tpu.region"() ({
        %run_scoped3A = tpu.sem_alloc : memref<!tpu.dma_semaphore, #tpu.memory_space<semaphore_mem>>
        %dma_start3A = arith.constant 0 : i32
        %dma_start3A_92 = tpu.memref_slice %arg5[%mul3A_91, %dma_start3A] : memref<10240x16xf32, #tpu.memory_space<hbm>> -> memref<640x16xf32, #tpu.memory_space<hbm>>
        %dma_start3A_93 = arith.constant 0 : i32
        %dma_start3A_94 = tpu.memref_slice %arg10[%mul3A_89, %dma_start3A_93] : memref<10240x16xf32, #tpu.memory_space<vmem_shared>> -> memref<640x16xf32, #tpu.memory_space<vmem_shared>>
        tpu.enqueue_dma source(%dma_start3A_94 : memref<640x16xf32, #tpu.memory_space<vmem_shared>>) target(%dma_start3A_92 : memref<640x16xf32, #tpu.memory_space<hbm>>) target_semaphore(%run_scoped3A : memref<!tpu.dma_semaphore, #tpu.memory_space<semaphore_mem>>)
        %dma_wait3A_95 = arith.constant 0 : i32
        %dma_wait3A_96 = tpu.memref_slice %arg5[%mul3A_91, %dma_wait3A_95] : memref<10240x16xf32, #tpu.memory_space<hbm>> -> memref<640x16xf32, #tpu.memory_space<hbm>>
        %dma_wait3A_97 = arith.constant 0 : i32
        %dma_wait3A_98 = tpu.memref_slice %arg10[%mul3A_89, %dma_wait3A_97] : memref<10240x16xf32, #tpu.memory_space<vmem_shared>> -> memref<640x16xf32, #tpu.memory_space<vmem_shared>>
        tpu.wait_dma2 semaphore(%run_scoped3A : memref<!tpu.dma_semaphore, #tpu.memory_space<semaphore_mem>>) src(%dma_wait3A_98 : memref<640x16xf32, #tpu.memory_space<vmem_shared>>) dst(%dma_wait3A_96 : memref<640x16xf32, #tpu.memory_space<hbm>>)
        tpu.yield
      }) : () -> ()
    } else {
    }
    %eq3A_83 = arith.constant 1 : i32
    %eq3A_84 = arith.cmpi eq, %arg0, %eq3A_83 : i32
    %convert_element_type3A_85 = arith.extui %eq3A_84 : i1 to i32
    %cond3A_86 = arith.constant 0 : i32
    %cond3A_87 = arith.cmpi ne, %convert_element_type3A_85, %cond3A_86 : i32
    scf.if %cond3A_87 {
      %mul3A_88 = arith.constant 640 : i32
      %mul3A_89 = arith.muli %arg1, %mul3A_88 : i32
      %mul3A_90 = arith.constant 640 : i32
      %mul3A_91 = arith.muli %arg1, %mul3A_90 : i32
      "tpu.region"() ({
        %run_scoped3A = tpu.sem_alloc : memref<!tpu.dma_semaphore, #tpu.memory_space<semaphore_mem>>
        %dma_start3A = arith.constant 0 : i32
        %dma_start3A_92 = tpu.memref_slice %arg6[%mul3A_91, %dma_start3A] : memref<10240x16xf32, #tpu.memory_space<hbm>> -> memref<640x16xf32, #tpu.memory_space<hbm>>
        %dma_start3A_93 = arith.constant 0 : i32
        %dma_start3A_94 = tpu.memref_slice %arg10[%mul3A_89, %dma_start3A_93] : memref<10240x16xf32, #tpu.memory_space<vmem_shared>> -> memref<640x16xf32, #tpu.memory_space<vmem_shared>>
        tpu.enqueue_dma source(%dma_start3A_94 : memref<640x16xf32, #tpu.memory_space<vmem_shared>>) target(%dma_start3A_92 : memref<640x16xf32, #tpu.memory_space<hbm>>) target_semaphore(%run_scoped3A : memref<!tpu.dma_semaphore, #tpu.memory_space<semaphore_mem>>)
        %dma_wait3A_95 = arith.constant 0 : i32
        %dma_wait3A_96 = tpu.memref_slice %arg6[%mul3A_91, %dma_wait3A_95] : memref<10240x16xf32, #tpu.memory_space<hbm>> -> memref<640x16xf32, #tpu.memory_space<hbm>>
        %dma_wait3A_97 = arith.constant 0 : i32
        %dma_wait3A_98 = tpu.memref_slice %arg10[%mul3A_89, %dma_wait3A_97] : memref<10240x16xf32, #tpu.memory_space<vmem_shared>> -> memref<640x16xf32, #tpu.memory_space<vmem_shared>>
        tpu.wait_dma2 semaphore(%run_scoped3A : memref<!tpu.dma_semaphore, #tpu.memory_space<semaphore_mem>>) src(%dma_wait3A_98 : memref<640x16xf32, #tpu.memory_space<vmem_shared>>) dst(%dma_wait3A_96 : memref<640x16xf32, #tpu.memory_space<hbm>>)
        tpu.yield
      }) : () -> ()
    } else {
    }
    return
  }
}

#map = affine_map<(d0, d1) -> (0, 0)>
module attributes {stable_mosaic.version = 14 : i64} {
  func.func @_sc_prop1(%arg0: i32, %arg1: i32, %arg2: memref<10240x16xf32, #tpu.memory_space<hbm>>, %arg3: memref<10240x16xf32, #tpu.memory_space<hbm>>, %arg4: memref<10240x16xf32, #tpu.memory_space<hbm>>, %arg5: memref<2500x128xi32, #tpu.memory_space<hbm>>, %arg6: memref<2500x128xi32, #tpu.memory_space<hbm>>, %arg7: memref<10240x16xf32, #tpu.memory_space<hbm>>, %arg8: memref<10240x16xf32, #tpu.memory_space<hbm>>, %arg9: memref<10240x16xf32, #tpu.memory_space<hbm>>, %arg10: memref<10240x16xf32, #tpu.memory_space<hbm>>, %arg11: memref<78x128xi32, #tpu.memory_space<vmem>>, %arg12: memref<78x128xi32, #tpu.memory_space<vmem>>, %arg13: memref<1x128xi32, #tpu.memory_space<vmem>>, %arg14: memref<1x128xi32, #tpu.memory_space<vmem>>, %arg15: memref<2x768x16xf32, #tpu.memory_space<vmem>>, %arg16: memref<10240x16xf32, #tpu.memory_space<vmem_shared>>, %arg17: memref<10240x16xf32, #tpu.memory_space<vmem_shared>>, %arg18: memref<2x!tpu.dma_semaphore, #tpu.memory_space<semaphore_mem>>, %arg19: memref<2x!tpu.dma_semaphore, #tpu.memory_space<semaphore_mem>>, %arg20: memref<640x16xf32, #tpu.memory_space<vmem>>, %arg21: memref<640x16xf32, #tpu.memory_space<vmem>>, %arg22: memref<640x16xf32, #tpu.memory_space<vmem>>) attributes {dimension_semantics = [#tpu.dimension_semantics<core_parallel>, #tpu.dimension_semantics<subcore_parallel>], iteration_bounds = array<i64: 2, 16>, scalar_prefetch = 0 : i64, scratch_operands = 12 : i64, tpu.core_type = #tpu.core_type<sc_vector_subcore>, window_params = [{transform_indices = #map}, {transform_indices = #map}, {transform_indices = #map}, {transform_indices = #map}, {transform_indices = #map}, {transform_indices = #map}, {transform_indices = #map}, {transform_indices = #map}, {transform_indices = #map}]} {
    %mul3A = arith.constant 16 : i32
    %mul3A_0 = arith.muli %arg0, %mul3A : i32
    %add3A = arith.addi %mul3A_0, %arg1 : i32
    %mul3A_1 = arith.constant 640 : i32
    %mul3A_2 = arith.muli %arg1, %mul3A_1 : i32
    "tpu.region"() ({
      %run_scoped3A = tpu.sem_alloc : memref<!tpu.dma_semaphore, #tpu.memory_space<semaphore_mem>>
      %dma_start3A_261 = arith.constant 0 : i32
      %dma_start3A_262 = tpu.memref_slice %arg2[%mul3A_2, %dma_start3A_261] : memref<10240x16xf32, #tpu.memory_space<hbm>> -> memref<640x16xf32, #tpu.memory_space<hbm>>
      %dma_start3A_263 = arith.constant 0 : i32
      %dma_start3A_264 = tpu.memref_slice %arg2[%mul3A_2, %dma_start3A_263] : memref<10240x16xf32, #tpu.memory_space<hbm>> -> memref<640x16xf32, #tpu.memory_space<hbm>>
      tpu.enqueue_dma source(%dma_start3A_264 : memref<640x16xf32, #tpu.memory_space<hbm>>) target(%arg20 : memref<640x16xf32, #tpu.memory_space<vmem>>) target_semaphore(%run_scoped3A : memref<!tpu.dma_semaphore, #tpu.memory_space<semaphore_mem>>)
      %dma_wait3A_265 = arith.constant 0 : i32
      %dma_wait3A_266 = tpu.memref_slice %arg2[%mul3A_2, %dma_wait3A_265] : memref<10240x16xf32, #tpu.memory_space<hbm>> -> memref<640x16xf32, #tpu.memory_space<hbm>>
      %dma_wait3A_267 = arith.constant 0 : i32
      %dma_wait3A_268 = tpu.memref_slice %arg2[%mul3A_2, %dma_wait3A_267] : memref<10240x16xf32, #tpu.memory_space<hbm>> -> memref<640x16xf32, #tpu.memory_space<hbm>>
      tpu.wait_dma2 semaphore(%run_scoped3A : memref<!tpu.dma_semaphore, #tpu.memory_space<semaphore_mem>>) src(%dma_wait3A_268 : memref<640x16xf32, #tpu.memory_space<hbm>>) dst(%arg20 : memref<640x16xf32, #tpu.memory_space<vmem>>)
      tpu.yield
    }) : () -> ()
    %mul3A_3 = arith.constant 640 : i32
    %mul3A_4 = arith.muli %arg1, %mul3A_3 : i32
    "tpu.region"() ({
      %run_scoped3A = tpu.sem_alloc : memref<!tpu.dma_semaphore, #tpu.memory_space<semaphore_mem>>
      %dma_start3A_261 = arith.constant 0 : i32
      %dma_start3A_262 = tpu.memref_slice %arg3[%mul3A_4, %dma_start3A_261] : memref<10240x16xf32, #tpu.memory_space<hbm>> -> memref<640x16xf32, #tpu.memory_space<hbm>>
      %dma_start3A_263 = arith.constant 0 : i32
      %dma_start3A_264 = tpu.memref_slice %arg3[%mul3A_4, %dma_start3A_263] : memref<10240x16xf32, #tpu.memory_space<hbm>> -> memref<640x16xf32, #tpu.memory_space<hbm>>
      tpu.enqueue_dma source(%dma_start3A_264 : memref<640x16xf32, #tpu.memory_space<hbm>>) target(%arg21 : memref<640x16xf32, #tpu.memory_space<vmem>>) target_semaphore(%run_scoped3A : memref<!tpu.dma_semaphore, #tpu.memory_space<semaphore_mem>>)
      %dma_wait3A_265 = arith.constant 0 : i32
      %dma_wait3A_266 = tpu.memref_slice %arg3[%mul3A_4, %dma_wait3A_265] : memref<10240x16xf32, #tpu.memory_space<hbm>> -> memref<640x16xf32, #tpu.memory_space<hbm>>
      %dma_wait3A_267 = arith.constant 0 : i32
      %dma_wait3A_268 = tpu.memref_slice %arg3[%mul3A_4, %dma_wait3A_267] : memref<10240x16xf32, #tpu.memory_space<hbm>> -> memref<640x16xf32, #tpu.memory_space<hbm>>
      tpu.wait_dma2 semaphore(%run_scoped3A : memref<!tpu.dma_semaphore, #tpu.memory_space<semaphore_mem>>) src(%dma_wait3A_268 : memref<640x16xf32, #tpu.memory_space<hbm>>) dst(%arg21 : memref<640x16xf32, #tpu.memory_space<vmem>>)
      tpu.yield
    }) : () -> ()
    %mul3A_5 = arith.constant 640 : i32
    %mul3A_6 = arith.muli %arg1, %mul3A_5 : i32
    "tpu.region"() ({
      %run_scoped3A = tpu.sem_alloc : memref<!tpu.dma_semaphore, #tpu.memory_space<semaphore_mem>>
      %dma_start3A_261 = arith.constant 0 : i32
      %dma_start3A_262 = tpu.memref_slice %arg4[%mul3A_6, %dma_start3A_261] : memref<10240x16xf32, #tpu.memory_space<hbm>> -> memref<640x16xf32, #tpu.memory_space<hbm>>
      %dma_start3A_263 = arith.constant 0 : i32
      %dma_start3A_264 = tpu.memref_slice %arg4[%mul3A_6, %dma_start3A_263] : memref<10240x16xf32, #tpu.memory_space<hbm>> -> memref<640x16xf32, #tpu.memory_space<hbm>>
      tpu.enqueue_dma source(%dma_start3A_264 : memref<640x16xf32, #tpu.memory_space<hbm>>) target(%arg22 : memref<640x16xf32, #tpu.memory_space<vmem>>) target_semaphore(%run_scoped3A : memref<!tpu.dma_semaphore, #tpu.memory_space<semaphore_mem>>)
      %dma_wait3A_265 = arith.constant 0 : i32
      %dma_wait3A_266 = tpu.memref_slice %arg4[%mul3A_6, %dma_wait3A_265] : memref<10240x16xf32, #tpu.memory_space<hbm>> -> memref<640x16xf32, #tpu.memory_space<hbm>>
      %dma_wait3A_267 = arith.constant 0 : i32
      %dma_wait3A_268 = tpu.memref_slice %arg4[%mul3A_6, %dma_wait3A_267] : memref<10240x16xf32, #tpu.memory_space<hbm>> -> memref<640x16xf32, #tpu.memory_space<hbm>>
      tpu.wait_dma2 semaphore(%run_scoped3A : memref<!tpu.dma_semaphore, #tpu.memory_space<semaphore_mem>>) src(%dma_wait3A_268 : memref<640x16xf32, #tpu.memory_space<hbm>>) dst(%arg22 : memref<640x16xf32, #tpu.memory_space<vmem>>)
      tpu.yield
    }) : () -> ()
    %mul3A_7 = arith.constant 78 : i32
    %mul3A_8 = arith.muli %add3A, %mul3A_7 : i32
    "tpu.region"() ({
      %run_scoped3A = tpu.sem_alloc : memref<!tpu.dma_semaphore, #tpu.memory_space<semaphore_mem>>
      %dma_start3A_261 = arith.constant 0 : i32
      %dma_start3A_262 = tpu.memref_slice %arg5[%mul3A_8, %dma_start3A_261] : memref<2500x128xi32, #tpu.memory_space<hbm>> -> memref<78x128xi32, #tpu.memory_space<hbm>>
      %dma_start3A_263 = arith.constant 0 : i32
      %dma_start3A_264 = tpu.memref_slice %arg5[%mul3A_8, %dma_start3A_263] : memref<2500x128xi32, #tpu.memory_space<hbm>> -> memref<78x128xi32, #tpu.memory_space<hbm>>
      tpu.enqueue_dma source(%dma_start3A_264 : memref<78x128xi32, #tpu.memory_space<hbm>>) target(%arg11 : memref<78x128xi32, #tpu.memory_space<vmem>>) target_semaphore(%run_scoped3A : memref<!tpu.dma_semaphore, #tpu.memory_space<semaphore_mem>>)
      %dma_wait3A_265 = arith.constant 0 : i32
      %dma_wait3A_266 = tpu.memref_slice %arg5[%mul3A_8, %dma_wait3A_265] : memref<2500x128xi32, #tpu.memory_space<hbm>> -> memref<78x128xi32, #tpu.memory_space<hbm>>
      %dma_wait3A_267 = arith.constant 0 : i32
      %dma_wait3A_268 = tpu.memref_slice %arg5[%mul3A_8, %dma_wait3A_267] : memref<2500x128xi32, #tpu.memory_space<hbm>> -> memref<78x128xi32, #tpu.memory_space<hbm>>
      tpu.wait_dma2 semaphore(%run_scoped3A : memref<!tpu.dma_semaphore, #tpu.memory_space<semaphore_mem>>) src(%dma_wait3A_268 : memref<78x128xi32, #tpu.memory_space<hbm>>) dst(%arg11 : memref<78x128xi32, #tpu.memory_space<vmem>>)
      tpu.yield
    }) : () -> ()
    %mul3A_9 = arith.constant 78 : i32
    %mul3A_10 = arith.muli %add3A, %mul3A_9 : i32
    "tpu.region"() ({
      %run_scoped3A = tpu.sem_alloc : memref<!tpu.dma_semaphore, #tpu.memory_space<semaphore_mem>>
      %dma_start3A_261 = arith.constant 0 : i32
      %dma_start3A_262 = tpu.memref_slice %arg6[%mul3A_10, %dma_start3A_261] : memref<2500x128xi32, #tpu.memory_space<hbm>> -> memref<78x128xi32, #tpu.memory_space<hbm>>
      %dma_start3A_263 = arith.constant 0 : i32
      %dma_start3A_264 = tpu.memref_slice %arg6[%mul3A_10, %dma_start3A_263] : memref<2500x128xi32, #tpu.memory_space<hbm>> -> memref<78x128xi32, #tpu.memory_space<hbm>>
      tpu.enqueue_dma source(%dma_start3A_264 : memref<78x128xi32, #tpu.memory_space<hbm>>) target(%arg12 : memref<78x128xi32, #tpu.memory_space<vmem>>) target_semaphore(%run_scoped3A : memref<!tpu.dma_semaphore, #tpu.memory_space<semaphore_mem>>)
      %dma_wait3A_265 = arith.constant 0 : i32
      %dma_wait3A_266 = tpu.memref_slice %arg6[%mul3A_10, %dma_wait3A_265] : memref<2500x128xi32, #tpu.memory_space<hbm>> -> memref<78x128xi32, #tpu.memory_space<hbm>>
      %dma_wait3A_267 = arith.constant 0 : i32
      %dma_wait3A_268 = tpu.memref_slice %arg6[%mul3A_10, %dma_wait3A_267] : memref<2500x128xi32, #tpu.memory_space<hbm>> -> memref<78x128xi32, #tpu.memory_space<hbm>>
      tpu.wait_dma2 semaphore(%run_scoped3A : memref<!tpu.dma_semaphore, #tpu.memory_space<semaphore_mem>>) src(%dma_wait3A_268 : memref<78x128xi32, #tpu.memory_space<hbm>>) dst(%arg12 : memref<78x128xi32, #tpu.memory_space<vmem>>)
      tpu.yield
    }) : () -> ()
    %lt3A = arith.constant 4 : i32
    %lt3A_11 = arith.cmpi slt, %add3A, %lt3A : i32
    %convert_element_type3A = arith.extui %lt3A_11 : i1 to i32
    %cond3A = arith.constant 0 : i32
    %cond3A_12 = arith.cmpi ne, %convert_element_type3A, %cond3A : i32
    scf.if %cond3A_12 {
      %add3A_261 = arith.constant 2496 : i32
      %add3A_262 = arith.addi %add3A_261, %add3A : i32
      "tpu.region"() ({
        %run_scoped3A = tpu.sem_alloc : memref<!tpu.dma_semaphore, #tpu.memory_space<semaphore_mem>>
        %dma_start3A_265 = arith.constant 0 : i32
        %dma_start3A_266 = tpu.memref_slice %arg5[%add3A_262, %dma_start3A_265] : memref<2500x128xi32, #tpu.memory_space<hbm>> -> memref<1x128xi32, #tpu.memory_space<hbm>>
        %dma_start3A_267 = arith.constant 0 : i32
        %dma_start3A_268 = tpu.memref_slice %arg5[%add3A_262, %dma_start3A_267] : memref<2500x128xi32, #tpu.memory_space<hbm>> -> memref<1x128xi32, #tpu.memory_space<hbm>>
        tpu.enqueue_dma source(%dma_start3A_268 : memref<1x128xi32, #tpu.memory_space<hbm>>) target(%arg13 : memref<1x128xi32, #tpu.memory_space<vmem>>) target_semaphore(%run_scoped3A : memref<!tpu.dma_semaphore, #tpu.memory_space<semaphore_mem>>)
        %dma_wait3A_269 = arith.constant 0 : i32
        %dma_wait3A_270 = tpu.memref_slice %arg5[%add3A_262, %dma_wait3A_269] : memref<2500x128xi32, #tpu.memory_space<hbm>> -> memref<1x128xi32, #tpu.memory_space<hbm>>
        %dma_wait3A_271 = arith.constant 0 : i32
        %dma_wait3A_272 = tpu.memref_slice %arg5[%add3A_262, %dma_wait3A_271] : memref<2500x128xi32, #tpu.memory_space<hbm>> -> memref<1x128xi32, #tpu.memory_space<hbm>>
        tpu.wait_dma2 semaphore(%run_scoped3A : memref<!tpu.dma_semaphore, #tpu.memory_space<semaphore_mem>>) src(%dma_wait3A_272 : memref<1x128xi32, #tpu.memory_space<hbm>>) dst(%arg13 : memref<1x128xi32, #tpu.memory_space<vmem>>)
        tpu.yield
      }) : () -> ()
      %add3A_263 = arith.constant 2496 : i32
      %add3A_264 = arith.addi %add3A_263, %add3A : i32
      "tpu.region"() ({
        %run_scoped3A = tpu.sem_alloc : memref<!tpu.dma_semaphore, #tpu.memory_space<semaphore_mem>>
        %dma_start3A_265 = arith.constant 0 : i32
        %dma_start3A_266 = tpu.memref_slice %arg6[%add3A_264, %dma_start3A_265] : memref<2500x128xi32, #tpu.memory_space<hbm>> -> memref<1x128xi32, #tpu.memory_space<hbm>>
        %dma_start3A_267 = arith.constant 0 : i32
        %dma_start3A_268 = tpu.memref_slice %arg6[%add3A_264, %dma_start3A_267] : memref<2500x128xi32, #tpu.memory_space<hbm>> -> memref<1x128xi32, #tpu.memory_space<hbm>>
        tpu.enqueue_dma source(%dma_start3A_268 : memref<1x128xi32, #tpu.memory_space<hbm>>) target(%arg14 : memref<1x128xi32, #tpu.memory_space<vmem>>) target_semaphore(%run_scoped3A : memref<!tpu.dma_semaphore, #tpu.memory_space<semaphore_mem>>)
        %dma_wait3A_269 = arith.constant 0 : i32
        %dma_wait3A_270 = tpu.memref_slice %arg6[%add3A_264, %dma_wait3A_269] : memref<2500x128xi32, #tpu.memory_space<hbm>> -> memref<1x128xi32, #tpu.memory_space<hbm>>
        %dma_wait3A_271 = arith.constant 0 : i32
        %dma_wait3A_272 = tpu.memref_slice %arg6[%add3A_264, %dma_wait3A_271] : memref<2500x128xi32, #tpu.memory_space<hbm>> -> memref<1x128xi32, #tpu.memory_space<hbm>>
        tpu.wait_dma2 semaphore(%run_scoped3A : memref<!tpu.dma_semaphore, #tpu.memory_space<semaphore_mem>>) src(%dma_wait3A_272 : memref<1x128xi32, #tpu.memory_space<hbm>>) dst(%arg14 : memref<1x128xi32, #tpu.memory_space<vmem>>)
        tpu.yield
      }) : () -> ()
    } else {
    }
    %parallel_loop3A = arith.constant 0 : i32
    %parallel_loop3A_13 = arith.constant 640 : i32
    %parallel_loop3A_14 = arith.constant 1 : i32
    scf.for %parallel_loop3A_261 = %parallel_loop3A to %parallel_loop3A_13 step %parallel_loop3A_14  : i32 {
      %parallel_loop3A_262 = arith.index_cast %parallel_loop3A_261 : i32 to index
      %parallel_loop3A_263 = arith.constant 0 : index
      %parallel_loop3A_264 = tpu.vector_load %arg21[%parallel_loop3A_262, %parallel_loop3A_263] {strides = array<i32>} : memref<640x16xf32, #tpu.memory_space<vmem>>, vector<16xf32>,
      %parallel_loop3A_265 = arith.index_cast %parallel_loop3A_261 : i32 to index
      %parallel_loop3A_266 = arith.constant 0 : index
      %parallel_loop3A_267 = tpu.vector_load %arg22[%parallel_loop3A_265, %parallel_loop3A_266] {strides = array<i32>} : memref<640x16xf32, #tpu.memory_space<vmem>>, vector<16xf32>,
      %parallel_loop3A_268 = arith.addf %parallel_loop3A_264, %parallel_loop3A_267 : vector<16xf32>
      %parallel_loop3A_269 = arith.constant 1.000000e+00 : f32
      %parallel_loop3A_270 = vector.broadcast %parallel_loop3A_269 : f32 to vector<16xf32>
      %parallel_loop3A_271 = arith.addf %parallel_loop3A_268, %parallel_loop3A_270 : vector<16xf32>
      %parallel_loop3A_272 = vector.bitcast %parallel_loop3A_271 : vector<16xf32> to vector<16xi32>
      %parallel_loop3A_273 = arith.constant 1 : i32
      %parallel_loop3A_274 = vector.broadcast %parallel_loop3A_273 : i32 to vector<16xi32>
      %parallel_loop3A_275 = arith.shrsi %parallel_loop3A_272, %parallel_loop3A_274 : vector<16xi32>
      %parallel_loop3A_276 = arith.constant 1597463007 : i32
      %parallel_loop3A_277 = vector.broadcast %parallel_loop3A_276 : i32 to vector<16xi32>
      %parallel_loop3A_278 = arith.subi %parallel_loop3A_277, %parallel_loop3A_275 : vector<16xi32>
      %parallel_loop3A_279 = vector.bitcast %parallel_loop3A_278 : vector<16xi32> to vector<16xf32>
      %parallel_loop3A_280 = arith.constant 5.000000e-01 : f32
      %parallel_loop3A_281 = vector.broadcast %parallel_loop3A_280 : f32 to vector<16xf32>
      %parallel_loop3A_282 = arith.mulf %parallel_loop3A_281, %parallel_loop3A_271 : vector<16xf32>
      %parallel_loop3A_283 = arith.mulf %parallel_loop3A_282, %parallel_loop3A_279 : vector<16xf32>
      %parallel_loop3A_284 = arith.mulf %parallel_loop3A_283, %parallel_loop3A_279 : vector<16xf32>
      %parallel_loop3A_285 = arith.constant 1.500000e+00 : f32
      %parallel_loop3A_286 = vector.broadcast %parallel_loop3A_285 : f32 to vector<16xf32>
      %parallel_loop3A_287 = arith.subf %parallel_loop3A_286, %parallel_loop3A_284 : vector<16xf32>
      %parallel_loop3A_288 = arith.mulf %parallel_loop3A_279, %parallel_loop3A_287 : vector<16xf32>
      %parallel_loop3A_289 = arith.constant 5.000000e-01 : f32
      %parallel_loop3A_290 = vector.broadcast %parallel_loop3A_289 : f32 to vector<16xf32>
      %parallel_loop3A_291 = arith.mulf %parallel_loop3A_290, %parallel_loop3A_271 : vector<16xf32>
      %parallel_loop3A_292 = arith.mulf %parallel_loop3A_291, %parallel_loop3A_288 : vector<16xf32>
      %parallel_loop3A_293 = arith.mulf %parallel_loop3A_292, %parallel_loop3A_288 : vector<16xf32>
      %parallel_loop3A_294 = arith.constant 1.500000e+00 : f32
      %parallel_loop3A_295 = vector.broadcast %parallel_loop3A_294 : f32 to vector<16xf32>
      %parallel_loop3A_296 = arith.subf %parallel_loop3A_295, %parallel_loop3A_293 : vector<16xf32>
      %parallel_loop3A_297 = arith.mulf %parallel_loop3A_288, %parallel_loop3A_296 : vector<16xf32>
      %parallel_loop3A_298 = arith.index_cast %parallel_loop3A_261 : i32 to index
      %parallel_loop3A_299 = arith.constant 0 : index
      %parallel_loop3A_300 = tpu.vector_load %arg20[%parallel_loop3A_298, %parallel_loop3A_299] {strides = array<i32>} : memref<640x16xf32, #tpu.memory_space<vmem>>, vector<16xf32>,
      %parallel_loop3A_301 = arith.mulf %parallel_loop3A_300, %parallel_loop3A_297 : vector<16xf32>
      %parallel_loop3A_302 = arith.index_cast %parallel_loop3A_261 : i32 to index
      %parallel_loop3A_303 = arith.constant 0 : index
      %parallel_loop3A_304 = tpu.vector_load %arg20[%parallel_loop3A_302, %parallel_loop3A_303] {strides = array<i32>} : memref<640x16xf32, #tpu.memory_space<vmem>>, vector<16xf32>,
      tpu.vector_store %arg20[%parallel_loop3A_302, %parallel_loop3A_303], %parallel_loop3A_301 {strides = array<i32>} : memref<640x16xf32, #tpu.memory_space<vmem>>, vector<16xf32>,
      %parallel_loop3A_305 = arith.index_cast %parallel_loop3A_261 : i32 to index
      %parallel_loop3A_306 = arith.constant 0 : index
      %parallel_loop3A_307 = tpu.vector_load %arg21[%parallel_loop3A_305, %parallel_loop3A_306] {strides = array<i32>} : memref<640x16xf32, #tpu.memory_space<vmem>>, vector<16xf32>,
      tpu.vector_store %arg21[%parallel_loop3A_305, %parallel_loop3A_306], %parallel_loop3A_297 {strides = array<i32>} : memref<640x16xf32, #tpu.memory_space<vmem>>, vector<16xf32>,
    } {sc.loop_unroll_factor = 8 : i64, sc.parallel_access}
    %mul3A_15 = arith.constant 640 : i32
    %mul3A_16 = arith.muli %arg1, %mul3A_15 : i32
    "tpu.region"() ({
      %run_scoped3A = tpu.sem_alloc : memref<!tpu.dma_semaphore, #tpu.memory_space<semaphore_mem>>
      %dma_start3A_261 = arith.constant 0 : i32
      %dma_start3A_262 = tpu.memref_slice %arg17[%mul3A_16, %dma_start3A_261] : memref<10240x16xf32, #tpu.memory_space<vmem_shared>> -> memref<640x16xf32, #tpu.memory_space<vmem_shared>>
      %dma_start3A_263 = arith.constant 0 : i32
      %dma_start3A_264 = tpu.memref_slice %arg17[%mul3A_16, %dma_start3A_263] : memref<10240x16xf32, #tpu.memory_space<vmem_shared>> -> memref<640x16xf32, #tpu.memory_space<vmem_shared>>
      tpu.enqueue_dma source(%arg20 : memref<640x16xf32, #tpu.memory_space<vmem>>) target(%dma_start3A_264 : memref<640x16xf32, #tpu.memory_space<vmem_shared>>) target_semaphore(%run_scoped3A : memref<!tpu.dma_semaphore, #tpu.memory_space<semaphore_mem>>)
      %dma_wait3A_265 = arith.constant 0 : i32
      %dma_wait3A_266 = tpu.memref_slice %arg17[%mul3A_16, %dma_wait3A_265] : memref<10240x16xf32, #tpu.memory_space<vmem_shared>> -> memref<640x16xf32, #tpu.memory_space<vmem_shared>>
      %dma_wait3A_267 = arith.constant 0 : i32
      %dma_wait3A_268 = tpu.memref_slice %arg17[%mul3A_16, %dma_wait3A_267] : memref<10240x16xf32, #tpu.memory_space<vmem_shared>> -> memref<640x16xf32, #tpu.memory_space<vmem_shared>>
      tpu.wait_dma2 semaphore(%run_scoped3A : memref<!tpu.dma_semaphore, #tpu.memory_space<semaphore_mem>>) src(%arg20 : memref<640x16xf32, #tpu.memory_space<vmem>>) dst(%dma_wait3A_268 : memref<640x16xf32, #tpu.memory_space<vmem_shared>>)
      tpu.yield
    }) : () -> ()
    %eq3A = arith.constant 0 : i32
    %eq3A_17 = arith.cmpi eq, %arg0, %eq3A : i32
    %convert_element_type3A_18 = arith.extui %eq3A_17 : i1 to i32
    %cond3A_19 = arith.constant 0 : i32
    %cond3A_20 = arith.cmpi ne, %convert_element_type3A_18, %cond3A_19 : i32
    scf.if %cond3A_20 {
      %mul3A_261 = arith.constant 640 : i32
      %mul3A_262 = arith.muli %arg1, %mul3A_261 : i32
      "tpu.region"() ({
        %run_scoped3A = tpu.sem_alloc : memref<!tpu.dma_semaphore, #tpu.memory_space<semaphore_mem>>
        %dma_start3A_265 = arith.constant 0 : i32
        %dma_start3A_266 = tpu.memref_slice %arg16[%mul3A_262, %dma_start3A_265] : memref<10240x16xf32, #tpu.memory_space<vmem_shared>> -> memref<640x16xf32, #tpu.memory_space<vmem_shared>>
        %dma_start3A_267 = arith.constant 0 : i32
        %dma_start3A_268 = tpu.memref_slice %arg16[%mul3A_262, %dma_start3A_267] : memref<10240x16xf32, #tpu.memory_space<vmem_shared>> -> memref<640x16xf32, #tpu.memory_space<vmem_shared>>
        tpu.enqueue_dma source(%arg20 : memref<640x16xf32, #tpu.memory_space<vmem>>) target(%dma_start3A_268 : memref<640x16xf32, #tpu.memory_space<vmem_shared>>) target_semaphore(%run_scoped3A : memref<!tpu.dma_semaphore, #tpu.memory_space<semaphore_mem>>)
        %dma_wait3A_269 = arith.constant 0 : i32
        %dma_wait3A_270 = tpu.memref_slice %arg16[%mul3A_262, %dma_wait3A_269] : memref<10240x16xf32, #tpu.memory_space<vmem_shared>> -> memref<640x16xf32, #tpu.memory_space<vmem_shared>>
        %dma_wait3A_271 = arith.constant 0 : i32
        %dma_wait3A_272 = tpu.memref_slice %arg16[%mul3A_262, %dma_wait3A_271] : memref<10240x16xf32, #tpu.memory_space<vmem_shared>> -> memref<640x16xf32, #tpu.memory_space<vmem_shared>>
        tpu.wait_dma2 semaphore(%run_scoped3A : memref<!tpu.dma_semaphore, #tpu.memory_space<semaphore_mem>>) src(%arg20 : memref<640x16xf32, #tpu.memory_space<vmem>>) dst(%dma_wait3A_272 : memref<640x16xf32, #tpu.memory_space<vmem_shared>>)
        tpu.yield
      }) : () -> ()
      %mul3A_263 = arith.constant 640 : i32
      %mul3A_264 = arith.muli %arg1, %mul3A_263 : i32
      "tpu.region"() ({
        %run_scoped3A = tpu.sem_alloc : memref<!tpu.dma_semaphore, #tpu.memory_space<semaphore_mem>>
        %dma_start3A_265 = arith.constant 0 : i32
        %dma_start3A_266 = tpu.memref_slice %arg10[%mul3A_264, %dma_start3A_265] : memref<10240x16xf32, #tpu.memory_space<hbm>> -> memref<640x16xf32, #tpu.memory_space<hbm>>
        %dma_start3A_267 = arith.constant 0 : i32
        %dma_start3A_268 = tpu.memref_slice %arg10[%mul3A_264, %dma_start3A_267] : memref<10240x16xf32, #tpu.memory_space<hbm>> -> memref<640x16xf32, #tpu.memory_space<hbm>>
        tpu.enqueue_dma source(%arg21 : memref<640x16xf32, #tpu.memory_space<vmem>>) target(%dma_start3A_268 : memref<640x16xf32, #tpu.memory_space<hbm>>) target_semaphore(%run_scoped3A : memref<!tpu.dma_semaphore, #tpu.memory_space<semaphore_mem>>)
        %dma_wait3A_269 = arith.constant 0 : i32
        %dma_wait3A_270 = tpu.memref_slice %arg10[%mul3A_264, %dma_wait3A_269] : memref<10240x16xf32, #tpu.memory_space<hbm>> -> memref<640x16xf32, #tpu.memory_space<hbm>>
        %dma_wait3A_271 = arith.constant 0 : i32
        %dma_wait3A_272 = tpu.memref_slice %arg10[%mul3A_264, %dma_wait3A_271] : memref<10240x16xf32, #tpu.memory_space<hbm>> -> memref<640x16xf32, #tpu.memory_space<hbm>>
        tpu.wait_dma2 semaphore(%run_scoped3A : memref<!tpu.dma_semaphore, #tpu.memory_space<semaphore_mem>>) src(%arg21 : memref<640x16xf32, #tpu.memory_space<vmem>>) dst(%dma_wait3A_272 : memref<640x16xf32, #tpu.memory_space<hbm>>)
        tpu.yield
      }) : () -> ()
    } else {
    }
    %eq3A_21 = arith.constant 1 : i32
    %eq3A_22 = arith.cmpi eq, %arg0, %eq3A_21 : i32
    %convert_element_type3A_23 = arith.extui %eq3A_22 : i1 to i32
    %cond3A_24 = arith.constant 0 : i32
    %cond3A_25 = arith.cmpi ne, %convert_element_type3A_23, %cond3A_24 : i32
    scf.if %cond3A_25 {
      %mul3A_261 = arith.constant 640 : i32
      %mul3A_262 = arith.muli %arg1, %mul3A_261 : i32
      %mul3A_263 = arith.constant 640 : i32
      %mul3A_264 = arith.muli %arg1, %mul3A_263 : i32
      "tpu.region"() ({
        %run_scoped3A = tpu.sem_alloc : memref<!tpu.dma_semaphore, #tpu.memory_space<semaphore_mem>>
        %dma_start3A_265 = arith.constant 0 : i32
        %dma_start3A_266 = tpu.memref_slice %arg16[%mul3A_264, %dma_start3A_265] : memref<10240x16xf32, #tpu.memory_space<vmem_shared>> -> memref<640x16xf32, #tpu.memory_space<vmem_shared>>
        %dma_start3A_267 = arith.constant 0 : i32
        %dma_start3A_268 = tpu.memref_slice %arg7[%mul3A_262, %dma_start3A_267] : memref<10240x16xf32, #tpu.memory_space<hbm>> -> memref<640x16xf32, #tpu.memory_space<hbm>>
        tpu.enqueue_dma source(%dma_start3A_268 : memref<640x16xf32, #tpu.memory_space<hbm>>) target(%dma_start3A_266 : memref<640x16xf32, #tpu.memory_space<vmem_shared>>) target_semaphore(%run_scoped3A : memref<!tpu.dma_semaphore, #tpu.memory_space<semaphore_mem>>)
        %dma_wait3A_269 = arith.constant 0 : i32
        %dma_wait3A_270 = tpu.memref_slice %arg16[%mul3A_264, %dma_wait3A_269] : memref<10240x16xf32, #tpu.memory_space<vmem_shared>> -> memref<640x16xf32, #tpu.memory_space<vmem_shared>>
        %dma_wait3A_271 = arith.constant 0 : i32
        %dma_wait3A_272 = tpu.memref_slice %arg7[%mul3A_262, %dma_wait3A_271] : memref<10240x16xf32, #tpu.memory_space<hbm>> -> memref<640x16xf32, #tpu.memory_space<hbm>>
        tpu.wait_dma2 semaphore(%run_scoped3A : memref<!tpu.dma_semaphore, #tpu.memory_space<semaphore_mem>>) src(%dma_wait3A_272 : memref<640x16xf32, #tpu.memory_space<hbm>>) dst(%dma_wait3A_270 : memref<640x16xf32, #tpu.memory_space<vmem_shared>>)
        tpu.yield
      }) : () -> ()
    } else {
    }
    %barrier3A = arith.constant 0 : index
    tpu.barrier barrier_id(%barrier3A)
    %dma_start3A = arith.constant 0 : i32
    %dma_start3A_26 = arith.constant 0 : i32
    %dma_start3A_27 = arith.constant 0 : i32
    %dma_start3A_28 = arith.constant 0 : i32
    %dma_start3A_29 = arith.constant 0 : i32
    %dma_start3A_30 = tpu.memref_slice %arg15[%dma_start3A_26, %dma_start3A_28, %dma_start3A_29] : memref<2x768x16xf32, #tpu.memory_space<vmem>> -> memref<1x768x16xf32, #tpu.memory_space<vmem>>
    %dma_start3A_31 = tpu.memref_squeeze %dma_start3A_30 : memref<1x768x16xf32, #tpu.memory_space<vmem>> -> memref<768x16xf32, #tpu.memory_space<vmem>>
    %dma_start3A_32 = arith.constant 0 : i32
    %dma_start3A_33 = arith.constant 0 : i32
    %dma_start3A_34 = tpu.memref_slice %dma_start3A_31[%dma_start3A_32, %dma_start3A_33] : memref<768x16xf32, #tpu.memory_space<vmem>> -> memref<128x16xf32, #tpu.memory_space<vmem>>
    %dma_start3A_35 = arith.constant 0 : i32
    %dma_start3A_36 = tpu.memref_slice %arg11[%dma_start3A, %dma_start3A_35] : memref<78x128xi32, #tpu.memory_space<vmem>> -> memref<1x128xi32, #tpu.memory_space<vmem>>
    %dma_start3A_37 = tpu.memref_squeeze %dma_start3A_36 : memref<1x128xi32, #tpu.memory_space<vmem>> -> memref<128xi32, #tpu.memory_space<vmem>>
    %dma_start3A_38 = arith.constant 0 : i32
    %dma_start3A_39 = arith.constant 0 : i32
    %dma_start3A_40 = tpu.memref_slice %arg17[%dma_start3A_38, %dma_start3A_39] : memref<10240x16xf32, #tpu.memory_space<vmem_shared>> -> memref<10240x16xf32, #tpu.memory_space<vmem_shared>>
    %dma_start3A_41 = tpu.memref_slice %arg18[%dma_start3A_27] : memref<2x!tpu.dma_semaphore, #tpu.memory_space<semaphore_mem>> -> memref<1x!tpu.dma_semaphore, #tpu.memory_space<semaphore_mem>>
    %dma_start3A_42 = tpu.memref_squeeze %dma_start3A_41 : memref<1x!tpu.dma_semaphore, #tpu.memory_space<semaphore_mem>> -> memref<!tpu.dma_semaphore, #tpu.memory_space<semaphore_mem>>
    tpu.enqueue_indirect_dma source(%dma_start3A_40 : memref<10240x16xf32, #tpu.memory_space<vmem_shared>>) target(%dma_start3A_34 : memref<128x16xf32, #tpu.memory_space<vmem>>) offsets(%dma_start3A_37 : memref<128xi32, #tpu.memory_space<vmem>>) semaphore(%dma_start3A_42 : memref<!tpu.dma_semaphore, #tpu.memory_space<semaphore_mem>>)
    %dma_start3A_43 = arith.constant 1 : i32
    %dma_start3A_44 = arith.constant 0 : i32
    %dma_start3A_45 = arith.constant 0 : i32
    %dma_start3A_46 = arith.constant 0 : i32
    %dma_start3A_47 = arith.constant 0 : i32
    %dma_start3A_48 = tpu.memref_slice %arg15[%dma_start3A_44, %dma_start3A_46, %dma_start3A_47] : memref<2x768x16xf32, #tpu.memory_space<vmem>> -> memref<1x768x16xf32, #tpu.memory_space<vmem>>
    %dma_start3A_49 = tpu.memref_squeeze %dma_start3A_48 : memref<1x768x16xf32, #tpu.memory_space<vmem>> -> memref<768x16xf32, #tpu.memory_space<vmem>>
    %dma_start3A_50 = arith.constant 128 : i32
    %dma_start3A_51 = arith.constant 0 : i32
    %dma_start3A_52 = tpu.memref_slice %dma_start3A_49[%dma_start3A_50, %dma_start3A_51] : memref<768x16xf32, #tpu.memory_space<vmem>> -> memref<128x16xf32, #tpu.memory_space<vmem>>
    %dma_start3A_53 = arith.constant 0 : i32
    %dma_start3A_54 = tpu.memref_slice %arg11[%dma_start3A_43, %dma_start3A_53] : memref<78x128xi32, #tpu.memory_space<vmem>> -> memref<1x128xi32, #tpu.memory_space<vmem>>
    %dma_start3A_55 = tpu.memref_squeeze %dma_start3A_54 : memref<1x128xi32, #tpu.memory_space<vmem>> -> memref<128xi32, #tpu.memory_space<vmem>>
    %dma_start3A_56 = arith.constant 0 : i32
    %dma_start3A_57 = arith.constant 0 : i32
    %dma_start3A_58 = tpu.memref_slice %arg17[%dma_start3A_56, %dma_start3A_57] : memref<10240x16xf32, #tpu.memory_space<vmem_shared>> -> memref<10240x16xf32, #tpu.memory_space<vmem_shared>>
    %dma_start3A_59 = tpu.memref_slice %arg18[%dma_start3A_45] : memref<2x!tpu.dma_semaphore, #tpu.memory_space<semaphore_mem>> -> memref<1x!tpu.dma_semaphore, #tpu.memory_space<semaphore_mem>>
    %dma_start3A_60 = tpu.memref_squeeze %dma_start3A_59 : memref<1x!tpu.dma_semaphore, #tpu.memory_space<semaphore_mem>> -> memref<!tpu.dma_semaphore, #tpu.memory_space<semaphore_mem>>
    tpu.enqueue_indirect_dma source(%dma_start3A_58 : memref<10240x16xf32, #tpu.memory_space<vmem_shared>>) target(%dma_start3A_52 : memref<128x16xf32, #tpu.memory_space<vmem>>) offsets(%dma_start3A_55 : memref<128xi32, #tpu.memory_space<vmem>>) semaphore(%dma_start3A_60 : memref<!tpu.dma_semaphore, #tpu.memory_space<semaphore_mem>>)
    %dma_start3A_61 = arith.constant 2 : i32
    %dma_start3A_62 = arith.constant 0 : i32
    %dma_start3A_63 = arith.constant 0 : i32
    %dma_start3A_64 = arith.constant 0 : i32
    %dma_start3A_65 = arith.constant 0 : i32
    %dma_start3A_66 = tpu.memref_slice %arg15[%dma_start3A_62, %dma_start3A_64, %dma_start3A_65] : memref<2x768x16xf32, #tpu.memory_space<vmem>> -> memref<1x768x16xf32, #tpu.memory_space<vmem>>
    %dma_start3A_67 = tpu.memref_squeeze %dma_start3A_66 : memref<1x768x16xf32, #tpu.memory_space<vmem>> -> memref<768x16xf32, #tpu.memory_space<vmem>>
    %dma_start3A_68 = arith.constant 256 : i32
    %dma_start3A_69 = arith.constant 0 : i32
    %dma_start3A_70 = tpu.memref_slice %dma_start3A_67[%dma_start3A_68, %dma_start3A_69] : memref<768x16xf32, #tpu.memory_space<vmem>> -> memref<128x16xf32, #tpu.memory_space<vmem>>
    %dma_start3A_71 = arith.constant 0 : i32
    %dma_start3A_72 = tpu.memref_slice %arg11[%dma_start3A_61, %dma_start3A_71] : memref<78x128xi32, #tpu.memory_space<vmem>> -> memref<1x128xi32, #tpu.memory_space<vmem>>
    %dma_start3A_73 = tpu.memref_squeeze %dma_start3A_72 : memref<1x128xi32, #tpu.memory_space<vmem>> -> memref<128xi32, #tpu.memory_space<vmem>>
    %dma_start3A_74 = arith.constant 0 : i32
    %dma_start3A_75 = arith.constant 0 : i32
    %dma_start3A_76 = tpu.memref_slice %arg17[%dma_start3A_74, %dma_start3A_75] : memref<10240x16xf32, #tpu.memory_space<vmem_shared>> -> memref<10240x16xf32, #tpu.memory_space<vmem_shared>>
    %dma_start3A_77 = tpu.memref_slice %arg18[%dma_start3A_63] : memref<2x!tpu.dma_semaphore, #tpu.memory_space<semaphore_mem>> -> memref<1x!tpu.dma_semaphore, #tpu.memory_space<semaphore_mem>>
    %dma_start3A_78 = tpu.memref_squeeze %dma_start3A_77 : memref<1x!tpu.dma_semaphore, #tpu.memory_space<semaphore_mem>> -> memref<!tpu.dma_semaphore, #tpu.memory_space<semaphore_mem>>
    tpu.enqueue_indirect_dma source(%dma_start3A_76 : memref<10240x16xf32, #tpu.memory_space<vmem_shared>>) target(%dma_start3A_70 : memref<128x16xf32, #tpu.memory_space<vmem>>) offsets(%dma_start3A_73 : memref<128xi32, #tpu.memory_space<vmem>>) semaphore(%dma_start3A_78 : memref<!tpu.dma_semaphore, #tpu.memory_space<semaphore_mem>>)
    %dma_start3A_79 = arith.constant 3 : i32
    %dma_start3A_80 = arith.constant 0 : i32
    %dma_start3A_81 = arith.constant 0 : i32
    %dma_start3A_82 = arith.constant 0 : i32
    %dma_start3A_83 = arith.constant 0 : i32
    %dma_start3A_84 = tpu.memref_slice %arg15[%dma_start3A_80, %dma_start3A_82, %dma_start3A_83] : memref<2x768x16xf32, #tpu.memory_space<vmem>> -> memref<1x768x16xf32, #tpu.memory_space<vmem>>
    %dma_start3A_85 = tpu.memref_squeeze %dma_start3A_84 : memref<1x768x16xf32, #tpu.memory_space<vmem>> -> memref<768x16xf32, #tpu.memory_space<vmem>>
    %dma_start3A_86 = arith.constant 384 : i32
    %dma_start3A_87 = arith.constant 0 : i32
    %dma_start3A_88 = tpu.memref_slice %dma_start3A_85[%dma_start3A_86, %dma_start3A_87] : memref<768x16xf32, #tpu.memory_space<vmem>> -> memref<128x16xf32, #tpu.memory_space<vmem>>
    %dma_start3A_89 = arith.constant 0 : i32
    %dma_start3A_90 = tpu.memref_slice %arg11[%dma_start3A_79, %dma_start3A_89] : memref<78x128xi32, #tpu.memory_space<vmem>> -> memref<1x128xi32, #tpu.memory_space<vmem>>
    %dma_start3A_91 = tpu.memref_squeeze %dma_start3A_90 : memref<1x128xi32, #tpu.memory_space<vmem>> -> memref<128xi32, #tpu.memory_space<vmem>>
    %dma_start3A_92 = arith.constant 0 : i32
    %dma_start3A_93 = arith.constant 0 : i32
    %dma_start3A_94 = tpu.memref_slice %arg17[%dma_start3A_92, %dma_start3A_93] : memref<10240x16xf32, #tpu.memory_space<vmem_shared>> -> memref<10240x16xf32, #tpu.memory_space<vmem_shared>>
    %dma_start3A_95 = tpu.memref_slice %arg18[%dma_start3A_81] : memref<2x!tpu.dma_semaphore, #tpu.memory_space<semaphore_mem>> -> memref<1x!tpu.dma_semaphore, #tpu.memory_space<semaphore_mem>>
    %dma_start3A_96 = tpu.memref_squeeze %dma_start3A_95 : memref<1x!tpu.dma_semaphore, #tpu.memory_space<semaphore_mem>> -> memref<!tpu.dma_semaphore, #tpu.memory_space<semaphore_mem>>
    tpu.enqueue_indirect_dma source(%dma_start3A_94 : memref<10240x16xf32, #tpu.memory_space<vmem_shared>>) target(%dma_start3A_88 : memref<128x16xf32, #tpu.memory_space<vmem>>) offsets(%dma_start3A_91 : memref<128xi32, #tpu.memory_space<vmem>>) semaphore(%dma_start3A_96 : memref<!tpu.dma_semaphore, #tpu.memory_space<semaphore_mem>>)
    %dma_start3A_97 = arith.constant 4 : i32
    %dma_start3A_98 = arith.constant 0 : i32
    %dma_start3A_99 = arith.constant 0 : i32
    %dma_start3A_100 = arith.constant 0 : i32
    %dma_start3A_101 = arith.constant 0 : i32
    %dma_start3A_102 = tpu.memref_slice %arg15[%dma_start3A_98, %dma_start3A_100, %dma_start3A_101] : memref<2x768x16xf32, #tpu.memory_space<vmem>> -> memref<1x768x16xf32, #tpu.memory_space<vmem>>
    %dma_start3A_103 = tpu.memref_squeeze %dma_start3A_102 : memref<1x768x16xf32, #tpu.memory_space<vmem>> -> memref<768x16xf32, #tpu.memory_space<vmem>>
    %dma_start3A_104 = arith.constant 512 : i32
    %dma_start3A_105 = arith.constant 0 : i32
    %dma_start3A_106 = tpu.memref_slice %dma_start3A_103[%dma_start3A_104, %dma_start3A_105] : memref<768x16xf32, #tpu.memory_space<vmem>> -> memref<128x16xf32, #tpu.memory_space<vmem>>
    %dma_start3A_107 = arith.constant 0 : i32
    %dma_start3A_108 = tpu.memref_slice %arg11[%dma_start3A_97, %dma_start3A_107] : memref<78x128xi32, #tpu.memory_space<vmem>> -> memref<1x128xi32, #tpu.memory_space<vmem>>
    %dma_start3A_109 = tpu.memref_squeeze %dma_start3A_108 : memref<1x128xi32, #tpu.memory_space<vmem>> -> memref<128xi32, #tpu.memory_space<vmem>>
    %dma_start3A_110 = arith.constant 0 : i32
    %dma_start3A_111 = arith.constant 0 : i32
    %dma_start3A_112 = tpu.memref_slice %arg17[%dma_start3A_110, %dma_start3A_111] : memref<10240x16xf32, #tpu.memory_space<vmem_shared>> -> memref<10240x16xf32, #tpu.memory_space<vmem_shared>>
    %dma_start3A_113 = tpu.memref_slice %arg18[%dma_start3A_99] : memref<2x!tpu.dma_semaphore, #tpu.memory_space<semaphore_mem>> -> memref<1x!tpu.dma_semaphore, #tpu.memory_space<semaphore_mem>>
    %dma_start3A_114 = tpu.memref_squeeze %dma_start3A_113 : memref<1x!tpu.dma_semaphore, #tpu.memory_space<semaphore_mem>> -> memref<!tpu.dma_semaphore, #tpu.memory_space<semaphore_mem>>
    tpu.enqueue_indirect_dma source(%dma_start3A_112 : memref<10240x16xf32, #tpu.memory_space<vmem_shared>>) target(%dma_start3A_106 : memref<128x16xf32, #tpu.memory_space<vmem>>) offsets(%dma_start3A_109 : memref<128xi32, #tpu.memory_space<vmem>>) semaphore(%dma_start3A_114 : memref<!tpu.dma_semaphore, #tpu.memory_space<semaphore_mem>>)
    %dma_start3A_115 = arith.constant 5 : i32
    %dma_start3A_116 = arith.constant 0 : i32
    %dma_start3A_117 = arith.constant 0 : i32
    %dma_start3A_118 = arith.constant 0 : i32
    %dma_start3A_119 = arith.constant 0 : i32
    %dma_start3A_120 = tpu.memref_slice %arg15[%dma_start3A_116, %dma_start3A_118, %dma_start3A_119] : memref<2x768x16xf32, #tpu.memory_space<vmem>> -> memref<1x768x16xf32, #tpu.memory_space<vmem>>
    %dma_start3A_121 = tpu.memref_squeeze %dma_start3A_120 : memref<1x768x16xf32, #tpu.memory_space<vmem>> -> memref<768x16xf32, #tpu.memory_space<vmem>>
    %dma_start3A_122 = arith.constant 640 : i32
    %dma_start3A_123 = arith.constant 0 : i32
    %dma_start3A_124 = tpu.memref_slice %dma_start3A_121[%dma_start3A_122, %dma_start3A_123] : memref<768x16xf32, #tpu.memory_space<vmem>> -> memref<128x16xf32, #tpu.memory_space<vmem>>
    %dma_start3A_125 = arith.constant 0 : i32
    %dma_start3A_126 = tpu.memref_slice %arg11[%dma_start3A_115, %dma_start3A_125] : memref<78x128xi32, #tpu.memory_space<vmem>> -> memref<1x128xi32, #tpu.memory_space<vmem>>
    %dma_start3A_127 = tpu.memref_squeeze %dma_start3A_126 : memref<1x128xi32, #tpu.memory_space<vmem>> -> memref<128xi32, #tpu.memory_space<vmem>>
    %dma_start3A_128 = arith.constant 0 : i32
    %dma_start3A_129 = arith.constant 0 : i32
    %dma_start3A_130 = tpu.memref_slice %arg17[%dma_start3A_128, %dma_start3A_129] : memref<10240x16xf32, #tpu.memory_space<vmem_shared>> -> memref<10240x16xf32, #tpu.memory_space<vmem_shared>>
    %dma_start3A_131 = tpu.memref_slice %arg18[%dma_start3A_117] : memref<2x!tpu.dma_semaphore, #tpu.memory_space<semaphore_mem>> -> memref<1x!tpu.dma_semaphore, #tpu.memory_space<semaphore_mem>>
    %dma_start3A_132 = tpu.memref_squeeze %dma_start3A_131 : memref<1x!tpu.dma_semaphore, #tpu.memory_space<semaphore_mem>> -> memref<!tpu.dma_semaphore, #tpu.memory_space<semaphore_mem>>
    tpu.enqueue_indirect_dma source(%dma_start3A_130 : memref<10240x16xf32, #tpu.memory_space<vmem_shared>>) target(%dma_start3A_124 : memref<128x16xf32, #tpu.memory_space<vmem>>) offsets(%dma_start3A_127 : memref<128xi32, #tpu.memory_space<vmem>>) semaphore(%dma_start3A_132 : memref<!tpu.dma_semaphore, #tpu.memory_space<semaphore_mem>>)
    %scan3A = arith.constant 0 : i32
    %scan3A_133 = arith.constant 0 : i32
    %scan3A_134 = arith.constant 13 : i32
    %scan3A_135 = arith.addi %scan3A_133, %scan3A_134 : i32
    %scan3A_136 = arith.constant 1 : i32
    scf.for %scan3A_261 = %scan3A_133 to %scan3A_135 step %scan3A_136  : i32 {
      %rem3A = arith.constant 2 : i32
      %rem3A_262 = arith.remsi %scan3A_261, %rem3A : i32
      %mul3A_263 = arith.constant 6 : i32
      %mul3A_264 = arith.muli %scan3A_261, %mul3A_263 : i32
      %add3A_265 = arith.constant 0 : i32
      %add3A_266 = arith.addi %mul3A_264, %add3A_265 : i32
      %dma_wait3A_267 = arith.constant 0 : i32
      %dma_wait3A_268 = arith.constant 0 : i32
      %dma_wait3A_269 = tpu.memref_slice %arg15[%rem3A_262, %dma_wait3A_267, %dma_wait3A_268] : memref<2x768x16xf32, #tpu.memory_space<vmem>> -> memref<1x768x16xf32, #tpu.memory_space<vmem>>
      %dma_wait3A_270 = tpu.memref_squeeze %dma_wait3A_269 : memref<1x768x16xf32, #tpu.memory_space<vmem>> -> memref<768x16xf32, #tpu.memory_space<vmem>>
      %dma_wait3A_271 = arith.constant 0 : i32
      %dma_wait3A_272 = arith.constant 0 : i32
      %dma_wait3A_273 = tpu.memref_slice %dma_wait3A_270[%dma_wait3A_271, %dma_wait3A_272] : memref<768x16xf32, #tpu.memory_space<vmem>> -> memref<128x16xf32, #tpu.memory_space<vmem>>
      %dma_wait3A_274 = arith.constant 0 : i32
      %dma_wait3A_275 = tpu.memref_slice %arg11[%add3A_266, %dma_wait3A_274] : memref<78x128xi32, #tpu.memory_space<vmem>> -> memref<1x128xi32, #tpu.memory_space<vmem>>
      %dma_wait3A_276 = tpu.memref_squeeze %dma_wait3A_275 : memref<1x128xi32, #tpu.memory_space<vmem>> -> memref<128xi32, #tpu.memory_space<vmem>>
      %dma_wait3A_277 = arith.constant 0 : i32
      %dma_wait3A_278 = arith.constant 0 : i32
      %dma_wait3A_279 = tpu.memref_slice %arg17[%dma_wait3A_277, %dma_wait3A_278] : memref<10240x16xf32, #tpu.memory_space<vmem_shared>> -> memref<10240x16xf32, #tpu.memory_space<vmem_shared>>
      %dma_wait3A_280 = tpu.memref_slice %arg18[%rem3A_262] : memref<2x!tpu.dma_semaphore, #tpu.memory_space<semaphore_mem>> -> memref<1x!tpu.dma_semaphore, #tpu.memory_space<semaphore_mem>>
      %dma_wait3A_281 = tpu.memref_squeeze %dma_wait3A_280 : memref<1x!tpu.dma_semaphore, #tpu.memory_space<semaphore_mem>> -> memref<!tpu.dma_semaphore, #tpu.memory_space<semaphore_mem>>
      tpu.wait_indirect_dma semaphore(%dma_wait3A_281 : memref<!tpu.dma_semaphore, #tpu.memory_space<semaphore_mem>>) src(%dma_wait3A_279 : memref<10240x16xf32, #tpu.memory_space<vmem_shared>>) dst(%dma_wait3A_273 : memref<128x16xf32, #tpu.memory_space<vmem>>)
      %mul3A_282 = arith.constant 6 : i32
      %mul3A_283 = arith.muli %scan3A_261, %mul3A_282 : i32
      %add3A_284 = arith.constant 1 : i32
      %add3A_285 = arith.addi %mul3A_283, %add3A_284 : i32
      %dma_wait3A_286 = arith.constant 0 : i32
      %dma_wait3A_287 = arith.constant 0 : i32
      %dma_wait3A_288 = tpu.memref_slice %arg15[%rem3A_262, %dma_wait3A_286, %dma_wait3A_287] : memref<2x768x16xf32, #tpu.memory_space<vmem>> -> memref<1x768x16xf32, #tpu.memory_space<vmem>>
      %dma_wait3A_289 = tpu.memref_squeeze %dma_wait3A_288 : memref<1x768x16xf32, #tpu.memory_space<vmem>> -> memref<768x16xf32, #tpu.memory_space<vmem>>
      %dma_wait3A_290 = arith.constant 128 : i32
      %dma_wait3A_291 = arith.constant 0 : i32
      %dma_wait3A_292 = tpu.memref_slice %dma_wait3A_289[%dma_wait3A_290, %dma_wait3A_291] : memref<768x16xf32, #tpu.memory_space<vmem>> -> memref<128x16xf32, #tpu.memory_space<vmem>>
      %dma_wait3A_293 = arith.constant 0 : i32
      %dma_wait3A_294 = tpu.memref_slice %arg11[%add3A_285, %dma_wait3A_293] : memref<78x128xi32, #tpu.memory_space<vmem>> -> memref<1x128xi32, #tpu.memory_space<vmem>>
      %dma_wait3A_295 = tpu.memref_squeeze %dma_wait3A_294 : memref<1x128xi32, #tpu.memory_space<vmem>> -> memref<128xi32, #tpu.memory_space<vmem>>
      %dma_wait3A_296 = arith.constant 0 : i32
      %dma_wait3A_297 = arith.constant 0 : i32
      %dma_wait3A_298 = tpu.memref_slice %arg17[%dma_wait3A_296, %dma_wait3A_297] : memref<10240x16xf32, #tpu.memory_space<vmem_shared>> -> memref<10240x16xf32, #tpu.memory_space<vmem_shared>>
      %dma_wait3A_299 = tpu.memref_slice %arg18[%rem3A_262] : memref<2x!tpu.dma_semaphore, #tpu.memory_space<semaphore_mem>> -> memref<1x!tpu.dma_semaphore, #tpu.memory_space<semaphore_mem>>
      %dma_wait3A_300 = tpu.memref_squeeze %dma_wait3A_299 : memref<1x!tpu.dma_semaphore, #tpu.memory_space<semaphore_mem>> -> memref<!tpu.dma_semaphore, #tpu.memory_space<semaphore_mem>>
      tpu.wait_indirect_dma semaphore(%dma_wait3A_300 : memref<!tpu.dma_semaphore, #tpu.memory_space<semaphore_mem>>) src(%dma_wait3A_298 : memref<10240x16xf32, #tpu.memory_space<vmem_shared>>) dst(%dma_wait3A_292 : memref<128x16xf32, #tpu.memory_space<vmem>>)
      %mul3A_301 = arith.constant 6 : i32
      %mul3A_302 = arith.muli %scan3A_261, %mul3A_301 : i32
      %add3A_303 = arith.constant 2 : i32
      %add3A_304 = arith.addi %mul3A_302, %add3A_303 : i32
      %dma_wait3A_305 = arith.constant 0 : i32
      %dma_wait3A_306 = arith.constant 0 : i32
      %dma_wait3A_307 = tpu.memref_slice %arg15[%rem3A_262, %dma_wait3A_305, %dma_wait3A_306] : memref<2x768x16xf32, #tpu.memory_space<vmem>> -> memref<1x768x16xf32, #tpu.memory_space<vmem>>
      %dma_wait3A_308 = tpu.memref_squeeze %dma_wait3A_307 : memref<1x768x16xf32, #tpu.memory_space<vmem>> -> memref<768x16xf32, #tpu.memory_space<vmem>>
      %dma_wait3A_309 = arith.constant 256 : i32
      %dma_wait3A_310 = arith.constant 0 : i32
      %dma_wait3A_311 = tpu.memref_slice %dma_wait3A_308[%dma_wait3A_309, %dma_wait3A_310] : memref<768x16xf32, #tpu.memory_space<vmem>> -> memref<128x16xf32, #tpu.memory_space<vmem>>
      %dma_wait3A_312 = arith.constant 0 : i32
      %dma_wait3A_313 = tpu.memref_slice %arg11[%add3A_304, %dma_wait3A_312] : memref<78x128xi32, #tpu.memory_space<vmem>> -> memref<1x128xi32, #tpu.memory_space<vmem>>
      %dma_wait3A_314 = tpu.memref_squeeze %dma_wait3A_313 : memref<1x128xi32, #tpu.memory_space<vmem>> -> memref<128xi32, #tpu.memory_space<vmem>>
      %dma_wait3A_315 = arith.constant 0 : i32
      %dma_wait3A_316 = arith.constant 0 : i32
      %dma_wait3A_317 = tpu.memref_slice %arg17[%dma_wait3A_315, %dma_wait3A_316] : memref<10240x16xf32, #tpu.memory_space<vmem_shared>> -> memref<10240x16xf32, #tpu.memory_space<vmem_shared>>
      %dma_wait3A_318 = tpu.memref_slice %arg18[%rem3A_262] : memref<2x!tpu.dma_semaphore, #tpu.memory_space<semaphore_mem>> -> memref<1x!tpu.dma_semaphore, #tpu.memory_space<semaphore_mem>>
      %dma_wait3A_319 = tpu.memref_squeeze %dma_wait3A_318 : memref<1x!tpu.dma_semaphore, #tpu.memory_space<semaphore_mem>> -> memref<!tpu.dma_semaphore, #tpu.memory_space<semaphore_mem>>
      tpu.wait_indirect_dma semaphore(%dma_wait3A_319 : memref<!tpu.dma_semaphore, #tpu.memory_space<semaphore_mem>>) src(%dma_wait3A_317 : memref<10240x16xf32, #tpu.memory_space<vmem_shared>>) dst(%dma_wait3A_311 : memref<128x16xf32, #tpu.memory_space<vmem>>)
      %mul3A_320 = arith.constant 6 : i32
      %mul3A_321 = arith.muli %scan3A_261, %mul3A_320 : i32
      %add3A_322 = arith.constant 3 : i32
      %add3A_323 = arith.addi %mul3A_321, %add3A_322 : i32
      %dma_wait3A_324 = arith.constant 0 : i32
      %dma_wait3A_325 = arith.constant 0 : i32
      %dma_wait3A_326 = tpu.memref_slice %arg15[%rem3A_262, %dma_wait3A_324, %dma_wait3A_325] : memref<2x768x16xf32, #tpu.memory_space<vmem>> -> memref<1x768x16xf32, #tpu.memory_space<vmem>>
      %dma_wait3A_327 = tpu.memref_squeeze %dma_wait3A_326 : memref<1x768x16xf32, #tpu.memory_space<vmem>> -> memref<768x16xf32, #tpu.memory_space<vmem>>
      %dma_wait3A_328 = arith.constant 384 : i32
      %dma_wait3A_329 = arith.constant 0 : i32
      %dma_wait3A_330 = tpu.memref_slice %dma_wait3A_327[%dma_wait3A_328, %dma_wait3A_329] : memref<768x16xf32, #tpu.memory_space<vmem>> -> memref<128x16xf32, #tpu.memory_space<vmem>>
      %dma_wait3A_331 = arith.constant 0 : i32
      %dma_wait3A_332 = tpu.memref_slice %arg11[%add3A_323, %dma_wait3A_331] : memref<78x128xi32, #tpu.memory_space<vmem>> -> memref<1x128xi32, #tpu.memory_space<vmem>>
      %dma_wait3A_333 = tpu.memref_squeeze %dma_wait3A_332 : memref<1x128xi32, #tpu.memory_space<vmem>> -> memref<128xi32, #tpu.memory_space<vmem>>
      %dma_wait3A_334 = arith.constant 0 : i32
      %dma_wait3A_335 = arith.constant 0 : i32
      %dma_wait3A_336 = tpu.memref_slice %arg17[%dma_wait3A_334, %dma_wait3A_335] : memref<10240x16xf32, #tpu.memory_space<vmem_shared>> -> memref<10240x16xf32, #tpu.memory_space<vmem_shared>>
      %dma_wait3A_337 = tpu.memref_slice %arg18[%rem3A_262] : memref<2x!tpu.dma_semaphore, #tpu.memory_space<semaphore_mem>> -> memref<1x!tpu.dma_semaphore, #tpu.memory_space<semaphore_mem>>
      %dma_wait3A_338 = tpu.memref_squeeze %dma_wait3A_337 : memref<1x!tpu.dma_semaphore, #tpu.memory_space<semaphore_mem>> -> memref<!tpu.dma_semaphore, #tpu.memory_space<semaphore_mem>>
      tpu.wait_indirect_dma semaphore(%dma_wait3A_338 : memref<!tpu.dma_semaphore, #tpu.memory_space<semaphore_mem>>) src(%dma_wait3A_336 : memref<10240x16xf32, #tpu.memory_space<vmem_shared>>) dst(%dma_wait3A_330 : memref<128x16xf32, #tpu.memory_space<vmem>>)
      %mul3A_339 = arith.constant 6 : i32
      %mul3A_340 = arith.muli %scan3A_261, %mul3A_339 : i32
      %add3A_341 = arith.constant 4 : i32
      %add3A_342 = arith.addi %mul3A_340, %add3A_341 : i32
      %dma_wait3A_343 = arith.constant 0 : i32
      %dma_wait3A_344 = arith.constant 0 : i32
      %dma_wait3A_345 = tpu.memref_slice %arg15[%rem3A_262, %dma_wait3A_343, %dma_wait3A_344] : memref<2x768x16xf32, #tpu.memory_space<vmem>> -> memref<1x768x16xf32, #tpu.memory_space<vmem>>
      %dma_wait3A_346 = tpu.memref_squeeze %dma_wait3A_345 : memref<1x768x16xf32, #tpu.memory_space<vmem>> -> memref<768x16xf32, #tpu.memory_space<vmem>>
      %dma_wait3A_347 = arith.constant 512 : i32
      %dma_wait3A_348 = arith.constant 0 : i32
      %dma_wait3A_349 = tpu.memref_slice %dma_wait3A_346[%dma_wait3A_347, %dma_wait3A_348] : memref<768x16xf32, #tpu.memory_space<vmem>> -> memref<128x16xf32, #tpu.memory_space<vmem>>
      %dma_wait3A_350 = arith.constant 0 : i32
      %dma_wait3A_351 = tpu.memref_slice %arg11[%add3A_342, %dma_wait3A_350] : memref<78x128xi32, #tpu.memory_space<vmem>> -> memref<1x128xi32, #tpu.memory_space<vmem>>
      %dma_wait3A_352 = tpu.memref_squeeze %dma_wait3A_351 : memref<1x128xi32, #tpu.memory_space<vmem>> -> memref<128xi32, #tpu.memory_space<vmem>>
      %dma_wait3A_353 = arith.constant 0 : i32
      %dma_wait3A_354 = arith.constant 0 : i32
      %dma_wait3A_355 = tpu.memref_slice %arg17[%dma_wait3A_353, %dma_wait3A_354] : memref<10240x16xf32, #tpu.memory_space<vmem_shared>> -> memref<10240x16xf32, #tpu.memory_space<vmem_shared>>
      %dma_wait3A_356 = tpu.memref_slice %arg18[%rem3A_262] : memref<2x!tpu.dma_semaphore, #tpu.memory_space<semaphore_mem>> -> memref<1x!tpu.dma_semaphore, #tpu.memory_space<semaphore_mem>>
      %dma_wait3A_357 = tpu.memref_squeeze %dma_wait3A_356 : memref<1x!tpu.dma_semaphore, #tpu.memory_space<semaphore_mem>> -> memref<!tpu.dma_semaphore, #tpu.memory_space<semaphore_mem>>
      tpu.wait_indirect_dma semaphore(%dma_wait3A_357 : memref<!tpu.dma_semaphore, #tpu.memory_space<semaphore_mem>>) src(%dma_wait3A_355 : memref<10240x16xf32, #tpu.memory_space<vmem_shared>>) dst(%dma_wait3A_349 : memref<128x16xf32, #tpu.memory_space<vmem>>)
      %mul3A_358 = arith.constant 6 : i32
      %mul3A_359 = arith.muli %scan3A_261, %mul3A_358 : i32
      %add3A_360 = arith.constant 5 : i32
      %add3A_361 = arith.addi %mul3A_359, %add3A_360 : i32
      %dma_wait3A_362 = arith.constant 0 : i32
      %dma_wait3A_363 = arith.constant 0 : i32
      %dma_wait3A_364 = tpu.memref_slice %arg15[%rem3A_262, %dma_wait3A_362, %dma_wait3A_363] : memref<2x768x16xf32, #tpu.memory_space<vmem>> -> memref<1x768x16xf32, #tpu.memory_space<vmem>>
      %dma_wait3A_365 = tpu.memref_squeeze %dma_wait3A_364 : memref<1x768x16xf32, #tpu.memory_space<vmem>> -> memref<768x16xf32, #tpu.memory_space<vmem>>
      %dma_wait3A_366 = arith.constant 640 : i32
      %dma_wait3A_367 = arith.constant 0 : i32
      %dma_wait3A_368 = tpu.memref_slice %dma_wait3A_365[%dma_wait3A_366, %dma_wait3A_367] : memref<768x16xf32, #tpu.memory_space<vmem>> -> memref<128x16xf32, #tpu.memory_space<vmem>>
      %dma_wait3A_369 = arith.constant 0 : i32
      %dma_wait3A_370 = tpu.memref_slice %arg11[%add3A_361, %dma_wait3A_369] : memref<78x128xi32, #tpu.memory_space<vmem>> -> memref<1x128xi32, #tpu.memory_space<vmem>>
      %dma_wait3A_371 = tpu.memref_squeeze %dma_wait3A_370 : memref<1x128xi32, #tpu.memory_space<vmem>> -> memref<128xi32, #tpu.memory_space<vmem>>
      %dma_wait3A_372 = arith.constant 0 : i32
      %dma_wait3A_373 = arith.constant 0 : i32
      %dma_wait3A_374 = tpu.memref_slice %arg17[%dma_wait3A_372, %dma_wait3A_373] : memref<10240x16xf32, #tpu.memory_space<vmem_shared>> -> memref<10240x16xf32, #tpu.memory_space<vmem_shared>>
      %dma_wait3A_375 = tpu.memref_slice %arg18[%rem3A_262] : memref<2x!tpu.dma_semaphore, #tpu.memory_space<semaphore_mem>> -> memref<1x!tpu.dma_semaphore, #tpu.memory_space<semaphore_mem>>
      %dma_wait3A_376 = tpu.memref_squeeze %dma_wait3A_375 : memref<1x!tpu.dma_semaphore, #tpu.memory_space<semaphore_mem>> -> memref<!tpu.dma_semaphore, #tpu.memory_space<semaphore_mem>>
      tpu.wait_indirect_dma semaphore(%dma_wait3A_376 : memref<!tpu.dma_semaphore, #tpu.memory_space<semaphore_mem>>) src(%dma_wait3A_374 : memref<10240x16xf32, #tpu.memory_space<vmem_shared>>) dst(%dma_wait3A_368 : memref<128x16xf32, #tpu.memory_space<vmem>>)
      %ge3A = arith.constant 1 : i32
      %ge3A_377 = arith.cmpi sge, %scan3A_261, %ge3A : i32
      %convert_element_type3A_378 = arith.extui %ge3A_377 : i1 to i32
      %cond3A_379 = arith.constant 0 : i32
      %cond3A_380 = arith.cmpi ne, %convert_element_type3A_378, %cond3A_379 : i32
      scf.if %cond3A_380 {
        %sub3A = arith.constant 1 : i32
        %sub3A_502 = arith.subi %scan3A_261, %sub3A : i32
        %sub3A_503 = arith.constant 1 : i32
        %sub3A_504 = arith.subi %sub3A_503, %rem3A_262 : i32
        %mul3A_505 = arith.constant 6 : i32
        %mul3A_506 = arith.muli %sub3A_502, %mul3A_505 : i32
        %add3A_507 = arith.constant 0 : i32
        %add3A_508 = arith.addi %mul3A_506, %add3A_507 : i32
        %dma_wait3A_509 = arith.constant 0 : i32
        %dma_wait3A_510 = arith.constant 0 : i32
        %dma_wait3A_511 = tpu.memref_slice %arg15[%sub3A_504, %dma_wait3A_509, %dma_wait3A_510] : memref<2x768x16xf32, #tpu.memory_space<vmem>> -> memref<1x768x16xf32, #tpu.memory_space<vmem>>
        %dma_wait3A_512 = tpu.memref_squeeze %dma_wait3A_511 : memref<1x768x16xf32, #tpu.memory_space<vmem>> -> memref<768x16xf32, #tpu.memory_space<vmem>>
        %dma_wait3A_513 = arith.constant 0 : i32
        %dma_wait3A_514 = arith.constant 0 : i32
        %dma_wait3A_515 = tpu.memref_slice %dma_wait3A_512[%dma_wait3A_513, %dma_wait3A_514] : memref<768x16xf32, #tpu.memory_space<vmem>> -> memref<128x16xf32, #tpu.memory_space<vmem>>
        %dma_wait3A_516 = arith.constant 0 : i32
        %dma_wait3A_517 = tpu.memref_slice %arg12[%add3A_508, %dma_wait3A_516] : memref<78x128xi32, #tpu.memory_space<vmem>> -> memref<1x128xi32, #tpu.memory_space<vmem>>
        %dma_wait3A_518 = tpu.memref_squeeze %dma_wait3A_517 : memref<1x128xi32, #tpu.memory_space<vmem>> -> memref<128xi32, #tpu.memory_space<vmem>>
        %dma_wait3A_519 = arith.constant 0 : i32
        %dma_wait3A_520 = arith.constant 0 : i32
        %dma_wait3A_521 = tpu.memref_slice %arg16[%dma_wait3A_519, %dma_wait3A_520] : memref<10240x16xf32, #tpu.memory_space<vmem_shared>> -> memref<10240x16xf32, #tpu.memory_space<vmem_shared>>
        %dma_wait3A_522 = tpu.memref_slice %arg19[%sub3A_504] : memref<2x!tpu.dma_semaphore, #tpu.memory_space<semaphore_mem>> -> memref<1x!tpu.dma_semaphore, #tpu.memory_space<semaphore_mem>>
        %dma_wait3A_523 = tpu.memref_squeeze %dma_wait3A_522 : memref<1x!tpu.dma_semaphore, #tpu.memory_space<semaphore_mem>> -> memref<!tpu.dma_semaphore, #tpu.memory_space<semaphore_mem>>
        tpu.wait_indirect_dma semaphore(%dma_wait3A_523 : memref<!tpu.dma_semaphore, #tpu.memory_space<semaphore_mem>>) src(%dma_wait3A_515 : memref<128x16xf32, #tpu.memory_space<vmem>>) dst(%dma_wait3A_521 : memref<10240x16xf32, #tpu.memory_space<vmem_shared>>)
        %mul3A_524 = arith.constant 6 : i32
        %mul3A_525 = arith.muli %sub3A_502, %mul3A_524 : i32
        %add3A_526 = arith.constant 1 : i32
        %add3A_527 = arith.addi %mul3A_525, %add3A_526 : i32
        %dma_wait3A_528 = arith.constant 0 : i32
        %dma_wait3A_529 = arith.constant 0 : i32
        %dma_wait3A_530 = tpu.memref_slice %arg15[%sub3A_504, %dma_wait3A_528, %dma_wait3A_529] : memref<2x768x16xf32, #tpu.memory_space<vmem>> -> memref<1x768x16xf32, #tpu.memory_space<vmem>>
        %dma_wait3A_531 = tpu.memref_squeeze %dma_wait3A_530 : memref<1x768x16xf32, #tpu.memory_space<vmem>> -> memref<768x16xf32, #tpu.memory_space<vmem>>
        %dma_wait3A_532 = arith.constant 128 : i32
        %dma_wait3A_533 = arith.constant 0 : i32
        %dma_wait3A_534 = tpu.memref_slice %dma_wait3A_531[%dma_wait3A_532, %dma_wait3A_533] : memref<768x16xf32, #tpu.memory_space<vmem>> -> memref<128x16xf32, #tpu.memory_space<vmem>>
        %dma_wait3A_535 = arith.constant 0 : i32
        %dma_wait3A_536 = tpu.memref_slice %arg12[%add3A_527, %dma_wait3A_535] : memref<78x128xi32, #tpu.memory_space<vmem>> -> memref<1x128xi32, #tpu.memory_space<vmem>>
        %dma_wait3A_537 = tpu.memref_squeeze %dma_wait3A_536 : memref<1x128xi32, #tpu.memory_space<vmem>> -> memref<128xi32, #tpu.memory_space<vmem>>
        %dma_wait3A_538 = arith.constant 0 : i32
        %dma_wait3A_539 = arith.constant 0 : i32
        %dma_wait3A_540 = tpu.memref_slice %arg16[%dma_wait3A_538, %dma_wait3A_539] : memref<10240x16xf32, #tpu.memory_space<vmem_shared>> -> memref<10240x16xf32, #tpu.memory_space<vmem_shared>>
        %dma_wait3A_541 = tpu.memref_slice %arg19[%sub3A_504] : memref<2x!tpu.dma_semaphore, #tpu.memory_space<semaphore_mem>> -> memref<1x!tpu.dma_semaphore, #tpu.memory_space<semaphore_mem>>
        %dma_wait3A_542 = tpu.memref_squeeze %dma_wait3A_541 : memref<1x!tpu.dma_semaphore, #tpu.memory_space<semaphore_mem>> -> memref<!tpu.dma_semaphore, #tpu.memory_space<semaphore_mem>>
        tpu.wait_indirect_dma semaphore(%dma_wait3A_542 : memref<!tpu.dma_semaphore, #tpu.memory_space<semaphore_mem>>) src(%dma_wait3A_534 : memref<128x16xf32, #tpu.memory_space<vmem>>) dst(%dma_wait3A_540 : memref<10240x16xf32, #tpu.memory_space<vmem_shared>>)
        %mul3A_543 = arith.constant 6 : i32
        %mul3A_544 = arith.muli %sub3A_502, %mul3A_543 : i32
        %add3A_545 = arith.constant 2 : i32
        %add3A_546 = arith.addi %mul3A_544, %add3A_545 : i32
        %dma_wait3A_547 = arith.constant 0 : i32
        %dma_wait3A_548 = arith.constant 0 : i32
        %dma_wait3A_549 = tpu.memref_slice %arg15[%sub3A_504, %dma_wait3A_547, %dma_wait3A_548] : memref<2x768x16xf32, #tpu.memory_space<vmem>> -> memref<1x768x16xf32, #tpu.memory_space<vmem>>
        %dma_wait3A_550 = tpu.memref_squeeze %dma_wait3A_549 : memref<1x768x16xf32, #tpu.memory_space<vmem>> -> memref<768x16xf32, #tpu.memory_space<vmem>>
        %dma_wait3A_551 = arith.constant 256 : i32
        %dma_wait3A_552 = arith.constant 0 : i32
        %dma_wait3A_553 = tpu.memref_slice %dma_wait3A_550[%dma_wait3A_551, %dma_wait3A_552] : memref<768x16xf32, #tpu.memory_space<vmem>> -> memref<128x16xf32, #tpu.memory_space<vmem>>
        %dma_wait3A_554 = arith.constant 0 : i32
        %dma_wait3A_555 = tpu.memref_slice %arg12[%add3A_546, %dma_wait3A_554] : memref<78x128xi32, #tpu.memory_space<vmem>> -> memref<1x128xi32, #tpu.memory_space<vmem>>
        %dma_wait3A_556 = tpu.memref_squeeze %dma_wait3A_555 : memref<1x128xi32, #tpu.memory_space<vmem>> -> memref<128xi32, #tpu.memory_space<vmem>>
        %dma_wait3A_557 = arith.constant 0 : i32
        %dma_wait3A_558 = arith.constant 0 : i32
        %dma_wait3A_559 = tpu.memref_slice %arg16[%dma_wait3A_557, %dma_wait3A_558] : memref<10240x16xf32, #tpu.memory_space<vmem_shared>> -> memref<10240x16xf32, #tpu.memory_space<vmem_shared>>
        %dma_wait3A_560 = tpu.memref_slice %arg19[%sub3A_504] : memref<2x!tpu.dma_semaphore, #tpu.memory_space<semaphore_mem>> -> memref<1x!tpu.dma_semaphore, #tpu.memory_space<semaphore_mem>>
        %dma_wait3A_561 = tpu.memref_squeeze %dma_wait3A_560 : memref<1x!tpu.dma_semaphore, #tpu.memory_space<semaphore_mem>> -> memref<!tpu.dma_semaphore, #tpu.memory_space<semaphore_mem>>
        tpu.wait_indirect_dma semaphore(%dma_wait3A_561 : memref<!tpu.dma_semaphore, #tpu.memory_space<semaphore_mem>>) src(%dma_wait3A_553 : memref<128x16xf32, #tpu.memory_space<vmem>>) dst(%dma_wait3A_559 : memref<10240x16xf32, #tpu.memory_space<vmem_shared>>)
        %mul3A_562 = arith.constant 6 : i32
        %mul3A_563 = arith.muli %sub3A_502, %mul3A_562 : i32
        %add3A_564 = arith.constant 3 : i32
        %add3A_565 = arith.addi %mul3A_563, %add3A_564 : i32
        %dma_wait3A_566 = arith.constant 0 : i32
        %dma_wait3A_567 = arith.constant 0 : i32
        %dma_wait3A_568 = tpu.memref_slice %arg15[%sub3A_504, %dma_wait3A_566, %dma_wait3A_567] : memref<2x768x16xf32, #tpu.memory_space<vmem>> -> memref<1x768x16xf32, #tpu.memory_space<vmem>>
        %dma_wait3A_569 = tpu.memref_squeeze %dma_wait3A_568 : memref<1x768x16xf32, #tpu.memory_space<vmem>> -> memref<768x16xf32, #tpu.memory_space<vmem>>
        %dma_wait3A_570 = arith.constant 384 : i32
        %dma_wait3A_571 = arith.constant 0 : i32
        %dma_wait3A_572 = tpu.memref_slice %dma_wait3A_569[%dma_wait3A_570, %dma_wait3A_571] : memref<768x16xf32, #tpu.memory_space<vmem>> -> memref<128x16xf32, #tpu.memory_space<vmem>>
        %dma_wait3A_573 = arith.constant 0 : i32
        %dma_wait3A_574 = tpu.memref_slice %arg12[%add3A_565, %dma_wait3A_573] : memref<78x128xi32, #tpu.memory_space<vmem>> -> memref<1x128xi32, #tpu.memory_space<vmem>>
        %dma_wait3A_575 = tpu.memref_squeeze %dma_wait3A_574 : memref<1x128xi32, #tpu.memory_space<vmem>> -> memref<128xi32, #tpu.memory_space<vmem>>
        %dma_wait3A_576 = arith.constant 0 : i32
        %dma_wait3A_577 = arith.constant 0 : i32
        %dma_wait3A_578 = tpu.memref_slice %arg16[%dma_wait3A_576, %dma_wait3A_577] : memref<10240x16xf32, #tpu.memory_space<vmem_shared>> -> memref<10240x16xf32, #tpu.memory_space<vmem_shared>>
        %dma_wait3A_579 = tpu.memref_slice %arg19[%sub3A_504] : memref<2x!tpu.dma_semaphore, #tpu.memory_space<semaphore_mem>> -> memref<1x!tpu.dma_semaphore, #tpu.memory_space<semaphore_mem>>
        %dma_wait3A_580 = tpu.memref_squeeze %dma_wait3A_579 : memref<1x!tpu.dma_semaphore, #tpu.memory_space<semaphore_mem>> -> memref<!tpu.dma_semaphore, #tpu.memory_space<semaphore_mem>>
        tpu.wait_indirect_dma semaphore(%dma_wait3A_580 : memref<!tpu.dma_semaphore, #tpu.memory_space<semaphore_mem>>) src(%dma_wait3A_572 : memref<128x16xf32, #tpu.memory_space<vmem>>) dst(%dma_wait3A_578 : memref<10240x16xf32, #tpu.memory_space<vmem_shared>>)
        %mul3A_581 = arith.constant 6 : i32
        %mul3A_582 = arith.muli %sub3A_502, %mul3A_581 : i32
        %add3A_583 = arith.constant 4 : i32
        %add3A_584 = arith.addi %mul3A_582, %add3A_583 : i32
        %dma_wait3A_585 = arith.constant 0 : i32
        %dma_wait3A_586 = arith.constant 0 : i32
        %dma_wait3A_587 = tpu.memref_slice %arg15[%sub3A_504, %dma_wait3A_585, %dma_wait3A_586] : memref<2x768x16xf32, #tpu.memory_space<vmem>> -> memref<1x768x16xf32, #tpu.memory_space<vmem>>
        %dma_wait3A_588 = tpu.memref_squeeze %dma_wait3A_587 : memref<1x768x16xf32, #tpu.memory_space<vmem>> -> memref<768x16xf32, #tpu.memory_space<vmem>>
        %dma_wait3A_589 = arith.constant 512 : i32
        %dma_wait3A_590 = arith.constant 0 : i32
        %dma_wait3A_591 = tpu.memref_slice %dma_wait3A_588[%dma_wait3A_589, %dma_wait3A_590] : memref<768x16xf32, #tpu.memory_space<vmem>> -> memref<128x16xf32, #tpu.memory_space<vmem>>
        %dma_wait3A_592 = arith.constant 0 : i32
        %dma_wait3A_593 = tpu.memref_slice %arg12[%add3A_584, %dma_wait3A_592] : memref<78x128xi32, #tpu.memory_space<vmem>> -> memref<1x128xi32, #tpu.memory_space<vmem>>
        %dma_wait3A_594 = tpu.memref_squeeze %dma_wait3A_593 : memref<1x128xi32, #tpu.memory_space<vmem>> -> memref<128xi32, #tpu.memory_space<vmem>>
        %dma_wait3A_595 = arith.constant 0 : i32
        %dma_wait3A_596 = arith.constant 0 : i32
        %dma_wait3A_597 = tpu.memref_slice %arg16[%dma_wait3A_595, %dma_wait3A_596] : memref<10240x16xf32, #tpu.memory_space<vmem_shared>> -> memref<10240x16xf32, #tpu.memory_space<vmem_shared>>
        %dma_wait3A_598 = tpu.memref_slice %arg19[%sub3A_504] : memref<2x!tpu.dma_semaphore, #tpu.memory_space<semaphore_mem>> -> memref<1x!tpu.dma_semaphore, #tpu.memory_space<semaphore_mem>>
        %dma_wait3A_599 = tpu.memref_squeeze %dma_wait3A_598 : memref<1x!tpu.dma_semaphore, #tpu.memory_space<semaphore_mem>> -> memref<!tpu.dma_semaphore, #tpu.memory_space<semaphore_mem>>
        tpu.wait_indirect_dma semaphore(%dma_wait3A_599 : memref<!tpu.dma_semaphore, #tpu.memory_space<semaphore_mem>>) src(%dma_wait3A_591 : memref<128x16xf32, #tpu.memory_space<vmem>>) dst(%dma_wait3A_597 : memref<10240x16xf32, #tpu.memory_space<vmem_shared>>)
        %mul3A_600 = arith.constant 6 : i32
        %mul3A_601 = arith.muli %sub3A_502, %mul3A_600 : i32
        %add3A_602 = arith.constant 5 : i32
        %add3A_603 = arith.addi %mul3A_601, %add3A_602 : i32
        %dma_wait3A_604 = arith.constant 0 : i32
        %dma_wait3A_605 = arith.constant 0 : i32
        %dma_wait3A_606 = tpu.memref_slice %arg15[%sub3A_504, %dma_wait3A_604, %dma_wait3A_605] : memref<2x768x16xf32, #tpu.memory_space<vmem>> -> memref<1x768x16xf32, #tpu.memory_space<vmem>>
        %dma_wait3A_607 = tpu.memref_squeeze %dma_wait3A_606 : memref<1x768x16xf32, #tpu.memory_space<vmem>> -> memref<768x16xf32, #tpu.memory_space<vmem>>
        %dma_wait3A_608 = arith.constant 640 : i32
        %dma_wait3A_609 = arith.constant 0 : i32
        %dma_wait3A_610 = tpu.memref_slice %dma_wait3A_607[%dma_wait3A_608, %dma_wait3A_609] : memref<768x16xf32, #tpu.memory_space<vmem>> -> memref<128x16xf32, #tpu.memory_space<vmem>>
        %dma_wait3A_611 = arith.constant 0 : i32
        %dma_wait3A_612 = tpu.memref_slice %arg12[%add3A_603, %dma_wait3A_611] : memref<78x128xi32, #tpu.memory_space<vmem>> -> memref<1x128xi32, #tpu.memory_space<vmem>>
        %dma_wait3A_613 = tpu.memref_squeeze %dma_wait3A_612 : memref<1x128xi32, #tpu.memory_space<vmem>> -> memref<128xi32, #tpu.memory_space<vmem>>
        %dma_wait3A_614 = arith.constant 0 : i32
        %dma_wait3A_615 = arith.constant 0 : i32
        %dma_wait3A_616 = tpu.memref_slice %arg16[%dma_wait3A_614, %dma_wait3A_615] : memref<10240x16xf32, #tpu.memory_space<vmem_shared>> -> memref<10240x16xf32, #tpu.memory_space<vmem_shared>>
        %dma_wait3A_617 = tpu.memref_slice %arg19[%sub3A_504] : memref<2x!tpu.dma_semaphore, #tpu.memory_space<semaphore_mem>> -> memref<1x!tpu.dma_semaphore, #tpu.memory_space<semaphore_mem>>
        %dma_wait3A_618 = tpu.memref_squeeze %dma_wait3A_617 : memref<1x!tpu.dma_semaphore, #tpu.memory_space<semaphore_mem>> -> memref<!tpu.dma_semaphore, #tpu.memory_space<semaphore_mem>>
        tpu.wait_indirect_dma semaphore(%dma_wait3A_618 : memref<!tpu.dma_semaphore, #tpu.memory_space<semaphore_mem>>) src(%dma_wait3A_610 : memref<128x16xf32, #tpu.memory_space<vmem>>) dst(%dma_wait3A_616 : memref<10240x16xf32, #tpu.memory_space<vmem_shared>>)
      } else {
      }
      %add3A_381 = arith.constant 1 : i32
      %add3A_382 = arith.addi %scan3A_261, %add3A_381 : i32
      %lt3A_383 = arith.constant 13 : i32
      %lt3A_384 = arith.cmpi slt, %add3A_382, %lt3A_383 : i32
      %convert_element_type3A_385 = arith.extui %lt3A_384 : i1 to i32
      %cond3A_386 = arith.constant 0 : i32
      %cond3A_387 = arith.cmpi ne, %convert_element_type3A_385, %cond3A_386 : i32
      scf.if %cond3A_387 {
        %add3A_502 = arith.constant 1 : i32
        %add3A_503 = arith.addi %scan3A_261, %add3A_502 : i32
        %sub3A = arith.constant 1 : i32
        %sub3A_504 = arith.subi %sub3A, %rem3A_262 : i32
        %mul3A_505 = arith.constant 6 : i32
        %mul3A_506 = arith.muli %add3A_503, %mul3A_505 : i32
        %add3A_507 = arith.constant 0 : i32
        %add3A_508 = arith.addi %mul3A_506, %add3A_507 : i32
        %dma_start3A_509 = arith.constant 0 : i32
        %dma_start3A_510 = arith.constant 0 : i32
        %dma_start3A_511 = tpu.memref_slice %arg15[%sub3A_504, %dma_start3A_509, %dma_start3A_510] : memref<2x768x16xf32, #tpu.memory_space<vmem>> -> memref<1x768x16xf32, #tpu.memory_space<vmem>>
        %dma_start3A_512 = tpu.memref_squeeze %dma_start3A_511 : memref<1x768x16xf32, #tpu.memory_space<vmem>> -> memref<768x16xf32, #tpu.memory_space<vmem>>
        %dma_start3A_513 = arith.constant 0 : i32
        %dma_start3A_514 = arith.constant 0 : i32
        %dma_start3A_515 = tpu.memref_slice %dma_start3A_512[%dma_start3A_513, %dma_start3A_514] : memref<768x16xf32, #tpu.memory_space<vmem>> -> memref<128x16xf32, #tpu.memory_space<vmem>>
        %dma_start3A_516 = arith.constant 0 : i32
        %dma_start3A_517 = tpu.memref_slice %arg11[%add3A_508, %dma_start3A_516] : memref<78x128xi32, #tpu.memory_space<vmem>> -> memref<1x128xi32, #tpu.memory_space<vmem>>
        %dma_start3A_518 = tpu.memref_squeeze %dma_start3A_517 : memref<1x128xi32, #tpu.memory_space<vmem>> -> memref<128xi32, #tpu.memory_space<vmem>>
        %dma_start3A_519 = arith.constant 0 : i32
        %dma_start3A_520 = arith.constant 0 : i32
        %dma_start3A_521 = tpu.memref_slice %arg17[%dma_start3A_519, %dma_start3A_520] : memref<10240x16xf32, #tpu.memory_space<vmem_shared>> -> memref<10240x16xf32, #tpu.memory_space<vmem_shared>>
        %dma_start3A_522 = tpu.memref_slice %arg18[%sub3A_504] : memref<2x!tpu.dma_semaphore, #tpu.memory_space<semaphore_mem>> -> memref<1x!tpu.dma_semaphore, #tpu.memory_space<semaphore_mem>>
        %dma_start3A_523 = tpu.memref_squeeze %dma_start3A_522 : memref<1x!tpu.dma_semaphore, #tpu.memory_space<semaphore_mem>> -> memref<!tpu.dma_semaphore, #tpu.memory_space<semaphore_mem>>
        tpu.enqueue_indirect_dma source(%dma_start3A_521 : memref<10240x16xf32, #tpu.memory_space<vmem_shared>>) target(%dma_start3A_515 : memref<128x16xf32, #tpu.memory_space<vmem>>) offsets(%dma_start3A_518 : memref<128xi32, #tpu.memory_space<vmem>>) semaphore(%dma_start3A_523 : memref<!tpu.dma_semaphore, #tpu.memory_space<semaphore_mem>>)
        %mul3A_524 = arith.constant 6 : i32
        %mul3A_525 = arith.muli %add3A_503, %mul3A_524 : i32
        %add3A_526 = arith.constant 1 : i32
        %add3A_527 = arith.addi %mul3A_525, %add3A_526 : i32
        %dma_start3A_528 = arith.constant 0 : i32
        %dma_start3A_529 = arith.constant 0 : i32
        %dma_start3A_530 = tpu.memref_slice %arg15[%sub3A_504, %dma_start3A_528, %dma_start3A_529] : memref<2x768x16xf32, #tpu.memory_space<vmem>> -> memref<1x768x16xf32, #tpu.memory_space<vmem>>
        %dma_start3A_531 = tpu.memref_squeeze %dma_start3A_530 : memref<1x768x16xf32, #tpu.memory_space<vmem>> -> memref<768x16xf32, #tpu.memory_space<vmem>>
        %dma_start3A_532 = arith.constant 128 : i32
        %dma_start3A_533 = arith.constant 0 : i32
        %dma_start3A_534 = tpu.memref_slice %dma_start3A_531[%dma_start3A_532, %dma_start3A_533] : memref<768x16xf32, #tpu.memory_space<vmem>> -> memref<128x16xf32, #tpu.memory_space<vmem>>
        %dma_start3A_535 = arith.constant 0 : i32
        %dma_start3A_536 = tpu.memref_slice %arg11[%add3A_527, %dma_start3A_535] : memref<78x128xi32, #tpu.memory_space<vmem>> -> memref<1x128xi32, #tpu.memory_space<vmem>>
        %dma_start3A_537 = tpu.memref_squeeze %dma_start3A_536 : memref<1x128xi32, #tpu.memory_space<vmem>> -> memref<128xi32, #tpu.memory_space<vmem>>
        %dma_start3A_538 = arith.constant 0 : i32
        %dma_start3A_539 = arith.constant 0 : i32
        %dma_start3A_540 = tpu.memref_slice %arg17[%dma_start3A_538, %dma_start3A_539] : memref<10240x16xf32, #tpu.memory_space<vmem_shared>> -> memref<10240x16xf32, #tpu.memory_space<vmem_shared>>
        %dma_start3A_541 = tpu.memref_slice %arg18[%sub3A_504] : memref<2x!tpu.dma_semaphore, #tpu.memory_space<semaphore_mem>> -> memref<1x!tpu.dma_semaphore, #tpu.memory_space<semaphore_mem>>
        %dma_start3A_542 = tpu.memref_squeeze %dma_start3A_541 : memref<1x!tpu.dma_semaphore, #tpu.memory_space<semaphore_mem>> -> memref<!tpu.dma_semaphore, #tpu.memory_space<semaphore_mem>>
        tpu.enqueue_indirect_dma source(%dma_start3A_540 : memref<10240x16xf32, #tpu.memory_space<vmem_shared>>) target(%dma_start3A_534 : memref<128x16xf32, #tpu.memory_space<vmem>>) offsets(%dma_start3A_537 : memref<128xi32, #tpu.memory_space<vmem>>) semaphore(%dma_start3A_542 : memref<!tpu.dma_semaphore, #tpu.memory_space<semaphore_mem>>)
        %mul3A_543 = arith.constant 6 : i32
        %mul3A_544 = arith.muli %add3A_503, %mul3A_543 : i32
        %add3A_545 = arith.constant 2 : i32
        %add3A_546 = arith.addi %mul3A_544, %add3A_545 : i32
        %dma_start3A_547 = arith.constant 0 : i32
        %dma_start3A_548 = arith.constant 0 : i32
        %dma_start3A_549 = tpu.memref_slice %arg15[%sub3A_504, %dma_start3A_547, %dma_start3A_548] : memref<2x768x16xf32, #tpu.memory_space<vmem>> -> memref<1x768x16xf32, #tpu.memory_space<vmem>>
        %dma_start3A_550 = tpu.memref_squeeze %dma_start3A_549 : memref<1x768x16xf32, #tpu.memory_space<vmem>> -> memref<768x16xf32, #tpu.memory_space<vmem>>
        %dma_start3A_551 = arith.constant 256 : i32
        %dma_start3A_552 = arith.constant 0 : i32
        %dma_start3A_553 = tpu.memref_slice %dma_start3A_550[%dma_start3A_551, %dma_start3A_552] : memref<768x16xf32, #tpu.memory_space<vmem>> -> memref<128x16xf32, #tpu.memory_space<vmem>>
        %dma_start3A_554 = arith.constant 0 : i32
        %dma_start3A_555 = tpu.memref_slice %arg11[%add3A_546, %dma_start3A_554] : memref<78x128xi32, #tpu.memory_space<vmem>> -> memref<1x128xi32, #tpu.memory_space<vmem>>
        %dma_start3A_556 = tpu.memref_squeeze %dma_start3A_555 : memref<1x128xi32, #tpu.memory_space<vmem>> -> memref<128xi32, #tpu.memory_space<vmem>>
        %dma_start3A_557 = arith.constant 0 : i32
        %dma_start3A_558 = arith.constant 0 : i32
        %dma_start3A_559 = tpu.memref_slice %arg17[%dma_start3A_557, %dma_start3A_558] : memref<10240x16xf32, #tpu.memory_space<vmem_shared>> -> memref<10240x16xf32, #tpu.memory_space<vmem_shared>>
        %dma_start3A_560 = tpu.memref_slice %arg18[%sub3A_504] : memref<2x!tpu.dma_semaphore, #tpu.memory_space<semaphore_mem>> -> memref<1x!tpu.dma_semaphore, #tpu.memory_space<semaphore_mem>>
        %dma_start3A_561 = tpu.memref_squeeze %dma_start3A_560 : memref<1x!tpu.dma_semaphore, #tpu.memory_space<semaphore_mem>> -> memref<!tpu.dma_semaphore, #tpu.memory_space<semaphore_mem>>
        tpu.enqueue_indirect_dma source(%dma_start3A_559 : memref<10240x16xf32, #tpu.memory_space<vmem_shared>>) target(%dma_start3A_553 : memref<128x16xf32, #tpu.memory_space<vmem>>) offsets(%dma_start3A_556 : memref<128xi32, #tpu.memory_space<vmem>>) semaphore(%dma_start3A_561 : memref<!tpu.dma_semaphore, #tpu.memory_space<semaphore_mem>>)
        %mul3A_562 = arith.constant 6 : i32
        %mul3A_563 = arith.muli %add3A_503, %mul3A_562 : i32
        %add3A_564 = arith.constant 3 : i32
        %add3A_565 = arith.addi %mul3A_563, %add3A_564 : i32
        %dma_start3A_566 = arith.constant 0 : i32
        %dma_start3A_567 = arith.constant 0 : i32
        %dma_start3A_568 = tpu.memref_slice %arg15[%sub3A_504, %dma_start3A_566, %dma_start3A_567] : memref<2x768x16xf32, #tpu.memory_space<vmem>> -> memref<1x768x16xf32, #tpu.memory_space<vmem>>
        %dma_start3A_569 = tpu.memref_squeeze %dma_start3A_568 : memref<1x768x16xf32, #tpu.memory_space<vmem>> -> memref<768x16xf32, #tpu.memory_space<vmem>>
        %dma_start3A_570 = arith.constant 384 : i32
        %dma_start3A_571 = arith.constant 0 : i32
        %dma_start3A_572 = tpu.memref_slice %dma_start3A_569[%dma_start3A_570, %dma_start3A_571] : memref<768x16xf32, #tpu.memory_space<vmem>> -> memref<128x16xf32, #tpu.memory_space<vmem>>
        %dma_start3A_573 = arith.constant 0 : i32
        %dma_start3A_574 = tpu.memref_slice %arg11[%add3A_565, %dma_start3A_573] : memref<78x128xi32, #tpu.memory_space<vmem>> -> memref<1x128xi32, #tpu.memory_space<vmem>>
        %dma_start3A_575 = tpu.memref_squeeze %dma_start3A_574 : memref<1x128xi32, #tpu.memory_space<vmem>> -> memref<128xi32, #tpu.memory_space<vmem>>
        %dma_start3A_576 = arith.constant 0 : i32
        %dma_start3A_577 = arith.constant 0 : i32
        %dma_start3A_578 = tpu.memref_slice %arg17[%dma_start3A_576, %dma_start3A_577] : memref<10240x16xf32, #tpu.memory_space<vmem_shared>> -> memref<10240x16xf32, #tpu.memory_space<vmem_shared>>
        %dma_start3A_579 = tpu.memref_slice %arg18[%sub3A_504] : memref<2x!tpu.dma_semaphore, #tpu.memory_space<semaphore_mem>> -> memref<1x!tpu.dma_semaphore, #tpu.memory_space<semaphore_mem>>
        %dma_start3A_580 = tpu.memref_squeeze %dma_start3A_579 : memref<1x!tpu.dma_semaphore, #tpu.memory_space<semaphore_mem>> -> memref<!tpu.dma_semaphore, #tpu.memory_space<semaphore_mem>>
        tpu.enqueue_indirect_dma source(%dma_start3A_578 : memref<10240x16xf32, #tpu.memory_space<vmem_shared>>) target(%dma_start3A_572 : memref<128x16xf32, #tpu.memory_space<vmem>>) offsets(%dma_start3A_575 : memref<128xi32, #tpu.memory_space<vmem>>) semaphore(%dma_start3A_580 : memref<!tpu.dma_semaphore, #tpu.memory_space<semaphore_mem>>)
        %mul3A_581 = arith.constant 6 : i32
        %mul3A_582 = arith.muli %add3A_503, %mul3A_581 : i32
        %add3A_583 = arith.constant 4 : i32
        %add3A_584 = arith.addi %mul3A_582, %add3A_583 : i32
        %dma_start3A_585 = arith.constant 0 : i32
        %dma_start3A_586 = arith.constant 0 : i32
        %dma_start3A_587 = tpu.memref_slice %arg15[%sub3A_504, %dma_start3A_585, %dma_start3A_586] : memref<2x768x16xf32, #tpu.memory_space<vmem>> -> memref<1x768x16xf32, #tpu.memory_space<vmem>>
        %dma_start3A_588 = tpu.memref_squeeze %dma_start3A_587 : memref<1x768x16xf32, #tpu.memory_space<vmem>> -> memref<768x16xf32, #tpu.memory_space<vmem>>
        %dma_start3A_589 = arith.constant 512 : i32
        %dma_start3A_590 = arith.constant 0 : i32
        %dma_start3A_591 = tpu.memref_slice %dma_start3A_588[%dma_start3A_589, %dma_start3A_590] : memref<768x16xf32, #tpu.memory_space<vmem>> -> memref<128x16xf32, #tpu.memory_space<vmem>>
        %dma_start3A_592 = arith.constant 0 : i32
        %dma_start3A_593 = tpu.memref_slice %arg11[%add3A_584, %dma_start3A_592] : memref<78x128xi32, #tpu.memory_space<vmem>> -> memref<1x128xi32, #tpu.memory_space<vmem>>
        %dma_start3A_594 = tpu.memref_squeeze %dma_start3A_593 : memref<1x128xi32, #tpu.memory_space<vmem>> -> memref<128xi32, #tpu.memory_space<vmem>>
        %dma_start3A_595 = arith.constant 0 : i32
        %dma_start3A_596 = arith.constant 0 : i32
        %dma_start3A_597 = tpu.memref_slice %arg17[%dma_start3A_595, %dma_start3A_596] : memref<10240x16xf32, #tpu.memory_space<vmem_shared>> -> memref<10240x16xf32, #tpu.memory_space<vmem_shared>>
        %dma_start3A_598 = tpu.memref_slice %arg18[%sub3A_504] : memref<2x!tpu.dma_semaphore, #tpu.memory_space<semaphore_mem>> -> memref<1x!tpu.dma_semaphore, #tpu.memory_space<semaphore_mem>>
        %dma_start3A_599 = tpu.memref_squeeze %dma_start3A_598 : memref<1x!tpu.dma_semaphore, #tpu.memory_space<semaphore_mem>> -> memref<!tpu.dma_semaphore, #tpu.memory_space<semaphore_mem>>
        tpu.enqueue_indirect_dma source(%dma_start3A_597 : memref<10240x16xf32, #tpu.memory_space<vmem_shared>>) target(%dma_start3A_591 : memref<128x16xf32, #tpu.memory_space<vmem>>) offsets(%dma_start3A_594 : memref<128xi32, #tpu.memory_space<vmem>>) semaphore(%dma_start3A_599 : memref<!tpu.dma_semaphore, #tpu.memory_space<semaphore_mem>>)
        %mul3A_600 = arith.constant 6 : i32
        %mul3A_601 = arith.muli %add3A_503, %mul3A_600 : i32
        %add3A_602 = arith.constant 5 : i32
        %add3A_603 = arith.addi %mul3A_601, %add3A_602 : i32
        %dma_start3A_604 = arith.constant 0 : i32
        %dma_start3A_605 = arith.constant 0 : i32
        %dma_start3A_606 = tpu.memref_slice %arg15[%sub3A_504, %dma_start3A_604, %dma_start3A_605] : memref<2x768x16xf32, #tpu.memory_space<vmem>> -> memref<1x768x16xf32, #tpu.memory_space<vmem>>
        %dma_start3A_607 = tpu.memref_squeeze %dma_start3A_606 : memref<1x768x16xf32, #tpu.memory_space<vmem>> -> memref<768x16xf32, #tpu.memory_space<vmem>>
        %dma_start3A_608 = arith.constant 640 : i32
        %dma_start3A_609 = arith.constant 0 : i32
        %dma_start3A_610 = tpu.memref_slice %dma_start3A_607[%dma_start3A_608, %dma_start3A_609] : memref<768x16xf32, #tpu.memory_space<vmem>> -> memref<128x16xf32, #tpu.memory_space<vmem>>
        %dma_start3A_611 = arith.constant 0 : i32
        %dma_start3A_612 = tpu.memref_slice %arg11[%add3A_603, %dma_start3A_611] : memref<78x128xi32, #tpu.memory_space<vmem>> -> memref<1x128xi32, #tpu.memory_space<vmem>>
        %dma_start3A_613 = tpu.memref_squeeze %dma_start3A_612 : memref<1x128xi32, #tpu.memory_space<vmem>> -> memref<128xi32, #tpu.memory_space<vmem>>
        %dma_start3A_614 = arith.constant 0 : i32
        %dma_start3A_615 = arith.constant 0 : i32
        %dma_start3A_616 = tpu.memref_slice %arg17[%dma_start3A_614, %dma_start3A_615] : memref<10240x16xf32, #tpu.memory_space<vmem_shared>> -> memref<10240x16xf32, #tpu.memory_space<vmem_shared>>
        %dma_start3A_617 = tpu.memref_slice %arg18[%sub3A_504] : memref<2x!tpu.dma_semaphore, #tpu.memory_space<semaphore_mem>> -> memref<1x!tpu.dma_semaphore, #tpu.memory_space<semaphore_mem>>
        %dma_start3A_618 = tpu.memref_squeeze %dma_start3A_617 : memref<1x!tpu.dma_semaphore, #tpu.memory_space<semaphore_mem>> -> memref<!tpu.dma_semaphore, #tpu.memory_space<semaphore_mem>>
        tpu.enqueue_indirect_dma source(%dma_start3A_616 : memref<10240x16xf32, #tpu.memory_space<vmem_shared>>) target(%dma_start3A_610 : memref<128x16xf32, #tpu.memory_space<vmem>>) offsets(%dma_start3A_613 : memref<128xi32, #tpu.memory_space<vmem>>) semaphore(%dma_start3A_618 : memref<!tpu.dma_semaphore, #tpu.memory_space<semaphore_mem>>)
      } else {
      }
      %mul3A_388 = arith.constant 6 : i32
      %mul3A_389 = arith.muli %scan3A_261, %mul3A_388 : i32
      %add3A_390 = arith.constant 0 : i32
      %add3A_391 = arith.addi %mul3A_389, %add3A_390 : i32
      %dma_start3A_392 = arith.constant 0 : i32
      %dma_start3A_393 = arith.constant 0 : i32
      %dma_start3A_394 = tpu.memref_slice %arg15[%rem3A_262, %dma_start3A_392, %dma_start3A_393] : memref<2x768x16xf32, #tpu.memory_space<vmem>> -> memref<1x768x16xf32, #tpu.memory_space<vmem>>
      %dma_start3A_395 = tpu.memref_squeeze %dma_start3A_394 : memref<1x768x16xf32, #tpu.memory_space<vmem>> -> memref<768x16xf32, #tpu.memory_space<vmem>>
      %dma_start3A_396 = arith.constant 0 : i32
      %dma_start3A_397 = arith.constant 0 : i32
      %dma_start3A_398 = tpu.memref_slice %dma_start3A_395[%dma_start3A_396, %dma_start3A_397] : memref<768x16xf32, #tpu.memory_space<vmem>> -> memref<128x16xf32, #tpu.memory_space<vmem>>
      %dma_start3A_399 = arith.constant 0 : i32
      %dma_start3A_400 = tpu.memref_slice %arg12[%add3A_391, %dma_start3A_399] : memref<78x128xi32, #tpu.memory_space<vmem>> -> memref<1x128xi32, #tpu.memory_space<vmem>>
      %dma_start3A_401 = tpu.memref_squeeze %dma_start3A_400 : memref<1x128xi32, #tpu.memory_space<vmem>> -> memref<128xi32, #tpu.memory_space<vmem>>
      %dma_start3A_402 = arith.constant 0 : i32
      %dma_start3A_403 = arith.constant 0 : i32
      %dma_start3A_404 = tpu.memref_slice %arg16[%dma_start3A_402, %dma_start3A_403] : memref<10240x16xf32, #tpu.memory_space<vmem_shared>> -> memref<10240x16xf32, #tpu.memory_space<vmem_shared>>
      %dma_start3A_405 = tpu.memref_slice %arg19[%rem3A_262] : memref<2x!tpu.dma_semaphore, #tpu.memory_space<semaphore_mem>> -> memref<1x!tpu.dma_semaphore, #tpu.memory_space<semaphore_mem>>
      %dma_start3A_406 = tpu.memref_squeeze %dma_start3A_405 : memref<1x!tpu.dma_semaphore, #tpu.memory_space<semaphore_mem>> -> memref<!tpu.dma_semaphore, #tpu.memory_space<semaphore_mem>>
      tpu.enqueue_indirect_dma source(%dma_start3A_398 : memref<128x16xf32, #tpu.memory_space<vmem>>) target(%dma_start3A_404 : memref<10240x16xf32, #tpu.memory_space<vmem_shared>>) offsets(%dma_start3A_401 : memref<128xi32, #tpu.memory_space<vmem>>) semaphore(%dma_start3A_406 : memref<!tpu.dma_semaphore, #tpu.memory_space<semaphore_mem>>) {add = true}
      %mul3A_407 = arith.constant 6 : i32
      %mul3A_408 = arith.muli %scan3A_261, %mul3A_407 : i32
      %add3A_409 = arith.constant 1 : i32
      %add3A_410 = arith.addi %mul3A_408, %add3A_409 : i32
      %dma_start3A_411 = arith.constant 0 : i32
      %dma_start3A_412 = arith.constant 0 : i32
      %dma_start3A_413 = tpu.memref_slice %arg15[%rem3A_262, %dma_start3A_411, %dma_start3A_412] : memref<2x768x16xf32, #tpu.memory_space<vmem>> -> memref<1x768x16xf32, #tpu.memory_space<vmem>>
      %dma_start3A_414 = tpu.memref_squeeze %dma_start3A_413 : memref<1x768x16xf32, #tpu.memory_space<vmem>> -> memref<768x16xf32, #tpu.memory_space<vmem>>
      %dma_start3A_415 = arith.constant 128 : i32
      %dma_start3A_416 = arith.constant 0 : i32
      %dma_start3A_417 = tpu.memref_slice %dma_start3A_414[%dma_start3A_415, %dma_start3A_416] : memref<768x16xf32, #tpu.memory_space<vmem>> -> memref<128x16xf32, #tpu.memory_space<vmem>>
      %dma_start3A_418 = arith.constant 0 : i32
      %dma_start3A_419 = tpu.memref_slice %arg12[%add3A_410, %dma_start3A_418] : memref<78x128xi32, #tpu.memory_space<vmem>> -> memref<1x128xi32, #tpu.memory_space<vmem>>
      %dma_start3A_420 = tpu.memref_squeeze %dma_start3A_419 : memref<1x128xi32, #tpu.memory_space<vmem>> -> memref<128xi32, #tpu.memory_space<vmem>>
      %dma_start3A_421 = arith.constant 0 : i32
      %dma_start3A_422 = arith.constant 0 : i32
      %dma_start3A_423 = tpu.memref_slice %arg16[%dma_start3A_421, %dma_start3A_422] : memref<10240x16xf32, #tpu.memory_space<vmem_shared>> -> memref<10240x16xf32, #tpu.memory_space<vmem_shared>>
      %dma_start3A_424 = tpu.memref_slice %arg19[%rem3A_262] : memref<2x!tpu.dma_semaphore, #tpu.memory_space<semaphore_mem>> -> memref<1x!tpu.dma_semaphore, #tpu.memory_space<semaphore_mem>>
      %dma_start3A_425 = tpu.memref_squeeze %dma_start3A_424 : memref<1x!tpu.dma_semaphore, #tpu.memory_space<semaphore_mem>> -> memref<!tpu.dma_semaphore, #tpu.memory_space<semaphore_mem>>
      tpu.enqueue_indirect_dma source(%dma_start3A_417 : memref<128x16xf32, #tpu.memory_space<vmem>>) target(%dma_start3A_423 : memref<10240x16xf32, #tpu.memory_space<vmem_shared>>) offsets(%dma_start3A_420 : memref<128xi32, #tpu.memory_space<vmem>>) semaphore(%dma_start3A_425 : memref<!tpu.dma_semaphore, #tpu.memory_space<semaphore_mem>>) {add = true}
      %mul3A_426 = arith.constant 6 : i32
      %mul3A_427 = arith.muli %scan3A_261, %mul3A_426 : i32
      %add3A_428 = arith.constant 2 : i32
      %add3A_429 = arith.addi %mul3A_427, %add3A_428 : i32
      %dma_start3A_430 = arith.constant 0 : i32
      %dma_start3A_431 = arith.constant 0 : i32
      %dma_start3A_432 = tpu.memref_slice %arg15[%rem3A_262, %dma_start3A_430, %dma_start3A_431] : memref<2x768x16xf32, #tpu.memory_space<vmem>> -> memref<1x768x16xf32, #tpu.memory_space<vmem>>
      %dma_start3A_433 = tpu.memref_squeeze %dma_start3A_432 : memref<1x768x16xf32, #tpu.memory_space<vmem>> -> memref<768x16xf32, #tpu.memory_space<vmem>>
      %dma_start3A_434 = arith.constant 256 : i32
      %dma_start3A_435 = arith.constant 0 : i32
      %dma_start3A_436 = tpu.memref_slice %dma_start3A_433[%dma_start3A_434, %dma_start3A_435] : memref<768x16xf32, #tpu.memory_space<vmem>> -> memref<128x16xf32, #tpu.memory_space<vmem>>
      %dma_start3A_437 = arith.constant 0 : i32
      %dma_start3A_438 = tpu.memref_slice %arg12[%add3A_429, %dma_start3A_437] : memref<78x128xi32, #tpu.memory_space<vmem>> -> memref<1x128xi32, #tpu.memory_space<vmem>>
      %dma_start3A_439 = tpu.memref_squeeze %dma_start3A_438 : memref<1x128xi32, #tpu.memory_space<vmem>> -> memref<128xi32, #tpu.memory_space<vmem>>
      %dma_start3A_440 = arith.constant 0 : i32
      %dma_start3A_441 = arith.constant 0 : i32
      %dma_start3A_442 = tpu.memref_slice %arg16[%dma_start3A_440, %dma_start3A_441] : memref<10240x16xf32, #tpu.memory_space<vmem_shared>> -> memref<10240x16xf32, #tpu.memory_space<vmem_shared>>
      %dma_start3A_443 = tpu.memref_slice %arg19[%rem3A_262] : memref<2x!tpu.dma_semaphore, #tpu.memory_space<semaphore_mem>> -> memref<1x!tpu.dma_semaphore, #tpu.memory_space<semaphore_mem>>
      %dma_start3A_444 = tpu.memref_squeeze %dma_start3A_443 : memref<1x!tpu.dma_semaphore, #tpu.memory_space<semaphore_mem>> -> memref<!tpu.dma_semaphore, #tpu.memory_space<semaphore_mem>>
      tpu.enqueue_indirect_dma source(%dma_start3A_436 : memref<128x16xf32, #tpu.memory_space<vmem>>) target(%dma_start3A_442 : memref<10240x16xf32, #tpu.memory_space<vmem_shared>>) offsets(%dma_start3A_439 : memref<128xi32, #tpu.memory_space<vmem>>) semaphore(%dma_start3A_444 : memref<!tpu.dma_semaphore, #tpu.memory_space<semaphore_mem>>) {add = true}
      %mul3A_445 = arith.constant 6 : i32
      %mul3A_446 = arith.muli %scan3A_261, %mul3A_445 : i32
      %add3A_447 = arith.constant 3 : i32
      %add3A_448 = arith.addi %mul3A_446, %add3A_447 : i32
      %dma_start3A_449 = arith.constant 0 : i32
      %dma_start3A_450 = arith.constant 0 : i32
      %dma_start3A_451 = tpu.memref_slice %arg15[%rem3A_262, %dma_start3A_449, %dma_start3A_450] : memref<2x768x16xf32, #tpu.memory_space<vmem>> -> memref<1x768x16xf32, #tpu.memory_space<vmem>>
      %dma_start3A_452 = tpu.memref_squeeze %dma_start3A_451 : memref<1x768x16xf32, #tpu.memory_space<vmem>> -> memref<768x16xf32, #tpu.memory_space<vmem>>
      %dma_start3A_453 = arith.constant 384 : i32
      %dma_start3A_454 = arith.constant 0 : i32
      %dma_start3A_455 = tpu.memref_slice %dma_start3A_452[%dma_start3A_453, %dma_start3A_454] : memref<768x16xf32, #tpu.memory_space<vmem>> -> memref<128x16xf32, #tpu.memory_space<vmem>>
      %dma_start3A_456 = arith.constant 0 : i32
      %dma_start3A_457 = tpu.memref_slice %arg12[%add3A_448, %dma_start3A_456] : memref<78x128xi32, #tpu.memory_space<vmem>> -> memref<1x128xi32, #tpu.memory_space<vmem>>
      %dma_start3A_458 = tpu.memref_squeeze %dma_start3A_457 : memref<1x128xi32, #tpu.memory_space<vmem>> -> memref<128xi32, #tpu.memory_space<vmem>>
      %dma_start3A_459 = arith.constant 0 : i32
      %dma_start3A_460 = arith.constant 0 : i32
      %dma_start3A_461 = tpu.memref_slice %arg16[%dma_start3A_459, %dma_start3A_460] : memref<10240x16xf32, #tpu.memory_space<vmem_shared>> -> memref<10240x16xf32, #tpu.memory_space<vmem_shared>>
      %dma_start3A_462 = tpu.memref_slice %arg19[%rem3A_262] : memref<2x!tpu.dma_semaphore, #tpu.memory_space<semaphore_mem>> -> memref<1x!tpu.dma_semaphore, #tpu.memory_space<semaphore_mem>>
      %dma_start3A_463 = tpu.memref_squeeze %dma_start3A_462 : memref<1x!tpu.dma_semaphore, #tpu.memory_space<semaphore_mem>> -> memref<!tpu.dma_semaphore, #tpu.memory_space<semaphore_mem>>
      tpu.enqueue_indirect_dma source(%dma_start3A_455 : memref<128x16xf32, #tpu.memory_space<vmem>>) target(%dma_start3A_461 : memref<10240x16xf32, #tpu.memory_space<vmem_shared>>) offsets(%dma_start3A_458 : memref<128xi32, #tpu.memory_space<vmem>>) semaphore(%dma_start3A_463 : memref<!tpu.dma_semaphore, #tpu.memory_space<semaphore_mem>>) {add = true}
      %mul3A_464 = arith.constant 6 : i32
      %mul3A_465 = arith.muli %scan3A_261, %mul3A_464 : i32
      %add3A_466 = arith.constant 4 : i32
      %add3A_467 = arith.addi %mul3A_465, %add3A_466 : i32
      %dma_start3A_468 = arith.constant 0 : i32
      %dma_start3A_469 = arith.constant 0 : i32
      %dma_start3A_470 = tpu.memref_slice %arg15[%rem3A_262, %dma_start3A_468, %dma_start3A_469] : memref<2x768x16xf32, #tpu.memory_space<vmem>> -> memref<1x768x16xf32, #tpu.memory_space<vmem>>
      %dma_start3A_471 = tpu.memref_squeeze %dma_start3A_470 : memref<1x768x16xf32, #tpu.memory_space<vmem>> -> memref<768x16xf32, #tpu.memory_space<vmem>>
      %dma_start3A_472 = arith.constant 512 : i32
      %dma_start3A_473 = arith.constant 0 : i32
      %dma_start3A_474 = tpu.memref_slice %dma_start3A_471[%dma_start3A_472, %dma_start3A_473] : memref<768x16xf32, #tpu.memory_space<vmem>> -> memref<128x16xf32, #tpu.memory_space<vmem>>
      %dma_start3A_475 = arith.constant 0 : i32
      %dma_start3A_476 = tpu.memref_slice %arg12[%add3A_467, %dma_start3A_475] : memref<78x128xi32, #tpu.memory_space<vmem>> -> memref<1x128xi32, #tpu.memory_space<vmem>>
      %dma_start3A_477 = tpu.memref_squeeze %dma_start3A_476 : memref<1x128xi32, #tpu.memory_space<vmem>> -> memref<128xi32, #tpu.memory_space<vmem>>
      %dma_start3A_478 = arith.constant 0 : i32
      %dma_start3A_479 = arith.constant 0 : i32
      %dma_start3A_480 = tpu.memref_slice %arg16[%dma_start3A_478, %dma_start3A_479] : memref<10240x16xf32, #tpu.memory_space<vmem_shared>> -> memref<10240x16xf32, #tpu.memory_space<vmem_shared>>
      %dma_start3A_481 = tpu.memref_slice %arg19[%rem3A_262] : memref<2x!tpu.dma_semaphore, #tpu.memory_space<semaphore_mem>> -> memref<1x!tpu.dma_semaphore, #tpu.memory_space<semaphore_mem>>
      %dma_start3A_482 = tpu.memref_squeeze %dma_start3A_481 : memref<1x!tpu.dma_semaphore, #tpu.memory_space<semaphore_mem>> -> memref<!tpu.dma_semaphore, #tpu.memory_space<semaphore_mem>>
      tpu.enqueue_indirect_dma source(%dma_start3A_474 : memref<128x16xf32, #tpu.memory_space<vmem>>) target(%dma_start3A_480 : memref<10240x16xf32, #tpu.memory_space<vmem_shared>>) offsets(%dma_start3A_477 : memref<128xi32, #tpu.memory_space<vmem>>) semaphore(%dma_start3A_482 : memref<!tpu.dma_semaphore, #tpu.memory_space<semaphore_mem>>) {add = true}
      %mul3A_483 = arith.constant 6 : i32
      %mul3A_484 = arith.muli %scan3A_261, %mul3A_483 : i32
      %add3A_485 = arith.constant 5 : i32
      %add3A_486 = arith.addi %mul3A_484, %add3A_485 : i32
      %dma_start3A_487 = arith.constant 0 : i32
      %dma_start3A_488 = arith.constant 0 : i32
      %dma_start3A_489 = tpu.memref_slice %arg15[%rem3A_262, %dma_start3A_487, %dma_start3A_488] : memref<2x768x16xf32, #tpu.memory_space<vmem>> -> memref<1x768x16xf32, #tpu.memory_space<vmem>>
      %dma_start3A_490 = tpu.memref_squeeze %dma_start3A_489 : memref<1x768x16xf32, #tpu.memory_space<vmem>> -> memref<768x16xf32, #tpu.memory_space<vmem>>
      %dma_start3A_491 = arith.constant 640 : i32
      %dma_start3A_492 = arith.constant 0 : i32
      %dma_start3A_493 = tpu.memref_slice %dma_start3A_490[%dma_start3A_491, %dma_start3A_492] : memref<768x16xf32, #tpu.memory_space<vmem>> -> memref<128x16xf32, #tpu.memory_space<vmem>>
      %dma_start3A_494 = arith.constant 0 : i32
      %dma_start3A_495 = tpu.memref_slice %arg12[%add3A_486, %dma_start3A_494] : memref<78x128xi32, #tpu.memory_space<vmem>> -> memref<1x128xi32, #tpu.memory_space<vmem>>
      %dma_start3A_496 = tpu.memref_squeeze %dma_start3A_495 : memref<1x128xi32, #tpu.memory_space<vmem>> -> memref<128xi32, #tpu.memory_space<vmem>>
      %dma_start3A_497 = arith.constant 0 : i32
      %dma_start3A_498 = arith.constant 0 : i32
      %dma_start3A_499 = tpu.memref_slice %arg16[%dma_start3A_497, %dma_start3A_498] : memref<10240x16xf32, #tpu.memory_space<vmem_shared>> -> memref<10240x16xf32, #tpu.memory_space<vmem_shared>>
      %dma_start3A_500 = tpu.memref_slice %arg19[%rem3A_262] : memref<2x!tpu.dma_semaphore, #tpu.memory_space<semaphore_mem>> -> memref<1x!tpu.dma_semaphore, #tpu.memory_space<semaphore_mem>>
      %dma_start3A_501 = tpu.memref_squeeze %dma_start3A_500 : memref<1x!tpu.dma_semaphore, #tpu.memory_space<semaphore_mem>> -> memref<!tpu.dma_semaphore, #tpu.memory_space<semaphore_mem>>
      tpu.enqueue_indirect_dma source(%dma_start3A_493 : memref<128x16xf32, #tpu.memory_space<vmem>>) target(%dma_start3A_499 : memref<10240x16xf32, #tpu.memory_space<vmem_shared>>) offsets(%dma_start3A_496 : memref<128xi32, #tpu.memory_space<vmem>>) semaphore(%dma_start3A_501 : memref<!tpu.dma_semaphore, #tpu.memory_space<semaphore_mem>>) {add = true}
    }
    %scan3A_137 = arith.constant 13 : i32
    %dma_wait3A = arith.constant 0 : i32
    %dma_wait3A_138 = arith.constant 72 : i32
    %dma_wait3A_139 = arith.constant 0 : i32
    %dma_wait3A_140 = arith.constant 0 : i32
    %dma_wait3A_141 = arith.constant 0 : i32
    %dma_wait3A_142 = tpu.memref_slice %arg15[%dma_wait3A, %dma_wait3A_140, %dma_wait3A_141] : memref<2x768x16xf32, #tpu.memory_space<vmem>> -> memref<1x768x16xf32, #tpu.memory_space<vmem>>
    %dma_wait3A_143 = tpu.memref_squeeze %dma_wait3A_142 : memref<1x768x16xf32, #tpu.memory_space<vmem>> -> memref<768x16xf32, #tpu.memory_space<vmem>>
    %dma_wait3A_144 = arith.constant 0 : i32
    %dma_wait3A_145 = arith.constant 0 : i32
    %dma_wait3A_146 = tpu.memref_slice %dma_wait3A_143[%dma_wait3A_144, %dma_wait3A_145] : memref<768x16xf32, #tpu.memory_space<vmem>> -> memref<128x16xf32, #tpu.memory_space<vmem>>
    %dma_wait3A_147 = arith.constant 0 : i32
    %dma_wait3A_148 = tpu.memref_slice %arg12[%dma_wait3A_138, %dma_wait3A_147] : memref<78x128xi32, #tpu.memory_space<vmem>> -> memref<1x128xi32, #tpu.memory_space<vmem>>
    %dma_wait3A_149 = tpu.memref_squeeze %dma_wait3A_148 : memref<1x128xi32, #tpu.memory_space<vmem>> -> memref<128xi32, #tpu.memory_space<vmem>>
    %dma_wait3A_150 = arith.constant 0 : i32
    %dma_wait3A_151 = arith.constant 0 : i32
    %dma_wait3A_152 = tpu.memref_slice %arg16[%dma_wait3A_150, %dma_wait3A_151] : memref<10240x16xf32, #tpu.memory_space<vmem_shared>> -> memref<10240x16xf32, #tpu.memory_space<vmem_shared>>
    %dma_wait3A_153 = tpu.memref_slice %arg19[%dma_wait3A_139] : memref<2x!tpu.dma_semaphore, #tpu.memory_space<semaphore_mem>> -> memref<1x!tpu.dma_semaphore, #tpu.memory_space<semaphore_mem>>
    %dma_wait3A_154 = tpu.memref_squeeze %dma_wait3A_153 : memref<1x!tpu.dma_semaphore, #tpu.memory_space<semaphore_mem>> -> memref<!tpu.dma_semaphore, #tpu.memory_space<semaphore_mem>>
    tpu.wait_indirect_dma semaphore(%dma_wait3A_154 : memref<!tpu.dma_semaphore, #tpu.memory_space<semaphore_mem>>) src(%dma_wait3A_146 : memref<128x16xf32, #tpu.memory_space<vmem>>) dst(%dma_wait3A_152 : memref<10240x16xf32, #tpu.memory_space<vmem_shared>>)
    %dma_wait3A_155 = arith.constant 0 : i32
    %dma_wait3A_156 = arith.constant 73 : i32
    %dma_wait3A_157 = arith.constant 0 : i32
    %dma_wait3A_158 = arith.constant 0 : i32
    %dma_wait3A_159 = arith.constant 0 : i32
    %dma_wait3A_160 = tpu.memref_slice %arg15[%dma_wait3A_155, %dma_wait3A_158, %dma_wait3A_159] : memref<2x768x16xf32, #tpu.memory_space<vmem>> -> memref<1x768x16xf32, #tpu.memory_space<vmem>>
    %dma_wait3A_161 = tpu.memref_squeeze %dma_wait3A_160 : memref<1x768x16xf32, #tpu.memory_space<vmem>> -> memref<768x16xf32, #tpu.memory_space<vmem>>
    %dma_wait3A_162 = arith.constant 128 : i32
    %dma_wait3A_163 = arith.constant 0 : i32
    %dma_wait3A_164 = tpu.memref_slice %dma_wait3A_161[%dma_wait3A_162, %dma_wait3A_163] : memref<768x16xf32, #tpu.memory_space<vmem>> -> memref<128x16xf32, #tpu.memory_space<vmem>>
    %dma_wait3A_165 = arith.constant 0 : i32
    %dma_wait3A_166 = tpu.memref_slice %arg12[%dma_wait3A_156, %dma_wait3A_165] : memref<78x128xi32, #tpu.memory_space<vmem>> -> memref<1x128xi32, #tpu.memory_space<vmem>>
    %dma_wait3A_167 = tpu.memref_squeeze %dma_wait3A_166 : memref<1x128xi32, #tpu.memory_space<vmem>> -> memref<128xi32, #tpu.memory_space<vmem>>
    %dma_wait3A_168 = arith.constant 0 : i32
    %dma_wait3A_169 = arith.constant 0 : i32
    %dma_wait3A_170 = tpu.memref_slice %arg16[%dma_wait3A_168, %dma_wait3A_169] : memref<10240x16xf32, #tpu.memory_space<vmem_shared>> -> memref<10240x16xf32, #tpu.memory_space<vmem_shared>>
    %dma_wait3A_171 = tpu.memref_slice %arg19[%dma_wait3A_157] : memref<2x!tpu.dma_semaphore, #tpu.memory_space<semaphore_mem>> -> memref<1x!tpu.dma_semaphore, #tpu.memory_space<semaphore_mem>>
    %dma_wait3A_172 = tpu.memref_squeeze %dma_wait3A_171 : memref<1x!tpu.dma_semaphore, #tpu.memory_space<semaphore_mem>> -> memref<!tpu.dma_semaphore, #tpu.memory_space<semaphore_mem>>
    tpu.wait_indirect_dma semaphore(%dma_wait3A_172 : memref<!tpu.dma_semaphore, #tpu.memory_space<semaphore_mem>>) src(%dma_wait3A_164 : memref<128x16xf32, #tpu.memory_space<vmem>>) dst(%dma_wait3A_170 : memref<10240x16xf32, #tpu.memory_space<vmem_shared>>)
    %dma_wait3A_173 = arith.constant 0 : i32
    %dma_wait3A_174 = arith.constant 74 : i32
    %dma_wait3A_175 = arith.constant 0 : i32
    %dma_wait3A_176 = arith.constant 0 : i32
    %dma_wait3A_177 = arith.constant 0 : i32
    %dma_wait3A_178 = tpu.memref_slice %arg15[%dma_wait3A_173, %dma_wait3A_176, %dma_wait3A_177] : memref<2x768x16xf32, #tpu.memory_space<vmem>> -> memref<1x768x16xf32, #tpu.memory_space<vmem>>
    %dma_wait3A_179 = tpu.memref_squeeze %dma_wait3A_178 : memref<1x768x16xf32, #tpu.memory_space<vmem>> -> memref<768x16xf32, #tpu.memory_space<vmem>>
    %dma_wait3A_180 = arith.constant 256 : i32
    %dma_wait3A_181 = arith.constant 0 : i32
    %dma_wait3A_182 = tpu.memref_slice %dma_wait3A_179[%dma_wait3A_180, %dma_wait3A_181] : memref<768x16xf32, #tpu.memory_space<vmem>> -> memref<128x16xf32, #tpu.memory_space<vmem>>
    %dma_wait3A_183 = arith.constant 0 : i32
    %dma_wait3A_184 = tpu.memref_slice %arg12[%dma_wait3A_174, %dma_wait3A_183] : memref<78x128xi32, #tpu.memory_space<vmem>> -> memref<1x128xi32, #tpu.memory_space<vmem>>
    %dma_wait3A_185 = tpu.memref_squeeze %dma_wait3A_184 : memref<1x128xi32, #tpu.memory_space<vmem>> -> memref<128xi32, #tpu.memory_space<vmem>>
    %dma_wait3A_186 = arith.constant 0 : i32
    %dma_wait3A_187 = arith.constant 0 : i32
    %dma_wait3A_188 = tpu.memref_slice %arg16[%dma_wait3A_186, %dma_wait3A_187] : memref<10240x16xf32, #tpu.memory_space<vmem_shared>> -> memref<10240x16xf32, #tpu.memory_space<vmem_shared>>
    %dma_wait3A_189 = tpu.memref_slice %arg19[%dma_wait3A_175] : memref<2x!tpu.dma_semaphore, #tpu.memory_space<semaphore_mem>> -> memref<1x!tpu.dma_semaphore, #tpu.memory_space<semaphore_mem>>
    %dma_wait3A_190 = tpu.memref_squeeze %dma_wait3A_189 : memref<1x!tpu.dma_semaphore, #tpu.memory_space<semaphore_mem>> -> memref<!tpu.dma_semaphore, #tpu.memory_space<semaphore_mem>>
    tpu.wait_indirect_dma semaphore(%dma_wait3A_190 : memref<!tpu.dma_semaphore, #tpu.memory_space<semaphore_mem>>) src(%dma_wait3A_182 : memref<128x16xf32, #tpu.memory_space<vmem>>) dst(%dma_wait3A_188 : memref<10240x16xf32, #tpu.memory_space<vmem_shared>>)
    %dma_wait3A_191 = arith.constant 0 : i32
    %dma_wait3A_192 = arith.constant 75 : i32
    %dma_wait3A_193 = arith.constant 0 : i32
    %dma_wait3A_194 = arith.constant 0 : i32
    %dma_wait3A_195 = arith.constant 0 : i32
    %dma_wait3A_196 = tpu.memref_slice %arg15[%dma_wait3A_191, %dma_wait3A_194, %dma_wait3A_195] : memref<2x768x16xf32, #tpu.memory_space<vmem>> -> memref<1x768x16xf32, #tpu.memory_space<vmem>>
    %dma_wait3A_197 = tpu.memref_squeeze %dma_wait3A_196 : memref<1x768x16xf32, #tpu.memory_space<vmem>> -> memref<768x16xf32, #tpu.memory_space<vmem>>
    %dma_wait3A_198 = arith.constant 384 : i32
    %dma_wait3A_199 = arith.constant 0 : i32
    %dma_wait3A_200 = tpu.memref_slice %dma_wait3A_197[%dma_wait3A_198, %dma_wait3A_199] : memref<768x16xf32, #tpu.memory_space<vmem>> -> memref<128x16xf32, #tpu.memory_space<vmem>>
    %dma_wait3A_201 = arith.constant 0 : i32
    %dma_wait3A_202 = tpu.memref_slice %arg12[%dma_wait3A_192, %dma_wait3A_201] : memref<78x128xi32, #tpu.memory_space<vmem>> -> memref<1x128xi32, #tpu.memory_space<vmem>>
    %dma_wait3A_203 = tpu.memref_squeeze %dma_wait3A_202 : memref<1x128xi32, #tpu.memory_space<vmem>> -> memref<128xi32, #tpu.memory_space<vmem>>
    %dma_wait3A_204 = arith.constant 0 : i32
    %dma_wait3A_205 = arith.constant 0 : i32
    %dma_wait3A_206 = tpu.memref_slice %arg16[%dma_wait3A_204, %dma_wait3A_205] : memref<10240x16xf32, #tpu.memory_space<vmem_shared>> -> memref<10240x16xf32, #tpu.memory_space<vmem_shared>>
    %dma_wait3A_207 = tpu.memref_slice %arg19[%dma_wait3A_193] : memref<2x!tpu.dma_semaphore, #tpu.memory_space<semaphore_mem>> -> memref<1x!tpu.dma_semaphore, #tpu.memory_space<semaphore_mem>>
    %dma_wait3A_208 = tpu.memref_squeeze %dma_wait3A_207 : memref<1x!tpu.dma_semaphore, #tpu.memory_space<semaphore_mem>> -> memref<!tpu.dma_semaphore, #tpu.memory_space<semaphore_mem>>
    tpu.wait_indirect_dma semaphore(%dma_wait3A_208 : memref<!tpu.dma_semaphore, #tpu.memory_space<semaphore_mem>>) src(%dma_wait3A_200 : memref<128x16xf32, #tpu.memory_space<vmem>>) dst(%dma_wait3A_206 : memref<10240x16xf32, #tpu.memory_space<vmem_shared>>)
    %dma_wait3A_209 = arith.constant 0 : i32
    %dma_wait3A_210 = arith.constant 76 : i32
    %dma_wait3A_211 = arith.constant 0 : i32
    %dma_wait3A_212 = arith.constant 0 : i32
    %dma_wait3A_213 = arith.constant 0 : i32
    %dma_wait3A_214 = tpu.memref_slice %arg15[%dma_wait3A_209, %dma_wait3A_212, %dma_wait3A_213] : memref<2x768x16xf32, #tpu.memory_space<vmem>> -> memref<1x768x16xf32, #tpu.memory_space<vmem>>
    %dma_wait3A_215 = tpu.memref_squeeze %dma_wait3A_214 : memref<1x768x16xf32, #tpu.memory_space<vmem>> -> memref<768x16xf32, #tpu.memory_space<vmem>>
    %dma_wait3A_216 = arith.constant 512 : i32
    %dma_wait3A_217 = arith.constant 0 : i32
    %dma_wait3A_218 = tpu.memref_slice %dma_wait3A_215[%dma_wait3A_216, %dma_wait3A_217] : memref<768x16xf32, #tpu.memory_space<vmem>> -> memref<128x16xf32, #tpu.memory_space<vmem>>
    %dma_wait3A_219 = arith.constant 0 : i32
    %dma_wait3A_220 = tpu.memref_slice %arg12[%dma_wait3A_210, %dma_wait3A_219] : memref<78x128xi32, #tpu.memory_space<vmem>> -> memref<1x128xi32, #tpu.memory_space<vmem>>
    %dma_wait3A_221 = tpu.memref_squeeze %dma_wait3A_220 : memref<1x128xi32, #tpu.memory_space<vmem>> -> memref<128xi32, #tpu.memory_space<vmem>>
    %dma_wait3A_222 = arith.constant 0 : i32
    %dma_wait3A_223 = arith.constant 0 : i32
    %dma_wait3A_224 = tpu.memref_slice %arg16[%dma_wait3A_222, %dma_wait3A_223] : memref<10240x16xf32, #tpu.memory_space<vmem_shared>> -> memref<10240x16xf32, #tpu.memory_space<vmem_shared>>
    %dma_wait3A_225 = tpu.memref_slice %arg19[%dma_wait3A_211] : memref<2x!tpu.dma_semaphore, #tpu.memory_space<semaphore_mem>> -> memref<1x!tpu.dma_semaphore, #tpu.memory_space<semaphore_mem>>
    %dma_wait3A_226 = tpu.memref_squeeze %dma_wait3A_225 : memref<1x!tpu.dma_semaphore, #tpu.memory_space<semaphore_mem>> -> memref<!tpu.dma_semaphore, #tpu.memory_space<semaphore_mem>>
    tpu.wait_indirect_dma semaphore(%dma_wait3A_226 : memref<!tpu.dma_semaphore, #tpu.memory_space<semaphore_mem>>) src(%dma_wait3A_218 : memref<128x16xf32, #tpu.memory_space<vmem>>) dst(%dma_wait3A_224 : memref<10240x16xf32, #tpu.memory_space<vmem_shared>>)
    %dma_wait3A_227 = arith.constant 0 : i32
    %dma_wait3A_228 = arith.constant 77 : i32
    %dma_wait3A_229 = arith.constant 0 : i32
    %dma_wait3A_230 = arith.constant 0 : i32
    %dma_wait3A_231 = arith.constant 0 : i32
    %dma_wait3A_232 = tpu.memref_slice %arg15[%dma_wait3A_227, %dma_wait3A_230, %dma_wait3A_231] : memref<2x768x16xf32, #tpu.memory_space<vmem>> -> memref<1x768x16xf32, #tpu.memory_space<vmem>>
    %dma_wait3A_233 = tpu.memref_squeeze %dma_wait3A_232 : memref<1x768x16xf32, #tpu.memory_space<vmem>> -> memref<768x16xf32, #tpu.memory_space<vmem>>
    %dma_wait3A_234 = arith.constant 640 : i32
    %dma_wait3A_235 = arith.constant 0 : i32
    %dma_wait3A_236 = tpu.memref_slice %dma_wait3A_233[%dma_wait3A_234, %dma_wait3A_235] : memref<768x16xf32, #tpu.memory_space<vmem>> -> memref<128x16xf32, #tpu.memory_space<vmem>>
    %dma_wait3A_237 = arith.constant 0 : i32
    %dma_wait3A_238 = tpu.memref_slice %arg12[%dma_wait3A_228, %dma_wait3A_237] : memref<78x128xi32, #tpu.memory_space<vmem>> -> memref<1x128xi32, #tpu.memory_space<vmem>>
    %dma_wait3A_239 = tpu.memref_squeeze %dma_wait3A_238 : memref<1x128xi32, #tpu.memory_space<vmem>> -> memref<128xi32, #tpu.memory_space<vmem>>
    %dma_wait3A_240 = arith.constant 0 : i32
    %dma_wait3A_241 = arith.constant 0 : i32
    %dma_wait3A_242 = tpu.memref_slice %arg16[%dma_wait3A_240, %dma_wait3A_241] : memref<10240x16xf32, #tpu.memory_space<vmem_shared>> -> memref<10240x16xf32, #tpu.memory_space<vmem_shared>>
    %dma_wait3A_243 = tpu.memref_slice %arg19[%dma_wait3A_229] : memref<2x!tpu.dma_semaphore, #tpu.memory_space<semaphore_mem>> -> memref<1x!tpu.dma_semaphore, #tpu.memory_space<semaphore_mem>>
    %dma_wait3A_244 = tpu.memref_squeeze %dma_wait3A_243 : memref<1x!tpu.dma_semaphore, #tpu.memory_space<semaphore_mem>> -> memref<!tpu.dma_semaphore, #tpu.memory_space<semaphore_mem>>
    tpu.wait_indirect_dma semaphore(%dma_wait3A_244 : memref<!tpu.dma_semaphore, #tpu.memory_space<semaphore_mem>>) src(%dma_wait3A_236 : memref<128x16xf32, #tpu.memory_space<vmem>>) dst(%dma_wait3A_242 : memref<10240x16xf32, #tpu.memory_space<vmem_shared>>)
    %lt3A_245 = arith.constant 4 : i32
    %lt3A_246 = arith.cmpi slt, %add3A, %lt3A_245 : i32
    %convert_element_type3A_247 = arith.extui %lt3A_246 : i1 to i32
    %cond3A_248 = arith.constant 0 : i32
    %cond3A_249 = arith.cmpi ne, %convert_element_type3A_247, %cond3A_248 : i32
    scf.if %cond3A_249 {
      %run_scoped3A = arith.constant 0 : i32
      %run_scoped3A_261 = arith.constant 0 : i32
      "tpu.region"() ({
        %run_scoped3A_264 = tpu.sem_alloc : memref<!tpu.dma_semaphore, #tpu.memory_space<semaphore_mem>>
        %dma_start3A_265 = arith.constant 0 : i32
        %dma_start3A_266 = arith.constant 0 : i32
        %dma_start3A_267 = tpu.memref_slice %arg15[%run_scoped3A_261, %dma_start3A_265, %dma_start3A_266] : memref<2x768x16xf32, #tpu.memory_space<vmem>> -> memref<1x768x16xf32, #tpu.memory_space<vmem>>
        %dma_start3A_268 = tpu.memref_squeeze %dma_start3A_267 : memref<1x768x16xf32, #tpu.memory_space<vmem>> -> memref<768x16xf32, #tpu.memory_space<vmem>>
        %dma_start3A_269 = arith.constant 0 : i32
        %dma_start3A_270 = arith.constant 0 : i32
        %dma_start3A_271 = tpu.memref_slice %dma_start3A_268[%dma_start3A_269, %dma_start3A_270] : memref<768x16xf32, #tpu.memory_space<vmem>> -> memref<128x16xf32, #tpu.memory_space<vmem>>
        %dma_start3A_272 = arith.constant 0 : i32
        %dma_start3A_273 = tpu.memref_slice %arg13[%run_scoped3A, %dma_start3A_272] : memref<1x128xi32, #tpu.memory_space<vmem>> -> memref<1x128xi32, #tpu.memory_space<vmem>>
        %dma_start3A_274 = tpu.memref_squeeze %dma_start3A_273 : memref<1x128xi32, #tpu.memory_space<vmem>> -> memref<128xi32, #tpu.memory_space<vmem>>
        %dma_start3A_275 = arith.constant 0 : i32
        %dma_start3A_276 = arith.constant 0 : i32
        %dma_start3A_277 = tpu.memref_slice %arg17[%dma_start3A_275, %dma_start3A_276] : memref<10240x16xf32, #tpu.memory_space<vmem_shared>> -> memref<10240x16xf32, #tpu.memory_space<vmem_shared>>
        tpu.enqueue_indirect_dma source(%dma_start3A_277 : memref<10240x16xf32, #tpu.memory_space<vmem_shared>>) target(%dma_start3A_271 : memref<128x16xf32, #tpu.memory_space<vmem>>) offsets(%dma_start3A_274 : memref<128xi32, #tpu.memory_space<vmem>>) semaphore(%run_scoped3A_264 : memref<!tpu.dma_semaphore, #tpu.memory_space<semaphore_mem>>)
        %dma_wait3A_278 = arith.constant 0 : i32
        %dma_wait3A_279 = arith.constant 0 : i32
        %dma_wait3A_280 = tpu.memref_slice %arg15[%run_scoped3A_261, %dma_wait3A_278, %dma_wait3A_279] : memref<2x768x16xf32, #tpu.memory_space<vmem>> -> memref<1x768x16xf32, #tpu.memory_space<vmem>>
        %dma_wait3A_281 = tpu.memref_squeeze %dma_wait3A_280 : memref<1x768x16xf32, #tpu.memory_space<vmem>> -> memref<768x16xf32, #tpu.memory_space<vmem>>
        %dma_wait3A_282 = arith.constant 0 : i32
        %dma_wait3A_283 = arith.constant 0 : i32
        %dma_wait3A_284 = tpu.memref_slice %dma_wait3A_281[%dma_wait3A_282, %dma_wait3A_283] : memref<768x16xf32, #tpu.memory_space<vmem>> -> memref<128x16xf32, #tpu.memory_space<vmem>>
        %dma_wait3A_285 = arith.constant 0 : i32
        %dma_wait3A_286 = tpu.memref_slice %arg13[%run_scoped3A, %dma_wait3A_285] : memref<1x128xi32, #tpu.memory_space<vmem>> -> memref<1x128xi32, #tpu.memory_space<vmem>>
        %dma_wait3A_287 = tpu.memref_squeeze %dma_wait3A_286 : memref<1x128xi32, #tpu.memory_space<vmem>> -> memref<128xi32, #tpu.memory_space<vmem>>
        %dma_wait3A_288 = arith.constant 0 : i32
        %dma_wait3A_289 = arith.constant 0 : i32
        %dma_wait3A_290 = tpu.memref_slice %arg17[%dma_wait3A_288, %dma_wait3A_289] : memref<10240x16xf32, #tpu.memory_space<vmem_shared>> -> memref<10240x16xf32, #tpu.memory_space<vmem_shared>>
        tpu.wait_indirect_dma semaphore(%run_scoped3A_264 : memref<!tpu.dma_semaphore, #tpu.memory_space<semaphore_mem>>) src(%dma_wait3A_290 : memref<10240x16xf32, #tpu.memory_space<vmem_shared>>) dst(%dma_wait3A_284 : memref<128x16xf32, #tpu.memory_space<vmem>>)
        tpu.yield
      }) : () -> ()
      %run_scoped3A_262 = arith.constant 0 : i32
      %run_scoped3A_263 = arith.constant 0 : i32
      "tpu.region"() ({
        %run_scoped3A_264 = tpu.sem_alloc : memref<!tpu.dma_semaphore, #tpu.memory_space<semaphore_mem>>
        %dma_start3A_265 = arith.constant 0 : i32
        %dma_start3A_266 = arith.constant 0 : i32
        %dma_start3A_267 = tpu.memref_slice %arg15[%run_scoped3A_262, %dma_start3A_265, %dma_start3A_266] : memref<2x768x16xf32, #tpu.memory_space<vmem>> -> memref<1x768x16xf32, #tpu.memory_space<vmem>>
        %dma_start3A_268 = tpu.memref_squeeze %dma_start3A_267 : memref<1x768x16xf32, #tpu.memory_space<vmem>> -> memref<768x16xf32, #tpu.memory_space<vmem>>
        %dma_start3A_269 = arith.constant 0 : i32
        %dma_start3A_270 = arith.constant 0 : i32
        %dma_start3A_271 = tpu.memref_slice %dma_start3A_268[%dma_start3A_269, %dma_start3A_270] : memref<768x16xf32, #tpu.memory_space<vmem>> -> memref<128x16xf32, #tpu.memory_space<vmem>>
        %dma_start3A_272 = arith.constant 0 : i32
        %dma_start3A_273 = tpu.memref_slice %arg14[%run_scoped3A_263, %dma_start3A_272] : memref<1x128xi32, #tpu.memory_space<vmem>> -> memref<1x128xi32, #tpu.memory_space<vmem>>
        %dma_start3A_274 = tpu.memref_squeeze %dma_start3A_273 : memref<1x128xi32, #tpu.memory_space<vmem>> -> memref<128xi32, #tpu.memory_space<vmem>>
        %dma_start3A_275 = arith.constant 0 : i32
        %dma_start3A_276 = arith.constant 0 : i32
        %dma_start3A_277 = tpu.memref_slice %arg16[%dma_start3A_275, %dma_start3A_276] : memref<10240x16xf32, #tpu.memory_space<vmem_shared>> -> memref<10240x16xf32, #tpu.memory_space<vmem_shared>>
        tpu.enqueue_indirect_dma source(%dma_start3A_271 : memref<128x16xf32, #tpu.memory_space<vmem>>) target(%dma_start3A_277 : memref<10240x16xf32, #tpu.memory_space<vmem_shared>>) offsets(%dma_start3A_274 : memref<128xi32, #tpu.memory_space<vmem>>) semaphore(%run_scoped3A_264 : memref<!tpu.dma_semaphore, #tpu.memory_space<semaphore_mem>>) {add = true}
        %dma_wait3A_278 = arith.constant 0 : i32
        %dma_wait3A_279 = arith.constant 0 : i32
        %dma_wait3A_280 = tpu.memref_slice %arg15[%run_scoped3A_262, %dma_wait3A_278, %dma_wait3A_279] : memref<2x768x16xf32, #tpu.memory_space<vmem>> -> memref<1x768x16xf32, #tpu.memory_space<vmem>>
        %dma_wait3A_281 = tpu.memref_squeeze %dma_wait3A_280 : memref<1x768x16xf32, #tpu.memory_space<vmem>> -> memref<768x16xf32, #tpu.memory_space<vmem>>
        %dma_wait3A_282 = arith.constant 0 : i32
        %dma_wait3A_283 = arith.constant 0 : i32
        %dma_wait3A_284 = tpu.memref_slice %dma_wait3A_281[%dma_wait3A_282, %dma_wait3A_283] : memref<768x16xf32, #tpu.memory_space<vmem>> -> memref<128x16xf32, #tpu.memory_space<vmem>>
        %dma_wait3A_285 = arith.constant 0 : i32
        %dma_wait3A_286 = tpu.memref_slice %arg14[%run_scoped3A_263, %dma_wait3A_285] : memref<1x128xi32, #tpu.memory_space<vmem>> -> memref<1x128xi32, #tpu.memory_space<vmem>>
        %dma_wait3A_287 = tpu.memref_squeeze %dma_wait3A_286 : memref<1x128xi32, #tpu.memory_space<vmem>> -> memref<128xi32, #tpu.memory_space<vmem>>
        %dma_wait3A_288 = arith.constant 0 : i32
        %dma_wait3A_289 = arith.constant 0 : i32
        %dma_wait3A_290 = tpu.memref_slice %arg16[%dma_wait3A_288, %dma_wait3A_289] : memref<10240x16xf32, #tpu.memory_space<vmem_shared>> -> memref<10240x16xf32, #tpu.memory_space<vmem_shared>>
        tpu.wait_indirect_dma semaphore(%run_scoped3A_264 : memref<!tpu.dma_semaphore, #tpu.memory_space<semaphore_mem>>) src(%dma_wait3A_284 : memref<128x16xf32, #tpu.memory_space<vmem>>) dst(%dma_wait3A_290 : memref<10240x16xf32, #tpu.memory_space<vmem_shared>>)
        tpu.yield
      }) : () -> ()
    } else {
    }
    %barrier3A_250 = arith.constant 0 : index
    tpu.barrier barrier_id(%barrier3A_250)
    %eq3A_251 = arith.constant 0 : i32
    %eq3A_252 = arith.cmpi eq, %arg0, %eq3A_251 : i32
    %convert_element_type3A_253 = arith.extui %eq3A_252 : i1 to i32
    %cond3A_254 = arith.constant 0 : i32
    %cond3A_255 = arith.cmpi ne, %convert_element_type3A_253, %cond3A_254 : i32
    scf.if %cond3A_255 {
      %mul3A_261 = arith.constant 640 : i32
      %mul3A_262 = arith.muli %arg1, %mul3A_261 : i32
      %mul3A_263 = arith.constant 640 : i32
      %mul3A_264 = arith.muli %arg1, %mul3A_263 : i32
      "tpu.region"() ({
        %run_scoped3A = tpu.sem_alloc : memref<!tpu.dma_semaphore, #tpu.memory_space<semaphore_mem>>
        %dma_start3A_265 = arith.constant 0 : i32
        %dma_start3A_266 = tpu.memref_slice %arg8[%mul3A_264, %dma_start3A_265] : memref<10240x16xf32, #tpu.memory_space<hbm>> -> memref<640x16xf32, #tpu.memory_space<hbm>>
        %dma_start3A_267 = arith.constant 0 : i32
        %dma_start3A_268 = tpu.memref_slice %arg16[%mul3A_262, %dma_start3A_267] : memref<10240x16xf32, #tpu.memory_space<vmem_shared>> -> memref<640x16xf32, #tpu.memory_space<vmem_shared>>
        tpu.enqueue_dma source(%dma_start3A_268 : memref<640x16xf32, #tpu.memory_space<vmem_shared>>) target(%dma_start3A_266 : memref<640x16xf32, #tpu.memory_space<hbm>>) target_semaphore(%run_scoped3A : memref<!tpu.dma_semaphore, #tpu.memory_space<semaphore_mem>>)
        %dma_wait3A_269 = arith.constant 0 : i32
        %dma_wait3A_270 = tpu.memref_slice %arg8[%mul3A_264, %dma_wait3A_269] : memref<10240x16xf32, #tpu.memory_space<hbm>> -> memref<640x16xf32, #tpu.memory_space<hbm>>
        %dma_wait3A_271 = arith.constant 0 : i32
        %dma_wait3A_272 = tpu.memref_slice %arg16[%mul3A_262, %dma_wait3A_271] : memref<10240x16xf32, #tpu.memory_space<vmem_shared>> -> memref<640x16xf32, #tpu.memory_space<vmem_shared>>
        tpu.wait_dma2 semaphore(%run_scoped3A : memref<!tpu.dma_semaphore, #tpu.memory_space<semaphore_mem>>) src(%dma_wait3A_272 : memref<640x16xf32, #tpu.memory_space<vmem_shared>>) dst(%dma_wait3A_270 : memref<640x16xf32, #tpu.memory_space<hbm>>)
        tpu.yield
      }) : () -> ()
    } else {
    }
    %eq3A_256 = arith.constant 1 : i32
    %eq3A_257 = arith.cmpi eq, %arg0, %eq3A_256 : i32
    %convert_element_type3A_258 = arith.extui %eq3A_257 : i1 to i32
    %cond3A_259 = arith.constant 0 : i32
    %cond3A_260 = arith.cmpi ne, %convert_element_type3A_258, %cond3A_259 : i32
    scf.if %cond3A_260 {
      %mul3A_261 = arith.constant 640 : i32
      %mul3A_262 = arith.muli %arg1, %mul3A_261 : i32
      %mul3A_263 = arith.constant 640 : i32
      %mul3A_264 = arith.muli %arg1, %mul3A_263 : i32
      "tpu.region"() ({
        %run_scoped3A = tpu.sem_alloc : memref<!tpu.dma_semaphore, #tpu.memory_space<semaphore_mem>>
        %dma_start3A_265 = arith.constant 0 : i32
        %dma_start3A_266 = tpu.memref_slice %arg9[%mul3A_264, %dma_start3A_265] : memref<10240x16xf32, #tpu.memory_space<hbm>> -> memref<640x16xf32, #tpu.memory_space<hbm>>
        %dma_start3A_267 = arith.constant 0 : i32
        %dma_start3A_268 = tpu.memref_slice %arg16[%mul3A_262, %dma_start3A_267] : memref<10240x16xf32, #tpu.memory_space<vmem_shared>> -> memref<640x16xf32, #tpu.memory_space<vmem_shared>>
        tpu.enqueue_dma source(%dma_start3A_268 : memref<640x16xf32, #tpu.memory_space<vmem_shared>>) target(%dma_start3A_266 : memref<640x16xf32, #tpu.memory_space<hbm>>) target_semaphore(%run_scoped3A : memref<!tpu.dma_semaphore, #tpu.memory_space<semaphore_mem>>)
        %dma_wait3A_269 = arith.constant 0 : i32
        %dma_wait3A_270 = tpu.memref_slice %arg9[%mul3A_264, %dma_wait3A_269] : memref<10240x16xf32, #tpu.memory_space<hbm>> -> memref<640x16xf32, #tpu.memory_space<hbm>>
        %dma_wait3A_271 = arith.constant 0 : i32
        %dma_wait3A_272 = tpu.memref_slice %arg16[%mul3A_262, %dma_wait3A_271] : memref<10240x16xf32, #tpu.memory_space<vmem_shared>> -> memref<640x16xf32, #tpu.memory_space<vmem_shared>>
        tpu.wait_dma2 semaphore(%run_scoped3A : memref<!tpu.dma_semaphore, #tpu.memory_space<semaphore_mem>>) src(%dma_wait3A_272 : memref<640x16xf32, #tpu.memory_space<vmem_shared>>) dst(%dma_wait3A_270 : memref<640x16xf32, #tpu.memory_space<hbm>>)
        tpu.yield
      }) : () -> ()
    } else {
    }
    return
  }
}

#map = affine_map<(d0, d1) -> (0, 0)>
#map1 = affine_map<(d0, d1) -> (0)>
module attributes {stable_mosaic.version = 14 : i64} {
  func.func @_sc_prop2(%arg0: i32, %arg1: i32, %arg2: memref<10240x16xf32, #tpu.memory_space<hbm>>, %arg3: memref<10240x16xf32, #tpu.memory_space<hbm>>, %arg4: memref<10240x16xf32, #tpu.memory_space<hbm>>, %arg5: memref<16xf32, #tpu.memory_space<hbm>>, %arg6: memref<2500x128xi32, #tpu.memory_space<hbm>>, %arg7: memref<2500x128xi32, #tpu.memory_space<hbm>>, %arg8: memref<10240x16xf32, #tpu.memory_space<hbm>>, %arg9: memref<10240x16xf32, #tpu.memory_space<hbm>>, %arg10: memref<10240x16xf32, #tpu.memory_space<hbm>>, %arg11: memref<78x128xi32, #tpu.memory_space<vmem>>, %arg12: memref<78x128xi32, #tpu.memory_space<vmem>>, %arg13: memref<1x128xi32, #tpu.memory_space<vmem>>, %arg14: memref<1x128xi32, #tpu.memory_space<vmem>>, %arg15: memref<2x768x16xf32, #tpu.memory_space<vmem>>, %arg16: memref<10240x16xf32, #tpu.memory_space<vmem_shared>>, %arg17: memref<10240x16xf32, #tpu.memory_space<vmem_shared>>, %arg18: memref<2x!tpu.dma_semaphore, #tpu.memory_space<semaphore_mem>>, %arg19: memref<2x!tpu.dma_semaphore, #tpu.memory_space<semaphore_mem>>, %arg20: memref<640x16xf32, #tpu.memory_space<vmem>>, %arg21: memref<640x16xf32, #tpu.memory_space<vmem>>, %arg22: memref<640x16xf32, #tpu.memory_space<vmem>>, %arg23: memref<16xf32, #tpu.memory_space<vmem>>) attributes {dimension_semantics = [#tpu.dimension_semantics<core_parallel>, #tpu.dimension_semantics<subcore_parallel>], iteration_bounds = array<i64: 2, 16>, scalar_prefetch = 0 : i64, scratch_operands = 13 : i64, tpu.core_type = #tpu.core_type<sc_vector_subcore>, window_params = [{transform_indices = #map}, {transform_indices = #map}, {transform_indices = #map}, {transform_indices = #map1}, {transform_indices = #map}, {transform_indices = #map}, {transform_indices = #map}, {transform_indices = #map}, {transform_indices = #map}]} {
    %mul3A = arith.constant 16 : i32
    %mul3A_0 = arith.muli %arg0, %mul3A : i32
    %add3A = arith.addi %mul3A_0, %arg1 : i32
    %mul3A_1 = arith.constant 640 : i32
    %mul3A_2 = arith.muli %arg1, %mul3A_1 : i32
    "tpu.region"() ({
      %run_scoped3A = tpu.sem_alloc : memref<!tpu.dma_semaphore, #tpu.memory_space<semaphore_mem>>
      %dma_start3A_262 = arith.constant 0 : i32
      %dma_start3A_263 = tpu.memref_slice %arg2[%mul3A_2, %dma_start3A_262] : memref<10240x16xf32, #tpu.memory_space<hbm>> -> memref<640x16xf32, #tpu.memory_space<hbm>>
      %dma_start3A_264 = arith.constant 0 : i32
      %dma_start3A_265 = tpu.memref_slice %arg2[%mul3A_2, %dma_start3A_264] : memref<10240x16xf32, #tpu.memory_space<hbm>> -> memref<640x16xf32, #tpu.memory_space<hbm>>
      tpu.enqueue_dma source(%dma_start3A_265 : memref<640x16xf32, #tpu.memory_space<hbm>>) target(%arg20 : memref<640x16xf32, #tpu.memory_space<vmem>>) target_semaphore(%run_scoped3A : memref<!tpu.dma_semaphore, #tpu.memory_space<semaphore_mem>>)
      %dma_wait3A_266 = arith.constant 0 : i32
      %dma_wait3A_267 = tpu.memref_slice %arg2[%mul3A_2, %dma_wait3A_266] : memref<10240x16xf32, #tpu.memory_space<hbm>> -> memref<640x16xf32, #tpu.memory_space<hbm>>
      %dma_wait3A_268 = arith.constant 0 : i32
      %dma_wait3A_269 = tpu.memref_slice %arg2[%mul3A_2, %dma_wait3A_268] : memref<10240x16xf32, #tpu.memory_space<hbm>> -> memref<640x16xf32, #tpu.memory_space<hbm>>
      tpu.wait_dma2 semaphore(%run_scoped3A : memref<!tpu.dma_semaphore, #tpu.memory_space<semaphore_mem>>) src(%dma_wait3A_269 : memref<640x16xf32, #tpu.memory_space<hbm>>) dst(%arg20 : memref<640x16xf32, #tpu.memory_space<vmem>>)
      tpu.yield
    }) : () -> ()
    %mul3A_3 = arith.constant 640 : i32
    %mul3A_4 = arith.muli %arg1, %mul3A_3 : i32
    "tpu.region"() ({
      %run_scoped3A = tpu.sem_alloc : memref<!tpu.dma_semaphore, #tpu.memory_space<semaphore_mem>>
      %dma_start3A_262 = arith.constant 0 : i32
      %dma_start3A_263 = tpu.memref_slice %arg3[%mul3A_4, %dma_start3A_262] : memref<10240x16xf32, #tpu.memory_space<hbm>> -> memref<640x16xf32, #tpu.memory_space<hbm>>
      %dma_start3A_264 = arith.constant 0 : i32
      %dma_start3A_265 = tpu.memref_slice %arg3[%mul3A_4, %dma_start3A_264] : memref<10240x16xf32, #tpu.memory_space<hbm>> -> memref<640x16xf32, #tpu.memory_space<hbm>>
      tpu.enqueue_dma source(%dma_start3A_265 : memref<640x16xf32, #tpu.memory_space<hbm>>) target(%arg21 : memref<640x16xf32, #tpu.memory_space<vmem>>) target_semaphore(%run_scoped3A : memref<!tpu.dma_semaphore, #tpu.memory_space<semaphore_mem>>)
      %dma_wait3A_266 = arith.constant 0 : i32
      %dma_wait3A_267 = tpu.memref_slice %arg3[%mul3A_4, %dma_wait3A_266] : memref<10240x16xf32, #tpu.memory_space<hbm>> -> memref<640x16xf32, #tpu.memory_space<hbm>>
      %dma_wait3A_268 = arith.constant 0 : i32
      %dma_wait3A_269 = tpu.memref_slice %arg3[%mul3A_4, %dma_wait3A_268] : memref<10240x16xf32, #tpu.memory_space<hbm>> -> memref<640x16xf32, #tpu.memory_space<hbm>>
      tpu.wait_dma2 semaphore(%run_scoped3A : memref<!tpu.dma_semaphore, #tpu.memory_space<semaphore_mem>>) src(%dma_wait3A_269 : memref<640x16xf32, #tpu.memory_space<hbm>>) dst(%arg21 : memref<640x16xf32, #tpu.memory_space<vmem>>)
      tpu.yield
    }) : () -> ()
    %mul3A_5 = arith.constant 640 : i32
    %mul3A_6 = arith.muli %arg1, %mul3A_5 : i32
    "tpu.region"() ({
      %run_scoped3A = tpu.sem_alloc : memref<!tpu.dma_semaphore, #tpu.memory_space<semaphore_mem>>
      %dma_start3A_262 = arith.constant 0 : i32
      %dma_start3A_263 = tpu.memref_slice %arg4[%mul3A_6, %dma_start3A_262] : memref<10240x16xf32, #tpu.memory_space<hbm>> -> memref<640x16xf32, #tpu.memory_space<hbm>>
      %dma_start3A_264 = arith.constant 0 : i32
      %dma_start3A_265 = tpu.memref_slice %arg4[%mul3A_6, %dma_start3A_264] : memref<10240x16xf32, #tpu.memory_space<hbm>> -> memref<640x16xf32, #tpu.memory_space<hbm>>
      tpu.enqueue_dma source(%dma_start3A_265 : memref<640x16xf32, #tpu.memory_space<hbm>>) target(%arg22 : memref<640x16xf32, #tpu.memory_space<vmem>>) target_semaphore(%run_scoped3A : memref<!tpu.dma_semaphore, #tpu.memory_space<semaphore_mem>>)
      %dma_wait3A_266 = arith.constant 0 : i32
      %dma_wait3A_267 = tpu.memref_slice %arg4[%mul3A_6, %dma_wait3A_266] : memref<10240x16xf32, #tpu.memory_space<hbm>> -> memref<640x16xf32, #tpu.memory_space<hbm>>
      %dma_wait3A_268 = arith.constant 0 : i32
      %dma_wait3A_269 = tpu.memref_slice %arg4[%mul3A_6, %dma_wait3A_268] : memref<10240x16xf32, #tpu.memory_space<hbm>> -> memref<640x16xf32, #tpu.memory_space<hbm>>
      tpu.wait_dma2 semaphore(%run_scoped3A : memref<!tpu.dma_semaphore, #tpu.memory_space<semaphore_mem>>) src(%dma_wait3A_269 : memref<640x16xf32, #tpu.memory_space<hbm>>) dst(%arg22 : memref<640x16xf32, #tpu.memory_space<vmem>>)
      tpu.yield
    }) : () -> ()
    "tpu.region"() ({
      %run_scoped3A = tpu.sem_alloc : memref<!tpu.dma_semaphore, #tpu.memory_space<semaphore_mem>>
      tpu.enqueue_dma source(%arg5 : memref<16xf32, #tpu.memory_space<hbm>>) target(%arg23 : memref<16xf32, #tpu.memory_space<vmem>>) target_semaphore(%run_scoped3A : memref<!tpu.dma_semaphore, #tpu.memory_space<semaphore_mem>>)
      tpu.wait_dma2 semaphore(%run_scoped3A : memref<!tpu.dma_semaphore, #tpu.memory_space<semaphore_mem>>) src(%arg5 : memref<16xf32, #tpu.memory_space<hbm>>) dst(%arg23 : memref<16xf32, #tpu.memory_space<vmem>>)
      tpu.yield
    }) : () -> ()
    %mul3A_7 = arith.constant 78 : i32
    %mul3A_8 = arith.muli %add3A, %mul3A_7 : i32
    "tpu.region"() ({
      %run_scoped3A = tpu.sem_alloc : memref<!tpu.dma_semaphore, #tpu.memory_space<semaphore_mem>>
      %dma_start3A_262 = arith.constant 0 : i32
      %dma_start3A_263 = tpu.memref_slice %arg6[%mul3A_8, %dma_start3A_262] : memref<2500x128xi32, #tpu.memory_space<hbm>> -> memref<78x128xi32, #tpu.memory_space<hbm>>
      %dma_start3A_264 = arith.constant 0 : i32
      %dma_start3A_265 = tpu.memref_slice %arg6[%mul3A_8, %dma_start3A_264] : memref<2500x128xi32, #tpu.memory_space<hbm>> -> memref<78x128xi32, #tpu.memory_space<hbm>>
      tpu.enqueue_dma source(%dma_start3A_265 : memref<78x128xi32, #tpu.memory_space<hbm>>) target(%arg11 : memref<78x128xi32, #tpu.memory_space<vmem>>) target_semaphore(%run_scoped3A : memref<!tpu.dma_semaphore, #tpu.memory_space<semaphore_mem>>)
      %dma_wait3A_266 = arith.constant 0 : i32
      %dma_wait3A_267 = tpu.memref_slice %arg6[%mul3A_8, %dma_wait3A_266] : memref<2500x128xi32, #tpu.memory_space<hbm>> -> memref<78x128xi32, #tpu.memory_space<hbm>>
      %dma_wait3A_268 = arith.constant 0 : i32
      %dma_wait3A_269 = tpu.memref_slice %arg6[%mul3A_8, %dma_wait3A_268] : memref<2500x128xi32, #tpu.memory_space<hbm>> -> memref<78x128xi32, #tpu.memory_space<hbm>>
      tpu.wait_dma2 semaphore(%run_scoped3A : memref<!tpu.dma_semaphore, #tpu.memory_space<semaphore_mem>>) src(%dma_wait3A_269 : memref<78x128xi32, #tpu.memory_space<hbm>>) dst(%arg11 : memref<78x128xi32, #tpu.memory_space<vmem>>)
      tpu.yield
    }) : () -> ()
    %mul3A_9 = arith.constant 78 : i32
    %mul3A_10 = arith.muli %add3A, %mul3A_9 : i32
    "tpu.region"() ({
      %run_scoped3A = tpu.sem_alloc : memref<!tpu.dma_semaphore, #tpu.memory_space<semaphore_mem>>
      %dma_start3A_262 = arith.constant 0 : i32
      %dma_start3A_263 = tpu.memref_slice %arg7[%mul3A_10, %dma_start3A_262] : memref<2500x128xi32, #tpu.memory_space<hbm>> -> memref<78x128xi32, #tpu.memory_space<hbm>>
      %dma_start3A_264 = arith.constant 0 : i32
      %dma_start3A_265 = tpu.memref_slice %arg7[%mul3A_10, %dma_start3A_264] : memref<2500x128xi32, #tpu.memory_space<hbm>> -> memref<78x128xi32, #tpu.memory_space<hbm>>
      tpu.enqueue_dma source(%dma_start3A_265 : memref<78x128xi32, #tpu.memory_space<hbm>>) target(%arg12 : memref<78x128xi32, #tpu.memory_space<vmem>>) target_semaphore(%run_scoped3A : memref<!tpu.dma_semaphore, #tpu.memory_space<semaphore_mem>>)
      %dma_wait3A_266 = arith.constant 0 : i32
      %dma_wait3A_267 = tpu.memref_slice %arg7[%mul3A_10, %dma_wait3A_266] : memref<2500x128xi32, #tpu.memory_space<hbm>> -> memref<78x128xi32, #tpu.memory_space<hbm>>
      %dma_wait3A_268 = arith.constant 0 : i32
      %dma_wait3A_269 = tpu.memref_slice %arg7[%mul3A_10, %dma_wait3A_268] : memref<2500x128xi32, #tpu.memory_space<hbm>> -> memref<78x128xi32, #tpu.memory_space<hbm>>
      tpu.wait_dma2 semaphore(%run_scoped3A : memref<!tpu.dma_semaphore, #tpu.memory_space<semaphore_mem>>) src(%dma_wait3A_269 : memref<78x128xi32, #tpu.memory_space<hbm>>) dst(%arg12 : memref<78x128xi32, #tpu.memory_space<vmem>>)
      tpu.yield
    }) : () -> ()
    %lt3A = arith.constant 4 : i32
    %lt3A_11 = arith.cmpi slt, %add3A, %lt3A : i32
    %convert_element_type3A = arith.extui %lt3A_11 : i1 to i32
    %cond3A = arith.constant 0 : i32
    %cond3A_12 = arith.cmpi ne, %convert_element_type3A, %cond3A : i32
    scf.if %cond3A_12 {
      %add3A_262 = arith.constant 2496 : i32
      %add3A_263 = arith.addi %add3A_262, %add3A : i32
      "tpu.region"() ({
        %run_scoped3A = tpu.sem_alloc : memref<!tpu.dma_semaphore, #tpu.memory_space<semaphore_mem>>
        %dma_start3A_266 = arith.constant 0 : i32
        %dma_start3A_267 = tpu.memref_slice %arg6[%add3A_263, %dma_start3A_266] : memref<2500x128xi32, #tpu.memory_space<hbm>> -> memref<1x128xi32, #tpu.memory_space<hbm>>
        %dma_start3A_268 = arith.constant 0 : i32
        %dma_start3A_269 = tpu.memref_slice %arg6[%add3A_263, %dma_start3A_268] : memref<2500x128xi32, #tpu.memory_space<hbm>> -> memref<1x128xi32, #tpu.memory_space<hbm>>
        tpu.enqueue_dma source(%dma_start3A_269 : memref<1x128xi32, #tpu.memory_space<hbm>>) target(%arg13 : memref<1x128xi32, #tpu.memory_space<vmem>>) target_semaphore(%run_scoped3A : memref<!tpu.dma_semaphore, #tpu.memory_space<semaphore_mem>>)
        %dma_wait3A_270 = arith.constant 0 : i32
        %dma_wait3A_271 = tpu.memref_slice %arg6[%add3A_263, %dma_wait3A_270] : memref<2500x128xi32, #tpu.memory_space<hbm>> -> memref<1x128xi32, #tpu.memory_space<hbm>>
        %dma_wait3A_272 = arith.constant 0 : i32
        %dma_wait3A_273 = tpu.memref_slice %arg6[%add3A_263, %dma_wait3A_272] : memref<2500x128xi32, #tpu.memory_space<hbm>> -> memref<1x128xi32, #tpu.memory_space<hbm>>
        tpu.wait_dma2 semaphore(%run_scoped3A : memref<!tpu.dma_semaphore, #tpu.memory_space<semaphore_mem>>) src(%dma_wait3A_273 : memref<1x128xi32, #tpu.memory_space<hbm>>) dst(%arg13 : memref<1x128xi32, #tpu.memory_space<vmem>>)
        tpu.yield
      }) : () -> ()
      %add3A_264 = arith.constant 2496 : i32
      %add3A_265 = arith.addi %add3A_264, %add3A : i32
      "tpu.region"() ({
        %run_scoped3A = tpu.sem_alloc : memref<!tpu.dma_semaphore, #tpu.memory_space<semaphore_mem>>
        %dma_start3A_266 = arith.constant 0 : i32
        %dma_start3A_267 = tpu.memref_slice %arg7[%add3A_265, %dma_start3A_266] : memref<2500x128xi32, #tpu.memory_space<hbm>> -> memref<1x128xi32, #tpu.memory_space<hbm>>
        %dma_start3A_268 = arith.constant 0 : i32
        %dma_start3A_269 = tpu.memref_slice %arg7[%add3A_265, %dma_start3A_268] : memref<2500x128xi32, #tpu.memory_space<hbm>> -> memref<1x128xi32, #tpu.memory_space<hbm>>
        tpu.enqueue_dma source(%dma_start3A_269 : memref<1x128xi32, #tpu.memory_space<hbm>>) target(%arg14 : memref<1x128xi32, #tpu.memory_space<vmem>>) target_semaphore(%run_scoped3A : memref<!tpu.dma_semaphore, #tpu.memory_space<semaphore_mem>>)
        %dma_wait3A_270 = arith.constant 0 : i32
        %dma_wait3A_271 = tpu.memref_slice %arg7[%add3A_265, %dma_wait3A_270] : memref<2500x128xi32, #tpu.memory_space<hbm>> -> memref<1x128xi32, #tpu.memory_space<hbm>>
        %dma_wait3A_272 = arith.constant 0 : i32
        %dma_wait3A_273 = tpu.memref_slice %arg7[%add3A_265, %dma_wait3A_272] : memref<2500x128xi32, #tpu.memory_space<hbm>> -> memref<1x128xi32, #tpu.memory_space<hbm>>
        tpu.wait_dma2 semaphore(%run_scoped3A : memref<!tpu.dma_semaphore, #tpu.memory_space<semaphore_mem>>) src(%dma_wait3A_273 : memref<1x128xi32, #tpu.memory_space<hbm>>) dst(%arg14 : memref<1x128xi32, #tpu.memory_space<vmem>>)
        tpu.yield
      }) : () -> ()
    } else {
    }
    %get3A = arith.constant 0 : index
    %get3A_13 = tpu.vector_load %arg23[%get3A] {strides = array<i32>} : memref<16xf32, #tpu.memory_space<vmem>>, vector<16xf32>,
    %parallel_loop3A = arith.constant 0 : i32
    %parallel_loop3A_14 = arith.constant 640 : i32
    %parallel_loop3A_15 = arith.constant 1 : i32
    scf.for %parallel_loop3A_262 = %parallel_loop3A to %parallel_loop3A_14 step %parallel_loop3A_15  : i32 {
      %parallel_loop3A_263 = arith.index_cast %parallel_loop3A_262 : i32 to index
      %parallel_loop3A_264 = arith.constant 0 : index
      %parallel_loop3A_265 = tpu.vector_load %arg22[%parallel_loop3A_263, %parallel_loop3A_264] {strides = array<i32>} : memref<640x16xf32, #tpu.memory_space<vmem>>, vector<16xf32>,
      %parallel_loop3A_266 = arith.index_cast %parallel_loop3A_262 : i32 to index
      %parallel_loop3A_267 = arith.constant 0 : index
      %parallel_loop3A_268 = tpu.vector_load %arg20[%parallel_loop3A_266, %parallel_loop3A_267] {strides = array<i32>} : memref<640x16xf32, #tpu.memory_space<vmem>>, vector<16xf32>,
      %parallel_loop3A_269 = arith.index_cast %parallel_loop3A_262 : i32 to index
      %parallel_loop3A_270 = arith.constant 0 : index
      %parallel_loop3A_271 = tpu.vector_load %arg21[%parallel_loop3A_269, %parallel_loop3A_270] {strides = array<i32>} : memref<640x16xf32, #tpu.memory_space<vmem>>, vector<16xf32>,
      %parallel_loop3A_272 = arith.addf %parallel_loop3A_268, %parallel_loop3A_271 : vector<16xf32>
      %parallel_loop3A_273 = arith.mulf %parallel_loop3A_272, %parallel_loop3A_265 : vector<16xf32>
      %parallel_loop3A_274 = arith.addf %parallel_loop3A_273, %get3A_13 : vector<16xf32>
      %parallel_loop3A_275 = arith.constant 0.000000e+00 : f32
      %parallel_loop3A_276 = vector.broadcast %parallel_loop3A_275 : f32 to vector<16xf32>
      %parallel_loop3A_277 = arith.maximumf %parallel_loop3A_274, %parallel_loop3A_276 : vector<16xf32>
      %parallel_loop3A_278 = arith.mulf %parallel_loop3A_277, %parallel_loop3A_265 : vector<16xf32>
      %parallel_loop3A_279 = arith.index_cast %parallel_loop3A_262 : i32 to index
      %parallel_loop3A_280 = arith.constant 0 : index
      %parallel_loop3A_281 = tpu.vector_load %arg20[%parallel_loop3A_279, %parallel_loop3A_280] {strides = array<i32>} : memref<640x16xf32, #tpu.memory_space<vmem>>, vector<16xf32>,
      tpu.vector_store %arg20[%parallel_loop3A_279, %parallel_loop3A_280], %parallel_loop3A_278 {strides = array<i32>} : memref<640x16xf32, #tpu.memory_space<vmem>>, vector<16xf32>,
    } {sc.loop_unroll_factor = 8 : i64, sc.parallel_access}
    %mul3A_16 = arith.constant 640 : i32
    %mul3A_17 = arith.muli %arg1, %mul3A_16 : i32
    "tpu.region"() ({
      %run_scoped3A = tpu.sem_alloc : memref<!tpu.dma_semaphore, #tpu.memory_space<semaphore_mem>>
      %dma_start3A_262 = arith.constant 0 : i32
      %dma_start3A_263 = tpu.memref_slice %arg17[%mul3A_17, %dma_start3A_262] : memref<10240x16xf32, #tpu.memory_space<vmem_shared>> -> memref<640x16xf32, #tpu.memory_space<vmem_shared>>
      %dma_start3A_264 = arith.constant 0 : i32
      %dma_start3A_265 = tpu.memref_slice %arg17[%mul3A_17, %dma_start3A_264] : memref<10240x16xf32, #tpu.memory_space<vmem_shared>> -> memref<640x16xf32, #tpu.memory_space<vmem_shared>>
      tpu.enqueue_dma source(%arg20 : memref<640x16xf32, #tpu.memory_space<vmem>>) target(%dma_start3A_265 : memref<640x16xf32, #tpu.memory_space<vmem_shared>>) target_semaphore(%run_scoped3A : memref<!tpu.dma_semaphore, #tpu.memory_space<semaphore_mem>>)
      %dma_wait3A_266 = arith.constant 0 : i32
      %dma_wait3A_267 = tpu.memref_slice %arg17[%mul3A_17, %dma_wait3A_266] : memref<10240x16xf32, #tpu.memory_space<vmem_shared>> -> memref<640x16xf32, #tpu.memory_space<vmem_shared>>
      %dma_wait3A_268 = arith.constant 0 : i32
      %dma_wait3A_269 = tpu.memref_slice %arg17[%mul3A_17, %dma_wait3A_268] : memref<10240x16xf32, #tpu.memory_space<vmem_shared>> -> memref<640x16xf32, #tpu.memory_space<vmem_shared>>
      tpu.wait_dma2 semaphore(%run_scoped3A : memref<!tpu.dma_semaphore, #tpu.memory_space<semaphore_mem>>) src(%arg20 : memref<640x16xf32, #tpu.memory_space<vmem>>) dst(%dma_wait3A_269 : memref<640x16xf32, #tpu.memory_space<vmem_shared>>)
      tpu.yield
    }) : () -> ()
    %eq3A = arith.constant 0 : i32
    %eq3A_18 = arith.cmpi eq, %arg0, %eq3A : i32
    %convert_element_type3A_19 = arith.extui %eq3A_18 : i1 to i32
    %cond3A_20 = arith.constant 0 : i32
    %cond3A_21 = arith.cmpi ne, %convert_element_type3A_19, %cond3A_20 : i32
    scf.if %cond3A_21 {
      %mul3A_262 = arith.constant 640 : i32
      %mul3A_263 = arith.muli %arg1, %mul3A_262 : i32
      "tpu.region"() ({
        %run_scoped3A = tpu.sem_alloc : memref<!tpu.dma_semaphore, #tpu.memory_space<semaphore_mem>>
        %dma_start3A_264 = arith.constant 0 : i32
        %dma_start3A_265 = tpu.memref_slice %arg16[%mul3A_263, %dma_start3A_264] : memref<10240x16xf32, #tpu.memory_space<vmem_shared>> -> memref<640x16xf32, #tpu.memory_space<vmem_shared>>
        %dma_start3A_266 = arith.constant 0 : i32
        %dma_start3A_267 = tpu.memref_slice %arg16[%mul3A_263, %dma_start3A_266] : memref<10240x16xf32, #tpu.memory_space<vmem_shared>> -> memref<640x16xf32, #tpu.memory_space<vmem_shared>>
        tpu.enqueue_dma source(%arg20 : memref<640x16xf32, #tpu.memory_space<vmem>>) target(%dma_start3A_267 : memref<640x16xf32, #tpu.memory_space<vmem_shared>>) target_semaphore(%run_scoped3A : memref<!tpu.dma_semaphore, #tpu.memory_space<semaphore_mem>>)
        %dma_wait3A_268 = arith.constant 0 : i32
        %dma_wait3A_269 = tpu.memref_slice %arg16[%mul3A_263, %dma_wait3A_268] : memref<10240x16xf32, #tpu.memory_space<vmem_shared>> -> memref<640x16xf32, #tpu.memory_space<vmem_shared>>
        %dma_wait3A_270 = arith.constant 0 : i32
        %dma_wait3A_271 = tpu.memref_slice %arg16[%mul3A_263, %dma_wait3A_270] : memref<10240x16xf32, #tpu.memory_space<vmem_shared>> -> memref<640x16xf32, #tpu.memory_space<vmem_shared>>
        tpu.wait_dma2 semaphore(%run_scoped3A : memref<!tpu.dma_semaphore, #tpu.memory_space<semaphore_mem>>) src(%arg20 : memref<640x16xf32, #tpu.memory_space<vmem>>) dst(%dma_wait3A_271 : memref<640x16xf32, #tpu.memory_space<vmem_shared>>)
        tpu.yield
      }) : () -> ()
    } else {
    }
    %eq3A_22 = arith.constant 1 : i32
    %eq3A_23 = arith.cmpi eq, %arg0, %eq3A_22 : i32
    %convert_element_type3A_24 = arith.extui %eq3A_23 : i1 to i32
    %cond3A_25 = arith.constant 0 : i32
    %cond3A_26 = arith.cmpi ne, %convert_element_type3A_24, %cond3A_25 : i32
    scf.if %cond3A_26 {
      %mul3A_262 = arith.constant 640 : i32
      %mul3A_263 = arith.muli %arg1, %mul3A_262 : i32
      %mul3A_264 = arith.constant 640 : i32
      %mul3A_265 = arith.muli %arg1, %mul3A_264 : i32
      "tpu.region"() ({
        %run_scoped3A = tpu.sem_alloc : memref<!tpu.dma_semaphore, #tpu.memory_space<semaphore_mem>>
        %dma_start3A_266 = arith.constant 0 : i32
        %dma_start3A_267 = tpu.memref_slice %arg16[%mul3A_265, %dma_start3A_266] : memref<10240x16xf32, #tpu.memory_space<vmem_shared>> -> memref<640x16xf32, #tpu.memory_space<vmem_shared>>
        %dma_start3A_268 = arith.constant 0 : i32
        %dma_start3A_269 = tpu.memref_slice %arg8[%mul3A_263, %dma_start3A_268] : memref<10240x16xf32, #tpu.memory_space<hbm>> -> memref<640x16xf32, #tpu.memory_space<hbm>>
        tpu.enqueue_dma source(%dma_start3A_269 : memref<640x16xf32, #tpu.memory_space<hbm>>) target(%dma_start3A_267 : memref<640x16xf32, #tpu.memory_space<vmem_shared>>) target_semaphore(%run_scoped3A : memref<!tpu.dma_semaphore, #tpu.memory_space<semaphore_mem>>)
        %dma_wait3A_270 = arith.constant 0 : i32
        %dma_wait3A_271 = tpu.memref_slice %arg16[%mul3A_265, %dma_wait3A_270] : memref<10240x16xf32, #tpu.memory_space<vmem_shared>> -> memref<640x16xf32, #tpu.memory_space<vmem_shared>>
        %dma_wait3A_272 = arith.constant 0 : i32
        %dma_wait3A_273 = tpu.memref_slice %arg8[%mul3A_263, %dma_wait3A_272] : memref<10240x16xf32, #tpu.memory_space<hbm>> -> memref<640x16xf32, #tpu.memory_space<hbm>>
        tpu.wait_dma2 semaphore(%run_scoped3A : memref<!tpu.dma_semaphore, #tpu.memory_space<semaphore_mem>>) src(%dma_wait3A_273 : memref<640x16xf32, #tpu.memory_space<hbm>>) dst(%dma_wait3A_271 : memref<640x16xf32, #tpu.memory_space<vmem_shared>>)
        tpu.yield
      }) : () -> ()
    } else {
    }
    %barrier3A = arith.constant 0 : index
    tpu.barrier barrier_id(%barrier3A)
    %dma_start3A = arith.constant 0 : i32
    %dma_start3A_27 = arith.constant 0 : i32
    %dma_start3A_28 = arith.constant 0 : i32
    %dma_start3A_29 = arith.constant 0 : i32
    %dma_start3A_30 = arith.constant 0 : i32
    %dma_start3A_31 = tpu.memref_slice %arg15[%dma_start3A_27, %dma_start3A_29, %dma_start3A_30] : memref<2x768x16xf32, #tpu.memory_space<vmem>> -> memref<1x768x16xf32, #tpu.memory_space<vmem>>
    %dma_start3A_32 = tpu.memref_squeeze %dma_start3A_31 : memref<1x768x16xf32, #tpu.memory_space<vmem>> -> memref<768x16xf32, #tpu.memory_space<vmem>>
    %dma_start3A_33 = arith.constant 0 : i32
    %dma_start3A_34 = arith.constant 0 : i32
    %dma_start3A_35 = tpu.memref_slice %dma_start3A_32[%dma_start3A_33, %dma_start3A_34] : memref<768x16xf32, #tpu.memory_space<vmem>> -> memref<128x16xf32, #tpu.memory_space<vmem>>
    %dma_start3A_36 = arith.constant 0 : i32
    %dma_start3A_37 = tpu.memref_slice %arg11[%dma_start3A, %dma_start3A_36] : memref<78x128xi32, #tpu.memory_space<vmem>> -> memref<1x128xi32, #tpu.memory_space<vmem>>
    %dma_start3A_38 = tpu.memref_squeeze %dma_start3A_37 : memref<1x128xi32, #tpu.memory_space<vmem>> -> memref<128xi32, #tpu.memory_space<vmem>>
    %dma_start3A_39 = arith.constant 0 : i32
    %dma_start3A_40 = arith.constant 0 : i32
    %dma_start3A_41 = tpu.memref_slice %arg17[%dma_start3A_39, %dma_start3A_40] : memref<10240x16xf32, #tpu.memory_space<vmem_shared>> -> memref<10240x16xf32, #tpu.memory_space<vmem_shared>>
    %dma_start3A_42 = tpu.memref_slice %arg18[%dma_start3A_28] : memref<2x!tpu.dma_semaphore, #tpu.memory_space<semaphore_mem>> -> memref<1x!tpu.dma_semaphore, #tpu.memory_space<semaphore_mem>>
    %dma_start3A_43 = tpu.memref_squeeze %dma_start3A_42 : memref<1x!tpu.dma_semaphore, #tpu.memory_space<semaphore_mem>> -> memref<!tpu.dma_semaphore, #tpu.memory_space<semaphore_mem>>
    tpu.enqueue_indirect_dma source(%dma_start3A_41 : memref<10240x16xf32, #tpu.memory_space<vmem_shared>>) target(%dma_start3A_35 : memref<128x16xf32, #tpu.memory_space<vmem>>) offsets(%dma_start3A_38 : memref<128xi32, #tpu.memory_space<vmem>>) semaphore(%dma_start3A_43 : memref<!tpu.dma_semaphore, #tpu.memory_space<semaphore_mem>>)
    %dma_start3A_44 = arith.constant 1 : i32
    %dma_start3A_45 = arith.constant 0 : i32
    %dma_start3A_46 = arith.constant 0 : i32
    %dma_start3A_47 = arith.constant 0 : i32
    %dma_start3A_48 = arith.constant 0 : i32
    %dma_start3A_49 = tpu.memref_slice %arg15[%dma_start3A_45, %dma_start3A_47, %dma_start3A_48] : memref<2x768x16xf32, #tpu.memory_space<vmem>> -> memref<1x768x16xf32, #tpu.memory_space<vmem>>
    %dma_start3A_50 = tpu.memref_squeeze %dma_start3A_49 : memref<1x768x16xf32, #tpu.memory_space<vmem>> -> memref<768x16xf32, #tpu.memory_space<vmem>>
    %dma_start3A_51 = arith.constant 128 : i32
    %dma_start3A_52 = arith.constant 0 : i32
    %dma_start3A_53 = tpu.memref_slice %dma_start3A_50[%dma_start3A_51, %dma_start3A_52] : memref<768x16xf32, #tpu.memory_space<vmem>> -> memref<128x16xf32, #tpu.memory_space<vmem>>
    %dma_start3A_54 = arith.constant 0 : i32
    %dma_start3A_55 = tpu.memref_slice %arg11[%dma_start3A_44, %dma_start3A_54] : memref<78x128xi32, #tpu.memory_space<vmem>> -> memref<1x128xi32, #tpu.memory_space<vmem>>
    %dma_start3A_56 = tpu.memref_squeeze %dma_start3A_55 : memref<1x128xi32, #tpu.memory_space<vmem>> -> memref<128xi32, #tpu.memory_space<vmem>>
    %dma_start3A_57 = arith.constant 0 : i32
    %dma_start3A_58 = arith.constant 0 : i32
    %dma_start3A_59 = tpu.memref_slice %arg17[%dma_start3A_57, %dma_start3A_58] : memref<10240x16xf32, #tpu.memory_space<vmem_shared>> -> memref<10240x16xf32, #tpu.memory_space<vmem_shared>>
    %dma_start3A_60 = tpu.memref_slice %arg18[%dma_start3A_46] : memref<2x!tpu.dma_semaphore, #tpu.memory_space<semaphore_mem>> -> memref<1x!tpu.dma_semaphore, #tpu.memory_space<semaphore_mem>>
    %dma_start3A_61 = tpu.memref_squeeze %dma_start3A_60 : memref<1x!tpu.dma_semaphore, #tpu.memory_space<semaphore_mem>> -> memref<!tpu.dma_semaphore, #tpu.memory_space<semaphore_mem>>
    tpu.enqueue_indirect_dma source(%dma_start3A_59 : memref<10240x16xf32, #tpu.memory_space<vmem_shared>>) target(%dma_start3A_53 : memref<128x16xf32, #tpu.memory_space<vmem>>) offsets(%dma_start3A_56 : memref<128xi32, #tpu.memory_space<vmem>>) semaphore(%dma_start3A_61 : memref<!tpu.dma_semaphore, #tpu.memory_space<semaphore_mem>>)
    %dma_start3A_62 = arith.constant 2 : i32
    %dma_start3A_63 = arith.constant 0 : i32
    %dma_start3A_64 = arith.constant 0 : i32
    %dma_start3A_65 = arith.constant 0 : i32
    %dma_start3A_66 = arith.constant 0 : i32
    %dma_start3A_67 = tpu.memref_slice %arg15[%dma_start3A_63, %dma_start3A_65, %dma_start3A_66] : memref<2x768x16xf32, #tpu.memory_space<vmem>> -> memref<1x768x16xf32, #tpu.memory_space<vmem>>
    %dma_start3A_68 = tpu.memref_squeeze %dma_start3A_67 : memref<1x768x16xf32, #tpu.memory_space<vmem>> -> memref<768x16xf32, #tpu.memory_space<vmem>>
    %dma_start3A_69 = arith.constant 256 : i32
    %dma_start3A_70 = arith.constant 0 : i32
    %dma_start3A_71 = tpu.memref_slice %dma_start3A_68[%dma_start3A_69, %dma_start3A_70] : memref<768x16xf32, #tpu.memory_space<vmem>> -> memref<128x16xf32, #tpu.memory_space<vmem>>
    %dma_start3A_72 = arith.constant 0 : i32
    %dma_start3A_73 = tpu.memref_slice %arg11[%dma_start3A_62, %dma_start3A_72] : memref<78x128xi32, #tpu.memory_space<vmem>> -> memref<1x128xi32, #tpu.memory_space<vmem>>
    %dma_start3A_74 = tpu.memref_squeeze %dma_start3A_73 : memref<1x128xi32, #tpu.memory_space<vmem>> -> memref<128xi32, #tpu.memory_space<vmem>>
    %dma_start3A_75 = arith.constant 0 : i32
    %dma_start3A_76 = arith.constant 0 : i32
    %dma_start3A_77 = tpu.memref_slice %arg17[%dma_start3A_75, %dma_start3A_76] : memref<10240x16xf32, #tpu.memory_space<vmem_shared>> -> memref<10240x16xf32, #tpu.memory_space<vmem_shared>>
    %dma_start3A_78 = tpu.memref_slice %arg18[%dma_start3A_64] : memref<2x!tpu.dma_semaphore, #tpu.memory_space<semaphore_mem>> -> memref<1x!tpu.dma_semaphore, #tpu.memory_space<semaphore_mem>>
    %dma_start3A_79 = tpu.memref_squeeze %dma_start3A_78 : memref<1x!tpu.dma_semaphore, #tpu.memory_space<semaphore_mem>> -> memref<!tpu.dma_semaphore, #tpu.memory_space<semaphore_mem>>
    tpu.enqueue_indirect_dma source(%dma_start3A_77 : memref<10240x16xf32, #tpu.memory_space<vmem_shared>>) target(%dma_start3A_71 : memref<128x16xf32, #tpu.memory_space<vmem>>) offsets(%dma_start3A_74 : memref<128xi32, #tpu.memory_space<vmem>>) semaphore(%dma_start3A_79 : memref<!tpu.dma_semaphore, #tpu.memory_space<semaphore_mem>>)
    %dma_start3A_80 = arith.constant 3 : i32
    %dma_start3A_81 = arith.constant 0 : i32
    %dma_start3A_82 = arith.constant 0 : i32
    %dma_start3A_83 = arith.constant 0 : i32
    %dma_start3A_84 = arith.constant 0 : i32
    %dma_start3A_85 = tpu.memref_slice %arg15[%dma_start3A_81, %dma_start3A_83, %dma_start3A_84] : memref<2x768x16xf32, #tpu.memory_space<vmem>> -> memref<1x768x16xf32, #tpu.memory_space<vmem>>
    %dma_start3A_86 = tpu.memref_squeeze %dma_start3A_85 : memref<1x768x16xf32, #tpu.memory_space<vmem>> -> memref<768x16xf32, #tpu.memory_space<vmem>>
    %dma_start3A_87 = arith.constant 384 : i32
    %dma_start3A_88 = arith.constant 0 : i32
    %dma_start3A_89 = tpu.memref_slice %dma_start3A_86[%dma_start3A_87, %dma_start3A_88] : memref<768x16xf32, #tpu.memory_space<vmem>> -> memref<128x16xf32, #tpu.memory_space<vmem>>
    %dma_start3A_90 = arith.constant 0 : i32
    %dma_start3A_91 = tpu.memref_slice %arg11[%dma_start3A_80, %dma_start3A_90] : memref<78x128xi32, #tpu.memory_space<vmem>> -> memref<1x128xi32, #tpu.memory_space<vmem>>
    %dma_start3A_92 = tpu.memref_squeeze %dma_start3A_91 : memref<1x128xi32, #tpu.memory_space<vmem>> -> memref<128xi32, #tpu.memory_space<vmem>>
    %dma_start3A_93 = arith.constant 0 : i32
    %dma_start3A_94 = arith.constant 0 : i32
    %dma_start3A_95 = tpu.memref_slice %arg17[%dma_start3A_93, %dma_start3A_94] : memref<10240x16xf32, #tpu.memory_space<vmem_shared>> -> memref<10240x16xf32, #tpu.memory_space<vmem_shared>>
    %dma_start3A_96 = tpu.memref_slice %arg18[%dma_start3A_82] : memref<2x!tpu.dma_semaphore, #tpu.memory_space<semaphore_mem>> -> memref<1x!tpu.dma_semaphore, #tpu.memory_space<semaphore_mem>>
    %dma_start3A_97 = tpu.memref_squeeze %dma_start3A_96 : memref<1x!tpu.dma_semaphore, #tpu.memory_space<semaphore_mem>> -> memref<!tpu.dma_semaphore, #tpu.memory_space<semaphore_mem>>
    tpu.enqueue_indirect_dma source(%dma_start3A_95 : memref<10240x16xf32, #tpu.memory_space<vmem_shared>>) target(%dma_start3A_89 : memref<128x16xf32, #tpu.memory_space<vmem>>) offsets(%dma_start3A_92 : memref<128xi32, #tpu.memory_space<vmem>>) semaphore(%dma_start3A_97 : memref<!tpu.dma_semaphore, #tpu.memory_space<semaphore_mem>>)
    %dma_start3A_98 = arith.constant 4 : i32
    %dma_start3A_99 = arith.constant 0 : i32
    %dma_start3A_100 = arith.constant 0 : i32
    %dma_start3A_101 = arith.constant 0 : i32
    %dma_start3A_102 = arith.constant 0 : i32
    %dma_start3A_103 = tpu.memref_slice %arg15[%dma_start3A_99, %dma_start3A_101, %dma_start3A_102] : memref<2x768x16xf32, #tpu.memory_space<vmem>> -> memref<1x768x16xf32, #tpu.memory_space<vmem>>
    %dma_start3A_104 = tpu.memref_squeeze %dma_start3A_103 : memref<1x768x16xf32, #tpu.memory_space<vmem>> -> memref<768x16xf32, #tpu.memory_space<vmem>>
    %dma_start3A_105 = arith.constant 512 : i32
    %dma_start3A_106 = arith.constant 0 : i32
    %dma_start3A_107 = tpu.memref_slice %dma_start3A_104[%dma_start3A_105, %dma_start3A_106] : memref<768x16xf32, #tpu.memory_space<vmem>> -> memref<128x16xf32, #tpu.memory_space<vmem>>
    %dma_start3A_108 = arith.constant 0 : i32
    %dma_start3A_109 = tpu.memref_slice %arg11[%dma_start3A_98, %dma_start3A_108] : memref<78x128xi32, #tpu.memory_space<vmem>> -> memref<1x128xi32, #tpu.memory_space<vmem>>
    %dma_start3A_110 = tpu.memref_squeeze %dma_start3A_109 : memref<1x128xi32, #tpu.memory_space<vmem>> -> memref<128xi32, #tpu.memory_space<vmem>>
    %dma_start3A_111 = arith.constant 0 : i32
    %dma_start3A_112 = arith.constant 0 : i32
    %dma_start3A_113 = tpu.memref_slice %arg17[%dma_start3A_111, %dma_start3A_112] : memref<10240x16xf32, #tpu.memory_space<vmem_shared>> -> memref<10240x16xf32, #tpu.memory_space<vmem_shared>>
    %dma_start3A_114 = tpu.memref_slice %arg18[%dma_start3A_100] : memref<2x!tpu.dma_semaphore, #tpu.memory_space<semaphore_mem>> -> memref<1x!tpu.dma_semaphore, #tpu.memory_space<semaphore_mem>>
    %dma_start3A_115 = tpu.memref_squeeze %dma_start3A_114 : memref<1x!tpu.dma_semaphore, #tpu.memory_space<semaphore_mem>> -> memref<!tpu.dma_semaphore, #tpu.memory_space<semaphore_mem>>
    tpu.enqueue_indirect_dma source(%dma_start3A_113 : memref<10240x16xf32, #tpu.memory_space<vmem_shared>>) target(%dma_start3A_107 : memref<128x16xf32, #tpu.memory_space<vmem>>) offsets(%dma_start3A_110 : memref<128xi32, #tpu.memory_space<vmem>>) semaphore(%dma_start3A_115 : memref<!tpu.dma_semaphore, #tpu.memory_space<semaphore_mem>>)
    %dma_start3A_116 = arith.constant 5 : i32
    %dma_start3A_117 = arith.constant 0 : i32
    %dma_start3A_118 = arith.constant 0 : i32
    %dma_start3A_119 = arith.constant 0 : i32
    %dma_start3A_120 = arith.constant 0 : i32
    %dma_start3A_121 = tpu.memref_slice %arg15[%dma_start3A_117, %dma_start3A_119, %dma_start3A_120] : memref<2x768x16xf32, #tpu.memory_space<vmem>> -> memref<1x768x16xf32, #tpu.memory_space<vmem>>
    %dma_start3A_122 = tpu.memref_squeeze %dma_start3A_121 : memref<1x768x16xf32, #tpu.memory_space<vmem>> -> memref<768x16xf32, #tpu.memory_space<vmem>>
    %dma_start3A_123 = arith.constant 640 : i32
    %dma_start3A_124 = arith.constant 0 : i32
    %dma_start3A_125 = tpu.memref_slice %dma_start3A_122[%dma_start3A_123, %dma_start3A_124] : memref<768x16xf32, #tpu.memory_space<vmem>> -> memref<128x16xf32, #tpu.memory_space<vmem>>
    %dma_start3A_126 = arith.constant 0 : i32
    %dma_start3A_127 = tpu.memref_slice %arg11[%dma_start3A_116, %dma_start3A_126] : memref<78x128xi32, #tpu.memory_space<vmem>> -> memref<1x128xi32, #tpu.memory_space<vmem>>
    %dma_start3A_128 = tpu.memref_squeeze %dma_start3A_127 : memref<1x128xi32, #tpu.memory_space<vmem>> -> memref<128xi32, #tpu.memory_space<vmem>>
    %dma_start3A_129 = arith.constant 0 : i32
    %dma_start3A_130 = arith.constant 0 : i32
    %dma_start3A_131 = tpu.memref_slice %arg17[%dma_start3A_129, %dma_start3A_130] : memref<10240x16xf32, #tpu.memory_space<vmem_shared>> -> memref<10240x16xf32, #tpu.memory_space<vmem_shared>>
    %dma_start3A_132 = tpu.memref_slice %arg18[%dma_start3A_118] : memref<2x!tpu.dma_semaphore, #tpu.memory_space<semaphore_mem>> -> memref<1x!tpu.dma_semaphore, #tpu.memory_space<semaphore_mem>>
    %dma_start3A_133 = tpu.memref_squeeze %dma_start3A_132 : memref<1x!tpu.dma_semaphore, #tpu.memory_space<semaphore_mem>> -> memref<!tpu.dma_semaphore, #tpu.memory_space<semaphore_mem>>
    tpu.enqueue_indirect_dma source(%dma_start3A_131 : memref<10240x16xf32, #tpu.memory_space<vmem_shared>>) target(%dma_start3A_125 : memref<128x16xf32, #tpu.memory_space<vmem>>) offsets(%dma_start3A_128 : memref<128xi32, #tpu.memory_space<vmem>>) semaphore(%dma_start3A_133 : memref<!tpu.dma_semaphore, #tpu.memory_space<semaphore_mem>>)
    %scan3A = arith.constant 0 : i32
    %scan3A_134 = arith.constant 0 : i32
    %scan3A_135 = arith.constant 13 : i32
    %scan3A_136 = arith.addi %scan3A_134, %scan3A_135 : i32
    %scan3A_137 = arith.constant 1 : i32
    scf.for %scan3A_262 = %scan3A_134 to %scan3A_136 step %scan3A_137  : i32 {
      %rem3A = arith.constant 2 : i32
      %rem3A_263 = arith.remsi %scan3A_262, %rem3A : i32
      %mul3A_264 = arith.constant 6 : i32
      %mul3A_265 = arith.muli %scan3A_262, %mul3A_264 : i32
      %add3A_266 = arith.constant 0 : i32
      %add3A_267 = arith.addi %mul3A_265, %add3A_266 : i32
      %dma_wait3A_268 = arith.constant 0 : i32
      %dma_wait3A_269 = arith.constant 0 : i32
      %dma_wait3A_270 = tpu.memref_slice %arg15[%rem3A_263, %dma_wait3A_268, %dma_wait3A_269] : memref<2x768x16xf32, #tpu.memory_space<vmem>> -> memref<1x768x16xf32, #tpu.memory_space<vmem>>
      %dma_wait3A_271 = tpu.memref_squeeze %dma_wait3A_270 : memref<1x768x16xf32, #tpu.memory_space<vmem>> -> memref<768x16xf32, #tpu.memory_space<vmem>>
      %dma_wait3A_272 = arith.constant 0 : i32
      %dma_wait3A_273 = arith.constant 0 : i32
      %dma_wait3A_274 = tpu.memref_slice %dma_wait3A_271[%dma_wait3A_272, %dma_wait3A_273] : memref<768x16xf32, #tpu.memory_space<vmem>> -> memref<128x16xf32, #tpu.memory_space<vmem>>
      %dma_wait3A_275 = arith.constant 0 : i32
      %dma_wait3A_276 = tpu.memref_slice %arg11[%add3A_267, %dma_wait3A_275] : memref<78x128xi32, #tpu.memory_space<vmem>> -> memref<1x128xi32, #tpu.memory_space<vmem>>
      %dma_wait3A_277 = tpu.memref_squeeze %dma_wait3A_276 : memref<1x128xi32, #tpu.memory_space<vmem>> -> memref<128xi32, #tpu.memory_space<vmem>>
      %dma_wait3A_278 = arith.constant 0 : i32
      %dma_wait3A_279 = arith.constant 0 : i32
      %dma_wait3A_280 = tpu.memref_slice %arg17[%dma_wait3A_278, %dma_wait3A_279] : memref<10240x16xf32, #tpu.memory_space<vmem_shared>> -> memref<10240x16xf32, #tpu.memory_space<vmem_shared>>
      %dma_wait3A_281 = tpu.memref_slice %arg18[%rem3A_263] : memref<2x!tpu.dma_semaphore, #tpu.memory_space<semaphore_mem>> -> memref<1x!tpu.dma_semaphore, #tpu.memory_space<semaphore_mem>>
      %dma_wait3A_282 = tpu.memref_squeeze %dma_wait3A_281 : memref<1x!tpu.dma_semaphore, #tpu.memory_space<semaphore_mem>> -> memref<!tpu.dma_semaphore, #tpu.memory_space<semaphore_mem>>
      tpu.wait_indirect_dma semaphore(%dma_wait3A_282 : memref<!tpu.dma_semaphore, #tpu.memory_space<semaphore_mem>>) src(%dma_wait3A_280 : memref<10240x16xf32, #tpu.memory_space<vmem_shared>>) dst(%dma_wait3A_274 : memref<128x16xf32, #tpu.memory_space<vmem>>)
      %mul3A_283 = arith.constant 6 : i32
      %mul3A_284 = arith.muli %scan3A_262, %mul3A_283 : i32
      %add3A_285 = arith.constant 1 : i32
      %add3A_286 = arith.addi %mul3A_284, %add3A_285 : i32
      %dma_wait3A_287 = arith.constant 0 : i32
      %dma_wait3A_288 = arith.constant 0 : i32
      %dma_wait3A_289 = tpu.memref_slice %arg15[%rem3A_263, %dma_wait3A_287, %dma_wait3A_288] : memref<2x768x16xf32, #tpu.memory_space<vmem>> -> memref<1x768x16xf32, #tpu.memory_space<vmem>>
      %dma_wait3A_290 = tpu.memref_squeeze %dma_wait3A_289 : memref<1x768x16xf32, #tpu.memory_space<vmem>> -> memref<768x16xf32, #tpu.memory_space<vmem>>
      %dma_wait3A_291 = arith.constant 128 : i32
      %dma_wait3A_292 = arith.constant 0 : i32
      %dma_wait3A_293 = tpu.memref_slice %dma_wait3A_290[%dma_wait3A_291, %dma_wait3A_292] : memref<768x16xf32, #tpu.memory_space<vmem>> -> memref<128x16xf32, #tpu.memory_space<vmem>>
      %dma_wait3A_294 = arith.constant 0 : i32
      %dma_wait3A_295 = tpu.memref_slice %arg11[%add3A_286, %dma_wait3A_294] : memref<78x128xi32, #tpu.memory_space<vmem>> -> memref<1x128xi32, #tpu.memory_space<vmem>>
      %dma_wait3A_296 = tpu.memref_squeeze %dma_wait3A_295 : memref<1x128xi32, #tpu.memory_space<vmem>> -> memref<128xi32, #tpu.memory_space<vmem>>
      %dma_wait3A_297 = arith.constant 0 : i32
      %dma_wait3A_298 = arith.constant 0 : i32
      %dma_wait3A_299 = tpu.memref_slice %arg17[%dma_wait3A_297, %dma_wait3A_298] : memref<10240x16xf32, #tpu.memory_space<vmem_shared>> -> memref<10240x16xf32, #tpu.memory_space<vmem_shared>>
      %dma_wait3A_300 = tpu.memref_slice %arg18[%rem3A_263] : memref<2x!tpu.dma_semaphore, #tpu.memory_space<semaphore_mem>> -> memref<1x!tpu.dma_semaphore, #tpu.memory_space<semaphore_mem>>
      %dma_wait3A_301 = tpu.memref_squeeze %dma_wait3A_300 : memref<1x!tpu.dma_semaphore, #tpu.memory_space<semaphore_mem>> -> memref<!tpu.dma_semaphore, #tpu.memory_space<semaphore_mem>>
      tpu.wait_indirect_dma semaphore(%dma_wait3A_301 : memref<!tpu.dma_semaphore, #tpu.memory_space<semaphore_mem>>) src(%dma_wait3A_299 : memref<10240x16xf32, #tpu.memory_space<vmem_shared>>) dst(%dma_wait3A_293 : memref<128x16xf32, #tpu.memory_space<vmem>>)
      %mul3A_302 = arith.constant 6 : i32
      %mul3A_303 = arith.muli %scan3A_262, %mul3A_302 : i32
      %add3A_304 = arith.constant 2 : i32
      %add3A_305 = arith.addi %mul3A_303, %add3A_304 : i32
      %dma_wait3A_306 = arith.constant 0 : i32
      %dma_wait3A_307 = arith.constant 0 : i32
      %dma_wait3A_308 = tpu.memref_slice %arg15[%rem3A_263, %dma_wait3A_306, %dma_wait3A_307] : memref<2x768x16xf32, #tpu.memory_space<vmem>> -> memref<1x768x16xf32, #tpu.memory_space<vmem>>
      %dma_wait3A_309 = tpu.memref_squeeze %dma_wait3A_308 : memref<1x768x16xf32, #tpu.memory_space<vmem>> -> memref<768x16xf32, #tpu.memory_space<vmem>>
      %dma_wait3A_310 = arith.constant 256 : i32
      %dma_wait3A_311 = arith.constant 0 : i32
      %dma_wait3A_312 = tpu.memref_slice %dma_wait3A_309[%dma_wait3A_310, %dma_wait3A_311] : memref<768x16xf32, #tpu.memory_space<vmem>> -> memref<128x16xf32, #tpu.memory_space<vmem>>
      %dma_wait3A_313 = arith.constant 0 : i32
      %dma_wait3A_314 = tpu.memref_slice %arg11[%add3A_305, %dma_wait3A_313] : memref<78x128xi32, #tpu.memory_space<vmem>> -> memref<1x128xi32, #tpu.memory_space<vmem>>
      %dma_wait3A_315 = tpu.memref_squeeze %dma_wait3A_314 : memref<1x128xi32, #tpu.memory_space<vmem>> -> memref<128xi32, #tpu.memory_space<vmem>>
      %dma_wait3A_316 = arith.constant 0 : i32
      %dma_wait3A_317 = arith.constant 0 : i32
      %dma_wait3A_318 = tpu.memref_slice %arg17[%dma_wait3A_316, %dma_wait3A_317] : memref<10240x16xf32, #tpu.memory_space<vmem_shared>> -> memref<10240x16xf32, #tpu.memory_space<vmem_shared>>
      %dma_wait3A_319 = tpu.memref_slice %arg18[%rem3A_263] : memref<2x!tpu.dma_semaphore, #tpu.memory_space<semaphore_mem>> -> memref<1x!tpu.dma_semaphore, #tpu.memory_space<semaphore_mem>>
      %dma_wait3A_320 = tpu.memref_squeeze %dma_wait3A_319 : memref<1x!tpu.dma_semaphore, #tpu.memory_space<semaphore_mem>> -> memref<!tpu.dma_semaphore, #tpu.memory_space<semaphore_mem>>
      tpu.wait_indirect_dma semaphore(%dma_wait3A_320 : memref<!tpu.dma_semaphore, #tpu.memory_space<semaphore_mem>>) src(%dma_wait3A_318 : memref<10240x16xf32, #tpu.memory_space<vmem_shared>>) dst(%dma_wait3A_312 : memref<128x16xf32, #tpu.memory_space<vmem>>)
      %mul3A_321 = arith.constant 6 : i32
      %mul3A_322 = arith.muli %scan3A_262, %mul3A_321 : i32
      %add3A_323 = arith.constant 3 : i32
      %add3A_324 = arith.addi %mul3A_322, %add3A_323 : i32
      %dma_wait3A_325 = arith.constant 0 : i32
      %dma_wait3A_326 = arith.constant 0 : i32
      %dma_wait3A_327 = tpu.memref_slice %arg15[%rem3A_263, %dma_wait3A_325, %dma_wait3A_326] : memref<2x768x16xf32, #tpu.memory_space<vmem>> -> memref<1x768x16xf32, #tpu.memory_space<vmem>>
      %dma_wait3A_328 = tpu.memref_squeeze %dma_wait3A_327 : memref<1x768x16xf32, #tpu.memory_space<vmem>> -> memref<768x16xf32, #tpu.memory_space<vmem>>
      %dma_wait3A_329 = arith.constant 384 : i32
      %dma_wait3A_330 = arith.constant 0 : i32
      %dma_wait3A_331 = tpu.memref_slice %dma_wait3A_328[%dma_wait3A_329, %dma_wait3A_330] : memref<768x16xf32, #tpu.memory_space<vmem>> -> memref<128x16xf32, #tpu.memory_space<vmem>>
      %dma_wait3A_332 = arith.constant 0 : i32
      %dma_wait3A_333 = tpu.memref_slice %arg11[%add3A_324, %dma_wait3A_332] : memref<78x128xi32, #tpu.memory_space<vmem>> -> memref<1x128xi32, #tpu.memory_space<vmem>>
      %dma_wait3A_334 = tpu.memref_squeeze %dma_wait3A_333 : memref<1x128xi32, #tpu.memory_space<vmem>> -> memref<128xi32, #tpu.memory_space<vmem>>
      %dma_wait3A_335 = arith.constant 0 : i32
      %dma_wait3A_336 = arith.constant 0 : i32
      %dma_wait3A_337 = tpu.memref_slice %arg17[%dma_wait3A_335, %dma_wait3A_336] : memref<10240x16xf32, #tpu.memory_space<vmem_shared>> -> memref<10240x16xf32, #tpu.memory_space<vmem_shared>>
      %dma_wait3A_338 = tpu.memref_slice %arg18[%rem3A_263] : memref<2x!tpu.dma_semaphore, #tpu.memory_space<semaphore_mem>> -> memref<1x!tpu.dma_semaphore, #tpu.memory_space<semaphore_mem>>
      %dma_wait3A_339 = tpu.memref_squeeze %dma_wait3A_338 : memref<1x!tpu.dma_semaphore, #tpu.memory_space<semaphore_mem>> -> memref<!tpu.dma_semaphore, #tpu.memory_space<semaphore_mem>>
      tpu.wait_indirect_dma semaphore(%dma_wait3A_339 : memref<!tpu.dma_semaphore, #tpu.memory_space<semaphore_mem>>) src(%dma_wait3A_337 : memref<10240x16xf32, #tpu.memory_space<vmem_shared>>) dst(%dma_wait3A_331 : memref<128x16xf32, #tpu.memory_space<vmem>>)
      %mul3A_340 = arith.constant 6 : i32
      %mul3A_341 = arith.muli %scan3A_262, %mul3A_340 : i32
      %add3A_342 = arith.constant 4 : i32
      %add3A_343 = arith.addi %mul3A_341, %add3A_342 : i32
      %dma_wait3A_344 = arith.constant 0 : i32
      %dma_wait3A_345 = arith.constant 0 : i32
      %dma_wait3A_346 = tpu.memref_slice %arg15[%rem3A_263, %dma_wait3A_344, %dma_wait3A_345] : memref<2x768x16xf32, #tpu.memory_space<vmem>> -> memref<1x768x16xf32, #tpu.memory_space<vmem>>
      %dma_wait3A_347 = tpu.memref_squeeze %dma_wait3A_346 : memref<1x768x16xf32, #tpu.memory_space<vmem>> -> memref<768x16xf32, #tpu.memory_space<vmem>>
      %dma_wait3A_348 = arith.constant 512 : i32
      %dma_wait3A_349 = arith.constant 0 : i32
      %dma_wait3A_350 = tpu.memref_slice %dma_wait3A_347[%dma_wait3A_348, %dma_wait3A_349] : memref<768x16xf32, #tpu.memory_space<vmem>> -> memref<128x16xf32, #tpu.memory_space<vmem>>
      %dma_wait3A_351 = arith.constant 0 : i32
      %dma_wait3A_352 = tpu.memref_slice %arg11[%add3A_343, %dma_wait3A_351] : memref<78x128xi32, #tpu.memory_space<vmem>> -> memref<1x128xi32, #tpu.memory_space<vmem>>
      %dma_wait3A_353 = tpu.memref_squeeze %dma_wait3A_352 : memref<1x128xi32, #tpu.memory_space<vmem>> -> memref<128xi32, #tpu.memory_space<vmem>>
      %dma_wait3A_354 = arith.constant 0 : i32
      %dma_wait3A_355 = arith.constant 0 : i32
      %dma_wait3A_356 = tpu.memref_slice %arg17[%dma_wait3A_354, %dma_wait3A_355] : memref<10240x16xf32, #tpu.memory_space<vmem_shared>> -> memref<10240x16xf32, #tpu.memory_space<vmem_shared>>
      %dma_wait3A_357 = tpu.memref_slice %arg18[%rem3A_263] : memref<2x!tpu.dma_semaphore, #tpu.memory_space<semaphore_mem>> -> memref<1x!tpu.dma_semaphore, #tpu.memory_space<semaphore_mem>>
      %dma_wait3A_358 = tpu.memref_squeeze %dma_wait3A_357 : memref<1x!tpu.dma_semaphore, #tpu.memory_space<semaphore_mem>> -> memref<!tpu.dma_semaphore, #tpu.memory_space<semaphore_mem>>
      tpu.wait_indirect_dma semaphore(%dma_wait3A_358 : memref<!tpu.dma_semaphore, #tpu.memory_space<semaphore_mem>>) src(%dma_wait3A_356 : memref<10240x16xf32, #tpu.memory_space<vmem_shared>>) dst(%dma_wait3A_350 : memref<128x16xf32, #tpu.memory_space<vmem>>)
      %mul3A_359 = arith.constant 6 : i32
      %mul3A_360 = arith.muli %scan3A_262, %mul3A_359 : i32
      %add3A_361 = arith.constant 5 : i32
      %add3A_362 = arith.addi %mul3A_360, %add3A_361 : i32
      %dma_wait3A_363 = arith.constant 0 : i32
      %dma_wait3A_364 = arith.constant 0 : i32
      %dma_wait3A_365 = tpu.memref_slice %arg15[%rem3A_263, %dma_wait3A_363, %dma_wait3A_364] : memref<2x768x16xf32, #tpu.memory_space<vmem>> -> memref<1x768x16xf32, #tpu.memory_space<vmem>>
      %dma_wait3A_366 = tpu.memref_squeeze %dma_wait3A_365 : memref<1x768x16xf32, #tpu.memory_space<vmem>> -> memref<768x16xf32, #tpu.memory_space<vmem>>
      %dma_wait3A_367 = arith.constant 640 : i32
      %dma_wait3A_368 = arith.constant 0 : i32
      %dma_wait3A_369 = tpu.memref_slice %dma_wait3A_366[%dma_wait3A_367, %dma_wait3A_368] : memref<768x16xf32, #tpu.memory_space<vmem>> -> memref<128x16xf32, #tpu.memory_space<vmem>>
      %dma_wait3A_370 = arith.constant 0 : i32
      %dma_wait3A_371 = tpu.memref_slice %arg11[%add3A_362, %dma_wait3A_370] : memref<78x128xi32, #tpu.memory_space<vmem>> -> memref<1x128xi32, #tpu.memory_space<vmem>>
      %dma_wait3A_372 = tpu.memref_squeeze %dma_wait3A_371 : memref<1x128xi32, #tpu.memory_space<vmem>> -> memref<128xi32, #tpu.memory_space<vmem>>
      %dma_wait3A_373 = arith.constant 0 : i32
      %dma_wait3A_374 = arith.constant 0 : i32
      %dma_wait3A_375 = tpu.memref_slice %arg17[%dma_wait3A_373, %dma_wait3A_374] : memref<10240x16xf32, #tpu.memory_space<vmem_shared>> -> memref<10240x16xf32, #tpu.memory_space<vmem_shared>>
      %dma_wait3A_376 = tpu.memref_slice %arg18[%rem3A_263] : memref<2x!tpu.dma_semaphore, #tpu.memory_space<semaphore_mem>> -> memref<1x!tpu.dma_semaphore, #tpu.memory_space<semaphore_mem>>
      %dma_wait3A_377 = tpu.memref_squeeze %dma_wait3A_376 : memref<1x!tpu.dma_semaphore, #tpu.memory_space<semaphore_mem>> -> memref<!tpu.dma_semaphore, #tpu.memory_space<semaphore_mem>>
      tpu.wait_indirect_dma semaphore(%dma_wait3A_377 : memref<!tpu.dma_semaphore, #tpu.memory_space<semaphore_mem>>) src(%dma_wait3A_375 : memref<10240x16xf32, #tpu.memory_space<vmem_shared>>) dst(%dma_wait3A_369 : memref<128x16xf32, #tpu.memory_space<vmem>>)
      %ge3A = arith.constant 1 : i32
      %ge3A_378 = arith.cmpi sge, %scan3A_262, %ge3A : i32
      %convert_element_type3A_379 = arith.extui %ge3A_378 : i1 to i32
      %cond3A_380 = arith.constant 0 : i32
      %cond3A_381 = arith.cmpi ne, %convert_element_type3A_379, %cond3A_380 : i32
      scf.if %cond3A_381 {
        %sub3A = arith.constant 1 : i32
        %sub3A_503 = arith.subi %scan3A_262, %sub3A : i32
        %sub3A_504 = arith.constant 1 : i32
        %sub3A_505 = arith.subi %sub3A_504, %rem3A_263 : i32
        %mul3A_506 = arith.constant 6 : i32
        %mul3A_507 = arith.muli %sub3A_503, %mul3A_506 : i32
        %add3A_508 = arith.constant 0 : i32
        %add3A_509 = arith.addi %mul3A_507, %add3A_508 : i32
        %dma_wait3A_510 = arith.constant 0 : i32
        %dma_wait3A_511 = arith.constant 0 : i32
        %dma_wait3A_512 = tpu.memref_slice %arg15[%sub3A_505, %dma_wait3A_510, %dma_wait3A_511] : memref<2x768x16xf32, #tpu.memory_space<vmem>> -> memref<1x768x16xf32, #tpu.memory_space<vmem>>
        %dma_wait3A_513 = tpu.memref_squeeze %dma_wait3A_512 : memref<1x768x16xf32, #tpu.memory_space<vmem>> -> memref<768x16xf32, #tpu.memory_space<vmem>>
        %dma_wait3A_514 = arith.constant 0 : i32
        %dma_wait3A_515 = arith.constant 0 : i32
        %dma_wait3A_516 = tpu.memref_slice %dma_wait3A_513[%dma_wait3A_514, %dma_wait3A_515] : memref<768x16xf32, #tpu.memory_space<vmem>> -> memref<128x16xf32, #tpu.memory_space<vmem>>
        %dma_wait3A_517 = arith.constant 0 : i32
        %dma_wait3A_518 = tpu.memref_slice %arg12[%add3A_509, %dma_wait3A_517] : memref<78x128xi32, #tpu.memory_space<vmem>> -> memref<1x128xi32, #tpu.memory_space<vmem>>
        %dma_wait3A_519 = tpu.memref_squeeze %dma_wait3A_518 : memref<1x128xi32, #tpu.memory_space<vmem>> -> memref<128xi32, #tpu.memory_space<vmem>>
        %dma_wait3A_520 = arith.constant 0 : i32
        %dma_wait3A_521 = arith.constant 0 : i32
        %dma_wait3A_522 = tpu.memref_slice %arg16[%dma_wait3A_520, %dma_wait3A_521] : memref<10240x16xf32, #tpu.memory_space<vmem_shared>> -> memref<10240x16xf32, #tpu.memory_space<vmem_shared>>
        %dma_wait3A_523 = tpu.memref_slice %arg19[%sub3A_505] : memref<2x!tpu.dma_semaphore, #tpu.memory_space<semaphore_mem>> -> memref<1x!tpu.dma_semaphore, #tpu.memory_space<semaphore_mem>>
        %dma_wait3A_524 = tpu.memref_squeeze %dma_wait3A_523 : memref<1x!tpu.dma_semaphore, #tpu.memory_space<semaphore_mem>> -> memref<!tpu.dma_semaphore, #tpu.memory_space<semaphore_mem>>
        tpu.wait_indirect_dma semaphore(%dma_wait3A_524 : memref<!tpu.dma_semaphore, #tpu.memory_space<semaphore_mem>>) src(%dma_wait3A_516 : memref<128x16xf32, #tpu.memory_space<vmem>>) dst(%dma_wait3A_522 : memref<10240x16xf32, #tpu.memory_space<vmem_shared>>)
        %mul3A_525 = arith.constant 6 : i32
        %mul3A_526 = arith.muli %sub3A_503, %mul3A_525 : i32
        %add3A_527 = arith.constant 1 : i32
        %add3A_528 = arith.addi %mul3A_526, %add3A_527 : i32
        %dma_wait3A_529 = arith.constant 0 : i32
        %dma_wait3A_530 = arith.constant 0 : i32
        %dma_wait3A_531 = tpu.memref_slice %arg15[%sub3A_505, %dma_wait3A_529, %dma_wait3A_530] : memref<2x768x16xf32, #tpu.memory_space<vmem>> -> memref<1x768x16xf32, #tpu.memory_space<vmem>>
        %dma_wait3A_532 = tpu.memref_squeeze %dma_wait3A_531 : memref<1x768x16xf32, #tpu.memory_space<vmem>> -> memref<768x16xf32, #tpu.memory_space<vmem>>
        %dma_wait3A_533 = arith.constant 128 : i32
        %dma_wait3A_534 = arith.constant 0 : i32
        %dma_wait3A_535 = tpu.memref_slice %dma_wait3A_532[%dma_wait3A_533, %dma_wait3A_534] : memref<768x16xf32, #tpu.memory_space<vmem>> -> memref<128x16xf32, #tpu.memory_space<vmem>>
        %dma_wait3A_536 = arith.constant 0 : i32
        %dma_wait3A_537 = tpu.memref_slice %arg12[%add3A_528, %dma_wait3A_536] : memref<78x128xi32, #tpu.memory_space<vmem>> -> memref<1x128xi32, #tpu.memory_space<vmem>>
        %dma_wait3A_538 = tpu.memref_squeeze %dma_wait3A_537 : memref<1x128xi32, #tpu.memory_space<vmem>> -> memref<128xi32, #tpu.memory_space<vmem>>
        %dma_wait3A_539 = arith.constant 0 : i32
        %dma_wait3A_540 = arith.constant 0 : i32
        %dma_wait3A_541 = tpu.memref_slice %arg16[%dma_wait3A_539, %dma_wait3A_540] : memref<10240x16xf32, #tpu.memory_space<vmem_shared>> -> memref<10240x16xf32, #tpu.memory_space<vmem_shared>>
        %dma_wait3A_542 = tpu.memref_slice %arg19[%sub3A_505] : memref<2x!tpu.dma_semaphore, #tpu.memory_space<semaphore_mem>> -> memref<1x!tpu.dma_semaphore, #tpu.memory_space<semaphore_mem>>
        %dma_wait3A_543 = tpu.memref_squeeze %dma_wait3A_542 : memref<1x!tpu.dma_semaphore, #tpu.memory_space<semaphore_mem>> -> memref<!tpu.dma_semaphore, #tpu.memory_space<semaphore_mem>>
        tpu.wait_indirect_dma semaphore(%dma_wait3A_543 : memref<!tpu.dma_semaphore, #tpu.memory_space<semaphore_mem>>) src(%dma_wait3A_535 : memref<128x16xf32, #tpu.memory_space<vmem>>) dst(%dma_wait3A_541 : memref<10240x16xf32, #tpu.memory_space<vmem_shared>>)
        %mul3A_544 = arith.constant 6 : i32
        %mul3A_545 = arith.muli %sub3A_503, %mul3A_544 : i32
        %add3A_546 = arith.constant 2 : i32
        %add3A_547 = arith.addi %mul3A_545, %add3A_546 : i32
        %dma_wait3A_548 = arith.constant 0 : i32
        %dma_wait3A_549 = arith.constant 0 : i32
        %dma_wait3A_550 = tpu.memref_slice %arg15[%sub3A_505, %dma_wait3A_548, %dma_wait3A_549] : memref<2x768x16xf32, #tpu.memory_space<vmem>> -> memref<1x768x16xf32, #tpu.memory_space<vmem>>
        %dma_wait3A_551 = tpu.memref_squeeze %dma_wait3A_550 : memref<1x768x16xf32, #tpu.memory_space<vmem>> -> memref<768x16xf32, #tpu.memory_space<vmem>>
        %dma_wait3A_552 = arith.constant 256 : i32
        %dma_wait3A_553 = arith.constant 0 : i32
        %dma_wait3A_554 = tpu.memref_slice %dma_wait3A_551[%dma_wait3A_552, %dma_wait3A_553] : memref<768x16xf32, #tpu.memory_space<vmem>> -> memref<128x16xf32, #tpu.memory_space<vmem>>
        %dma_wait3A_555 = arith.constant 0 : i32
        %dma_wait3A_556 = tpu.memref_slice %arg12[%add3A_547, %dma_wait3A_555] : memref<78x128xi32, #tpu.memory_space<vmem>> -> memref<1x128xi32, #tpu.memory_space<vmem>>
        %dma_wait3A_557 = tpu.memref_squeeze %dma_wait3A_556 : memref<1x128xi32, #tpu.memory_space<vmem>> -> memref<128xi32, #tpu.memory_space<vmem>>
        %dma_wait3A_558 = arith.constant 0 : i32
        %dma_wait3A_559 = arith.constant 0 : i32
        %dma_wait3A_560 = tpu.memref_slice %arg16[%dma_wait3A_558, %dma_wait3A_559] : memref<10240x16xf32, #tpu.memory_space<vmem_shared>> -> memref<10240x16xf32, #tpu.memory_space<vmem_shared>>
        %dma_wait3A_561 = tpu.memref_slice %arg19[%sub3A_505] : memref<2x!tpu.dma_semaphore, #tpu.memory_space<semaphore_mem>> -> memref<1x!tpu.dma_semaphore, #tpu.memory_space<semaphore_mem>>
        %dma_wait3A_562 = tpu.memref_squeeze %dma_wait3A_561 : memref<1x!tpu.dma_semaphore, #tpu.memory_space<semaphore_mem>> -> memref<!tpu.dma_semaphore, #tpu.memory_space<semaphore_mem>>
        tpu.wait_indirect_dma semaphore(%dma_wait3A_562 : memref<!tpu.dma_semaphore, #tpu.memory_space<semaphore_mem>>) src(%dma_wait3A_554 : memref<128x16xf32, #tpu.memory_space<vmem>>) dst(%dma_wait3A_560 : memref<10240x16xf32, #tpu.memory_space<vmem_shared>>)
        %mul3A_563 = arith.constant 6 : i32
        %mul3A_564 = arith.muli %sub3A_503, %mul3A_563 : i32
        %add3A_565 = arith.constant 3 : i32
        %add3A_566 = arith.addi %mul3A_564, %add3A_565 : i32
        %dma_wait3A_567 = arith.constant 0 : i32
        %dma_wait3A_568 = arith.constant 0 : i32
        %dma_wait3A_569 = tpu.memref_slice %arg15[%sub3A_505, %dma_wait3A_567, %dma_wait3A_568] : memref<2x768x16xf32, #tpu.memory_space<vmem>> -> memref<1x768x16xf32, #tpu.memory_space<vmem>>
        %dma_wait3A_570 = tpu.memref_squeeze %dma_wait3A_569 : memref<1x768x16xf32, #tpu.memory_space<vmem>> -> memref<768x16xf32, #tpu.memory_space<vmem>>
        %dma_wait3A_571 = arith.constant 384 : i32
        %dma_wait3A_572 = arith.constant 0 : i32
        %dma_wait3A_573 = tpu.memref_slice %dma_wait3A_570[%dma_wait3A_571, %dma_wait3A_572] : memref<768x16xf32, #tpu.memory_space<vmem>> -> memref<128x16xf32, #tpu.memory_space<vmem>>
        %dma_wait3A_574 = arith.constant 0 : i32
        %dma_wait3A_575 = tpu.memref_slice %arg12[%add3A_566, %dma_wait3A_574] : memref<78x128xi32, #tpu.memory_space<vmem>> -> memref<1x128xi32, #tpu.memory_space<vmem>>
        %dma_wait3A_576 = tpu.memref_squeeze %dma_wait3A_575 : memref<1x128xi32, #tpu.memory_space<vmem>> -> memref<128xi32, #tpu.memory_space<vmem>>
        %dma_wait3A_577 = arith.constant 0 : i32
        %dma_wait3A_578 = arith.constant 0 : i32
        %dma_wait3A_579 = tpu.memref_slice %arg16[%dma_wait3A_577, %dma_wait3A_578] : memref<10240x16xf32, #tpu.memory_space<vmem_shared>> -> memref<10240x16xf32, #tpu.memory_space<vmem_shared>>
        %dma_wait3A_580 = tpu.memref_slice %arg19[%sub3A_505] : memref<2x!tpu.dma_semaphore, #tpu.memory_space<semaphore_mem>> -> memref<1x!tpu.dma_semaphore, #tpu.memory_space<semaphore_mem>>
        %dma_wait3A_581 = tpu.memref_squeeze %dma_wait3A_580 : memref<1x!tpu.dma_semaphore, #tpu.memory_space<semaphore_mem>> -> memref<!tpu.dma_semaphore, #tpu.memory_space<semaphore_mem>>
        tpu.wait_indirect_dma semaphore(%dma_wait3A_581 : memref<!tpu.dma_semaphore, #tpu.memory_space<semaphore_mem>>) src(%dma_wait3A_573 : memref<128x16xf32, #tpu.memory_space<vmem>>) dst(%dma_wait3A_579 : memref<10240x16xf32, #tpu.memory_space<vmem_shared>>)
        %mul3A_582 = arith.constant 6 : i32
        %mul3A_583 = arith.muli %sub3A_503, %mul3A_582 : i32
        %add3A_584 = arith.constant 4 : i32
        %add3A_585 = arith.addi %mul3A_583, %add3A_584 : i32
        %dma_wait3A_586 = arith.constant 0 : i32
        %dma_wait3A_587 = arith.constant 0 : i32
        %dma_wait3A_588 = tpu.memref_slice %arg15[%sub3A_505, %dma_wait3A_586, %dma_wait3A_587] : memref<2x768x16xf32, #tpu.memory_space<vmem>> -> memref<1x768x16xf32, #tpu.memory_space<vmem>>
        %dma_wait3A_589 = tpu.memref_squeeze %dma_wait3A_588 : memref<1x768x16xf32, #tpu.memory_space<vmem>> -> memref<768x16xf32, #tpu.memory_space<vmem>>
        %dma_wait3A_590 = arith.constant 512 : i32
        %dma_wait3A_591 = arith.constant 0 : i32
        %dma_wait3A_592 = tpu.memref_slice %dma_wait3A_589[%dma_wait3A_590, %dma_wait3A_591] : memref<768x16xf32, #tpu.memory_space<vmem>> -> memref<128x16xf32, #tpu.memory_space<vmem>>
        %dma_wait3A_593 = arith.constant 0 : i32
        %dma_wait3A_594 = tpu.memref_slice %arg12[%add3A_585, %dma_wait3A_593] : memref<78x128xi32, #tpu.memory_space<vmem>> -> memref<1x128xi32, #tpu.memory_space<vmem>>
        %dma_wait3A_595 = tpu.memref_squeeze %dma_wait3A_594 : memref<1x128xi32, #tpu.memory_space<vmem>> -> memref<128xi32, #tpu.memory_space<vmem>>
        %dma_wait3A_596 = arith.constant 0 : i32
        %dma_wait3A_597 = arith.constant 0 : i32
        %dma_wait3A_598 = tpu.memref_slice %arg16[%dma_wait3A_596, %dma_wait3A_597] : memref<10240x16xf32, #tpu.memory_space<vmem_shared>> -> memref<10240x16xf32, #tpu.memory_space<vmem_shared>>
        %dma_wait3A_599 = tpu.memref_slice %arg19[%sub3A_505] : memref<2x!tpu.dma_semaphore, #tpu.memory_space<semaphore_mem>> -> memref<1x!tpu.dma_semaphore, #tpu.memory_space<semaphore_mem>>
        %dma_wait3A_600 = tpu.memref_squeeze %dma_wait3A_599 : memref<1x!tpu.dma_semaphore, #tpu.memory_space<semaphore_mem>> -> memref<!tpu.dma_semaphore, #tpu.memory_space<semaphore_mem>>
        tpu.wait_indirect_dma semaphore(%dma_wait3A_600 : memref<!tpu.dma_semaphore, #tpu.memory_space<semaphore_mem>>) src(%dma_wait3A_592 : memref<128x16xf32, #tpu.memory_space<vmem>>) dst(%dma_wait3A_598 : memref<10240x16xf32, #tpu.memory_space<vmem_shared>>)
        %mul3A_601 = arith.constant 6 : i32
        %mul3A_602 = arith.muli %sub3A_503, %mul3A_601 : i32
        %add3A_603 = arith.constant 5 : i32
        %add3A_604 = arith.addi %mul3A_602, %add3A_603 : i32
        %dma_wait3A_605 = arith.constant 0 : i32
        %dma_wait3A_606 = arith.constant 0 : i32
        %dma_wait3A_607 = tpu.memref_slice %arg15[%sub3A_505, %dma_wait3A_605, %dma_wait3A_606] : memref<2x768x16xf32, #tpu.memory_space<vmem>> -> memref<1x768x16xf32, #tpu.memory_space<vmem>>
        %dma_wait3A_608 = tpu.memref_squeeze %dma_wait3A_607 : memref<1x768x16xf32, #tpu.memory_space<vmem>> -> memref<768x16xf32, #tpu.memory_space<vmem>>
        %dma_wait3A_609 = arith.constant 640 : i32
        %dma_wait3A_610 = arith.constant 0 : i32
        %dma_wait3A_611 = tpu.memref_slice %dma_wait3A_608[%dma_wait3A_609, %dma_wait3A_610] : memref<768x16xf32, #tpu.memory_space<vmem>> -> memref<128x16xf32, #tpu.memory_space<vmem>>
        %dma_wait3A_612 = arith.constant 0 : i32
        %dma_wait3A_613 = tpu.memref_slice %arg12[%add3A_604, %dma_wait3A_612] : memref<78x128xi32, #tpu.memory_space<vmem>> -> memref<1x128xi32, #tpu.memory_space<vmem>>
        %dma_wait3A_614 = tpu.memref_squeeze %dma_wait3A_613 : memref<1x128xi32, #tpu.memory_space<vmem>> -> memref<128xi32, #tpu.memory_space<vmem>>
        %dma_wait3A_615 = arith.constant 0 : i32
        %dma_wait3A_616 = arith.constant 0 : i32
        %dma_wait3A_617 = tpu.memref_slice %arg16[%dma_wait3A_615, %dma_wait3A_616] : memref<10240x16xf32, #tpu.memory_space<vmem_shared>> -> memref<10240x16xf32, #tpu.memory_space<vmem_shared>>
        %dma_wait3A_618 = tpu.memref_slice %arg19[%sub3A_505] : memref<2x!tpu.dma_semaphore, #tpu.memory_space<semaphore_mem>> -> memref<1x!tpu.dma_semaphore, #tpu.memory_space<semaphore_mem>>
        %dma_wait3A_619 = tpu.memref_squeeze %dma_wait3A_618 : memref<1x!tpu.dma_semaphore, #tpu.memory_space<semaphore_mem>> -> memref<!tpu.dma_semaphore, #tpu.memory_space<semaphore_mem>>
        tpu.wait_indirect_dma semaphore(%dma_wait3A_619 : memref<!tpu.dma_semaphore, #tpu.memory_space<semaphore_mem>>) src(%dma_wait3A_611 : memref<128x16xf32, #tpu.memory_space<vmem>>) dst(%dma_wait3A_617 : memref<10240x16xf32, #tpu.memory_space<vmem_shared>>)
      } else {
      }
      %add3A_382 = arith.constant 1 : i32
      %add3A_383 = arith.addi %scan3A_262, %add3A_382 : i32
      %lt3A_384 = arith.constant 13 : i32
      %lt3A_385 = arith.cmpi slt, %add3A_383, %lt3A_384 : i32
      %convert_element_type3A_386 = arith.extui %lt3A_385 : i1 to i32
      %cond3A_387 = arith.constant 0 : i32
      %cond3A_388 = arith.cmpi ne, %convert_element_type3A_386, %cond3A_387 : i32
      scf.if %cond3A_388 {
        %add3A_503 = arith.constant 1 : i32
        %add3A_504 = arith.addi %scan3A_262, %add3A_503 : i32
        %sub3A = arith.constant 1 : i32
        %sub3A_505 = arith.subi %sub3A, %rem3A_263 : i32
        %mul3A_506 = arith.constant 6 : i32
        %mul3A_507 = arith.muli %add3A_504, %mul3A_506 : i32
        %add3A_508 = arith.constant 0 : i32
        %add3A_509 = arith.addi %mul3A_507, %add3A_508 : i32
        %dma_start3A_510 = arith.constant 0 : i32
        %dma_start3A_511 = arith.constant 0 : i32
        %dma_start3A_512 = tpu.memref_slice %arg15[%sub3A_505, %dma_start3A_510, %dma_start3A_511] : memref<2x768x16xf32, #tpu.memory_space<vmem>> -> memref<1x768x16xf32, #tpu.memory_space<vmem>>
        %dma_start3A_513 = tpu.memref_squeeze %dma_start3A_512 : memref<1x768x16xf32, #tpu.memory_space<vmem>> -> memref<768x16xf32, #tpu.memory_space<vmem>>
        %dma_start3A_514 = arith.constant 0 : i32
        %dma_start3A_515 = arith.constant 0 : i32
        %dma_start3A_516 = tpu.memref_slice %dma_start3A_513[%dma_start3A_514, %dma_start3A_515] : memref<768x16xf32, #tpu.memory_space<vmem>> -> memref<128x16xf32, #tpu.memory_space<vmem>>
        %dma_start3A_517 = arith.constant 0 : i32
        %dma_start3A_518 = tpu.memref_slice %arg11[%add3A_509, %dma_start3A_517] : memref<78x128xi32, #tpu.memory_space<vmem>> -> memref<1x128xi32, #tpu.memory_space<vmem>>
        %dma_start3A_519 = tpu.memref_squeeze %dma_start3A_518 : memref<1x128xi32, #tpu.memory_space<vmem>> -> memref<128xi32, #tpu.memory_space<vmem>>
        %dma_start3A_520 = arith.constant 0 : i32
        %dma_start3A_521 = arith.constant 0 : i32
        %dma_start3A_522 = tpu.memref_slice %arg17[%dma_start3A_520, %dma_start3A_521] : memref<10240x16xf32, #tpu.memory_space<vmem_shared>> -> memref<10240x16xf32, #tpu.memory_space<vmem_shared>>
        %dma_start3A_523 = tpu.memref_slice %arg18[%sub3A_505] : memref<2x!tpu.dma_semaphore, #tpu.memory_space<semaphore_mem>> -> memref<1x!tpu.dma_semaphore, #tpu.memory_space<semaphore_mem>>
        %dma_start3A_524 = tpu.memref_squeeze %dma_start3A_523 : memref<1x!tpu.dma_semaphore, #tpu.memory_space<semaphore_mem>> -> memref<!tpu.dma_semaphore, #tpu.memory_space<semaphore_mem>>
        tpu.enqueue_indirect_dma source(%dma_start3A_522 : memref<10240x16xf32, #tpu.memory_space<vmem_shared>>) target(%dma_start3A_516 : memref<128x16xf32, #tpu.memory_space<vmem>>) offsets(%dma_start3A_519 : memref<128xi32, #tpu.memory_space<vmem>>) semaphore(%dma_start3A_524 : memref<!tpu.dma_semaphore, #tpu.memory_space<semaphore_mem>>)
        %mul3A_525 = arith.constant 6 : i32
        %mul3A_526 = arith.muli %add3A_504, %mul3A_525 : i32
        %add3A_527 = arith.constant 1 : i32
        %add3A_528 = arith.addi %mul3A_526, %add3A_527 : i32
        %dma_start3A_529 = arith.constant 0 : i32
        %dma_start3A_530 = arith.constant 0 : i32
        %dma_start3A_531 = tpu.memref_slice %arg15[%sub3A_505, %dma_start3A_529, %dma_start3A_530] : memref<2x768x16xf32, #tpu.memory_space<vmem>> -> memref<1x768x16xf32, #tpu.memory_space<vmem>>
        %dma_start3A_532 = tpu.memref_squeeze %dma_start3A_531 : memref<1x768x16xf32, #tpu.memory_space<vmem>> -> memref<768x16xf32, #tpu.memory_space<vmem>>
        %dma_start3A_533 = arith.constant 128 : i32
        %dma_start3A_534 = arith.constant 0 : i32
        %dma_start3A_535 = tpu.memref_slice %dma_start3A_532[%dma_start3A_533, %dma_start3A_534] : memref<768x16xf32, #tpu.memory_space<vmem>> -> memref<128x16xf32, #tpu.memory_space<vmem>>
        %dma_start3A_536 = arith.constant 0 : i32
        %dma_start3A_537 = tpu.memref_slice %arg11[%add3A_528, %dma_start3A_536] : memref<78x128xi32, #tpu.memory_space<vmem>> -> memref<1x128xi32, #tpu.memory_space<vmem>>
        %dma_start3A_538 = tpu.memref_squeeze %dma_start3A_537 : memref<1x128xi32, #tpu.memory_space<vmem>> -> memref<128xi32, #tpu.memory_space<vmem>>
        %dma_start3A_539 = arith.constant 0 : i32
        %dma_start3A_540 = arith.constant 0 : i32
        %dma_start3A_541 = tpu.memref_slice %arg17[%dma_start3A_539, %dma_start3A_540] : memref<10240x16xf32, #tpu.memory_space<vmem_shared>> -> memref<10240x16xf32, #tpu.memory_space<vmem_shared>>
        %dma_start3A_542 = tpu.memref_slice %arg18[%sub3A_505] : memref<2x!tpu.dma_semaphore, #tpu.memory_space<semaphore_mem>> -> memref<1x!tpu.dma_semaphore, #tpu.memory_space<semaphore_mem>>
        %dma_start3A_543 = tpu.memref_squeeze %dma_start3A_542 : memref<1x!tpu.dma_semaphore, #tpu.memory_space<semaphore_mem>> -> memref<!tpu.dma_semaphore, #tpu.memory_space<semaphore_mem>>
        tpu.enqueue_indirect_dma source(%dma_start3A_541 : memref<10240x16xf32, #tpu.memory_space<vmem_shared>>) target(%dma_start3A_535 : memref<128x16xf32, #tpu.memory_space<vmem>>) offsets(%dma_start3A_538 : memref<128xi32, #tpu.memory_space<vmem>>) semaphore(%dma_start3A_543 : memref<!tpu.dma_semaphore, #tpu.memory_space<semaphore_mem>>)
        %mul3A_544 = arith.constant 6 : i32
        %mul3A_545 = arith.muli %add3A_504, %mul3A_544 : i32
        %add3A_546 = arith.constant 2 : i32
        %add3A_547 = arith.addi %mul3A_545, %add3A_546 : i32
        %dma_start3A_548 = arith.constant 0 : i32
        %dma_start3A_549 = arith.constant 0 : i32
        %dma_start3A_550 = tpu.memref_slice %arg15[%sub3A_505, %dma_start3A_548, %dma_start3A_549] : memref<2x768x16xf32, #tpu.memory_space<vmem>> -> memref<1x768x16xf32, #tpu.memory_space<vmem>>
        %dma_start3A_551 = tpu.memref_squeeze %dma_start3A_550 : memref<1x768x16xf32, #tpu.memory_space<vmem>> -> memref<768x16xf32, #tpu.memory_space<vmem>>
        %dma_start3A_552 = arith.constant 256 : i32
        %dma_start3A_553 = arith.constant 0 : i32
        %dma_start3A_554 = tpu.memref_slice %dma_start3A_551[%dma_start3A_552, %dma_start3A_553] : memref<768x16xf32, #tpu.memory_space<vmem>> -> memref<128x16xf32, #tpu.memory_space<vmem>>
        %dma_start3A_555 = arith.constant 0 : i32
        %dma_start3A_556 = tpu.memref_slice %arg11[%add3A_547, %dma_start3A_555] : memref<78x128xi32, #tpu.memory_space<vmem>> -> memref<1x128xi32, #tpu.memory_space<vmem>>
        %dma_start3A_557 = tpu.memref_squeeze %dma_start3A_556 : memref<1x128xi32, #tpu.memory_space<vmem>> -> memref<128xi32, #tpu.memory_space<vmem>>
        %dma_start3A_558 = arith.constant 0 : i32
        %dma_start3A_559 = arith.constant 0 : i32
        %dma_start3A_560 = tpu.memref_slice %arg17[%dma_start3A_558, %dma_start3A_559] : memref<10240x16xf32, #tpu.memory_space<vmem_shared>> -> memref<10240x16xf32, #tpu.memory_space<vmem_shared>>
        %dma_start3A_561 = tpu.memref_slice %arg18[%sub3A_505] : memref<2x!tpu.dma_semaphore, #tpu.memory_space<semaphore_mem>> -> memref<1x!tpu.dma_semaphore, #tpu.memory_space<semaphore_mem>>
        %dma_start3A_562 = tpu.memref_squeeze %dma_start3A_561 : memref<1x!tpu.dma_semaphore, #tpu.memory_space<semaphore_mem>> -> memref<!tpu.dma_semaphore, #tpu.memory_space<semaphore_mem>>
        tpu.enqueue_indirect_dma source(%dma_start3A_560 : memref<10240x16xf32, #tpu.memory_space<vmem_shared>>) target(%dma_start3A_554 : memref<128x16xf32, #tpu.memory_space<vmem>>) offsets(%dma_start3A_557 : memref<128xi32, #tpu.memory_space<vmem>>) semaphore(%dma_start3A_562 : memref<!tpu.dma_semaphore, #tpu.memory_space<semaphore_mem>>)
        %mul3A_563 = arith.constant 6 : i32
        %mul3A_564 = arith.muli %add3A_504, %mul3A_563 : i32
        %add3A_565 = arith.constant 3 : i32
        %add3A_566 = arith.addi %mul3A_564, %add3A_565 : i32
        %dma_start3A_567 = arith.constant 0 : i32
        %dma_start3A_568 = arith.constant 0 : i32
        %dma_start3A_569 = tpu.memref_slice %arg15[%sub3A_505, %dma_start3A_567, %dma_start3A_568] : memref<2x768x16xf32, #tpu.memory_space<vmem>> -> memref<1x768x16xf32, #tpu.memory_space<vmem>>
        %dma_start3A_570 = tpu.memref_squeeze %dma_start3A_569 : memref<1x768x16xf32, #tpu.memory_space<vmem>> -> memref<768x16xf32, #tpu.memory_space<vmem>>
        %dma_start3A_571 = arith.constant 384 : i32
        %dma_start3A_572 = arith.constant 0 : i32
        %dma_start3A_573 = tpu.memref_slice %dma_start3A_570[%dma_start3A_571, %dma_start3A_572] : memref<768x16xf32, #tpu.memory_space<vmem>> -> memref<128x16xf32, #tpu.memory_space<vmem>>
        %dma_start3A_574 = arith.constant 0 : i32
        %dma_start3A_575 = tpu.memref_slice %arg11[%add3A_566, %dma_start3A_574] : memref<78x128xi32, #tpu.memory_space<vmem>> -> memref<1x128xi32, #tpu.memory_space<vmem>>
        %dma_start3A_576 = tpu.memref_squeeze %dma_start3A_575 : memref<1x128xi32, #tpu.memory_space<vmem>> -> memref<128xi32, #tpu.memory_space<vmem>>
        %dma_start3A_577 = arith.constant 0 : i32
        %dma_start3A_578 = arith.constant 0 : i32
        %dma_start3A_579 = tpu.memref_slice %arg17[%dma_start3A_577, %dma_start3A_578] : memref<10240x16xf32, #tpu.memory_space<vmem_shared>> -> memref<10240x16xf32, #tpu.memory_space<vmem_shared>>
        %dma_start3A_580 = tpu.memref_slice %arg18[%sub3A_505] : memref<2x!tpu.dma_semaphore, #tpu.memory_space<semaphore_mem>> -> memref<1x!tpu.dma_semaphore, #tpu.memory_space<semaphore_mem>>
        %dma_start3A_581 = tpu.memref_squeeze %dma_start3A_580 : memref<1x!tpu.dma_semaphore, #tpu.memory_space<semaphore_mem>> -> memref<!tpu.dma_semaphore, #tpu.memory_space<semaphore_mem>>
        tpu.enqueue_indirect_dma source(%dma_start3A_579 : memref<10240x16xf32, #tpu.memory_space<vmem_shared>>) target(%dma_start3A_573 : memref<128x16xf32, #tpu.memory_space<vmem>>) offsets(%dma_start3A_576 : memref<128xi32, #tpu.memory_space<vmem>>) semaphore(%dma_start3A_581 : memref<!tpu.dma_semaphore, #tpu.memory_space<semaphore_mem>>)
        %mul3A_582 = arith.constant 6 : i32
        %mul3A_583 = arith.muli %add3A_504, %mul3A_582 : i32
        %add3A_584 = arith.constant 4 : i32
        %add3A_585 = arith.addi %mul3A_583, %add3A_584 : i32
        %dma_start3A_586 = arith.constant 0 : i32
        %dma_start3A_587 = arith.constant 0 : i32
        %dma_start3A_588 = tpu.memref_slice %arg15[%sub3A_505, %dma_start3A_586, %dma_start3A_587] : memref<2x768x16xf32, #tpu.memory_space<vmem>> -> memref<1x768x16xf32, #tpu.memory_space<vmem>>
        %dma_start3A_589 = tpu.memref_squeeze %dma_start3A_588 : memref<1x768x16xf32, #tpu.memory_space<vmem>> -> memref<768x16xf32, #tpu.memory_space<vmem>>
        %dma_start3A_590 = arith.constant 512 : i32
        %dma_start3A_591 = arith.constant 0 : i32
        %dma_start3A_592 = tpu.memref_slice %dma_start3A_589[%dma_start3A_590, %dma_start3A_591] : memref<768x16xf32, #tpu.memory_space<vmem>> -> memref<128x16xf32, #tpu.memory_space<vmem>>
        %dma_start3A_593 = arith.constant 0 : i32
        %dma_start3A_594 = tpu.memref_slice %arg11[%add3A_585, %dma_start3A_593] : memref<78x128xi32, #tpu.memory_space<vmem>> -> memref<1x128xi32, #tpu.memory_space<vmem>>
        %dma_start3A_595 = tpu.memref_squeeze %dma_start3A_594 : memref<1x128xi32, #tpu.memory_space<vmem>> -> memref<128xi32, #tpu.memory_space<vmem>>
        %dma_start3A_596 = arith.constant 0 : i32
        %dma_start3A_597 = arith.constant 0 : i32
        %dma_start3A_598 = tpu.memref_slice %arg17[%dma_start3A_596, %dma_start3A_597] : memref<10240x16xf32, #tpu.memory_space<vmem_shared>> -> memref<10240x16xf32, #tpu.memory_space<vmem_shared>>
        %dma_start3A_599 = tpu.memref_slice %arg18[%sub3A_505] : memref<2x!tpu.dma_semaphore, #tpu.memory_space<semaphore_mem>> -> memref<1x!tpu.dma_semaphore, #tpu.memory_space<semaphore_mem>>
        %dma_start3A_600 = tpu.memref_squeeze %dma_start3A_599 : memref<1x!tpu.dma_semaphore, #tpu.memory_space<semaphore_mem>> -> memref<!tpu.dma_semaphore, #tpu.memory_space<semaphore_mem>>
        tpu.enqueue_indirect_dma source(%dma_start3A_598 : memref<10240x16xf32, #tpu.memory_space<vmem_shared>>) target(%dma_start3A_592 : memref<128x16xf32, #tpu.memory_space<vmem>>) offsets(%dma_start3A_595 : memref<128xi32, #tpu.memory_space<vmem>>) semaphore(%dma_start3A_600 : memref<!tpu.dma_semaphore, #tpu.memory_space<semaphore_mem>>)
        %mul3A_601 = arith.constant 6 : i32
        %mul3A_602 = arith.muli %add3A_504, %mul3A_601 : i32
        %add3A_603 = arith.constant 5 : i32
        %add3A_604 = arith.addi %mul3A_602, %add3A_603 : i32
        %dma_start3A_605 = arith.constant 0 : i32
        %dma_start3A_606 = arith.constant 0 : i32
        %dma_start3A_607 = tpu.memref_slice %arg15[%sub3A_505, %dma_start3A_605, %dma_start3A_606] : memref<2x768x16xf32, #tpu.memory_space<vmem>> -> memref<1x768x16xf32, #tpu.memory_space<vmem>>
        %dma_start3A_608 = tpu.memref_squeeze %dma_start3A_607 : memref<1x768x16xf32, #tpu.memory_space<vmem>> -> memref<768x16xf32, #tpu.memory_space<vmem>>
        %dma_start3A_609 = arith.constant 640 : i32
        %dma_start3A_610 = arith.constant 0 : i32
        %dma_start3A_611 = tpu.memref_slice %dma_start3A_608[%dma_start3A_609, %dma_start3A_610] : memref<768x16xf32, #tpu.memory_space<vmem>> -> memref<128x16xf32, #tpu.memory_space<vmem>>
        %dma_start3A_612 = arith.constant 0 : i32
        %dma_start3A_613 = tpu.memref_slice %arg11[%add3A_604, %dma_start3A_612] : memref<78x128xi32, #tpu.memory_space<vmem>> -> memref<1x128xi32, #tpu.memory_space<vmem>>
        %dma_start3A_614 = tpu.memref_squeeze %dma_start3A_613 : memref<1x128xi32, #tpu.memory_space<vmem>> -> memref<128xi32, #tpu.memory_space<vmem>>
        %dma_start3A_615 = arith.constant 0 : i32
        %dma_start3A_616 = arith.constant 0 : i32
        %dma_start3A_617 = tpu.memref_slice %arg17[%dma_start3A_615, %dma_start3A_616] : memref<10240x16xf32, #tpu.memory_space<vmem_shared>> -> memref<10240x16xf32, #tpu.memory_space<vmem_shared>>
        %dma_start3A_618 = tpu.memref_slice %arg18[%sub3A_505] : memref<2x!tpu.dma_semaphore, #tpu.memory_space<semaphore_mem>> -> memref<1x!tpu.dma_semaphore, #tpu.memory_space<semaphore_mem>>
        %dma_start3A_619 = tpu.memref_squeeze %dma_start3A_618 : memref<1x!tpu.dma_semaphore, #tpu.memory_space<semaphore_mem>> -> memref<!tpu.dma_semaphore, #tpu.memory_space<semaphore_mem>>
        tpu.enqueue_indirect_dma source(%dma_start3A_617 : memref<10240x16xf32, #tpu.memory_space<vmem_shared>>) target(%dma_start3A_611 : memref<128x16xf32, #tpu.memory_space<vmem>>) offsets(%dma_start3A_614 : memref<128xi32, #tpu.memory_space<vmem>>) semaphore(%dma_start3A_619 : memref<!tpu.dma_semaphore, #tpu.memory_space<semaphore_mem>>)
      } else {
      }
      %mul3A_389 = arith.constant 6 : i32
      %mul3A_390 = arith.muli %scan3A_262, %mul3A_389 : i32
      %add3A_391 = arith.constant 0 : i32
      %add3A_392 = arith.addi %mul3A_390, %add3A_391 : i32
      %dma_start3A_393 = arith.constant 0 : i32
      %dma_start3A_394 = arith.constant 0 : i32
      %dma_start3A_395 = tpu.memref_slice %arg15[%rem3A_263, %dma_start3A_393, %dma_start3A_394] : memref<2x768x16xf32, #tpu.memory_space<vmem>> -> memref<1x768x16xf32, #tpu.memory_space<vmem>>
      %dma_start3A_396 = tpu.memref_squeeze %dma_start3A_395 : memref<1x768x16xf32, #tpu.memory_space<vmem>> -> memref<768x16xf32, #tpu.memory_space<vmem>>
      %dma_start3A_397 = arith.constant 0 : i32
      %dma_start3A_398 = arith.constant 0 : i32
      %dma_start3A_399 = tpu.memref_slice %dma_start3A_396[%dma_start3A_397, %dma_start3A_398] : memref<768x16xf32, #tpu.memory_space<vmem>> -> memref<128x16xf32, #tpu.memory_space<vmem>>
      %dma_start3A_400 = arith.constant 0 : i32
      %dma_start3A_401 = tpu.memref_slice %arg12[%add3A_392, %dma_start3A_400] : memref<78x128xi32, #tpu.memory_space<vmem>> -> memref<1x128xi32, #tpu.memory_space<vmem>>
      %dma_start3A_402 = tpu.memref_squeeze %dma_start3A_401 : memref<1x128xi32, #tpu.memory_space<vmem>> -> memref<128xi32, #tpu.memory_space<vmem>>
      %dma_start3A_403 = arith.constant 0 : i32
      %dma_start3A_404 = arith.constant 0 : i32
      %dma_start3A_405 = tpu.memref_slice %arg16[%dma_start3A_403, %dma_start3A_404] : memref<10240x16xf32, #tpu.memory_space<vmem_shared>> -> memref<10240x16xf32, #tpu.memory_space<vmem_shared>>
      %dma_start3A_406 = tpu.memref_slice %arg19[%rem3A_263] : memref<2x!tpu.dma_semaphore, #tpu.memory_space<semaphore_mem>> -> memref<1x!tpu.dma_semaphore, #tpu.memory_space<semaphore_mem>>
      %dma_start3A_407 = tpu.memref_squeeze %dma_start3A_406 : memref<1x!tpu.dma_semaphore, #tpu.memory_space<semaphore_mem>> -> memref<!tpu.dma_semaphore, #tpu.memory_space<semaphore_mem>>
      tpu.enqueue_indirect_dma source(%dma_start3A_399 : memref<128x16xf32, #tpu.memory_space<vmem>>) target(%dma_start3A_405 : memref<10240x16xf32, #tpu.memory_space<vmem_shared>>) offsets(%dma_start3A_402 : memref<128xi32, #tpu.memory_space<vmem>>) semaphore(%dma_start3A_407 : memref<!tpu.dma_semaphore, #tpu.memory_space<semaphore_mem>>) {add = true}
      %mul3A_408 = arith.constant 6 : i32
      %mul3A_409 = arith.muli %scan3A_262, %mul3A_408 : i32
      %add3A_410 = arith.constant 1 : i32
      %add3A_411 = arith.addi %mul3A_409, %add3A_410 : i32
      %dma_start3A_412 = arith.constant 0 : i32
      %dma_start3A_413 = arith.constant 0 : i32
      %dma_start3A_414 = tpu.memref_slice %arg15[%rem3A_263, %dma_start3A_412, %dma_start3A_413] : memref<2x768x16xf32, #tpu.memory_space<vmem>> -> memref<1x768x16xf32, #tpu.memory_space<vmem>>
      %dma_start3A_415 = tpu.memref_squeeze %dma_start3A_414 : memref<1x768x16xf32, #tpu.memory_space<vmem>> -> memref<768x16xf32, #tpu.memory_space<vmem>>
      %dma_start3A_416 = arith.constant 128 : i32
      %dma_start3A_417 = arith.constant 0 : i32
      %dma_start3A_418 = tpu.memref_slice %dma_start3A_415[%dma_start3A_416, %dma_start3A_417] : memref<768x16xf32, #tpu.memory_space<vmem>> -> memref<128x16xf32, #tpu.memory_space<vmem>>
      %dma_start3A_419 = arith.constant 0 : i32
      %dma_start3A_420 = tpu.memref_slice %arg12[%add3A_411, %dma_start3A_419] : memref<78x128xi32, #tpu.memory_space<vmem>> -> memref<1x128xi32, #tpu.memory_space<vmem>>
      %dma_start3A_421 = tpu.memref_squeeze %dma_start3A_420 : memref<1x128xi32, #tpu.memory_space<vmem>> -> memref<128xi32, #tpu.memory_space<vmem>>
      %dma_start3A_422 = arith.constant 0 : i32
      %dma_start3A_423 = arith.constant 0 : i32
      %dma_start3A_424 = tpu.memref_slice %arg16[%dma_start3A_422, %dma_start3A_423] : memref<10240x16xf32, #tpu.memory_space<vmem_shared>> -> memref<10240x16xf32, #tpu.memory_space<vmem_shared>>
      %dma_start3A_425 = tpu.memref_slice %arg19[%rem3A_263] : memref<2x!tpu.dma_semaphore, #tpu.memory_space<semaphore_mem>> -> memref<1x!tpu.dma_semaphore, #tpu.memory_space<semaphore_mem>>
      %dma_start3A_426 = tpu.memref_squeeze %dma_start3A_425 : memref<1x!tpu.dma_semaphore, #tpu.memory_space<semaphore_mem>> -> memref<!tpu.dma_semaphore, #tpu.memory_space<semaphore_mem>>
      tpu.enqueue_indirect_dma source(%dma_start3A_418 : memref<128x16xf32, #tpu.memory_space<vmem>>) target(%dma_start3A_424 : memref<10240x16xf32, #tpu.memory_space<vmem_shared>>) offsets(%dma_start3A_421 : memref<128xi32, #tpu.memory_space<vmem>>) semaphore(%dma_start3A_426 : memref<!tpu.dma_semaphore, #tpu.memory_space<semaphore_mem>>) {add = true}
      %mul3A_427 = arith.constant 6 : i32
      %mul3A_428 = arith.muli %scan3A_262, %mul3A_427 : i32
      %add3A_429 = arith.constant 2 : i32
      %add3A_430 = arith.addi %mul3A_428, %add3A_429 : i32
      %dma_start3A_431 = arith.constant 0 : i32
      %dma_start3A_432 = arith.constant 0 : i32
      %dma_start3A_433 = tpu.memref_slice %arg15[%rem3A_263, %dma_start3A_431, %dma_start3A_432] : memref<2x768x16xf32, #tpu.memory_space<vmem>> -> memref<1x768x16xf32, #tpu.memory_space<vmem>>
      %dma_start3A_434 = tpu.memref_squeeze %dma_start3A_433 : memref<1x768x16xf32, #tpu.memory_space<vmem>> -> memref<768x16xf32, #tpu.memory_space<vmem>>
      %dma_start3A_435 = arith.constant 256 : i32
      %dma_start3A_436 = arith.constant 0 : i32
      %dma_start3A_437 = tpu.memref_slice %dma_start3A_434[%dma_start3A_435, %dma_start3A_436] : memref<768x16xf32, #tpu.memory_space<vmem>> -> memref<128x16xf32, #tpu.memory_space<vmem>>
      %dma_start3A_438 = arith.constant 0 : i32
      %dma_start3A_439 = tpu.memref_slice %arg12[%add3A_430, %dma_start3A_438] : memref<78x128xi32, #tpu.memory_space<vmem>> -> memref<1x128xi32, #tpu.memory_space<vmem>>
      %dma_start3A_440 = tpu.memref_squeeze %dma_start3A_439 : memref<1x128xi32, #tpu.memory_space<vmem>> -> memref<128xi32, #tpu.memory_space<vmem>>
      %dma_start3A_441 = arith.constant 0 : i32
      %dma_start3A_442 = arith.constant 0 : i32
      %dma_start3A_443 = tpu.memref_slice %arg16[%dma_start3A_441, %dma_start3A_442] : memref<10240x16xf32, #tpu.memory_space<vmem_shared>> -> memref<10240x16xf32, #tpu.memory_space<vmem_shared>>
      %dma_start3A_444 = tpu.memref_slice %arg19[%rem3A_263] : memref<2x!tpu.dma_semaphore, #tpu.memory_space<semaphore_mem>> -> memref<1x!tpu.dma_semaphore, #tpu.memory_space<semaphore_mem>>
      %dma_start3A_445 = tpu.memref_squeeze %dma_start3A_444 : memref<1x!tpu.dma_semaphore, #tpu.memory_space<semaphore_mem>> -> memref<!tpu.dma_semaphore, #tpu.memory_space<semaphore_mem>>
      tpu.enqueue_indirect_dma source(%dma_start3A_437 : memref<128x16xf32, #tpu.memory_space<vmem>>) target(%dma_start3A_443 : memref<10240x16xf32, #tpu.memory_space<vmem_shared>>) offsets(%dma_start3A_440 : memref<128xi32, #tpu.memory_space<vmem>>) semaphore(%dma_start3A_445 : memref<!tpu.dma_semaphore, #tpu.memory_space<semaphore_mem>>) {add = true}
      %mul3A_446 = arith.constant 6 : i32
      %mul3A_447 = arith.muli %scan3A_262, %mul3A_446 : i32
      %add3A_448 = arith.constant 3 : i32
      %add3A_449 = arith.addi %mul3A_447, %add3A_448 : i32
      %dma_start3A_450 = arith.constant 0 : i32
      %dma_start3A_451 = arith.constant 0 : i32
      %dma_start3A_452 = tpu.memref_slice %arg15[%rem3A_263, %dma_start3A_450, %dma_start3A_451] : memref<2x768x16xf32, #tpu.memory_space<vmem>> -> memref<1x768x16xf32, #tpu.memory_space<vmem>>
      %dma_start3A_453 = tpu.memref_squeeze %dma_start3A_452 : memref<1x768x16xf32, #tpu.memory_space<vmem>> -> memref<768x16xf32, #tpu.memory_space<vmem>>
      %dma_start3A_454 = arith.constant 384 : i32
      %dma_start3A_455 = arith.constant 0 : i32
      %dma_start3A_456 = tpu.memref_slice %dma_start3A_453[%dma_start3A_454, %dma_start3A_455] : memref<768x16xf32, #tpu.memory_space<vmem>> -> memref<128x16xf32, #tpu.memory_space<vmem>>
      %dma_start3A_457 = arith.constant 0 : i32
      %dma_start3A_458 = tpu.memref_slice %arg12[%add3A_449, %dma_start3A_457] : memref<78x128xi32, #tpu.memory_space<vmem>> -> memref<1x128xi32, #tpu.memory_space<vmem>>
      %dma_start3A_459 = tpu.memref_squeeze %dma_start3A_458 : memref<1x128xi32, #tpu.memory_space<vmem>> -> memref<128xi32, #tpu.memory_space<vmem>>
      %dma_start3A_460 = arith.constant 0 : i32
      %dma_start3A_461 = arith.constant 0 : i32
      %dma_start3A_462 = tpu.memref_slice %arg16[%dma_start3A_460, %dma_start3A_461] : memref<10240x16xf32, #tpu.memory_space<vmem_shared>> -> memref<10240x16xf32, #tpu.memory_space<vmem_shared>>
      %dma_start3A_463 = tpu.memref_slice %arg19[%rem3A_263] : memref<2x!tpu.dma_semaphore, #tpu.memory_space<semaphore_mem>> -> memref<1x!tpu.dma_semaphore, #tpu.memory_space<semaphore_mem>>
      %dma_start3A_464 = tpu.memref_squeeze %dma_start3A_463 : memref<1x!tpu.dma_semaphore, #tpu.memory_space<semaphore_mem>> -> memref<!tpu.dma_semaphore, #tpu.memory_space<semaphore_mem>>
      tpu.enqueue_indirect_dma source(%dma_start3A_456 : memref<128x16xf32, #tpu.memory_space<vmem>>) target(%dma_start3A_462 : memref<10240x16xf32, #tpu.memory_space<vmem_shared>>) offsets(%dma_start3A_459 : memref<128xi32, #tpu.memory_space<vmem>>) semaphore(%dma_start3A_464 : memref<!tpu.dma_semaphore, #tpu.memory_space<semaphore_mem>>) {add = true}
      %mul3A_465 = arith.constant 6 : i32
      %mul3A_466 = arith.muli %scan3A_262, %mul3A_465 : i32
      %add3A_467 = arith.constant 4 : i32
      %add3A_468 = arith.addi %mul3A_466, %add3A_467 : i32
      %dma_start3A_469 = arith.constant 0 : i32
      %dma_start3A_470 = arith.constant 0 : i32
      %dma_start3A_471 = tpu.memref_slice %arg15[%rem3A_263, %dma_start3A_469, %dma_start3A_470] : memref<2x768x16xf32, #tpu.memory_space<vmem>> -> memref<1x768x16xf32, #tpu.memory_space<vmem>>
      %dma_start3A_472 = tpu.memref_squeeze %dma_start3A_471 : memref<1x768x16xf32, #tpu.memory_space<vmem>> -> memref<768x16xf32, #tpu.memory_space<vmem>>
      %dma_start3A_473 = arith.constant 512 : i32
      %dma_start3A_474 = arith.constant 0 : i32
      %dma_start3A_475 = tpu.memref_slice %dma_start3A_472[%dma_start3A_473, %dma_start3A_474] : memref<768x16xf32, #tpu.memory_space<vmem>> -> memref<128x16xf32, #tpu.memory_space<vmem>>
      %dma_start3A_476 = arith.constant 0 : i32
      %dma_start3A_477 = tpu.memref_slice %arg12[%add3A_468, %dma_start3A_476] : memref<78x128xi32, #tpu.memory_space<vmem>> -> memref<1x128xi32, #tpu.memory_space<vmem>>
      %dma_start3A_478 = tpu.memref_squeeze %dma_start3A_477 : memref<1x128xi32, #tpu.memory_space<vmem>> -> memref<128xi32, #tpu.memory_space<vmem>>
      %dma_start3A_479 = arith.constant 0 : i32
      %dma_start3A_480 = arith.constant 0 : i32
      %dma_start3A_481 = tpu.memref_slice %arg16[%dma_start3A_479, %dma_start3A_480] : memref<10240x16xf32, #tpu.memory_space<vmem_shared>> -> memref<10240x16xf32, #tpu.memory_space<vmem_shared>>
      %dma_start3A_482 = tpu.memref_slice %arg19[%rem3A_263] : memref<2x!tpu.dma_semaphore, #tpu.memory_space<semaphore_mem>> -> memref<1x!tpu.dma_semaphore, #tpu.memory_space<semaphore_mem>>
      %dma_start3A_483 = tpu.memref_squeeze %dma_start3A_482 : memref<1x!tpu.dma_semaphore, #tpu.memory_space<semaphore_mem>> -> memref<!tpu.dma_semaphore, #tpu.memory_space<semaphore_mem>>
      tpu.enqueue_indirect_dma source(%dma_start3A_475 : memref<128x16xf32, #tpu.memory_space<vmem>>) target(%dma_start3A_481 : memref<10240x16xf32, #tpu.memory_space<vmem_shared>>) offsets(%dma_start3A_478 : memref<128xi32, #tpu.memory_space<vmem>>) semaphore(%dma_start3A_483 : memref<!tpu.dma_semaphore, #tpu.memory_space<semaphore_mem>>) {add = true}
      %mul3A_484 = arith.constant 6 : i32
      %mul3A_485 = arith.muli %scan3A_262, %mul3A_484 : i32
      %add3A_486 = arith.constant 5 : i32
      %add3A_487 = arith.addi %mul3A_485, %add3A_486 : i32
      %dma_start3A_488 = arith.constant 0 : i32
      %dma_start3A_489 = arith.constant 0 : i32
      %dma_start3A_490 = tpu.memref_slice %arg15[%rem3A_263, %dma_start3A_488, %dma_start3A_489] : memref<2x768x16xf32, #tpu.memory_space<vmem>> -> memref<1x768x16xf32, #tpu.memory_space<vmem>>
      %dma_start3A_491 = tpu.memref_squeeze %dma_start3A_490 : memref<1x768x16xf32, #tpu.memory_space<vmem>> -> memref<768x16xf32, #tpu.memory_space<vmem>>
      %dma_start3A_492 = arith.constant 640 : i32
      %dma_start3A_493 = arith.constant 0 : i32
      %dma_start3A_494 = tpu.memref_slice %dma_start3A_491[%dma_start3A_492, %dma_start3A_493] : memref<768x16xf32, #tpu.memory_space<vmem>> -> memref<128x16xf32, #tpu.memory_space<vmem>>
      %dma_start3A_495 = arith.constant 0 : i32
      %dma_start3A_496 = tpu.memref_slice %arg12[%add3A_487, %dma_start3A_495] : memref<78x128xi32, #tpu.memory_space<vmem>> -> memref<1x128xi32, #tpu.memory_space<vmem>>
      %dma_start3A_497 = tpu.memref_squeeze %dma_start3A_496 : memref<1x128xi32, #tpu.memory_space<vmem>> -> memref<128xi32, #tpu.memory_space<vmem>>
      %dma_start3A_498 = arith.constant 0 : i32
      %dma_start3A_499 = arith.constant 0 : i32
      %dma_start3A_500 = tpu.memref_slice %arg16[%dma_start3A_498, %dma_start3A_499] : memref<10240x16xf32, #tpu.memory_space<vmem_shared>> -> memref<10240x16xf32, #tpu.memory_space<vmem_shared>>
      %dma_start3A_501 = tpu.memref_slice %arg19[%rem3A_263] : memref<2x!tpu.dma_semaphore, #tpu.memory_space<semaphore_mem>> -> memref<1x!tpu.dma_semaphore, #tpu.memory_space<semaphore_mem>>
      %dma_start3A_502 = tpu.memref_squeeze %dma_start3A_501 : memref<1x!tpu.dma_semaphore, #tpu.memory_space<semaphore_mem>> -> memref<!tpu.dma_semaphore, #tpu.memory_space<semaphore_mem>>
      tpu.enqueue_indirect_dma source(%dma_start3A_494 : memref<128x16xf32, #tpu.memory_space<vmem>>) target(%dma_start3A_500 : memref<10240x16xf32, #tpu.memory_space<vmem_shared>>) offsets(%dma_start3A_497 : memref<128xi32, #tpu.memory_space<vmem>>) semaphore(%dma_start3A_502 : memref<!tpu.dma_semaphore, #tpu.memory_space<semaphore_mem>>) {add = true}
    }
    %scan3A_138 = arith.constant 13 : i32
    %dma_wait3A = arith.constant 0 : i32
    %dma_wait3A_139 = arith.constant 72 : i32
    %dma_wait3A_140 = arith.constant 0 : i32
    %dma_wait3A_141 = arith.constant 0 : i32
    %dma_wait3A_142 = arith.constant 0 : i32
    %dma_wait3A_143 = tpu.memref_slice %arg15[%dma_wait3A, %dma_wait3A_141, %dma_wait3A_142] : memref<2x768x16xf32, #tpu.memory_space<vmem>> -> memref<1x768x16xf32, #tpu.memory_space<vmem>>
    %dma_wait3A_144 = tpu.memref_squeeze %dma_wait3A_143 : memref<1x768x16xf32, #tpu.memory_space<vmem>> -> memref<768x16xf32, #tpu.memory_space<vmem>>
    %dma_wait3A_145 = arith.constant 0 : i32
    %dma_wait3A_146 = arith.constant 0 : i32
    %dma_wait3A_147 = tpu.memref_slice %dma_wait3A_144[%dma_wait3A_145, %dma_wait3A_146] : memref<768x16xf32, #tpu.memory_space<vmem>> -> memref<128x16xf32, #tpu.memory_space<vmem>>
    %dma_wait3A_148 = arith.constant 0 : i32
    %dma_wait3A_149 = tpu.memref_slice %arg12[%dma_wait3A_139, %dma_wait3A_148] : memref<78x128xi32, #tpu.memory_space<vmem>> -> memref<1x128xi32, #tpu.memory_space<vmem>>
    %dma_wait3A_150 = tpu.memref_squeeze %dma_wait3A_149 : memref<1x128xi32, #tpu.memory_space<vmem>> -> memref<128xi32, #tpu.memory_space<vmem>>
    %dma_wait3A_151 = arith.constant 0 : i32
    %dma_wait3A_152 = arith.constant 0 : i32
    %dma_wait3A_153 = tpu.memref_slice %arg16[%dma_wait3A_151, %dma_wait3A_152] : memref<10240x16xf32, #tpu.memory_space<vmem_shared>> -> memref<10240x16xf32, #tpu.memory_space<vmem_shared>>
    %dma_wait3A_154 = tpu.memref_slice %arg19[%dma_wait3A_140] : memref<2x!tpu.dma_semaphore, #tpu.memory_space<semaphore_mem>> -> memref<1x!tpu.dma_semaphore, #tpu.memory_space<semaphore_mem>>
    %dma_wait3A_155 = tpu.memref_squeeze %dma_wait3A_154 : memref<1x!tpu.dma_semaphore, #tpu.memory_space<semaphore_mem>> -> memref<!tpu.dma_semaphore, #tpu.memory_space<semaphore_mem>>
    tpu.wait_indirect_dma semaphore(%dma_wait3A_155 : memref<!tpu.dma_semaphore, #tpu.memory_space<semaphore_mem>>) src(%dma_wait3A_147 : memref<128x16xf32, #tpu.memory_space<vmem>>) dst(%dma_wait3A_153 : memref<10240x16xf32, #tpu.memory_space<vmem_shared>>)
    %dma_wait3A_156 = arith.constant 0 : i32
    %dma_wait3A_157 = arith.constant 73 : i32
    %dma_wait3A_158 = arith.constant 0 : i32
    %dma_wait3A_159 = arith.constant 0 : i32
    %dma_wait3A_160 = arith.constant 0 : i32
    %dma_wait3A_161 = tpu.memref_slice %arg15[%dma_wait3A_156, %dma_wait3A_159, %dma_wait3A_160] : memref<2x768x16xf32, #tpu.memory_space<vmem>> -> memref<1x768x16xf32, #tpu.memory_space<vmem>>
    %dma_wait3A_162 = tpu.memref_squeeze %dma_wait3A_161 : memref<1x768x16xf32, #tpu.memory_space<vmem>> -> memref<768x16xf32, #tpu.memory_space<vmem>>
    %dma_wait3A_163 = arith.constant 128 : i32
    %dma_wait3A_164 = arith.constant 0 : i32
    %dma_wait3A_165 = tpu.memref_slice %dma_wait3A_162[%dma_wait3A_163, %dma_wait3A_164] : memref<768x16xf32, #tpu.memory_space<vmem>> -> memref<128x16xf32, #tpu.memory_space<vmem>>
    %dma_wait3A_166 = arith.constant 0 : i32
    %dma_wait3A_167 = tpu.memref_slice %arg12[%dma_wait3A_157, %dma_wait3A_166] : memref<78x128xi32, #tpu.memory_space<vmem>> -> memref<1x128xi32, #tpu.memory_space<vmem>>
    %dma_wait3A_168 = tpu.memref_squeeze %dma_wait3A_167 : memref<1x128xi32, #tpu.memory_space<vmem>> -> memref<128xi32, #tpu.memory_space<vmem>>
    %dma_wait3A_169 = arith.constant 0 : i32
    %dma_wait3A_170 = arith.constant 0 : i32
    %dma_wait3A_171 = tpu.memref_slice %arg16[%dma_wait3A_169, %dma_wait3A_170] : memref<10240x16xf32, #tpu.memory_space<vmem_shared>> -> memref<10240x16xf32, #tpu.memory_space<vmem_shared>>
    %dma_wait3A_172 = tpu.memref_slice %arg19[%dma_wait3A_158] : memref<2x!tpu.dma_semaphore, #tpu.memory_space<semaphore_mem>> -> memref<1x!tpu.dma_semaphore, #tpu.memory_space<semaphore_mem>>
    %dma_wait3A_173 = tpu.memref_squeeze %dma_wait3A_172 : memref<1x!tpu.dma_semaphore, #tpu.memory_space<semaphore_mem>> -> memref<!tpu.dma_semaphore, #tpu.memory_space<semaphore_mem>>
    tpu.wait_indirect_dma semaphore(%dma_wait3A_173 : memref<!tpu.dma_semaphore, #tpu.memory_space<semaphore_mem>>) src(%dma_wait3A_165 : memref<128x16xf32, #tpu.memory_space<vmem>>) dst(%dma_wait3A_171 : memref<10240x16xf32, #tpu.memory_space<vmem_shared>>)
    %dma_wait3A_174 = arith.constant 0 : i32
    %dma_wait3A_175 = arith.constant 74 : i32
    %dma_wait3A_176 = arith.constant 0 : i32
    %dma_wait3A_177 = arith.constant 0 : i32
    %dma_wait3A_178 = arith.constant 0 : i32
    %dma_wait3A_179 = tpu.memref_slice %arg15[%dma_wait3A_174, %dma_wait3A_177, %dma_wait3A_178] : memref<2x768x16xf32, #tpu.memory_space<vmem>> -> memref<1x768x16xf32, #tpu.memory_space<vmem>>
    %dma_wait3A_180 = tpu.memref_squeeze %dma_wait3A_179 : memref<1x768x16xf32, #tpu.memory_space<vmem>> -> memref<768x16xf32, #tpu.memory_space<vmem>>
    %dma_wait3A_181 = arith.constant 256 : i32
    %dma_wait3A_182 = arith.constant 0 : i32
    %dma_wait3A_183 = tpu.memref_slice %dma_wait3A_180[%dma_wait3A_181, %dma_wait3A_182] : memref<768x16xf32, #tpu.memory_space<vmem>> -> memref<128x16xf32, #tpu.memory_space<vmem>>
    %dma_wait3A_184 = arith.constant 0 : i32
    %dma_wait3A_185 = tpu.memref_slice %arg12[%dma_wait3A_175, %dma_wait3A_184] : memref<78x128xi32, #tpu.memory_space<vmem>> -> memref<1x128xi32, #tpu.memory_space<vmem>>
    %dma_wait3A_186 = tpu.memref_squeeze %dma_wait3A_185 : memref<1x128xi32, #tpu.memory_space<vmem>> -> memref<128xi32, #tpu.memory_space<vmem>>
    %dma_wait3A_187 = arith.constant 0 : i32
    %dma_wait3A_188 = arith.constant 0 : i32
    %dma_wait3A_189 = tpu.memref_slice %arg16[%dma_wait3A_187, %dma_wait3A_188] : memref<10240x16xf32, #tpu.memory_space<vmem_shared>> -> memref<10240x16xf32, #tpu.memory_space<vmem_shared>>
    %dma_wait3A_190 = tpu.memref_slice %arg19[%dma_wait3A_176] : memref<2x!tpu.dma_semaphore, #tpu.memory_space<semaphore_mem>> -> memref<1x!tpu.dma_semaphore, #tpu.memory_space<semaphore_mem>>
    %dma_wait3A_191 = tpu.memref_squeeze %dma_wait3A_190 : memref<1x!tpu.dma_semaphore, #tpu.memory_space<semaphore_mem>> -> memref<!tpu.dma_semaphore, #tpu.memory_space<semaphore_mem>>
    tpu.wait_indirect_dma semaphore(%dma_wait3A_191 : memref<!tpu.dma_semaphore, #tpu.memory_space<semaphore_mem>>) src(%dma_wait3A_183 : memref<128x16xf32, #tpu.memory_space<vmem>>) dst(%dma_wait3A_189 : memref<10240x16xf32, #tpu.memory_space<vmem_shared>>)
    %dma_wait3A_192 = arith.constant 0 : i32
    %dma_wait3A_193 = arith.constant 75 : i32
    %dma_wait3A_194 = arith.constant 0 : i32
    %dma_wait3A_195 = arith.constant 0 : i32
    %dma_wait3A_196 = arith.constant 0 : i32
    %dma_wait3A_197 = tpu.memref_slice %arg15[%dma_wait3A_192, %dma_wait3A_195, %dma_wait3A_196] : memref<2x768x16xf32, #tpu.memory_space<vmem>> -> memref<1x768x16xf32, #tpu.memory_space<vmem>>
    %dma_wait3A_198 = tpu.memref_squeeze %dma_wait3A_197 : memref<1x768x16xf32, #tpu.memory_space<vmem>> -> memref<768x16xf32, #tpu.memory_space<vmem>>
    %dma_wait3A_199 = arith.constant 384 : i32
    %dma_wait3A_200 = arith.constant 0 : i32
    %dma_wait3A_201 = tpu.memref_slice %dma_wait3A_198[%dma_wait3A_199, %dma_wait3A_200] : memref<768x16xf32, #tpu.memory_space<vmem>> -> memref<128x16xf32, #tpu.memory_space<vmem>>
    %dma_wait3A_202 = arith.constant 0 : i32
    %dma_wait3A_203 = tpu.memref_slice %arg12[%dma_wait3A_193, %dma_wait3A_202] : memref<78x128xi32, #tpu.memory_space<vmem>> -> memref<1x128xi32, #tpu.memory_space<vmem>>
    %dma_wait3A_204 = tpu.memref_squeeze %dma_wait3A_203 : memref<1x128xi32, #tpu.memory_space<vmem>> -> memref<128xi32, #tpu.memory_space<vmem>>
    %dma_wait3A_205 = arith.constant 0 : i32
    %dma_wait3A_206 = arith.constant 0 : i32
    %dma_wait3A_207 = tpu.memref_slice %arg16[%dma_wait3A_205, %dma_wait3A_206] : memref<10240x16xf32, #tpu.memory_space<vmem_shared>> -> memref<10240x16xf32, #tpu.memory_space<vmem_shared>>
    %dma_wait3A_208 = tpu.memref_slice %arg19[%dma_wait3A_194] : memref<2x!tpu.dma_semaphore, #tpu.memory_space<semaphore_mem>> -> memref<1x!tpu.dma_semaphore, #tpu.memory_space<semaphore_mem>>
    %dma_wait3A_209 = tpu.memref_squeeze %dma_wait3A_208 : memref<1x!tpu.dma_semaphore, #tpu.memory_space<semaphore_mem>> -> memref<!tpu.dma_semaphore, #tpu.memory_space<semaphore_mem>>
    tpu.wait_indirect_dma semaphore(%dma_wait3A_209 : memref<!tpu.dma_semaphore, #tpu.memory_space<semaphore_mem>>) src(%dma_wait3A_201 : memref<128x16xf32, #tpu.memory_space<vmem>>) dst(%dma_wait3A_207 : memref<10240x16xf32, #tpu.memory_space<vmem_shared>>)
    %dma_wait3A_210 = arith.constant 0 : i32
    %dma_wait3A_211 = arith.constant 76 : i32
    %dma_wait3A_212 = arith.constant 0 : i32
    %dma_wait3A_213 = arith.constant 0 : i32
    %dma_wait3A_214 = arith.constant 0 : i32
    %dma_wait3A_215 = tpu.memref_slice %arg15[%dma_wait3A_210, %dma_wait3A_213, %dma_wait3A_214] : memref<2x768x16xf32, #tpu.memory_space<vmem>> -> memref<1x768x16xf32, #tpu.memory_space<vmem>>
    %dma_wait3A_216 = tpu.memref_squeeze %dma_wait3A_215 : memref<1x768x16xf32, #tpu.memory_space<vmem>> -> memref<768x16xf32, #tpu.memory_space<vmem>>
    %dma_wait3A_217 = arith.constant 512 : i32
    %dma_wait3A_218 = arith.constant 0 : i32
    %dma_wait3A_219 = tpu.memref_slice %dma_wait3A_216[%dma_wait3A_217, %dma_wait3A_218] : memref<768x16xf32, #tpu.memory_space<vmem>> -> memref<128x16xf32, #tpu.memory_space<vmem>>
    %dma_wait3A_220 = arith.constant 0 : i32
    %dma_wait3A_221 = tpu.memref_slice %arg12[%dma_wait3A_211, %dma_wait3A_220] : memref<78x128xi32, #tpu.memory_space<vmem>> -> memref<1x128xi32, #tpu.memory_space<vmem>>
    %dma_wait3A_222 = tpu.memref_squeeze %dma_wait3A_221 : memref<1x128xi32, #tpu.memory_space<vmem>> -> memref<128xi32, #tpu.memory_space<vmem>>
    %dma_wait3A_223 = arith.constant 0 : i32
    %dma_wait3A_224 = arith.constant 0 : i32
    %dma_wait3A_225 = tpu.memref_slice %arg16[%dma_wait3A_223, %dma_wait3A_224] : memref<10240x16xf32, #tpu.memory_space<vmem_shared>> -> memref<10240x16xf32, #tpu.memory_space<vmem_shared>>
    %dma_wait3A_226 = tpu.memref_slice %arg19[%dma_wait3A_212] : memref<2x!tpu.dma_semaphore, #tpu.memory_space<semaphore_mem>> -> memref<1x!tpu.dma_semaphore, #tpu.memory_space<semaphore_mem>>
    %dma_wait3A_227 = tpu.memref_squeeze %dma_wait3A_226 : memref<1x!tpu.dma_semaphore, #tpu.memory_space<semaphore_mem>> -> memref<!tpu.dma_semaphore, #tpu.memory_space<semaphore_mem>>
    tpu.wait_indirect_dma semaphore(%dma_wait3A_227 : memref<!tpu.dma_semaphore, #tpu.memory_space<semaphore_mem>>) src(%dma_wait3A_219 : memref<128x16xf32, #tpu.memory_space<vmem>>) dst(%dma_wait3A_225 : memref<10240x16xf32, #tpu.memory_space<vmem_shared>>)
    %dma_wait3A_228 = arith.constant 0 : i32
    %dma_wait3A_229 = arith.constant 77 : i32
    %dma_wait3A_230 = arith.constant 0 : i32
    %dma_wait3A_231 = arith.constant 0 : i32
    %dma_wait3A_232 = arith.constant 0 : i32
    %dma_wait3A_233 = tpu.memref_slice %arg15[%dma_wait3A_228, %dma_wait3A_231, %dma_wait3A_232] : memref<2x768x16xf32, #tpu.memory_space<vmem>> -> memref<1x768x16xf32, #tpu.memory_space<vmem>>
    %dma_wait3A_234 = tpu.memref_squeeze %dma_wait3A_233 : memref<1x768x16xf32, #tpu.memory_space<vmem>> -> memref<768x16xf32, #tpu.memory_space<vmem>>
    %dma_wait3A_235 = arith.constant 640 : i32
    %dma_wait3A_236 = arith.constant 0 : i32
    %dma_wait3A_237 = tpu.memref_slice %dma_wait3A_234[%dma_wait3A_235, %dma_wait3A_236] : memref<768x16xf32, #tpu.memory_space<vmem>> -> memref<128x16xf32, #tpu.memory_space<vmem>>
    %dma_wait3A_238 = arith.constant 0 : i32
    %dma_wait3A_239 = tpu.memref_slice %arg12[%dma_wait3A_229, %dma_wait3A_238] : memref<78x128xi32, #tpu.memory_space<vmem>> -> memref<1x128xi32, #tpu.memory_space<vmem>>
    %dma_wait3A_240 = tpu.memref_squeeze %dma_wait3A_239 : memref<1x128xi32, #tpu.memory_space<vmem>> -> memref<128xi32, #tpu.memory_space<vmem>>
    %dma_wait3A_241 = arith.constant 0 : i32
    %dma_wait3A_242 = arith.constant 0 : i32
    %dma_wait3A_243 = tpu.memref_slice %arg16[%dma_wait3A_241, %dma_wait3A_242] : memref<10240x16xf32, #tpu.memory_space<vmem_shared>> -> memref<10240x16xf32, #tpu.memory_space<vmem_shared>>
    %dma_wait3A_244 = tpu.memref_slice %arg19[%dma_wait3A_230] : memref<2x!tpu.dma_semaphore, #tpu.memory_space<semaphore_mem>> -> memref<1x!tpu.dma_semaphore, #tpu.memory_space<semaphore_mem>>
    %dma_wait3A_245 = tpu.memref_squeeze %dma_wait3A_244 : memref<1x!tpu.dma_semaphore, #tpu.memory_space<semaphore_mem>> -> memref<!tpu.dma_semaphore, #tpu.memory_space<semaphore_mem>>
    tpu.wait_indirect_dma semaphore(%dma_wait3A_245 : memref<!tpu.dma_semaphore, #tpu.memory_space<semaphore_mem>>) src(%dma_wait3A_237 : memref<128x16xf32, #tpu.memory_space<vmem>>) dst(%dma_wait3A_243 : memref<10240x16xf32, #tpu.memory_space<vmem_shared>>)
    %lt3A_246 = arith.constant 4 : i32
    %lt3A_247 = arith.cmpi slt, %add3A, %lt3A_246 : i32
    %convert_element_type3A_248 = arith.extui %lt3A_247 : i1 to i32
    %cond3A_249 = arith.constant 0 : i32
    %cond3A_250 = arith.cmpi ne, %convert_element_type3A_248, %cond3A_249 : i32
    scf.if %cond3A_250 {
      %run_scoped3A = arith.constant 0 : i32
      %run_scoped3A_262 = arith.constant 0 : i32
      "tpu.region"() ({
        %run_scoped3A_265 = tpu.sem_alloc : memref<!tpu.dma_semaphore, #tpu.memory_space<semaphore_mem>>
        %dma_start3A_266 = arith.constant 0 : i32
        %dma_start3A_267 = arith.constant 0 : i32
        %dma_start3A_268 = tpu.memref_slice %arg15[%run_scoped3A_262, %dma_start3A_266, %dma_start3A_267] : memref<2x768x16xf32, #tpu.memory_space<vmem>> -> memref<1x768x16xf32, #tpu.memory_space<vmem>>
        %dma_start3A_269 = tpu.memref_squeeze %dma_start3A_268 : memref<1x768x16xf32, #tpu.memory_space<vmem>> -> memref<768x16xf32, #tpu.memory_space<vmem>>
        %dma_start3A_270 = arith.constant 0 : i32
        %dma_start3A_271 = arith.constant 0 : i32
        %dma_start3A_272 = tpu.memref_slice %dma_start3A_269[%dma_start3A_270, %dma_start3A_271] : memref<768x16xf32, #tpu.memory_space<vmem>> -> memref<128x16xf32, #tpu.memory_space<vmem>>
        %dma_start3A_273 = arith.constant 0 : i32
        %dma_start3A_274 = tpu.memref_slice %arg13[%run_scoped3A, %dma_start3A_273] : memref<1x128xi32, #tpu.memory_space<vmem>> -> memref<1x128xi32, #tpu.memory_space<vmem>>
        %dma_start3A_275 = tpu.memref_squeeze %dma_start3A_274 : memref<1x128xi32, #tpu.memory_space<vmem>> -> memref<128xi32, #tpu.memory_space<vmem>>
        %dma_start3A_276 = arith.constant 0 : i32
        %dma_start3A_277 = arith.constant 0 : i32
        %dma_start3A_278 = tpu.memref_slice %arg17[%dma_start3A_276, %dma_start3A_277] : memref<10240x16xf32, #tpu.memory_space<vmem_shared>> -> memref<10240x16xf32, #tpu.memory_space<vmem_shared>>
        tpu.enqueue_indirect_dma source(%dma_start3A_278 : memref<10240x16xf32, #tpu.memory_space<vmem_shared>>) target(%dma_start3A_272 : memref<128x16xf32, #tpu.memory_space<vmem>>) offsets(%dma_start3A_275 : memref<128xi32, #tpu.memory_space<vmem>>) semaphore(%run_scoped3A_265 : memref<!tpu.dma_semaphore, #tpu.memory_space<semaphore_mem>>)
        %dma_wait3A_279 = arith.constant 0 : i32
        %dma_wait3A_280 = arith.constant 0 : i32
        %dma_wait3A_281 = tpu.memref_slice %arg15[%run_scoped3A_262, %dma_wait3A_279, %dma_wait3A_280] : memref<2x768x16xf32, #tpu.memory_space<vmem>> -> memref<1x768x16xf32, #tpu.memory_space<vmem>>
        %dma_wait3A_282 = tpu.memref_squeeze %dma_wait3A_281 : memref<1x768x16xf32, #tpu.memory_space<vmem>> -> memref<768x16xf32, #tpu.memory_space<vmem>>
        %dma_wait3A_283 = arith.constant 0 : i32
        %dma_wait3A_284 = arith.constant 0 : i32
        %dma_wait3A_285 = tpu.memref_slice %dma_wait3A_282[%dma_wait3A_283, %dma_wait3A_284] : memref<768x16xf32, #tpu.memory_space<vmem>> -> memref<128x16xf32, #tpu.memory_space<vmem>>
        %dma_wait3A_286 = arith.constant 0 : i32
        %dma_wait3A_287 = tpu.memref_slice %arg13[%run_scoped3A, %dma_wait3A_286] : memref<1x128xi32, #tpu.memory_space<vmem>> -> memref<1x128xi32, #tpu.memory_space<vmem>>
        %dma_wait3A_288 = tpu.memref_squeeze %dma_wait3A_287 : memref<1x128xi32, #tpu.memory_space<vmem>> -> memref<128xi32, #tpu.memory_space<vmem>>
        %dma_wait3A_289 = arith.constant 0 : i32
        %dma_wait3A_290 = arith.constant 0 : i32
        %dma_wait3A_291 = tpu.memref_slice %arg17[%dma_wait3A_289, %dma_wait3A_290] : memref<10240x16xf32, #tpu.memory_space<vmem_shared>> -> memref<10240x16xf32, #tpu.memory_space<vmem_shared>>
        tpu.wait_indirect_dma semaphore(%run_scoped3A_265 : memref<!tpu.dma_semaphore, #tpu.memory_space<semaphore_mem>>) src(%dma_wait3A_291 : memref<10240x16xf32, #tpu.memory_space<vmem_shared>>) dst(%dma_wait3A_285 : memref<128x16xf32, #tpu.memory_space<vmem>>)
        tpu.yield
      }) : () -> ()
      %run_scoped3A_263 = arith.constant 0 : i32
      %run_scoped3A_264 = arith.constant 0 : i32
      "tpu.region"() ({
        %run_scoped3A_265 = tpu.sem_alloc : memref<!tpu.dma_semaphore, #tpu.memory_space<semaphore_mem>>
        %dma_start3A_266 = arith.constant 0 : i32
        %dma_start3A_267 = arith.constant 0 : i32
        %dma_start3A_268 = tpu.memref_slice %arg15[%run_scoped3A_263, %dma_start3A_266, %dma_start3A_267] : memref<2x768x16xf32, #tpu.memory_space<vmem>> -> memref<1x768x16xf32, #tpu.memory_space<vmem>>
        %dma_start3A_269 = tpu.memref_squeeze %dma_start3A_268 : memref<1x768x16xf32, #tpu.memory_space<vmem>> -> memref<768x16xf32, #tpu.memory_space<vmem>>
        %dma_start3A_270 = arith.constant 0 : i32
        %dma_start3A_271 = arith.constant 0 : i32
        %dma_start3A_272 = tpu.memref_slice %dma_start3A_269[%dma_start3A_270, %dma_start3A_271] : memref<768x16xf32, #tpu.memory_space<vmem>> -> memref<128x16xf32, #tpu.memory_space<vmem>>
        %dma_start3A_273 = arith.constant 0 : i32
        %dma_start3A_274 = tpu.memref_slice %arg14[%run_scoped3A_264, %dma_start3A_273] : memref<1x128xi32, #tpu.memory_space<vmem>> -> memref<1x128xi32, #tpu.memory_space<vmem>>
        %dma_start3A_275 = tpu.memref_squeeze %dma_start3A_274 : memref<1x128xi32, #tpu.memory_space<vmem>> -> memref<128xi32, #tpu.memory_space<vmem>>
        %dma_start3A_276 = arith.constant 0 : i32
        %dma_start3A_277 = arith.constant 0 : i32
        %dma_start3A_278 = tpu.memref_slice %arg16[%dma_start3A_276, %dma_start3A_277] : memref<10240x16xf32, #tpu.memory_space<vmem_shared>> -> memref<10240x16xf32, #tpu.memory_space<vmem_shared>>
        tpu.enqueue_indirect_dma source(%dma_start3A_272 : memref<128x16xf32, #tpu.memory_space<vmem>>) target(%dma_start3A_278 : memref<10240x16xf32, #tpu.memory_space<vmem_shared>>) offsets(%dma_start3A_275 : memref<128xi32, #tpu.memory_space<vmem>>) semaphore(%run_scoped3A_265 : memref<!tpu.dma_semaphore, #tpu.memory_space<semaphore_mem>>) {add = true}
        %dma_wait3A_279 = arith.constant 0 : i32
        %dma_wait3A_280 = arith.constant 0 : i32
        %dma_wait3A_281 = tpu.memref_slice %arg15[%run_scoped3A_263, %dma_wait3A_279, %dma_wait3A_280] : memref<2x768x16xf32, #tpu.memory_space<vmem>> -> memref<1x768x16xf32, #tpu.memory_space<vmem>>
        %dma_wait3A_282 = tpu.memref_squeeze %dma_wait3A_281 : memref<1x768x16xf32, #tpu.memory_space<vmem>> -> memref<768x16xf32, #tpu.memory_space<vmem>>
        %dma_wait3A_283 = arith.constant 0 : i32
        %dma_wait3A_284 = arith.constant 0 : i32
        %dma_wait3A_285 = tpu.memref_slice %dma_wait3A_282[%dma_wait3A_283, %dma_wait3A_284] : memref<768x16xf32, #tpu.memory_space<vmem>> -> memref<128x16xf32, #tpu.memory_space<vmem>>
        %dma_wait3A_286 = arith.constant 0 : i32
        %dma_wait3A_287 = tpu.memref_slice %arg14[%run_scoped3A_264, %dma_wait3A_286] : memref<1x128xi32, #tpu.memory_space<vmem>> -> memref<1x128xi32, #tpu.memory_space<vmem>>
        %dma_wait3A_288 = tpu.memref_squeeze %dma_wait3A_287 : memref<1x128xi32, #tpu.memory_space<vmem>> -> memref<128xi32, #tpu.memory_space<vmem>>
        %dma_wait3A_289 = arith.constant 0 : i32
        %dma_wait3A_290 = arith.constant 0 : i32
        %dma_wait3A_291 = tpu.memref_slice %arg16[%dma_wait3A_289, %dma_wait3A_290] : memref<10240x16xf32, #tpu.memory_space<vmem_shared>> -> memref<10240x16xf32, #tpu.memory_space<vmem_shared>>
        tpu.wait_indirect_dma semaphore(%run_scoped3A_265 : memref<!tpu.dma_semaphore, #tpu.memory_space<semaphore_mem>>) src(%dma_wait3A_285 : memref<128x16xf32, #tpu.memory_space<vmem>>) dst(%dma_wait3A_291 : memref<10240x16xf32, #tpu.memory_space<vmem_shared>>)
        tpu.yield
      }) : () -> ()
    } else {
    }
    %barrier3A_251 = arith.constant 0 : index
    tpu.barrier barrier_id(%barrier3A_251)
    %eq3A_252 = arith.constant 0 : i32
    %eq3A_253 = arith.cmpi eq, %arg0, %eq3A_252 : i32
    %convert_element_type3A_254 = arith.extui %eq3A_253 : i1 to i32
    %cond3A_255 = arith.constant 0 : i32
    %cond3A_256 = arith.cmpi ne, %convert_element_type3A_254, %cond3A_255 : i32
    scf.if %cond3A_256 {
      %mul3A_262 = arith.constant 640 : i32
      %mul3A_263 = arith.muli %arg1, %mul3A_262 : i32
      %mul3A_264 = arith.constant 640 : i32
      %mul3A_265 = arith.muli %arg1, %mul3A_264 : i32
      "tpu.region"() ({
        %run_scoped3A = tpu.sem_alloc : memref<!tpu.dma_semaphore, #tpu.memory_space<semaphore_mem>>
        %dma_start3A_266 = arith.constant 0 : i32
        %dma_start3A_267 = tpu.memref_slice %arg9[%mul3A_265, %dma_start3A_266] : memref<10240x16xf32, #tpu.memory_space<hbm>> -> memref<640x16xf32, #tpu.memory_space<hbm>>
        %dma_start3A_268 = arith.constant 0 : i32
        %dma_start3A_269 = tpu.memref_slice %arg16[%mul3A_263, %dma_start3A_268] : memref<10240x16xf32, #tpu.memory_space<vmem_shared>> -> memref<640x16xf32, #tpu.memory_space<vmem_shared>>
        tpu.enqueue_dma source(%dma_start3A_269 : memref<640x16xf32, #tpu.memory_space<vmem_shared>>) target(%dma_start3A_267 : memref<640x16xf32, #tpu.memory_space<hbm>>) target_semaphore(%run_scoped3A : memref<!tpu.dma_semaphore, #tpu.memory_space<semaphore_mem>>)
        %dma_wait3A_270 = arith.constant 0 : i32
        %dma_wait3A_271 = tpu.memref_slice %arg9[%mul3A_265, %dma_wait3A_270] : memref<10240x16xf32, #tpu.memory_space<hbm>> -> memref<640x16xf32, #tpu.memory_space<hbm>>
        %dma_wait3A_272 = arith.constant 0 : i32
        %dma_wait3A_273 = tpu.memref_slice %arg16[%mul3A_263, %dma_wait3A_272] : memref<10240x16xf32, #tpu.memory_space<vmem_shared>> -> memref<640x16xf32, #tpu.memory_space<vmem_shared>>
        tpu.wait_dma2 semaphore(%run_scoped3A : memref<!tpu.dma_semaphore, #tpu.memory_space<semaphore_mem>>) src(%dma_wait3A_273 : memref<640x16xf32, #tpu.memory_space<vmem_shared>>) dst(%dma_wait3A_271 : memref<640x16xf32, #tpu.memory_space<hbm>>)
        tpu.yield
      }) : () -> ()
    } else {
    }
    %eq3A_257 = arith.constant 1 : i32
    %eq3A_258 = arith.cmpi eq, %arg0, %eq3A_257 : i32
    %convert_element_type3A_259 = arith.extui %eq3A_258 : i1 to i32
    %cond3A_260 = arith.constant 0 : i32
    %cond3A_261 = arith.cmpi ne, %convert_element_type3A_259, %cond3A_260 : i32
    scf.if %cond3A_261 {
      %mul3A_262 = arith.constant 640 : i32
      %mul3A_263 = arith.muli %arg1, %mul3A_262 : i32
      %mul3A_264 = arith.constant 640 : i32
      %mul3A_265 = arith.muli %arg1, %mul3A_264 : i32
      "tpu.region"() ({
        %run_scoped3A = tpu.sem_alloc : memref<!tpu.dma_semaphore, #tpu.memory_space<semaphore_mem>>
        %dma_start3A_266 = arith.constant 0 : i32
        %dma_start3A_267 = tpu.memref_slice %arg10[%mul3A_265, %dma_start3A_266] : memref<10240x16xf32, #tpu.memory_space<hbm>> -> memref<640x16xf32, #tpu.memory_space<hbm>>
        %dma_start3A_268 = arith.constant 0 : i32
        %dma_start3A_269 = tpu.memref_slice %arg16[%mul3A_263, %dma_start3A_268] : memref<10240x16xf32, #tpu.memory_space<vmem_shared>> -> memref<640x16xf32, #tpu.memory_space<vmem_shared>>
        tpu.enqueue_dma source(%dma_start3A_269 : memref<640x16xf32, #tpu.memory_space<vmem_shared>>) target(%dma_start3A_267 : memref<640x16xf32, #tpu.memory_space<hbm>>) target_semaphore(%run_scoped3A : memref<!tpu.dma_semaphore, #tpu.memory_space<semaphore_mem>>)
        %dma_wait3A_270 = arith.constant 0 : i32
        %dma_wait3A_271 = tpu.memref_slice %arg10[%mul3A_265, %dma_wait3A_270] : memref<10240x16xf32, #tpu.memory_space<hbm>> -> memref<640x16xf32, #tpu.memory_space<hbm>>
        %dma_wait3A_272 = arith.constant 0 : i32
        %dma_wait3A_273 = tpu.memref_slice %arg16[%mul3A_263, %dma_wait3A_272] : memref<10240x16xf32, #tpu.memory_space<vmem_shared>> -> memref<640x16xf32, #tpu.memory_space<vmem_shared>>
        tpu.wait_dma2 semaphore(%run_scoped3A : memref<!tpu.dma_semaphore, #tpu.memory_space<semaphore_mem>>) src(%dma_wait3A_273 : memref<640x16xf32, #tpu.memory_space<vmem_shared>>) dst(%dma_wait3A_271 : memref<640x16xf32, #tpu.memory_space<hbm>>)
        tpu.yield
      }) : () -> ()
    } else {
    }
    return
  }
}

module attributes {stable_mosaic.version = 14 : i64} {
  func.func @_tc_matmul_body(%arg0: i32, %arg1: memref<2000x128xf32, #tpu.memory_space<vmem>>, %arg2: memref<128x16xf32, #tpu.memory_space<vmem>>, %arg3: memref<2000x16xf32, #tpu.memory_space<vmem>>) attributes {dimension_semantics = [#tpu.dimension_semantics<arbitrary>], iteration_bounds = array<i64: 5>, scalar_prefetch = 0 : i64, scratch_operands = 0 : i64, tpu.core_type = #tpu.core_type<tc>, window_params = [{transform_indices = @transform_0, window_bounds = array<i64: 2000, 128>}, {pipeline_mode = #tpu.pipeline_mode<synchronous>, transform_indices = @transform_1, window_bounds = array<i64: 128, 16>}, {transform_indices = @transform_2, window_bounds = array<i64: 2000, 16>}]} {
    %get3A = arith.constant 0 : index
    %get3A_0 = arith.constant 0 : index
    %get3A_1 = vector.load %arg1[%get3A, %get3A_0] : memref<2000x128xf32, #tpu.memory_space<vmem>>, vector<2000x128xf32>
    %get3A_2 = arith.constant 0 : index
    %get3A_3 = arith.constant 0 : index
    %get3A_4 = vector.load %arg2[%get3A_2, %get3A_3] : memref<128x16xf32, #tpu.memory_space<vmem>>, vector<128x16xf32>
    %dot_general3A = arith.constant dense<0.000000e+00> : vector<2000x16xf32>
    %dot_general3A_5 = tpu.matmul %get3A_1, %get3A_4, %dot_general3A {dimension_numbers = #tpu.dot_dimension_numbers<[1], [0], [0], [1], [0, 0, 1, 1], [], []>, transpose_lhs_hint = false} : vector<2000x128xf32>, vector<128x16xf32>, vector<2000x16xf32> -> vector<2000x16xf32>
    %swap3A = arith.constant 0 : index
    %swap3A_6 = arith.constant 0 : index
    %swap3A_7 = vector.load %arg3[%swap3A, %swap3A_6] : memref<2000x16xf32, #tpu.memory_space<vmem>>, vector<2000x16xf32>
    tpu.vector_store %arg3[%swap3A, %swap3A_6], %dot_general3A_5 {strides = array<i32>} : memref<2000x16xf32, #tpu.memory_space<vmem>>, vector<2000x16xf32>,
    return
  }
  func.func @transform_0(%arg0: i32) -> (i32, i32) {
    %c0_i32 = arith.constant 0 : i32
    %c0_i32_0 = arith.constant 0 : i32
    return %arg0, %c0_i32 : i32, i32
  }
  func.func @transform_1(%arg0: i32) -> (i32, i32) {
    %c0_i32 = arith.constant 0 : i32
    %c0_i32_0 = arith.constant 0 : i32
    %c0_i32_1 = arith.constant 0 : i32
    return %c0_i32, %c0_i32_0 : i32, i32
  }
  func.func @transform_2(%arg0: i32) -> (i32, i32) {
    %c0_i32 = arith.constant 0 : i32
    %c0_i32_0 = arith.constant 0 : i32
    return %arg0, %c0_i32 : i32, i32
  }
}

module attributes {stable_mosaic.version = 14 : i64} {
  func.func @_tc_final_body(%arg0: i32, %arg1: memref<2000x16xf32, #tpu.memory_space<vmem>>, %arg2: memref<2000x16xf32, #tpu.memory_space<vmem>>, %arg3: memref<2000x16xf32, #tpu.memory_space<vmem>>, %arg4: memref<16x128xf32, #tpu.memory_space<vmem>>, %arg5: memref<1x128xf32, #tpu.memory_space<vmem>>, %arg6: memref<2000x128xf32, #tpu.memory_space<vmem>>) attributes {dimension_semantics = [#tpu.dimension_semantics<arbitrary>], iteration_bounds = array<i64: 5>, scalar_prefetch = 0 : i64, scratch_operands = 0 : i64, tpu.core_type = #tpu.core_type<tc>, window_params = [{transform_indices = @transform_0, window_bounds = array<i64: 2000, 16>}, {transform_indices = @transform_1, window_bounds = array<i64: 2000, 16>}, {transform_indices = @transform_2, window_bounds = array<i64: 2000, 16>}, {pipeline_mode = #tpu.pipeline_mode<synchronous>, transform_indices = @transform_3, window_bounds = array<i64: 16, 128>}, {pipeline_mode = #tpu.pipeline_mode<synchronous>, transform_indices = @transform_4, window_bounds = array<i64: 1, 128>}, {transform_indices = @transform_5, window_bounds = array<i64: 2000, 128>}]} {
    %get3A = arith.constant 0 : index
    %get3A_0 = arith.constant 0 : index
    %get3A_1 = vector.load %arg3[%get3A, %get3A_0] : memref<2000x16xf32, #tpu.memory_space<vmem>>, vector<2000x16xf32>
    %get3A_2 = arith.constant 0 : index
    %get3A_3 = arith.constant 0 : index
    %get3A_4 = vector.load %arg1[%get3A_2, %get3A_3] : memref<2000x16xf32, #tpu.memory_space<vmem>>, vector<2000x16xf32>
    %get3A_5 = arith.constant 0 : index
    %get3A_6 = arith.constant 0 : index
    %get3A_7 = vector.load %arg2[%get3A_5, %get3A_6] : memref<2000x16xf32, #tpu.memory_space<vmem>>, vector<2000x16xf32>
    %add3A = arith.addf %get3A_4, %get3A_7 : vector<2000x16xf32>
    %mul3A = arith.mulf %get3A_1, %add3A : vector<2000x16xf32>
    %get3A_8 = arith.constant 0 : index
    %get3A_9 = arith.constant 0 : index
    %get3A_10 = vector.load %arg4[%get3A_8, %get3A_9] : memref<16x128xf32, #tpu.memory_space<vmem>>, vector<16x128xf32>
    %dot_general3A = arith.constant dense<0.000000e+00> : vector<2000x128xf32>
    %dot_general3A_11 = tpu.matmul %mul3A, %get3A_10, %dot_general3A {dimension_numbers = #tpu.dot_dimension_numbers<[1], [0], [0], [1], [0, 0, 1, 1], [], []>, transpose_lhs_hint = false} : vector<2000x16xf32>, vector<16x128xf32>, vector<2000x128xf32> -> vector<2000x128xf32>
    %get3A_12 = arith.constant 0 : index
    %get3A_13 = arith.constant 0 : index
    %get3A_14 = vector.load %arg5[%get3A_12, %get3A_13] : memref<1x128xf32, #tpu.memory_space<vmem>>, vector<1x128xf32>
    %add3A_15 = vector.broadcast %get3A_14 : vector<1x128xf32> to vector<2000x128xf32>
    %add3A_16 = arith.addf %dot_general3A_11, %add3A_15 : vector<2000x128xf32>
    %swap3A = arith.constant 0 : index
    %swap3A_17 = arith.constant 0 : index
    %swap3A_18 = vector.load %arg6[%swap3A, %swap3A_17] : memref<2000x128xf32, #tpu.memory_space<vmem>>, vector<2000x128xf32>
    tpu.vector_store %arg6[%swap3A, %swap3A_17], %add3A_16 {strides = array<i32>} : memref<2000x128xf32, #tpu.memory_space<vmem>>, vector<2000x128xf32>,
    return
  }
  func.func @transform_0(%arg0: i32) -> (i32, i32) {
    %c0_i32 = arith.constant 0 : i32
    %c0_i32_0 = arith.constant 0 : i32
    return %arg0, %c0_i32 : i32, i32
  }
  func.func @transform_1(%arg0: i32) -> (i32, i32) {
    %c0_i32 = arith.constant 0 : i32
    %c0_i32_0 = arith.constant 0 : i32
    return %arg0, %c0_i32 : i32, i32
  }
  func.func @transform_2(%arg0: i32) -> (i32, i32) {
    %c0_i32 = arith.constant 0 : i32
    %c0_i32_0 = arith.constant 0 : i32
    return %arg0, %c0_i32 : i32, i32
  }
  func.func @transform_3(%arg0: i32) -> (i32, i32) {
    %c0_i32 = arith.constant 0 : i32
    %c0_i32_0 = arith.constant 0 : i32
    %c0_i32_1 = arith.constant 0 : i32
    return %c0_i32, %c0_i32_0 : i32, i32
  }
  func.func @transform_4(%arg0: i32) -> (i32, i32) {
    %c0_i32 = arith.constant 0 : i32
    %c0_i32_0 = arith.constant 0 : i32
    %c0_i32_1 = arith.constant 0 : i32
    return %c0_i32, %c0_i32_0 : i32, i32
  }
  func.func @transform_5(%arg0: i32) -> (i32, i32) {
    %c0_i32 = arith.constant 0 : i32
    %c0_i32_0 = arith.constant 0 : i32
    return %arg0, %c0_i32 : i32, i32
  }
}

</mosaic_0001>

<sc_bundles>
// kernel: kernel.10.cloned.1.call-start
scs
__scs_entry_jumppad:
0x0: {  	(pc) =	sbr.rel $0x88, $3  }
0x1: {  	(tag) =	ssettag $0x0;
	lr =	simm.s32 $0x1  }
0x2: {  	[smem:$0x3F9B] =	sst lr;
	_ =	strace $0xD0000000  }
0x3: {  	_ = 	snop  }
0x4: {  	_ = 	snop  }
0x5: {  	_ = 	snop  }
0x6: {  	_ = 	snop  }
0x7: {  	_ = 	snop  }
__scs_overlays_trampoline_lowered:
0x8: {  	[smem:$0x3FAA] =	sst s0  }
0x9: {  	[smem:$0x3FAB] =	sst s1  }
0xa: {  	[smem:$0x3FAC] =	sst s2  }
0xb: {  	[smem:$0x3FAD] =	sst s3  }
0xc: {  	[smem:$0x3FAE] =	sst s4  }
0xd: {  	[smem:$0x3FAF] =	sst s5  }
0xe: {  	[smem:$0x3FB0] =	sst s6  }
0xf: {  	[smem:$0x3FB1] =	sst s7  }
0x10: {  	[smem:$0x3FB2] =	sst s8  }
0x11: {  	[smem:$0x3FB3] =	sst s9;
	s0 =	simm.s32 @!p0 $0x0  }
0x12: {  	s1 =	sld [smem:$0x3F99];
	s0 =	simm.s32 @p0 $0x1  }
0x13: {  	[smem:$0x3FB4] =	sst s0;
	s0 =	simm.s32 @!p1 $0x0  }
0x14: {  	s2 =	sld [smem:$0x3F98];
	s0 =	simm.s32 @p1 $0x1  }
0x15: {  	[smem:$0x3FB5] =	sst s0;
	s0 =	simm.s32 @!p2 $0x0  }
0x16: {  	s3 =	sld [smem:$0x3FDB];
	s0 =	simm.s32 @p2 $0x1  }
0x17: {  	s4 =	simm.s32 $0x1BF5;
	[smem:$0x3FB7] =	sst s0  }
0x18: {  	s0 =	sld [smem:$0x3F9A];
	_ =	swait.ge [sflag:s4], $0x0  }
0x19: {  	s7 =	sld [smem:$0x3F9B]  }
0x1a: {  	s8 =	sadd.s32 $0xFFFFE003, lr  }
0x1b: {  	s9 =	sadd.s32 $0xFFFFFEF7, lr;
	s5 =	simm.s32 $0xFFFFFFFF;
	p2 =	slt.u32 s8, $0xFFFFF086  }
0x1c: {  	p1 =	slt.u32 s9, $0xF7A;
	s5 =	simm.s32 @!p2 $0x0  }
0x1d: {  	s5 =	simm.s32 @p1 $0x1;
	p0 =	seq.s32 s7, s2  }
0x1e: {  	s7 =	smul.u32 @!p0 $0xF7A, s2;
	p2 =	seq.s32 @!p0 s5, $0x0  }
0x1f: {  	s9 =	smul.u32 $0xF7A, s1;
	s8 =	simm.s32 @!p0 $0x1BF5;
	p2 =	por !p2, p0  }
0x20: {  	[sflag:s8] =	ssyncset.s32 @!p0 $0xFFFFF086;
	s6 =	sadd.s32 @!p0 s3, s7;
	s7 =	simm.s32 @!p0 $0x108  }
0x21: {  	s3 =	sadd.s32 s3, s9;
	s6 =	sadd.s32 @!p0 $0x88, s6;
	s7 =	simm.s32 @p2 $0x1082  }
0x22: {  	[simem:s7], [sflag:s8] =	dma.local @!p0 [hbm:s6], $0xF7A  }
0x23: {  	s9 =	sor.u32 $0xD0000000, s2;
	s6 =	simm.s32 $0x108;
	_ =	swait.ge @!p0 [sflag:s8], $0x0  }
0x24: {  	s3 =	sadd.s32 $0x88, s3;
	s6 =	simm.s32 @!p1 $0x1082;
	[sflag:s4] =	ssyncset.s32 $0xFFFFF086  }
0x25: {  	[simem:s6], [sflag:s4] =	dma.local [hbm:s3], $0xF7A  }
0x26: {  	[smem:$0x3F9B] =	sst s1;
	(tag) =	ssettag s2;
	_ =	strace s9  }
0x27: {  	s1 =	sld [smem:$0x3FAB]  }
0x28: {  	s2 =	sld [smem:$0x3FAC]  }
0x29: {  	s4 =	sld [smem:$0x3FAE]  }
0x2a: {  	p0 =	seq.s32 s5, $0x0;
	s5 =	sld [smem:$0x3FAF]  }
0x2b: {  	s6 =	sld [smem:$0x3FB0]  }
0x2c: {  	s7 =	sld [smem:$0x3FB1]  }
0x2d: {  	s3 =	simm.s32 $0x108;
	s8 =	sld [smem:$0x3FB2]  }
0x2e: {  	s3 =	simm.s32 @!p0 $0x1082;
	s9 =	sld [smem:$0x3FB3]  }
0x2f: {  	lr =	sadd.s32 s0, s3;
	s0 =	sld [smem:$0x3FAA]  }
0x30: {  	s3 =	sld [smem:$0x3FAD]  }
0x31: {  	[smem:$0x3FB6] =	sst s10  }
0x32: {  	s10 =	sld [smem:$0x3FB4];
	_ =	sdelay $0x3  }
0x33: {  	p0 =	seq.s32 s10, $0x1;
	s10 =	sld [smem:$0x3FB6];
	_ =	sdelay $0x3  }
0x34: {  	[smem:$0x3FB6] =	sst s10  }
0x35: {  	s10 =	sld [smem:$0x3FB5];
	_ =	sdelay $0x3  }
0x36: {  	p1 =	seq.s32 s10, $0x1;
	s10 =	sld [smem:$0x3FB6];
	_ =	sdelay $0x3  }
0x37: {  	[smem:$0x3FB6] =	sst s10  }
0x38: {  	s10 =	sld [smem:$0x3FB7]  }
0x39: {  	_ = 	snop;
	(pc) =	sbr.ind lr, $3  }
0x3a: {  	_ = 	snop  }
0x3b: {  	_ = 	snop  }
0x3c: {  	p2 =	seq.s32 s10, $0x1;
	s10 =	sld [smem:$0x3FB6]  }
0x3d: {  	_ =	shalt  }
0x3e: {  	_ =	shalt  }
0x3f: {  	_ =	shalt  }
0x40: {  	_ =	shalt  }
0x41: {  	_ =	shalt  }
0x42: {  	_ =	shalt  }
0x43: {  	_ =	shalt  }
0x44: {  	_ =	shalt  }
0x45: {  	_ =	shalt  }
0x46: {  	_ =	shalt  }
0x47: {  	_ =	shalt  }
0x48: {  	_ =	shalt  }
0x49: {  	_ =	shalt  }
0x4a: {  	_ =	shalt  }
0x4b: {  	_ =	shalt  }
0x4c: {  	_ =	shalt  }
0x4d: {  	_ =	shalt  }
0x4e: {  	_ =	shalt  }
0x4f: {  	_ =	shalt  }
0x50: {  	_ =	shalt  }
0x51: {  	_ =	shalt  }
0x52: {  	_ =	shalt  }
0x53: {  	_ =	shalt  }
0x54: {  	_ =	shalt  }
0x55: {  	_ =	shalt  }
0x56: {  	_ =	shalt  }
0x57: {  	_ =	shalt  }
0x58: {  	_ =	shalt  }
0x59: {  	_ =	shalt  }
0x5a: {  	_ =	shalt  }
0x5b: {  	_ =	shalt  }
0x5c: {  	_ =	shalt  }
0x5d: {  	_ =	shalt  }
0x5e: {  	_ =	shalt  }
0x5f: {  	_ =	shalt  }
0x60: {  	_ =	shalt  }
0x61: {  	_ =	shalt  }
0x62: {  	_ =	shalt  }
0x63: {  	_ =	shalt  }
0x64: {  	_ =	shalt  }
0x65: {  	_ =	shalt  }
0x66: {  	_ =	shalt  }
0x67: {  	_ =	shalt  }
0x68: {  	_ =	shalt  }
0x69: {  	_ =	shalt  }
0x6a: {  	_ =	shalt  }
0x6b: {  	_ =	shalt  }
0x6c: {  	_ =	shalt  }
0x6d: {  	_ =	shalt  }
0x6e: {  	_ =	shalt  }
0x6f: {  	_ =	shalt  }
0x70: {  	_ =	shalt  }
0x71: {  	_ =	shalt  }
0x72: {  	_ =	shalt  }
0x73: {  	_ =	shalt  }
0x74: {  	_ =	shalt  }
0x75: {  	_ =	shalt  }
0x76: {  	_ =	shalt  }
0x77: {  	_ =	shalt  }
0x78: {  	_ =	shalt  }
0x79: {  	_ =	shalt  }
0x7a: {  	_ =	shalt  }
0x7b: {  	_ =	shalt  }
0x7c: {  	_ =	shalt  }
0x7d: {  	_ =	shalt  }
0x7e: {  	_ =	shalt  }
0x7f: {  	_ =	shalt  }
0x80: {  	_ =	shalt  }
0x81: {  	_ =	shalt  }
0x82: {  	_ =	shalt  }
0x83: {  	_ =	shalt  }
0x84: {  	_ =	shalt  }
0x85: {  	_ =	shalt  }
0x86: {  	_ =	shalt  }
0x87: {  	_ =	shalt  }
.Lfunc_end0:
.L_simem_size_0:
called_computation.1_lowered:
.L_overlay_start_0:
0x88: {  	s2 =	sld [smem:$0x3FD9]  }
0x89: {  	s3 =	sld [smem:$0x3FFE];
	_ =	sdelay $0x1  }
0x8a: {  	s1 =	srdreg.scid  }
0x8b: {  	s0 =	sand.u32 $0x1, s1  }
0x8c: {  	s17 =	sshll.u32 s0, $0xA;
	s2 =	sadd.s32 s3, s2  }
0x8d: {  	s2 =	sadd.s32 s2, s17  }
0x8e: {  	[smem:$0x3FC2] =	sst s2  }
0x8f: {  	_ = 	snop  }
0x90: {  	s2 =	sld [smem:$0x3FD0];
	(tm) =	ssettm $0x1  }
0x91: {  	s18 =	sld [smem:$0x3FFB];
	_ =	sdelay $0x3  }
0x92: {  	_ =	strace s18  }
0x93: {  	s3 =	sld [smem:$0x3FFC];
	_ =	sdelay $0x3  }
0x94: {  	_ =	strace s3  }
0x95: {  	s3 =	sld [smem:$0x3FFD];
	_ =	sdelay $0x3  }
0x96: {  	_ =	strace s3  }
0x97: {  	_ =	strace $0x8FFFFFFF  }
0x98: {  	s19 =	sld [smem:$0x3FDB];
	_ =	sdelay $0x1  }
0x99: {  	s4 =	simm.s32 $_scs_section_size  }
0x9a: {  	s5 =	simm.s32 $_size__tile_overlayer_lowered;
	s6 =	simm.s32 $_tile_overlayer_lowered  }
0x9b: {  	s22 =	simm.s32 $0x1BFF;
	s21 =	sshll.u32 s6, $0x1;
	s3 =	sadd.s32 s4, s19  }
0x9c: {  	s7 =	simm.s32 $0x0;
	s20 =	sshll.u32 s5, $0x1;
	s5 =	sadd.s32 s21, s3  }
0x9d: {  	[timem:s7], [sflag:s22] =	dma.local [hbm:s5], s20  }
0x9e: {  	_ =	swait.ge [sflag:s22], s20  }
0x9f: {  	s4 =	ssub.s32 $0x0, s20;
	[sflag:s22] =	ssyncset.done $0x0  }
0xa0: {  	[sflag:s22] =	ssyncadd.s32 s4;
	_ =	sdelay $0x1  }
0xa1: {  	s23 =	simm.s32 $0x1B8B  }
0xa2: {  	_ =	swait.ge [sflag:s23], $0x1  }
0xa3: {  	[sflag:s23] =	ssyncset.done $0x0  }
0xa4: {  	s25 =	simm.s32 $0x1B8E;
	s24 =	sld [smem:$0x3FFE];
	[sflag:s23] =	ssyncadd.s32 $0xFFFFFFFF  }
0xa5: {  	s26 =	simm.s32 $execute0_lowered;
	[smem:$0x3FD2] =	sst s25  }
0xa6: {  	s5 =	sshll.u32 s26, $0x1;
	_ =	strace $0x80000049;
	[dreg:$0x1] =	wrdreg $0xFFFFFFFF  }
0xa7: {  	s28 =	simm.s32 $_size_execute0_lowered;
	s3 =	sadd.s32 s3, s5;
	[dreg:$0x0] =	wrdreg $0x0  }
0xa8: {  	s5 =	sshll.u32 s28, $0x1;
	[dreg:$0x2] =	wrdreg s3  }
0xa9: {  	[dreg:$0x3] =	wrdreg s5  }
0xaa: {  	[dreg:$0x4] =	wrdreg $0xC0  }
0xab: {  	_ =	task [dreg:s7], $0x5FFFF  }
0xac: {  	[dreg:$0x1] =	wrdreg $0xFFFFFFFF  }
0xad: {  	[dreg:$0x0] =	wrdreg $0x60  }
0xae: {  	[dreg:$0x2] =	wrdreg s24  }
0xaf: {  	[dreg:$0x3] =	wrdreg s2  }
0xb0: {  	[dreg:$0x4] =	wrdreg $0xD7000  }
0xb1: {  	[dreg:$0x5] =	wrdreg $0xAF000  }
0xb2: {  	[dreg:$0x6] =	wrdreg $0x9  }
0xb3: {  	_ =	task.clear_ibuf [dreg:s7], $0x7FFFF;
	_ =	strace $0x90000049  }
0xb4: {  	s29 =	simm.s32 $0x9;
	_ =	strace $0x8000004B  }
0xb5: {  	_ =	swait.ge [sflag:s29], $0x1  }
0xb6: {  	[sflag:s29] =	ssyncadd.s32 $0xFFFFFFFF  }
0xb7: {  	_ =	strace $0x9000004B  }
0xb8: {  	_ =	sfence  }
0xb9: {  	s30 =	sld [smem:$0x0];
	_ =	sdelay $0x2  }
0xba: {  	s31 =	sshll.u32 s1, $0xD;
	s1 =	sshrl.u32 s1, $0x2  }
0xbb: {  	s3 =	sand.u32 $0x4000, s31;
	s1 =	sadd.s32 s1, s30  }
0xbc: {  	s0 =	sor.u32 s3, s0;
	s1 =	sshll.u32 s1, $0x11  }
0xbd: {  	s0 =	sor.u32 s1, s0  }
0xbe: {  	s0 =	sadd.s32 $0x8F2B, s0  }
0xbf: {  	[sflag:s0] =	ssyncadd.remote.s32 $0x1  }
0xc0: {  	_ =	sfence.sel $0xFFFF  }
0xc1: {  	[dreg:$0x0] =	wrdreg $0xFFFFFFFF;
	(pc) =	sbr.abs _section_cstart, $3  }
0xc2: {  	[dreg:$0x1] =	wrdreg $0xFFFFFFFF  }
0xc3: {  	_ =	task.clear_ibuf [dreg:s7], $0x2FFFF;
	_ =	strace $0x9FFFFFFF  }
0xc4: {  	(tm) =	ssettm $0x7FFFFFFF  }
0xc5: {  	_ =	shalt  }
tec
execute0_lowered:
.L_overlay_start_1:
0x0: {  	(tag) =	ssettag $0x1  }
0x1: {  	s0 =	rddreg [dreg:$0x0]  }
0x2: {  	s10 =	rddreg [dreg:$0x1]  }
0x3: {  	s2 =	rddreg [dreg:$0x2]  }
0x4: {  	s3 =	rddreg [dreg:$0x3];
	s4 =	simm.s32 $0x0  }
0x5: {  	s1 =	stileid.u32;
	s5 =	srdreg.scid;
	s17 =	simm.s32 $0x1FC00  }
0x6: {  	s19 =	simm.s32 $0x5;
	s23 =	simm.s32 $0x80;
	s21 =	simm.s32 $0x7700  }
0x7: {  	s22 =	simm.s32 $0x3;
	s24 =	simm.s32 $0x0;
	[smem:$0x7FF] =	sst s4  }
0x8: {  	s13 =	smul.u32 $0x2800, s1;
	s20 =	sand.u32 $0x1, s5;
	s11 =	sadd.s32 $0x1C00, s0  }
0x9: {  	s31 =	sshll.u32 s1, $0x4;
	_ =	strace $0x8000004A;
	s5 =	ssub.s32 $0x2, s20  }
0xa: {  	s8 =	sshll.u32 s20, $0x4;
	s12 =	sor.u32 $0x9C00, s31;
	p0 =	seq.s32 s20, $0x0  }
0xb: {  	p1 =	sne.s32 s20, $0x0;
	s6 =	sshrl.u32 s13, $0x3;
	s7 =	sshrl.u32 s5, $0x1  }
0xc: {  	s18 =	sor.u32 s1, s8;
	s17 =	simm.s32 @!p0 $0x24C00;
	s0 =	sadd.s32 s6, s0  }
0xd: {  	s16 =	ssub.s32 s5, s7;
	s9 =	smul.u32 $0x4E0, s18;
	p0 =	sgt.u32 s18, $0x3  }
.Ltmp0:
0xe: {  	s18 =	simm.s32 $0xFF00;
	s5 =	sadd.s32 $0x1AC00, s0;
	(pc) =	sbr.rel .LBB2_1-.Ltmp0, $4  }
0xf: {  	s6 =	sadd.s32 $0x10C00, s0;
	s7 =	sadd.s32 $0x15C00, s0;
	s14 =	sadd.s32 $0xBC00, s0  }
0x10: {  	s15 =	sadd.s32 $0x29C00, s0;
	s16 =	smax.u32 s16, $0x1;
	s17 =	sadd.s32 s17, s0  }
0x11: {  	s8 =	sadd.s32 s10, s9;
	s9 =	sadd.s32 s11, s9;
	s10 =	sadd.s32 s10, s12  }
0x12: {  	s11 =	sadd.s32 s11, s12;
	s12 =	sadd.s32 s13, s2;
	s13 =	sadd.s32 s13, s3  }
.LBB2_7:
0x13: {  	_ =	swait.ge [sflag:s22], $0x800  }
0x14: {  	[sflag:s22] =	ssyncset.done $0x0  }
0x15: {  	[sflag:s22] =	ssyncadd.s32 $0xFFFFF800  }
0x16: {  	_ =	swait.ge [sflag:s22], $0x800  }
0x17: {  	[sflag:s22] =	ssyncset.done $0x0  }
0x18: {  	[sflag:s22] =	ssyncadd.s32 $0xFFFFF800  }
0x19: {  	_ =	swait.ge [sflag:s22], $0x800  }
0x1a: {  	[sflag:s22] =	ssyncset.done $0x0  }
0x1b: {  	[sflag:s22] =	ssyncadd.s32 $0xFFFFF800  }
0x1c: {  	_ =	swait.ge [sflag:s22], $0x800  }
0x1d: {  	[sflag:s22] =	ssyncset.done $0x0  }
0x1e: {  	[sflag:s22] =	ssyncadd.s32 $0xFFFFF800  }
0x1f: {  	_ =	swait.ge [sflag:s22], $0x800  }
0x20: {  	[sflag:s22] =	ssyncset.done $0x0  }
0x21: {  	[sflag:s22] =	ssyncadd.s32 $0xFFFFF800  }
0x22: {  	_ =	swait.ge [sflag:s22], $0x800  }
0x23: {  	s0 =	simm.s32 @!p0 $0x80;
	[sflag:s22] =	ssyncset.done $0x0  }
0x24: {  	s20 =	simm.s32 @!p0 $0x4E00;
	s25 =	simm.s32 @!p0 $0x4F00;
	[sflag:s22] =	ssyncadd.s32 $0xFFFFF800  }
0x25: {  	[tilespmem:s25], [sflag:$0x5] =	stream.indirect.gather @!p0 [spmem:s2], $0x10, s20, s0, $0xb8;
	[tilespmem:$0x17700] =	vst v63  }
0x26: {  	s20 =	simm.s32 @!p0 $0x5  }
0x27: {  	_ =	swait.ge @!p0 [sflag:s20], $0x800  }
0x28: {  	[sflag:s20] =	ssyncset.done @!p0 $0x0  }
0x29: {  	s26 =	simm.s32 @!p0 $0x4E80;
	[sflag:s20] =	ssyncadd.s32 @!p0 $0xFFFFF800  }
0x2a: {  	[spmem:s3] =	stream.indirect.scatter.add.f32 @!p0 [tilespmem:s25], [sflag:$0x5], $0x10, s26, s0, $0xb8;
	[tilespmem:$0x17700] =	vst v63  }
0x2b: {  	_ =	swait.ge @!p0 [sflag:s20], $0x800  }
0x2c: {  	s30 =	sshll.u32 s1, $0x6;
	s24 =	sadd.s32 $0x1, s24;
	[sflag:s20] =	ssyncset.done @!p0 $0x0  }
0x2d: {  	s31 =	sshrl.u32 s13, $0x3;
	p2 =	sne.s32 s24, s16;
	[sflag:s20] =	ssyncadd.s32 @!p0 $0xFFFFF800  }
.Ltmp1:
0x2e: {  	s0 =	sor.u32 $0x1C05, s30;
	[bflag:$0x0] =	sbarrier.arrive $0xFFFF;
	(pc) =	sbr.rel @!p2 .LBB2_8-.Ltmp1, $4  }
0x2f: {  	[hbm:s17], [sflag:s0] =	dma.local [spmem:s31], $0x500  }
0x30: {  	_ =	swait.ge [sflag:s19], $0x500  }
0x31: {  	[sflag:s19] =	ssyncset.done $0x0  }
0x32: {  	[sflag:s19] =	ssyncadd.s32 $0xFFFFFB00  }
.LBB2_1:
0x33: {  	[tilespmem:s18], [sflag:$0x5] =	stream.linear.gather [hbm4b:s5+s4], $0x2800, $0x38;
	[tilespmem:$0x17700] =	vst v63  }
0x34: {  	_ =	swait.ge [sflag:s19], $0x2800  }
0x35: {  	[sflag:s19] =	ssyncset.done $0x0  }
0x36: {  	s0 =	simm.s32 $0x12700;
	[sflag:s19] =	ssyncadd.s32 $0xFFFFD800  }
0x37: {  	[tilespmem:s0], [sflag:$0x5] =	stream.linear.gather [hbm4b:s6+s4], $0x2800, $0x38;
	[tilespmem:$0x17700] =	vst v63  }
0x38: {  	_ =	swait.ge [sflag:s19], $0x2800  }
0x39: {  	[sflag:s19] =	ssyncset.done $0x0  }
0x3a: {  	s20 =	simm.s32 $0x14F00;
	[sflag:s19] =	ssyncadd.s32 $0xFFFFD800  }
0x3b: {  	[tilespmem:s20], [sflag:$0x5] =	stream.linear.gather [hbm4b:s7+s4], $0x2800, $0x38;
	[tilespmem:$0x17700] =	vst v63  }
0x3c: {  	_ =	swait.ge [sflag:s19], $0x2800  }
0x3d: {  	[sflag:s19] =	ssyncset.done $0x0  }
0x3e: {  	[sflag:s19] =	ssyncadd.s32 $0xFFFFD800  }
0x3f: {  	[tilespmem:s4], [sflag:$0x5] =	stream.linear.gather [hbm4b:s8+s4], $0x2700, $0x38;
	[tilespmem:$0x17700] =	vst v63  }
0x40: {  	_ =	swait.ge [sflag:s19], $0x2700  }
0x41: {  	[sflag:s19] =	ssyncset.done $0x0  }
0x42: {  	s25 =	simm.s32 $0x2700;
	[sflag:s19] =	ssyncadd.s32 $0xFFFFD900  }
0x43: {  	[tilespmem:s25], [sflag:$0x5] =	stream.linear.gather [hbm4b:s9+s4], $0x2700, $0x38;
	[tilespmem:$0x17700] =	vst v63  }
0x44: {  	_ =	swait.ge [sflag:s19], $0x2700  }
0x45: {  	[sflag:s19] =	ssyncset.done $0x0  }
0x46: {  	s0 =	simm.s32 @!p0 $0x0;
	s20 =	simm.s32 @!p0 $0x4E00;
	[sflag:s19] =	ssyncadd.s32 $0xFFFFD900  }
0x47: {  	[tilespmem:s20], [sflag:$0x5] =	stream.linear.gather @!p0 [hbm4b:s10+s0], $0x80, $0x38;
	[tilespmem:$0x17700] =	vst v63  }
0x48: {  	s20 =	simm.s32 @!p0 $0x5  }
0x49: {  	_ =	swait.ge @!p0 [sflag:s20], $0x80  }
0x4a: {  	[sflag:s20] =	ssyncset.done @!p0 $0x0  }
0x4b: {  	s25 =	simm.s32 @!p0 $0x4E80;
	[sflag:s20] =	ssyncadd.s32 @!p0 $0xFFFFFF80  }
0x4c: {  	[tilespmem:s25], [sflag:$0x5] =	stream.linear.gather @!p0 [hbm4b:s11+s0], $0x80, $0x38;
	[tilespmem:$0x17700] =	vst v63  }
0x4d: {  	_ =	swait.ge @!p0 [sflag:s20], $0x80  }
0x4e: {  	[sflag:s20] =	ssyncset.done @!p0 $0x0  }
0x4f: {  	s26 =	simm.s32 $0x14F40;
	[sflag:s20] =	ssyncadd.s32 @!p0 $0xFFFFFF80  }
0x50: {  	s25 =	simm.s32 $0x12740;
	v0 =	vld [tilespmem:s26+$0xFFFFFFE0]  }
0x51: {  	v1 =	vld [tilespmem:s25+$0xFFFFFFE0]  }
0x52: {  	v2 =	vld [tilespmem:s25+$0xFFFFFFC0]  }
0x53: {  	v3 =	vld [tilespmem:s26+$0xFFFFFFD0]  }
0x54: {  	v4 =	vld [tilespmem:s26+$0x30]  }
0x55: {  	v5 =	vld [tilespmem:s26+$0x0]  }
0x56: {  	v6 =	vld [tilespmem:s26+$0xFFFFFFF0]  }
0x57: {  	v7 =	vld [tilespmem:s25+$0x0]  }
0x58: {  	v8 =	vld [tilespmem:s26+$0x20]  }
0x59: {  	v9 =	vld [tilespmem:s25+$0xFFFFFFF0]  }
0x5a: {  	v11 =	vld [tilespmem:s26+$0xFFFFFFC0]  }
0x5b: {  	v12 =	vld [tilespmem:s25+$0x30]  }
0x5c: {  	s20 =	simm.s32 $0x14FC0;
	v14 =	vld [tilespmem:s26+$0x10]  }
0x5d: {  	s26 =	simm.s32 $0x127C0;
	v21 =	vld [tilespmem:s20+$0xFFFFFFD0]  }
0x5e: {  	v28 =	vld [tilespmem:s26+$0xFFFFFFD0];
	_ =	sdelay $0x1  }
0x5f: {  	v0 =	vadd.f32 v0, v1  }
0x60: {  	v5 =	vadd.f32 v5, v7;
	v2 =	vadd.f32 v11, v2  }
0x61: {  	v1 =	vld [tilespmem:s25+$0xFFFFFFD0];
	v4 =	vadd.f32 v4, v12;
	v6 =	vadd.f32 v6, v9  }
0x62: {  	v7 =	vld [tilespmem:s25+$0x10];
	v21 =	vadd.f32 v21, v28;
	v0 =	vadd.f32 $1.000000000e+00, v0  }
0x63: {  	v5 =	vadd.f32 $1.000000000e+00, v5;
	v4 =	vadd.f32 $1.000000000e+00, v4  }
0x64: {  	v2 =	vadd.f32 $1.000000000e+00, v2;
	v6 =	vadd.f32 $1.000000000e+00, v6;
	v10 =	vshra.s32 v0, $0x1  }
0x65: {  	v0 =	vmul.f32 $5.000000000e-01, v0;
	v9 =	vmul.f32 $5.000000000e-01, v5;
	v5 =	vshra.s32 v5, $0x1  }
0x66: {  	v17 =	vmul.f32 $5.000000000e-01, v2;
	v2 =	vshra.s32 v2, $0x1;
	v10 =	vsub.s32 $0x5F3759DF, v10  }
0x67: {  	v1 =	vadd.f32 v3, v1;
	v3 =	vld [tilespmem:s25+$0x20];
	v7 =	vadd.f32 v14, v7;
	v5 =	vsub.s32 $0x5F3759DF, v5  }
0x68: {  	v22 =	vsub.s32 $0x5F3759DF, v2;
	v13 =	vmul.f32 v10, v0;
	v12 =	vmul.f32 v5, v9  }
0x69: {  	v21 =	vadd.f32 $1.000000000e+00, v21;
	v25 =	vmul.f32 v22, v17;
	v7 =	vadd.f32 $1.000000000e+00, v7  }
0x6a: {  	v1 =	vadd.f32 $1.000000000e+00, v1;
	v13 =	vmul.f32 v10, v13;
	v12 =	vmul.f32 v5, v12  }
0x6b: {  	v25 =	vmul.f32 v22, v25;
	v15 =	vmul.f32 $5.000000000e-01, v7;
	v7 =	vshra.s32 v7, $0x1  }
0x6c: {  	v11 =	vsub.f32 $1.500000000e+00, v13;
	v13 =	vmul.f32 $5.000000000e-01, v1;
	v3 =	vadd.f32 v8, v3  }
0x6d: {  	v1 =	vshra.s32 v1, $0x1;
	v12 =	vsub.f32 $1.500000000e+00, v12;
	v7 =	vsub.s32 $0x5F3759DF, v7  }
0x6e: {  	v1 =	vsub.s32 $0x5F3759DF, v1;
	v18 =	vmul.f32 v7, v15;
	v8 =	vmul.f32 v10, v11  }
0x6f: {  	v10 =	vmul.f32 $5.000000000e-01, v4;
	v11 =	vshra.s32 v6, $0x1;
	v6 =	vmul.f32 $5.000000000e-01, v6  }
0x70: {  	v4 =	vshra.s32 v4, $0x1;
	v16 =	vmul.f32 v1, v13;
	v5 =	vmul.f32 v5, v12  }
0x71: {  	v4 =	vsub.s32 $0x5F3759DF, v4;
	v18 =	vmul.f32 v7, v18;
	v0 =	vmul.f32 v8, v0  }
0x72: {  	v24 =	vld [tilespmem:s20+$0x0];
	v3 =	vadd.f32 $1.000000000e+00, v3;
	v20 =	vmul.f32 v4, v10;
	v16 =	vmul.f32 v1, v16  }
0x73: {  	v26 =	vld [tilespmem:s20+$0xFFFFFFE0];
	v2 =	vmul.f32 v5, v9;
	v18 =	vsub.f32 $1.500000000e+00, v18;
	v0 =	vmul.f32 v0, v8  }
0x74: {  	s28 =	simm.s32 $0xFF40;
	v29 =	vld [tilespmem:s20+$0xFFFFFFF0];
	v11 =	vsub.s32 $0x5F3759DF, v11;
	v20 =	vmul.f32 v4, v20;
	v16 =	vsub.f32 $1.500000000e+00, v16  }
0x75: {  	v14 =	vld [tilespmem:s28+$0xFFFFFFE0];
	v2 =	vmul.f32 v2, v5;
	v7 =	vmul.f32 v7, v18;
	v0 =	vsub.f32 $1.500000000e+00, v0  }
0x76: {  	v23 =	vmul.f32 $5.000000000e-01, v3;
	v18 =	vsub.f32 $1.500000000e+00, v20;
	v20 =	vld [tilespmem:s26+$0xFFFFFFE0];
	v1 =	vmul.f32 v1, v16  }
0x77: {  	v9 =	vld [tilespmem:s20+$0x30];
	v27 =	vsub.f32 $1.500000000e+00, v2;
	v15 =	vmul.f32 v7, v15;
	v8 =	vmul.f32 v0, v8  }
0x78: {  	v16 =	vsub.f32 $1.500000000e+00, v25;
	v25 =	vld [tilespmem:s26+$0x30];
	v0 =	vmul.f32 v11, v6;
	v2 =	vmul.f32 v4, v18  }
0x79: {  	v32 =	vld [tilespmem:s26+$0x10];
	v3 =	vshra.s32 v3, $0x1;
	v5 =	vmul.f32 v27, v5;
	v13 =	vmul.f32 v1, v13  }
0x7a: {  	v12 =	vld [tilespmem:s26+$0xFFFFFFC0];
	v18 =	vsub.s32 $0x5F3759DF, v3;
	v4 =	vmul.f32 v15, v7;
	v0 =	vmul.f32 v11, v0  }
0x7b: {  	v3 =	vld [tilespmem:s26+$0x0];
	v14 =	vmul.f32 v8, v14;
	v10 =	vmul.f32 v2, v10;
	v20 =	vadd.f32 v26, v20  }
0x7c: {  	v15 =	vld [tilespmem:s20+$0x20];
	v13 =	vmul.f32 v13, v1;
	v27 =	vsub.f32 $1.500000000e+00, v4;
	v0 =	vsub.f32 $1.500000000e+00, v0  }
0x7d: {  	v25 =	vadd.f32 v9, v25;
	v28 =	vmul.f32 v10, v2;
	v10 =	vld [tilespmem:s26+$0x20];
	v20 =	vadd.f32 $1.000000000e+00, v20  }
0x7e: {  	v9 =	vmul.f32 v22, v16;
	v13 =	vsub.f32 $1.500000000e+00, v13;
	v0 =	vmul.f32 v11, v0;
	v11 =	vld [tilespmem:s20+$0xFFFFFFC0]  }
0x7f: {  	v27 =	vmul.f32 v27, v7;
	v7 =	vld [tilespmem:s20+$0x10];
	v30 =	vshra.s32 v20, $0x1;
	v20 =	vmul.f32 $5.000000000e-01, v20  }
0x80: {  	v26 =	vld [tilespmem:s26+$0xFFFFFFF0];
	v24 =	vadd.f32 v24, v3;
	v6 =	vmul.f32 v0, v6;
	v30 =	vsub.s32 $0x5F3759DF, v30  }
0x81: {  	v13 =	vmul.f32 v13, v1;
	v1 =	vshra.s32 v21, $0x1;
	v31 =	vmul.f32 v30, v20  }
0x82: {  	v19 =	vld [tilespmem:s28+$0x0];
	v22 =	vadd.f32 $1.000000000e+00, v24;
	v4 =	vmul.f32 v6, v0;
	v6 =	vmul.f32 v18, v23  }
0x83: {  	v11 =	vadd.f32 v11, v12;
	v16 =	vmul.f32 v30, v31;
	v31 =	vadd.f32 v15, v10  }
0x84: {  	v15 =	vadd.f32 $1.000000000e+00, v25;
	v10 =	vsub.s32 $0x5F3759DF, v1;
	v1 =	vadd.f32 v7, v32  }
0x85: {  	v12 =	vld [tilespmem:s28+$0xFFFFFFD0];
	v24 =	vmul.f32 v18, v6;
	v6 =	vsub.f32 $1.500000000e+00, v16;
	v16 =	vadd.f32 v29, v26  }
0x86: {  	v3 =	vmul.f32 $5.000000000e-01, v21;
	v21 =	vadd.f32 $1.000000000e+00, v11;
	v1 =	vadd.f32 $1.000000000e+00, v1  }
0x87: {  	v19 =	vmul.f32 v5, v19;
	v26 =	vld [tilespmem:s28+$0x10];
	v31 =	vadd.f32 $1.000000000e+00, v31;
	v11 =	vsub.f32 $1.500000000e+00, v24  }
0x88: {  	v25 =	vmul.f32 v30, v6;
	v7 =	vadd.f32 $1.000000000e+00, v16;
	v6 =	vmul.f32 $5.000000000e-01, v15  }
0x89: {  	[tilespmem:s28+$0xFFFFFFE0] =	vst v14;
	v16 =	vmul.f32 $5.000000000e-01, v22;
	v30 =	vshra.s32 v15, $0x1;
	v14 =	vmul.f32 $5.000000000e-01, v1  }
0x8a: {  	v12 =	vmul.f32 v13, v12;
	v20 =	vmul.f32 v25, v20;
	v29 =	vshra.s32 v7, $0x1  }
0x8b: {  	[tilespmem:s28+$0x0] =	vst v19;
	v15 =	vmul.f32 v18, v11;
	v7 =	vmul.f32 $5.000000000e-01, v7;
	v11 =	vsub.s32 $0x5F3759DF, v29  }
0x8c: {  	s30 =	simm.s32 $0xFFC0;
	[tilespmem:s25+$0xFFFFFFE0] =	vst v8;
	v29 =	vshra.s32 v1, $0x1;
	v26 =	vmul.f32 v27, v26;
	v18 =	vmul.f32 v20, v25  }
0x8d: {  	[tilespmem:s25+$0x0] =	vst v5;
	v1 =	vmul.f32 $5.000000000e-01, v21;
	v19 =	vmul.f32 v15, v23;
	v20 =	vshra.s32 v22, $0x1;
	v22 =	vld [tilespmem:s30+$0xFFFFFFE0]  }
0x8e: {  	v23 =	vmul.f32 v9, v17;
	[tilespmem:s28+$0xFFFFFFD0] =	vst v12;
	v63 =	vsub.s32 $0x5F3759DF, v20;
	v18 =	vsub.f32 $1.500000000e+00, v18  }
0x8f: {  	v24 =	vshra.s32 v21, $0x1;
	v20 =	vmul.f32 v11, v7;
	[tilespmem:s28+$0x10] =	vst v26;
	v8 =	vmul.f32 v63, v16  }
0x90: {  	v17 =	vsub.s32 $0x5F3759DF, v30;
	[tilespmem:s25+$0x10] =	vst v27;
	v27 =	vmul.f32 v19, v15;
	v12 =	vmul.f32 v18, v25  }
0x91: {  	[tilespmem:s25+$0xFFFFFFD0] =	vst v13;
	v13 =	vld [tilespmem:s28+$0xFFFFFFF0];
	v5 =	vmul.f32 v63, v8;
	v8 =	vsub.s32 $0x5F3759DF, v24;
	v25 =	vmul.f32 v10, v3  }
0x92: {  	v19 =	vld [tilespmem:s30+$0x0];
	v24 =	vsub.s32 $0x5F3759DF, v29;
	v29 =	vsub.f32 $1.500000000e+00, v28;
	v26 =	vmul.f32 v12, v22  }
0x93: {  	v18 =	vld [tilespmem:s28+$0xFFFFFFC0];
	v28 =	vmul.f32 v17, v6;
	v30 =	vmul.f32 v24, v14;
	v21 =	vsub.f32 $1.500000000e+00, v5  }
0x94: {  	s29 =	simm.s32 $0xFFC0;
	v5 =	vmul.f32 $5.000000000e-01, v31;
	v31 =	vshra.s32 v31, $0x1;
	v25 =	vmul.f32 v10, v25;
	[tilespmem:s30+$0xFFFFFFE0] =	vst v26;
	v26 =	vld [tilespmem:s28+$0x30]  }
0x95: {  	s31 =	simm.s32 $0x8;
	s0 =	simm.s32 $0x15040;
	s20 =	simm.s32 $0x12840;
	v22 =	vld [tilespmem:s28+$0x20];
	v30 =	vmul.f32 v24, v30;
	v21 =	vmul.f32 v63, v21;
	[tilespmem:s26+$0xFFFFFFE0] =	vst v12;
	v12 =	vsub.s32 $0x5F3759DF, v31  }
.LBB2_2:
0x96: {  	v31 =	vld [tilespmem:s20+$0xFFFFFFC0];
	s31 =	sadd.s32 $0x8, s31;
	v32 =	vmul.f32 v8, v1;
	s30 =	sadd.s32 $0x80, s30;
	v27 =	vsub.f32 $1.500000000e+00, v27;
	v29 =	vmul.f32 v29, v2  }
0x97: {  	v2 =	vmul.f32 v21, v16;
	v23 =	vmul.f32 v23, v9;
	v33 =	vld [tilespmem:s0+$0xFFFFFFD0];
	p2 =	slt.u32 s31, $0x278;
	v16 =	vsub.f32 $1.500000000e+00, v30  }
0x98: {  	v28 =	vmul.f32 v17, v28;
	v4 =	vsub.f32 $1.500000000e+00, v4;
	v30 =	vld [tilespmem:s0+$0x30];
	v15 =	vmul.f32 v27, v15  }
0x99: {  	v2 =	vmul.f32 v2, v21;
	v23 =	vsub.f32 $1.500000000e+00, v23;
	v27 =	vld [tilespmem:s0+$0x0];
	v26 =	vmul.f32 v29, v26  }
0x9a: {  	v20 =	vmul.f32 v11, v20;
	v16 =	vmul.f32 v24, v16;
	v24 =	vsub.f32 $1.500000000e+00, v28;
	v34 =	vld [tilespmem:s0+$0xFFFFFFF0]  }
0x9b: {  	v32 =	vmul.f32 v8, v32;
	v35 =	vsub.f32 $1.500000000e+00, v2;
	v9 =	vmul.f32 v23, v9;
	v28 =	vld [tilespmem:s0+$0xFFFFFFE0]  }
0x9c: {  	v25 =	vsub.f32 $1.500000000e+00, v25;
	v22 =	vmul.f32 v15, v22;
	v14 =	vmul.f32 v16, v14;
	v23 =	vld [tilespmem:s20+$0xFFFFFFE0]  }
0x9d: {  	v32 =	vsub.f32 $1.500000000e+00, v32;
	v2 =	vmul.f32 v17, v24;
	v17 =	vmul.f32 v9, v18;
	v36 =	vld [tilespmem:s20+$0xFFFFFFD0]  }
0x9e: {  	v20 =	vsub.f32 $1.500000000e+00, v20;
	v24 =	vmul.f32 v4, v0;
	v21 =	vmul.f32 v35, v21;
	v18 =	vld [tilespmem:s20+$0x0]  }
0x9f: {  	v10 =	vmul.f32 v10, v25;
	v4 =	vmul.f32 v14, v16;
	v35 =	vld [tilespmem:s0+$0x20];
	[tilespmem:s28+$0x20] =	vst v22  }
0xa0: {  	v0 =	vmul.f32 v11, v20;
	v11 =	vmul.f32 v21, v19;
	v14 =	vld [tilespmem:s20+$0xFFFFFFF0];
	[tilespmem:s25+$0x20] =	vst v15  }
0xa1: {  	v3 =	vmul.f32 v10, v3;
	v6 =	vmul.f32 v2, v6;
	v15 =	vld [tilespmem:s0+$0xFFFFFFC0];
	v19 =	vadd.f32 v28, v23;
	[tilespmem:s28+$0x30] =	vst v26  }
0xa2: {  	v7 =	vmul.f32 v0, v7;
	v23 =	vsub.f32 $1.500000000e+00, v4;
	v20 =	vadd.f32 v33, v36;
	v22 =	vld [tilespmem:s20+$0x20];
	[tilespmem:s25+$0x30] =	vst v29  }
0xa3: {  	v26 =	vmul.f32 v6, v2;
	v6 =	vmul.f32 v24, v13;
	v19 =	vadd.f32 $1.000000000e+00, v19;
	v25 =	vld [tilespmem:s20+$0x30];
	[tilespmem:s28+$0xFFFFFFC0] =	vst v17  }
0xa4: {  	v4 =	vmul.f32 v7, v0;
	v7 =	vmul.f32 v12, v5;
	v13 =	vadd.f32 $1.000000000e+00, v20;
	[tilespmem:s25+$0xFFFFFFC0] =	vst v9  }
0xa5: {  	v3 =	vmul.f32 v3, v10;
	v9 =	vshra.s32 v19, $0x1;
	v17 =	vmul.f32 $5.000000000e-01, v19;
	v19 =	vld [tilespmem:s29+$0xFFFFFFD0];
	[tilespmem:s28+$0xFFFFFFF0] =	vst v6;
	s28 =	smov.u32 s29;
	s29 =	smov.u32 s30  }
0xa6: {  	v28 =	vmul.f32 v23, v16;
	v6 =	vadd.f32 v15, v31;
	v15 =	vsub.s32 $0x5F3759DF, v9;
	v20 =	vld [tilespmem:s0+$0x10];
	[tilespmem:s25+$0xFFFFFFF0] =	vst v24;
	s25 =	smov.u32 s26;
	s26 =	smov.u32 s20  }
0xa7: {  	v18 =	vadd.f32 v27, v18;
	v24 =	vsub.f32 $1.500000000e+00, v3;
	v16 =	vmul.f32 v15, v17;
	v23 =	vld [tilespmem:s20+$0x10];
	[tilespmem:s28+$0x0] =	vst v11  }
0xa8: {  	v3 =	vmul.f32 $5.000000000e-01, v13;
	v9 =	vmul.f32 v8, v32;
	v11 =	vadd.f32 v30, v25;
	[tilespmem:s25+$0x0] =	vst v21  }
0xa9: {  	v7 =	vmul.f32 v12, v7;
	v18 =	vadd.f32 $1.000000000e+00, v18;
	v8 =	vmul.f32 v15, v16  }
0xaa: {  	v21 =	vadd.f32 v35, v22;
	v22 =	vmul.f32 v24, v10;
	v11 =	vadd.f32 $1.000000000e+00, v11  }
0xab: {  	v10 =	vshra.s32 v13, $0x1;
	v13 =	vadd.f32 v34, v14;
	v8 =	vsub.f32 $1.500000000e+00, v8  }
0xac: {  	v10 =	vsub.s32 $0x5F3759DF, v10;
	v16 =	vmul.f32 v22, v19;
	v14 =	vadd.f32 v20, v23  }
0xad: {  	v19 =	vadd.f32 $1.000000000e+00, v6;
	v20 =	vmul.f32 v15, v8;
	v8 =	vadd.f32 $1.000000000e+00, v13  }
0xae: {  	v7 =	vsub.f32 $1.500000000e+00, v7;
	v6 =	vmul.f32 $5.000000000e-01, v11;
	v13 =	vadd.f32 $1.000000000e+00, v14;
	v23 =	vld [tilespmem:s28+$0x10]  }
0xaf: {  	v24 =	vshra.s32 v19, $0x1;
	v14 =	vmul.f32 v20, v17;
	v17 =	vshra.s32 v8, $0x1;
	[tilespmem:s28+$0xFFFFFFD0] =	vst v16  }
0xb0: {  	v25 =	vshra.s32 v11, $0x1;
	v15 =	vmul.f32 v12, v7;
	v16 =	vmul.f32 $5.000000000e-01, v18;
	[tilespmem:s25+$0xFFFFFFD0] =	vst v22  }
0xb1: {  	v7 =	vmul.f32 $5.000000000e-01, v8;
	v8 =	vshra.s32 v18, $0x1;
	v12 =	vmul.f32 v14, v20  }
0xb2: {  	v11 =	vsub.s32 $0x5F3759DF, v17;
	v30 =	vsub.s32 $0x5F3759DF, v8;
	v14 =	vmul.f32 $5.000000000e-01, v13  }
0xb3: {  	v22 =	vshra.s32 v13, $0x1;
	v8 =	vmul.f32 v30, v16;
	v18 =	vld [tilespmem:s30+$0xFFFFFFE0];
	v13 =	vmul.f32 v28, v23  }
0xb4: {  	v17 =	vmul.f32 $5.000000000e-01, v19;
	v19 =	vmul.f32 v15, v5;
	v12 =	vsub.f32 $1.500000000e+00, v12  }
0xb5: {  	v31 =	vadd.f32 $1.000000000e+00, v21;
	v5 =	vmul.f32 v30, v8;
	v23 =	vmul.f32 v9, v1;
	[tilespmem:s28+$0x10] =	vst v13  }
0xb6: {  	v8 =	vsub.s32 $0x5F3759DF, v24;
	v1 =	vmovc v17;
	v12 =	vmul.f32 v12, v20;
	v20 =	vmul.f32 v11, v7;
	[tilespmem:s25+$0x10] =	vst v28  }
.Ltmp2:
0xb7: {  	v32 =	vmul.f32 v10, v3;
	v17 =	vsub.s32 $0x5F3759DF, v25;
	v21 =	vsub.f32 $1.500000000e+00, v5;
	v13 =	vld [tilespmem:s28+$0xFFFFFFF0];
	(pc) =	sbr.rel @p2 .LBB2_2-.Ltmp2, $4  }
0xb8: {  	v24 =	vsub.s32 $0x5F3759DF, v22;
	v5 =	vmul.f32 $5.000000000e-01, v31;
	v25 =	vmul.f32 v12, v18;
	v18 =	vld [tilespmem:s28+$0xFFFFFFC0]  }
0xb9: {  	v29 =	vsub.f32 $1.500000000e+00, v26;
	v27 =	vmul.f32 v19, v15;
	v33 =	vmul.f32 v24, v14;
	v22 =	vld [tilespmem:s28+$0x20]  }
0xba: {  	v31 =	vshra.s32 v31, $0x1;
	v28 =	vmul.f32 v17, v6;
	v21 =	vmul.f32 v30, v21;
	[tilespmem:s30+$0xFFFFFFE0] =	vst v25;
	v26 =	vld [tilespmem:s28+$0x30]  }
0xbb: {  	s0 =	sadd.s32 $0x80, s0;
	s20 =	sadd.s32 $0x80, s20;
	v30 =	vmul.f32 v24, v33;
	v25 =	vmul.f32 v10, v32;
	[tilespmem:s26+$0xFFFFFFE0] =	vst v12;
	v19 =	vld [tilespmem:s30+$0x0];
	v12 =	vsub.s32 $0x5F3759DF, v31  }
0xbc: {  	v31 =	vmul.f32 v8, v1  }
0xbd: {  	v2 =	vmul.f32 v29, v2;
	v16 =	vmul.f32 v21, v16  }
0xbe: {  	v27 =	vsub.f32 $1.500000000e+00, v27;
	v23 =	vmul.f32 v23, v9;
	v28 =	vmul.f32 v17, v28  }
0xbf: {  	v20 =	vmul.f32 v11, v20;
	v39 =	vmul.f32 v12, v5  }
0xc0: {  	v4 =	vsub.f32 $1.500000000e+00, v4;
	v35 =	vsub.f32 $1.500000000e+00, v30;
	v15 =	vmul.f32 v27, v15  }
0xc1: {  	v38 =	vsub.f32 $1.500000000e+00, v25;
	v16 =	vmul.f32 v16, v21;
	v36 =	vmul.f32 v8, v31  }
0xc2: {  	v23 =	vsub.f32 $1.500000000e+00, v23;
	v40 =	vmul.f32 v12, v39;
	v0 =	vmul.f32 v4, v0  }
0xc3: {  	v28 =	vsub.f32 $1.500000000e+00, v28;
	v26 =	vmul.f32 v2, v26;
	v24 =	vmul.f32 v24, v35  }
0xc4: {  	v20 =	vsub.f32 $1.500000000e+00, v20;
	v10 =	vmul.f32 v10, v38;
	v37 =	vmul.f32 v23, v9  }
0xc5: {  	v22 =	vmul.f32 v15, v22;
	v41 =	vmul.f32 v17, v28  }
0xc6: {  	v16 =	vsub.f32 $1.500000000e+00, v16;
	v46 =	vmul.f32 v11, v20;
	v13 =	vmul.f32 v0, v13  }
0xc7: {  	v42 =	vsub.f32 $1.500000000e+00, v40;
	v14 =	vmul.f32 v24, v14;
	v3 =	vmul.f32 v10, v3  }
0xc8: {  	v45 =	vsub.f32 $1.500000000e+00, v36;
	[tilespmem:s28+$0x30] =	vst v26;
	v18 =	vmul.f32 v37, v18;
	v16 =	vmul.f32 v16, v21  }
0xc9: {  	[tilespmem:s28+$0x20] =	vst v22;
	v44 =	vmul.f32 v12, v42;
	v6 =	vmul.f32 v41, v6  }
0xca: {  	[tilespmem:s25+$0x30] =	vst v2;
	v51 =	vmul.f32 v8, v45;
	v3 =	vmul.f32 v3, v10  }
0xcb: {  	v48 =	vld [tilespmem:s29+$0xFFFFFFD0];
	[tilespmem:s28+$0xFFFFFFF0] =	vst v13;
	v7 =	vmul.f32 v46, v7;
	v43 =	vmul.f32 v14, v24  }
0xcc: {  	v49 =	vld [tilespmem:s29+$0x10];
	[tilespmem:s25+$0x20] =	vst v15;
	v47 =	vmul.f32 v16, v19;
	v50 =	vmul.f32 v44, v5;
	v3 =	vsub.f32 $1.500000000e+00, v3  }
0xcd: {  	[tilespmem:s25+$0xFFFFFFF0] =	vst v0;
	v6 =	vmul.f32 v6, v41;
	v53 =	vmul.f32 v51, v1;
	v4 =	vsub.f32 $1.500000000e+00, v43  }
0xce: {  	[tilespmem:s28+$0xFFFFFFC0] =	vst v18;
	v57 =	vmul.f32 v7, v46;
	v3 =	vmul.f32 v3, v10  }
0xcf: {  	v59 =	vld [tilespmem:s29+$0xFFFFFFF0];
	[tilespmem:s25+$0xFFFFFFC0] =	vst v37;
	v5 =	vmul.f32 v50, v44;
	v4 =	vmul.f32 v4, v24  }
0xd0: {  	[tilespmem:s29+$0x0] =	vst v47;
	v56 =	vsub.f32 $1.500000000e+00, v6;
	v6 =	vsub.f32 $1.500000000e+00, v57;
	v2 =	vmul.f32 v3, v48  }
0xd1: {  	v52 =	vld [tilespmem:s29+$0x20];
	v1 =	vmul.f32 v53, v51;
	[tilespmem:s26+$0x0] =	vst v16;
	v54 =	vmul.f32 v4, v49  }
0xd2: {  	v58 =	vld [tilespmem:s29+$0xFFFFFFC0];
	v5 =	vsub.f32 $1.500000000e+00, v5;
	v62 =	vmul.f32 v6, v46;
	[tilespmem:s29+$0xFFFFFFD0] =	vst v2  }
0xd3: {  	v1 =	vsub.f32 $1.500000000e+00, v1;
	[tilespmem:s29+$0x10] =	vst v54  }
0xd4: {  	v55 =	vld [tilespmem:s29+$0x30];
	v5 =	vmul.f32 v5, v44;
	v63 =	vmul.f32 v62, v59;
	[tilespmem:s26+$0xFFFFFFD0] =	vst v3  }
0xd5: {  	v1 =	vmul.f32 v1, v51;
	[tilespmem:s26+$0x10] =	vst v4  }
0xd6: {  	v0 =	vmul.f32 v5, v52;
	[tilespmem:s29+$0xFFFFFFF0] =	vst v63  }
0xd7: {  	v2 =	vmul.f32 v56, v41;
	v61 =	vmul.f32 v1, v58;
	[tilespmem:s26+$0xFFFFFFF0] =	vst v62  }
0xd8: {  	[tilespmem:s29+$0x20] =	vst v0  }
0xd9: {  	v60 =	vmul.f32 v2, v55;
	[tilespmem:s29+$0xFFFFFFC0] =	vst v61  }
0xda: {  	[tilespmem:s26+$0x20] =	vst v5  }
0xdb: {  	[tilespmem:s29+$0x30] =	vst v60  }
0xdc: {  	[tilespmem:s26+$0xFFFFFFC0] =	vst v1  }
0xdd: {  	[tilespmem:s26+$0x30] =	vst v2  }
0xde: {  	[spmem:s12] =	stream.linear.scatter [tilespmem:s18], [sflag:$0x5], $0x2800, $0x38;
	[tilespmem:$0x17700] =	vst v63  }
0xdf: {  	_ =	swait.ge [sflag:s19], $0x2800  }
0xe0: {  	s0 =	sshll.u32 @p1 s1, $0x6;
	[sflag:s19] =	ssyncset.done $0x0  }
0xe1: {  	s20 =	sshrl.u32 @p1 s13, $0x3;
	s0 =	sor.u32 @p1 $0x1C05, s0;
	[sflag:s19] =	ssyncadd.s32 $0xFFFFD800  }
0xe2: {  	[spmem:s20], [sflag:s0] =	dma.local @p1 [hbm:s14], $0x500  }
0xe3: {  	s0 =	simm.s32 @p1 $0x5  }
0xe4: {  	_ =	swait.ge @p1 [sflag:s0], $0x500  }
0xe5: {  	[sflag:s0] =	ssyncset.done @p1 $0x0  }
0xe6: {  	[sflag:s0] =	ssyncadd.s32 @p1 $0xFFFFFB00;
	s0 =	simm.s32 @!p1 $0xFF00  }
0xe7: {  	[spmem:s13] =	stream.linear.scatter @!p1 [tilespmem:s0], [sflag:$0x5], $0x2800, $0x38;
	[tilespmem:$0x17700] =	vst v63  }
0xe8: {  	s0 =	simm.s32 @!p1 $0x5  }
0xe9: {  	_ =	swait.ge @!p1 [sflag:s0], $0x2800  }
0xea: {  	[sflag:s0] =	ssyncset.done @!p1 $0x0  }
0xeb: {  	s25 =	simm.s32 @!p1 $0x12700;
	s20 =	simm.s32 @!p1 $0x0;
	[sflag:s0] =	ssyncadd.s32 @!p1 $0xFFFFD800  }
0xec: {  	[hbm4b:s15+s20] =	stream.linear.scatter @!p1 [tilespmem:s25], [sflag:$0x5], $0x2800, $0x38;
	[tilespmem:$0x17700] =	vst v63  }
0xed: {  	_ =	swait.ge @!p1 [sflag:s0], $0x2800  }
0xee: {  	[sflag:s0] =	ssyncset.done @!p1 $0x0  }
0xef: {  	[sflag:s0] =	ssyncadd.s32 @!p1 $0xFFFFD800  }
0xf0: {  	s28 =	simm.s32 $0x4F00;
	s0 =	simm.s32 $0x0;
	[bflag:$0x0] =	sbarrier.arrive $0xFFFF  }
0xf1: {  	[tilespmem:s28], [sflag:$0x1] =	stream.indirect.gather [spmem:s2], $0x10, s0, s23, $0xb8;
	[tilespmem:$0x17700] =	vst v63  }
0xf2: {  	s29 =	simm.s32 $0x5700  }
0xf3: {  	[tilespmem:s29], [sflag:$0x1] =	stream.indirect.gather [spmem:s2], $0x10, s23, s23, $0xb8;
	[tilespmem:$0x17700] =	vst v63  }
0xf4: {  	s30 =	simm.s32 $0x100;
	s31 =	simm.s32 $0x5F00  }
0xf5: {  	[tilespmem:s31], [sflag:$0x1] =	stream.indirect.gather [spmem:s2], $0x10, s30, s23, $0xb8;
	[tilespmem:$0x17700] =	vst v63  }
0xf6: {  	s26 =	simm.s32 $0x180;
	s28 =	simm.s32 $0x6700  }
0xf7: {  	[tilespmem:s28], [sflag:$0x1] =	stream.indirect.gather [spmem:s2], $0x10, s26, s23, $0xb8;
	[tilespmem:$0x17700] =	vst v63  }
.Ltmp3:
0xf8: {  	_ = 	snop;
	(pc) =	sbr.rel .LBB2_4-.Ltmp3, $4  }
0xf9: {  	s29 =	simm.s32 $0x200;
	s30 =	simm.s32 $0x6F00  }
0xfa: {  	[tilespmem:s30], [sflag:$0x1] =	stream.indirect.gather [spmem:s2], $0x10, s29, s23, $0xb8;
	[tilespmem:$0x17700] =	vst v63  }
0xfb: {  	s31 =	simm.s32 $0x280  }
0xfc: {  	[tilespmem:s21], [sflag:$0x1] =	stream.indirect.gather [spmem:s2], $0x10, s31, s23, $0xb8;
	[tilespmem:$0x17700] =	vst v63  }
.LBB2_6:
0xfd: {  	s26 =	smul.u32 $0xC000, s20  }
0xfe: {  	s0 =	smul.u32 $0xC00, s0;
	_ =	sdelay $0x1  }
0xff: {  	s26 =	sshrl.u32 s26, $0x2;
	s0 =	sshra.s32 s0, $0x2  }
0x100: {  	s20 =	sadd.s32 $0x3, s20;
	s28 =	sor.u32 $0x4F00, s26;
	s29 =	sadd.s32 $0x2700, s0  }
0x101: {  	[spmem:s3] =	stream.indirect.scatter.add.f32 [tilespmem:s28], [sflag:s20], $0x10, s29, s23, $0xb8;
	[tilespmem:$0x17700] =	vst v63  }
0x102: {  	s30 =	sadd.s32 $0x5700, s26;
	s31 =	sadd.s32 $0x2780, s0  }
0x103: {  	[spmem:s3] =	stream.indirect.scatter.add.f32 [tilespmem:s30], [sflag:s20], $0x10, s31, s23, $0xb8;
	[tilespmem:$0x17700] =	vst v63  }
0x104: {  	s30 =	sadd.s32 $0x5F00, s26;
	s31 =	sadd.s32 $0x2800, s0  }
0x105: {  	[spmem:s3] =	stream.indirect.scatter.add.f32 [tilespmem:s30], [sflag:s20], $0x10, s31, s23, $0xb8;
	[tilespmem:$0x17700] =	vst v63  }
0x106: {  	p2 =	slt.u32 s25, $0xD;
	s30 =	sadd.s32 $0x6700, s26;
	s31 =	sadd.s32 $0x2880, s0  }
0x107: {  	[spmem:s3] =	stream.indirect.scatter.add.f32 [tilespmem:s30], [sflag:s20], $0x10, s31, s23, $0xb8;
	[tilespmem:$0x17700] =	vst v63  }
.Ltmp4:
0x108: {  	s30 =	sadd.s32 $0x6F00, s26;
	s31 =	sadd.s32 $0x2900, s0;
	(pc) =	sbr.rel @!p2 .LBB2_7-.Ltmp4, $4  }
0x109: {  	[spmem:s3] =	stream.indirect.scatter.add.f32 [tilespmem:s30], [sflag:s20], $0x10, s31, s23, $0xb8;
	[tilespmem:$0x17700] =	vst v63  }
0x10a: {  	s26 =	sadd.s32 $0x7700, s26;
	s0 =	sadd.s32 $0x2980, s0  }
0x10b: {  	[spmem:s3] =	stream.indirect.scatter.add.f32 [tilespmem:s26], [sflag:s20], $0x10, s0, s23, $0xb8;
	[tilespmem:$0x17700] =	vst v63  }
0x10c: {  	s0 =	smov.u32 s25  }
.LBB2_4:
0x10d: {  	s20 =	sand.u32 $0x1, s0  }
0x10e: {  	s25 =	sadd.s32 $0x1, s20  }
0x10f: {  	_ =	swait.ge [sflag:s25], $0x800  }
0x110: {  	[sflag:s25] =	ssyncset.done $0x0  }
0x111: {  	[sflag:s25] =	ssyncadd.s32 $0xFFFFF800  }
0x112: {  	_ =	swait.ge [sflag:s25], $0x800  }
0x113: {  	[sflag:s25] =	ssyncset.done $0x0  }
0x114: {  	[sflag:s25] =	ssyncadd.s32 $0xFFFFF800  }
0x115: {  	_ =	swait.ge [sflag:s25], $0x800  }
0x116: {  	[sflag:s25] =	ssyncset.done $0x0  }
0x117: {  	[sflag:s25] =	ssyncadd.s32 $0xFFFFF800  }
0x118: {  	_ =	swait.ge [sflag:s25], $0x800  }
0x119: {  	[sflag:s25] =	ssyncset.done $0x0  }
0x11a: {  	[sflag:s25] =	ssyncadd.s32 $0xFFFFF800  }
0x11b: {  	_ =	swait.ge [sflag:s25], $0x800  }
0x11c: {  	[sflag:s25] =	ssyncset.done $0x0  }
0x11d: {  	[sflag:s25] =	ssyncadd.s32 $0xFFFFF800  }
0x11e: {  	p2 =	seq.s32 s0, $0x0;
	_ =	swait.ge [sflag:s25], $0x800  }
0x11f: {  	s26 =	sxor.u32 @!p2 $0x1, s20;
	[sflag:s25] =	ssyncset.done $0x0  }
0x120: {  	[sflag:s25] =	ssyncadd.s32 $0xFFFFF800;
	s25 =	sadd.s32 @!p2 $0x3, s26  }
0x121: {  	_ =	swait.ge @!p2 [sflag:s25], $0x800  }
0x122: {  	[sflag:s25] =	ssyncset.done @!p2 $0x0  }
0x123: {  	[sflag:s25] =	ssyncadd.s32 @!p2 $0xFFFFF800  }
0x124: {  	_ =	swait.ge @!p2 [sflag:s25], $0x800  }
0x125: {  	[sflag:s25] =	ssyncset.done @!p2 $0x0  }
0x126: {  	[sflag:s25] =	ssyncadd.s32 @!p2 $0xFFFFF800  }
0x127: {  	_ =	swait.ge @!p2 [sflag:s25], $0x800  }
0x128: {  	[sflag:s25] =	ssyncset.done @!p2 $0x0  }
0x129: {  	[sflag:s25] =	ssyncadd.s32 @!p2 $0xFFFFF800  }
0x12a: {  	_ =	swait.ge @!p2 [sflag:s25], $0x800  }
0x12b: {  	[sflag:s25] =	ssyncset.done @!p2 $0x0  }
0x12c: {  	p3 =	seq.s32 @!p2 s0, $0xC;
	[sflag:s25] =	ssyncadd.s32 @!p2 $0xFFFFF800  }
0x12d: {  	p3 =	por p2, !p3;
	_ =	swait.ge @!p2 [sflag:s25], $0x800  }
.Ltmp5:
0x12e: {  	[sflag:s25] =	ssyncset.done @!p2 $0x0;
	(pc) =	sbr.rel @!p3 .LBB2_6-.Ltmp5, $4  }
0x12f: {  	[sflag:s25] =	ssyncadd.s32 @!p2 $0xFFFFF800  }
0x130: {  	_ =	swait.ge @!p2 [sflag:s25], $0x800  }
0x131: {  	[sflag:s25] =	ssyncset.done @!p2 $0x0  }
0x132: {  	[sflag:s25] =	ssyncadd.s32 @!p2 $0xFFFFF800;
	s25 =	simm.s32 @!p2 $0xD  }
0x133: {  	s25 =	sadd.s32 @!p2 $0x1, s0;
	s26 =	simm.s32 @p2 $0x1  }
0x134: {  	s25 =	simm.s32 @p2 $0x1;
	s28 =	smul.u32 $0xC000, s26  }
0x135: {  	s29 =	smul.u32 $0xC00, s25  }
0x136: {  	s28 =	sshrl.u32 s28, $0x2  }
0x137: {  	s26 =	sadd.s32 $0x1, s26;
	s30 =	sor.u32 $0x4F00, s28;
	s29 =	sshra.s32 s29, $0x2  }
0x138: {  	[tilespmem:s30], [sflag:s26] =	stream.indirect.gather [spmem:s2], $0x10, s29, s23, $0xb8;
	[tilespmem:$0x17700] =	vst v63  }
0x139: {  	s30 =	sadd.s32 $0x5700, s28;
	s31 =	sor.u32 $0x80, s29  }
0x13a: {  	[tilespmem:s30], [sflag:s26] =	stream.indirect.gather [spmem:s2], $0x10, s31, s23, $0xb8;
	[tilespmem:$0x17700] =	vst v63  }
0x13b: {  	s30 =	sadd.s32 $0x5F00, s28;
	s31 =	sadd.s32 $0x100, s29  }
0x13c: {  	[tilespmem:s30], [sflag:s26] =	stream.indirect.gather [spmem:s2], $0x10, s31, s23, $0xb8;
	[tilespmem:$0x17700] =	vst v63  }
0x13d: {  	s30 =	sadd.s32 $0x6700, s28;
	s31 =	sadd.s32 $0x180, s29  }
0x13e: {  	[tilespmem:s30], [sflag:s26] =	stream.indirect.gather [spmem:s2], $0x10, s31, s23, $0xb8;
	[tilespmem:$0x17700] =	vst v63  }
.Ltmp6:
0x13f: {  	_ = 	snop;
	(pc) =	sbr.rel .LBB2_6-.Ltmp6, $4  }
0x140: {  	s30 =	sadd.s32 $0x6F00, s28;
	s31 =	sadd.s32 $0x200, s29  }
0x141: {  	[tilespmem:s30], [sflag:s26] =	stream.indirect.gather [spmem:s2], $0x10, s31, s23, $0xb8;
	[tilespmem:$0x17700] =	vst v63  }
0x142: {  	s28 =	sadd.s32 $0x7700, s28;
	s29 =	sadd.s32 $0x280, s29  }
0x143: {  	[tilespmem:s28], [sflag:s26] =	stream.indirect.gather [spmem:s2], $0x10, s29, s23, $0xb8;
	[tilespmem:$0x17700] =	vst v63  }
.LBB2_8:
0x144: {  	_ =	sfence.sel $0x180000  }
0x145: {  	[bflag:$0x0] =	sbarrier.arrive $0xFFFF  }
0x146: {  	_ =	strace $0x9000004A  }
0x147: {  	[bflag:$0x2] =	sbarrier.arrive $0xFFFF  }
0x148: {  	p0 =	sne.s32 s1, $0x0;
	s0 =	rddreg [dreg:$0x4]  }
0x149: {  	s0 =	sadd.s32 @!p0 $0x100000, s0  }
0x14a: {  	[sflag:s0] =	ssyncadd.tile.s32 @!p0 $0x1;
	_ =	shalt  }
.Lfunc_end2:
_tile_overlayer_lowered:
.L_overlay_start_2:
0x14b: {  	(tag) =	ssettag $0x2  }
0x14c: {  	s0 =	rddreg [dreg:$0x0];
	s2 =	stileid.u32  }
0x14d: {  	s1 =	rddreg [dreg:$0x1];
	p0 =	sne.s32 s2, $0x0  }
0x14e: {  	s3 =	rddreg [dreg:$0x2];
	[bflag:$0x3] =	sbarrier.arrive $0xFFFF;
	s2 =	simm.s32 @!p0 $0x1C05  }
0x14f: {  	[timem:s3], [sflag:s2] =	dma.local @!p0 [hbm:s0], s1  }
0x150: {  	s0 =	simm.s32 @!p0 $0x5  }
0x151: {  	_ =	swait.ge @!p0 [sflag:s0], s1  }
0x152: {  	s1 =	ssub.s32 @!p0 $0x0, s1;
	[sflag:s0] =	ssyncset.done @!p0 $0x0  }
0x153: {  	[sflag:s0] =	ssyncadd.s32 @!p0 s1  }
0x154: {  	[bflag:$0x3] =	sbarrier.arrive $0xFFFF  }
0x155: {  	_ =	shalt  }

// kernel: kernel.13.cloned.1.call-start
scs
__scs_entry_jumppad:
0x0: {  	(pc) =	sbr.rel $0x88, $3  }
0x1: {  	(tag) =	ssettag $0x0;
	lr =	simm.s32 $0x1  }
0x2: {  	[smem:$0x3F9B] =	sst lr;
	_ =	strace $0xD0000000  }
0x3: {  	_ = 	snop  }
0x4: {  	_ = 	snop  }
0x5: {  	_ = 	snop  }
0x6: {  	_ = 	snop  }
0x7: {  	_ = 	snop  }
__scs_overlays_trampoline_lowered:
0x8: {  	[smem:$0x3FAA] =	sst s0  }
0x9: {  	[smem:$0x3FAB] =	sst s1  }
0xa: {  	[smem:$0x3FAC] =	sst s2  }
0xb: {  	[smem:$0x3FAD] =	sst s3  }
0xc: {  	[smem:$0x3FAE] =	sst s4  }
0xd: {  	[smem:$0x3FAF] =	sst s5  }
0xe: {  	[smem:$0x3FB0] =	sst s6  }
0xf: {  	[smem:$0x3FB1] =	sst s7  }
0x10: {  	[smem:$0x3FB2] =	sst s8  }
0x11: {  	[smem:$0x3FB3] =	sst s9;
	s0 =	simm.s32 @!p0 $0x0  }
0x12: {  	s1 =	sld [smem:$0x3F99];
	s0 =	simm.s32 @p0 $0x1  }
0x13: {  	[smem:$0x3FB4] =	sst s0;
	s0 =	simm.s32 @!p1 $0x0  }
0x14: {  	s2 =	sld [smem:$0x3F98];
	s0 =	simm.s32 @p1 $0x1  }
0x15: {  	[smem:$0x3FB5] =	sst s0;
	s0 =	simm.s32 @!p2 $0x0  }
0x16: {  	s3 =	sld [smem:$0x3FDB];
	s0 =	simm.s32 @p2 $0x1  }
0x17: {  	s4 =	simm.s32 $0x1BF5;
	[smem:$0x3FB7] =	sst s0  }
0x18: {  	s0 =	sld [smem:$0x3F9A];
	_ =	swait.ge [sflag:s4], $0x0  }
0x19: {  	s7 =	sld [smem:$0x3F9B]  }
0x1a: {  	s8 =	sadd.s32 $0xFFFFE003, lr  }
0x1b: {  	s9 =	sadd.s32 $0xFFFFFEF7, lr;
	s5 =	simm.s32 $0xFFFFFFFF;
	p2 =	slt.u32 s8, $0xFFFFF086  }
0x1c: {  	p1 =	slt.u32 s9, $0xF7A;
	s5 =	simm.s32 @!p2 $0x0  }
0x1d: {  	s5 =	simm.s32 @p1 $0x1;
	p0 =	seq.s32 s7, s2  }
0x1e: {  	s7 =	smul.u32 @!p0 $0xF7A, s2;
	p2 =	seq.s32 @!p0 s5, $0x0  }
0x1f: {  	s9 =	smul.u32 $0xF7A, s1;
	s8 =	simm.s32 @!p0 $0x1BF5;
	p2 =	por !p2, p0  }
0x20: {  	[sflag:s8] =	ssyncset.s32 @!p0 $0xFFFFF086;
	s6 =	sadd.s32 @!p0 s3, s7;
	s7 =	simm.s32 @!p0 $0x108  }
0x21: {  	s3 =	sadd.s32 s3, s9;
	s6 =	sadd.s32 @!p0 $0x88, s6;
	s7 =	simm.s32 @p2 $0x1082  }
0x22: {  	[simem:s7], [sflag:s8] =	dma.local @!p0 [hbm:s6], $0xF7A  }
0x23: {  	s9 =	sor.u32 $0xD0000000, s2;
	s6 =	simm.s32 $0x108;
	_ =	swait.ge @!p0 [sflag:s8], $0x0  }
0x24: {  	s3 =	sadd.s32 $0x88, s3;
	s6 =	simm.s32 @!p1 $0x1082;
	[sflag:s4] =	ssyncset.s32 $0xFFFFF086  }
0x25: {  	[simem:s6], [sflag:s4] =	dma.local [hbm:s3], $0xF7A  }
0x26: {  	[smem:$0x3F9B] =	sst s1;
	(tag) =	ssettag s2;
	_ =	strace s9  }
0x27: {  	s1 =	sld [smem:$0x3FAB]  }
0x28: {  	s2 =	sld [smem:$0x3FAC]  }
0x29: {  	s4 =	sld [smem:$0x3FAE]  }
0x2a: {  	p0 =	seq.s32 s5, $0x0;
	s5 =	sld [smem:$0x3FAF]  }
0x2b: {  	s6 =	sld [smem:$0x3FB0]  }
0x2c: {  	s7 =	sld [smem:$0x3FB1]  }
0x2d: {  	s3 =	simm.s32 $0x108;
	s8 =	sld [smem:$0x3FB2]  }
0x2e: {  	s3 =	simm.s32 @!p0 $0x1082;
	s9 =	sld [smem:$0x3FB3]  }
0x2f: {  	lr =	sadd.s32 s0, s3;
	s0 =	sld [smem:$0x3FAA]  }
0x30: {  	s3 =	sld [smem:$0x3FAD]  }
0x31: {  	[smem:$0x3FB6] =	sst s10  }
0x32: {  	s10 =	sld [smem:$0x3FB4];
	_ =	sdelay $0x3  }
0x33: {  	p0 =	seq.s32 s10, $0x1;
	s10 =	sld [smem:$0x3FB6];
	_ =	sdelay $0x3  }
0x34: {  	[smem:$0x3FB6] =	sst s10  }
0x35: {  	s10 =	sld [smem:$0x3FB5];
	_ =	sdelay $0x3  }
0x36: {  	p1 =	seq.s32 s10, $0x1;
	s10 =	sld [smem:$0x3FB6];
	_ =	sdelay $0x3  }
0x37: {  	[smem:$0x3FB6] =	sst s10  }
0x38: {  	s10 =	sld [smem:$0x3FB7]  }
0x39: {  	_ = 	snop;
	(pc) =	sbr.ind lr, $3  }
0x3a: {  	_ = 	snop  }
0x3b: {  	_ = 	snop  }
0x3c: {  	p2 =	seq.s32 s10, $0x1;
	s10 =	sld [smem:$0x3FB6]  }
0x3d: {  	_ =	shalt  }
0x3e: {  	_ =	shalt  }
0x3f: {  	_ =	shalt  }
0x40: {  	_ =	shalt  }
0x41: {  	_ =	shalt  }
0x42: {  	_ =	shalt  }
0x43: {  	_ =	shalt  }
0x44: {  	_ =	shalt  }
0x45: {  	_ =	shalt  }
0x46: {  	_ =	shalt  }
0x47: {  	_ =	shalt  }
0x48: {  	_ =	shalt  }
0x49: {  	_ =	shalt  }
0x4a: {  	_ =	shalt  }
0x4b: {  	_ =	shalt  }
0x4c: {  	_ =	shalt  }
0x4d: {  	_ =	shalt  }
0x4e: {  	_ =	shalt  }
0x4f: {  	_ =	shalt  }
0x50: {  	_ =	shalt  }
0x51: {  	_ =	shalt  }
0x52: {  	_ =	shalt  }
0x53: {  	_ =	shalt  }
0x54: {  	_ =	shalt  }
0x55: {  	_ =	shalt  }
0x56: {  	_ =	shalt  }
0x57: {  	_ =	shalt  }
0x58: {  	_ =	shalt  }
0x59: {  	_ =	shalt  }
0x5a: {  	_ =	shalt  }
0x5b: {  	_ =	shalt  }
0x5c: {  	_ =	shalt  }
0x5d: {  	_ =	shalt  }
0x5e: {  	_ =	shalt  }
0x5f: {  	_ =	shalt  }
0x60: {  	_ =	shalt  }
0x61: {  	_ =	shalt  }
0x62: {  	_ =	shalt  }
0x63: {  	_ =	shalt  }
0x64: {  	_ =	shalt  }
0x65: {  	_ =	shalt  }
0x66: {  	_ =	shalt  }
0x67: {  	_ =	shalt  }
0x68: {  	_ =	shalt  }
0x69: {  	_ =	shalt  }
0x6a: {  	_ =	shalt  }
0x6b: {  	_ =	shalt  }
0x6c: {  	_ =	shalt  }
0x6d: {  	_ =	shalt  }
0x6e: {  	_ =	shalt  }
0x6f: {  	_ =	shalt  }
0x70: {  	_ =	shalt  }
0x71: {  	_ =	shalt  }
0x72: {  	_ =	shalt  }
0x73: {  	_ =	shalt  }
0x74: {  	_ =	shalt  }
0x75: {  	_ =	shalt  }
0x76: {  	_ =	shalt  }
0x77: {  	_ =	shalt  }
0x78: {  	_ =	shalt  }
0x79: {  	_ =	shalt  }
0x7a: {  	_ =	shalt  }
0x7b: {  	_ =	shalt  }
0x7c: {  	_ =	shalt  }
0x7d: {  	_ =	shalt  }
0x7e: {  	_ =	shalt  }
0x7f: {  	_ =	shalt  }
0x80: {  	_ =	shalt  }
0x81: {  	_ =	shalt  }
0x82: {  	_ =	shalt  }
0x83: {  	_ =	shalt  }
0x84: {  	_ =	shalt  }
0x85: {  	_ =	shalt  }
0x86: {  	_ =	shalt  }
0x87: {  	_ =	shalt  }
.Lfunc_end0:
.L_simem_size_0:
called_computation.2_lowered:
.L_overlay_start_0:
0x88: {  	s2 =	sld [smem:$0x3FD9]  }
0x89: {  	s3 =	sld [smem:$0x3FFE];
	_ =	sdelay $0x1  }
0x8a: {  	s1 =	srdreg.scid  }
0x8b: {  	s0 =	sand.u32 $0x1, s1  }
0x8c: {  	s17 =	sshll.u32 s0, $0xA;
	s2 =	sadd.s32 s3, s2  }
0x8d: {  	s2 =	sadd.s32 s2, s17  }
0x8e: {  	[smem:$0x3FC2] =	sst s2  }
0x8f: {  	_ = 	snop  }
0x90: {  	s2 =	sld [smem:$0x3FC6]  }
0x91: {  	s18 =	sld [smem:$0x3FD0];
	(tm) =	ssettm $0x1  }
0x92: {  	s4 =	sld [smem:$0x3FFB];
	_ =	sdelay $0x3  }
0x93: {  	_ =	strace s4  }
0x94: {  	s4 =	sld [smem:$0x3FFC];
	_ =	sdelay $0x3  }
0x95: {  	_ =	strace s4  }
0x96: {  	s4 =	sld [smem:$0x3FFD];
	_ =	sdelay $0x3  }
0x97: {  	_ =	strace s4  }
0x98: {  	_ =	strace $0x8FFFFFFF  }
0x99: {  	s19 =	sld [smem:$0x3FDB];
	_ =	sdelay $0x1  }
0x9a: {  	s5 =	simm.s32 $_scs_section_size  }
0x9b: {  	s6 =	simm.s32 $_size__tile_overlayer_lowered;
	s7 =	simm.s32 $_tile_overlayer_lowered  }
0x9c: {  	s22 =	simm.s32 $0x1BFF;
	s21 =	sshll.u32 s7, $0x1;
	s4 =	sadd.s32 s5, s19  }
0x9d: {  	s8 =	simm.s32 $0x0;
	s20 =	sshll.u32 s6, $0x1;
	s6 =	sadd.s32 s21, s4  }
0x9e: {  	[timem:s8], [sflag:s22] =	dma.local [hbm:s6], s20  }
0x9f: {  	_ =	swait.ge [sflag:s22], s20  }
0xa0: {  	s5 =	ssub.s32 $0x0, s20;
	[sflag:s22] =	ssyncset.done $0x0  }
0xa1: {  	[sflag:s22] =	ssyncadd.s32 s5;
	_ =	sdelay $0x1  }
0xa2: {  	s23 =	simm.s32 $0x1B8B  }
0xa3: {  	_ =	swait.ge [sflag:s23], $0x1  }
0xa4: {  	[sflag:s23] =	ssyncset.done $0x0  }
0xa5: {  	s25 =	simm.s32 $0x1B8E;
	s24 =	sld [smem:$0x3FFE];
	[sflag:s23] =	ssyncadd.s32 $0xFFFFFFFF  }
0xa6: {  	s26 =	simm.s32 $execute0_lowered;
	[smem:$0x3FD2] =	sst s25  }
0xa7: {  	s6 =	sshll.u32 s26, $0x1;
	_ =	strace $0x8000004C;
	[dreg:$0x1] =	wrdreg $0xFFFFFFFF  }
0xa8: {  	s28 =	simm.s32 $_size_execute0_lowered;
	s4 =	sadd.s32 s4, s6;
	[dreg:$0x0] =	wrdreg $0x0  }
0xa9: {  	s6 =	sshll.u32 s28, $0x1;
	[dreg:$0x2] =	wrdreg s4  }
0xaa: {  	[dreg:$0x3] =	wrdreg s6  }
0xab: {  	[dreg:$0x4] =	wrdreg $0xC0  }
0xac: {  	_ =	task [dreg:s8], $0x5FFFF  }
0xad: {  	[dreg:$0x1] =	wrdreg $0xFFFFFFFF  }
0xae: {  	[dreg:$0x0] =	wrdreg $0x60  }
0xaf: {  	[dreg:$0x2] =	wrdreg s24  }
0xb0: {  	[dreg:$0x3] =	wrdreg s2  }
0xb1: {  	[dreg:$0x4] =	wrdreg s18  }
0xb2: {  	[dreg:$0x5] =	wrdreg $0xD7000  }
0xb3: {  	[dreg:$0x6] =	wrdreg $0xAF000  }
0xb4: {  	[dreg:$0x7] =	wrdreg $0x9  }
0xb5: {  	_ =	task.clear_ibuf [dreg:s8], $0x8FFFF;
	_ =	strace $0x9000004C  }
0xb6: {  	s29 =	simm.s32 $0x9;
	_ =	strace $0x8000004E  }
0xb7: {  	_ =	swait.ge [sflag:s29], $0x1  }
0xb8: {  	[sflag:s29] =	ssyncadd.s32 $0xFFFFFFFF  }
0xb9: {  	_ =	strace $0x9000004E  }
0xba: {  	_ =	sfence  }
0xbb: {  	s30 =	sld [smem:$0x0];
	_ =	sdelay $0x2  }
0xbc: {  	s31 =	sshll.u32 s1, $0xD;
	s1 =	sshrl.u32 s1, $0x2  }
0xbd: {  	s3 =	sand.u32 $0x4000, s31;
	s1 =	sadd.s32 s1, s30  }
0xbe: {  	s0 =	sor.u32 s3, s0;
	s1 =	sshll.u32 s1, $0x11  }
0xbf: {  	s0 =	sor.u32 s1, s0  }
0xc0: {  	s0 =	sadd.s32 $0x8F2B, s0  }
0xc1: {  	[sflag:s0] =	ssyncadd.remote.s32 $0x1  }
0xc2: {  	_ =	sfence.sel $0xFFFF  }
0xc3: {  	[dreg:$0x0] =	wrdreg $0xFFFFFFFF;
	(pc) =	sbr.abs _section_cstart, $3  }
0xc4: {  	[dreg:$0x1] =	wrdreg $0xFFFFFFFF  }
0xc5: {  	_ =	task.clear_ibuf [dreg:s8], $0x2FFFF;
	_ =	strace $0x9FFFFFFF  }
0xc6: {  	(tm) =	ssettm $0x7FFFFFFF  }
0xc7: {  	_ =	shalt  }
tec
execute0_lowered:
.L_overlay_start_1:
0x0: {  	(tag) =	ssettag $0x1  }
0x1: {  	s0 =	rddreg [dreg:$0x0]  }
0x2: {  	s1 =	rddreg [dreg:$0x2]  }
0x3: {  	s3 =	rddreg [dreg:$0x3]  }
0x4: {  	s4 =	rddreg [dreg:$0x4];
	s5 =	simm.s32 $0x0  }
0x5: {  	s2 =	stileid.u32;
	s6 =	srdreg.scid;
	s19 =	simm.s32 $0x5  }
0x6: {  	s24 =	simm.s32 $0x80;
	s21 =	simm.s32 $0x7700;
	s22 =	simm.s32 $0x3  }
0x7: {  	s23 =	simm.s32 $0x0;
	[smem:$0x7FF] =	sst s5;
	s14 =	smul.u32 $0x2800, s2  }
0x8: {  	s20 =	sand.u32 $0x1, s6;
	s12 =	sadd.s32 $0x1C00, s0;
	s31 =	sshll.u32 s2, $0x4  }
0x9: {  	_ =	strace $0x8000004D;
	s6 =	ssub.s32 $0x2, s20;
	s9 =	sshll.u32 s20, $0x4  }
0xa: {  	s13 =	sor.u32 $0x9C00, s31;
	p0 =	seq.s32 s20, $0x0;
	p1 =	sne.s32 s20, $0x0  }
0xb: {  	s20 =	simm.s32 $0x280;
	s7 =	sshrl.u32 s14, $0x3;
	s8 =	sshrl.u32 s6, $0x1  }
0xc: {  	s18 =	sor.u32 s2, s9;
	s11 =	sadd.s32 s1, s13;
	s0 =	sadd.s32 s7, s0  }
0xd: {  	s16 =	ssub.s32 s6, s8;
	s10 =	smul.u32 $0x4E0, s18;
	s6 =	sadd.s32 $0x1FC00, s0  }
.Ltmp0:
0xe: {  	s7 =	sadd.s32 $0x24C00, s0;
	s8 =	sadd.s32 $0x29C00, s0;
	(pc) =	sbr.rel .LBB2_1-.Ltmp0, $4  }
0xf: {  	s15 =	sadd.s32 $0xBC00, s0;
	s16 =	smax.u32 s16, $0x1;
	s9 =	sadd.s32 s1, s10  }
0x10: {  	s10 =	sadd.s32 s12, s10;
	s12 =	sadd.s32 s12, s13;
	s1 =	simm.s32 $0x15C00  }
0x11: {  	s13 =	sadd.s32 s14, s3;
	s14 =	sadd.s32 s14, s4;
	s1 =	simm.s32 @!p0 $0x10C00  }
0x12: {  	p0 =	sgt.u32 s18, $0x3;
	s18 =	simm.s32 $0xFF00;
	s17 =	sadd.s32 s1, s0  }
.LBB2_7:
0x13: {  	_ =	swait.ge [sflag:s22], $0x800  }
0x14: {  	[sflag:s22] =	ssyncset.done $0x0  }
0x15: {  	[sflag:s22] =	ssyncadd.s32 $0xFFFFF800  }
0x16: {  	_ =	swait.ge [sflag:s22], $0x800  }
0x17: {  	[sflag:s22] =	ssyncset.done $0x0  }
0x18: {  	[sflag:s22] =	ssyncadd.s32 $0xFFFFF800  }
0x19: {  	_ =	swait.ge [sflag:s22], $0x800  }
0x1a: {  	[sflag:s22] =	ssyncset.done $0x0  }
0x1b: {  	[sflag:s22] =	ssyncadd.s32 $0xFFFFF800  }
0x1c: {  	_ =	swait.ge [sflag:s22], $0x800  }
0x1d: {  	[sflag:s22] =	ssyncset.done $0x0  }
0x1e: {  	[sflag:s22] =	ssyncadd.s32 $0xFFFFF800  }
0x1f: {  	_ =	swait.ge [sflag:s22], $0x800  }
0x20: {  	[sflag:s22] =	ssyncset.done $0x0  }
0x21: {  	[sflag:s22] =	ssyncadd.s32 $0xFFFFF800  }
0x22: {  	_ =	swait.ge [sflag:s22], $0x800  }
0x23: {  	s0 =	simm.s32 @!p0 $0x80;
	[sflag:s22] =	ssyncset.done $0x0  }
0x24: {  	s1 =	simm.s32 @!p0 $0x4E00;
	s25 =	simm.s32 @!p0 $0x4F00;
	[sflag:s22] =	ssyncadd.s32 $0xFFFFF800  }
0x25: {  	[tilespmem:s25], [sflag:$0x5] =	stream.indirect.gather @!p0 [spmem:s3], $0x10, s1, s0, $0xb8;
	[tilespmem:$0x17710] =	vst v63  }
0x26: {  	s1 =	simm.s32 @!p0 $0x5  }
0x27: {  	_ =	swait.ge @!p0 [sflag:s1], $0x800  }
0x28: {  	[sflag:s1] =	ssyncset.done @!p0 $0x0  }
0x29: {  	s26 =	simm.s32 @!p0 $0x4E80;
	[sflag:s1] =	ssyncadd.s32 @!p0 $0xFFFFF800  }
0x2a: {  	[spmem:s4] =	stream.indirect.scatter.add.f32 @!p0 [tilespmem:s25], [sflag:$0x5], $0x10, s26, s0, $0xb8;
	[tilespmem:$0x17710] =	vst v63  }
0x2b: {  	_ =	swait.ge @!p0 [sflag:s1], $0x800  }
0x2c: {  	s30 =	sshll.u32 s2, $0x6;
	s23 =	sadd.s32 $0x1, s23;
	[sflag:s1] =	ssyncset.done @!p0 $0x0  }
0x2d: {  	s31 =	sshrl.u32 s14, $0x3;
	p2 =	sne.s32 s23, s16;
	[sflag:s1] =	ssyncadd.s32 @!p0 $0xFFFFF800  }
.Ltmp1:
0x2e: {  	s0 =	sor.u32 $0x1C05, s30;
	[bflag:$0x0] =	sbarrier.arrive $0xFFFF;
	(pc) =	sbr.rel @!p2 .LBB2_8-.Ltmp1, $4  }
0x2f: {  	[hbm:s17], [sflag:s0] =	dma.local [spmem:s31], $0x500  }
0x30: {  	_ =	swait.ge [sflag:s19], $0x500  }
0x31: {  	[sflag:s19] =	ssyncset.done $0x0  }
0x32: {  	[sflag:s19] =	ssyncadd.s32 $0xFFFFFB00  }
.LBB2_1:
0x33: {  	[tilespmem:s18], [sflag:$0x5] =	stream.linear.gather [hbm4b:s6+s5], $0x2800, $0x38;
	[tilespmem:$0x17710] =	vst v63  }
0x34: {  	_ =	swait.ge [sflag:s19], $0x2800  }
0x35: {  	[sflag:s19] =	ssyncset.done $0x0  }
0x36: {  	s0 =	simm.s32 $0x12700;
	[sflag:s19] =	ssyncadd.s32 $0xFFFFD800  }
0x37: {  	[tilespmem:s0], [sflag:$0x5] =	stream.linear.gather [hbm4b:s7+s5], $0x2800, $0x38;
	[tilespmem:$0x17710] =	vst v63  }
0x38: {  	_ =	swait.ge [sflag:s19], $0x2800  }
0x39: {  	[sflag:s19] =	ssyncset.done $0x0  }
0x3a: {  	s25 =	simm.s32 $0x14F00;
	[sflag:s19] =	ssyncadd.s32 $0xFFFFD800  }
0x3b: {  	[tilespmem:s25], [sflag:$0x5] =	stream.linear.gather [hbm4b:s8+s5], $0x2800, $0x38;
	[tilespmem:$0x17710] =	vst v63  }
0x3c: {  	_ =	swait.ge [sflag:s19], $0x2800  }
0x3d: {  	[sflag:s19] =	ssyncset.done $0x0  }
0x3e: {  	[sflag:s19] =	ssyncadd.s32 $0xFFFFD800  }
0x3f: {  	s1 =	simm.s32 $0x17700;
	s26 =	rddreg [dreg:$0x1]  }
0x40: {  	[tilespmem:s1], [sflag:$0x5] =	stream.linear.gather [hbm4b:s26+s5], $0x10, $0x38;
	[tilespmem:$0x17710] =	vst v63  }
0x41: {  	_ =	swait.ge [sflag:s19], $0x10  }
0x42: {  	[sflag:s19] =	ssyncset.done $0x0  }
0x43: {  	[sflag:s19] =	ssyncadd.s32 $0xFFFFFFF0  }
0x44: {  	[tilespmem:s5], [sflag:$0x5] =	stream.linear.gather [hbm4b:s9+s5], $0x2700, $0x38;
	[tilespmem:$0x17710] =	vst v63  }
0x45: {  	_ =	swait.ge [sflag:s19], $0x2700  }
0x46: {  	[sflag:s19] =	ssyncset.done $0x0  }
0x47: {  	s31 =	simm.s32 $0x2700;
	[sflag:s19] =	ssyncadd.s32 $0xFFFFD900  }
0x48: {  	[tilespmem:s31], [sflag:$0x5] =	stream.linear.gather [hbm4b:s10+s5], $0x2700, $0x38;
	[tilespmem:$0x17710] =	vst v63  }
0x49: {  	_ =	swait.ge [sflag:s19], $0x2700  }
0x4a: {  	[sflag:s19] =	ssyncset.done $0x0  }
0x4b: {  	s25 =	simm.s32 @!p0 $0x0;
	s26 =	simm.s32 @!p0 $0x4E00;
	[sflag:s19] =	ssyncadd.s32 $0xFFFFD900  }
0x4c: {  	[tilespmem:s26], [sflag:$0x5] =	stream.linear.gather @!p0 [hbm4b:s11+s25], $0x80, $0x38;
	[tilespmem:$0x17710] =	vst v63  }
0x4d: {  	s26 =	simm.s32 @!p0 $0x5  }
0x4e: {  	_ =	swait.ge @!p0 [sflag:s26], $0x80  }
0x4f: {  	[sflag:s26] =	ssyncset.done @!p0 $0x0  }
0x50: {  	s28 =	simm.s32 @!p0 $0x4E80;
	[sflag:s26] =	ssyncadd.s32 @!p0 $0xFFFFFF80  }
0x51: {  	[tilespmem:s28], [sflag:$0x5] =	stream.linear.gather @!p0 [hbm4b:s12+s25], $0x80, $0x38;
	[tilespmem:$0x17710] =	vst v63  }
0x52: {  	_ =	swait.ge @!p0 [sflag:s26], $0x80  }
0x53: {  	[sflag:s26] =	ssyncset.done @!p0 $0x0  }
0x54: {  	[sflag:s26] =	ssyncadd.s32 @!p0 $0xFFFFFF80  }
0x55: {  	s25 =	simm.s32 $0xFF40;
	v0 =	vld [tilespmem:$0x17700]  }
0x56: {  	s26 =	simm.s32 $0x12740;
	v1 =	vld [tilespmem:s25+$0x30]  }
0x57: {  	v2 =	vld [tilespmem:s26+$0x30]  }
0x58: {  	s28 =	simm.s32 $0x14F40;
	v3 =	vld [tilespmem:s25+$0xFFFFFFC0]  }
0x59: {  	v8 =	vld [tilespmem:s28+$0x30]  }
0x5a: {  	v4 =	vld [tilespmem:s26+$0xFFFFFFC0]  }
0x5b: {  	v9 =	vld [tilespmem:s25+$0xFFFFFFD0]  }
0x5c: {  	v10 =	vld [tilespmem:s26+$0xFFFFFFD0]  }
0x5d: {  	v11 =	vld [tilespmem:s25+$0xFFFFFFE0]  }
0x5e: {  	v12 =	vld [tilespmem:s26+$0xFFFFFFE0]  }
0x5f: {  	v13 =	vld [tilespmem:s25+$0xFFFFFFF0]  }
0x60: {  	v14 =	vld [tilespmem:s26+$0xFFFFFFF0]  }
0x61: {  	v15 =	vld [tilespmem:s25+$0x0]  }
0x62: {  	v16 =	vld [tilespmem:s26+$0x0]  }
0x63: {  	v17 =	vld [tilespmem:s25+$0x10]  }
0x64: {  	v18 =	vld [tilespmem:s25+$0x20];
	v1 =	vadd.f32 v2, v1  }
0x65: {  	v19 =	vld [tilespmem:s26+$0x20]  }
0x66: {  	v7 =	vld [tilespmem:s28+$0xFFFFFFD0];
	v1 =	vmul.f32 v1, v8  }
0x67: {  	v2 =	vld [tilespmem:s26+$0x10]  }
0x68: {  	v6 =	vld [tilespmem:s28+$0xFFFFFFE0];
	v1 =	vadd.f32 v1, v0  }
0x69: {  	v5 =	vld [tilespmem:s28+$0xFFFFFFF0]  }
0x6a: {  	v3 =	vadd.f32 v4, v3;
	v20 =	vadd.f32 v10, v9;
	v4 =	vld [tilespmem:s28+$0x0];
	v1 =	vmax.f32 v1, $0.0e+00  }
0x6b: {  	v21 =	vadd.f32 v12, v11;
	v8 =	vmul.f32 v1, v8;
	v1 =	vld [tilespmem:s28+$0x10]  }
0x6c: {  	v11 =	vadd.f32 v14, v13;
	v14 =	vmul.f32 v20, v7;
	v10 =	vadd.f32 v2, v17;
	v2 =	vld [tilespmem:s28+$0x20]  }
0x6d: {  	s29 =	simm.s32 $0x0;
	s30 =	simm.s32 $0xFFC0;
	v12 =	vadd.f32 v16, v15;
	v9 =	vadd.f32 v19, v18;
	v13 =	vmul.f32 v21, v6;
	[tilespmem:s25+$0x30] =	vst v8;
	v8 =	vld [tilespmem:s28+$0xFFFFFFC0]  }
.LBB2_2:
0x6e: {  	v15 =	vld [tilespmem:s30+$0x30];
	v14 =	vadd.f32 v14, v0;
	v11 =	vmul.f32 v11, v5;
	s26 =	sadd.s32 $0x80, s26  }
0x6f: {  	s29 =	sadd.s32 $0x8, s29;
	v16 =	vld [tilespmem:s26+$0x30];
	v13 =	vadd.f32 v13, v0;
	v12 =	vmul.f32 v12, v4  }
0x70: {  	s28 =	sadd.s32 $0x80, s28;
	p2 =	slt.u32 s29, $0x278;
	v17 =	vld [tilespmem:s30+$0xFFFFFFC0];
	v14 =	vmax.f32 v14, $0.0e+00;
	v11 =	vadd.f32 v11, v0;
	v10 =	vmul.f32 v10, v1  }
0x71: {  	v18 =	vld [tilespmem:s28+$0x30];
	v13 =	vmax.f32 v13, $0.0e+00;
	v12 =	vadd.f32 v12, v0;
	v9 =	vmul.f32 v9, v2  }
0x72: {  	v19 =	vld [tilespmem:s26+$0xFFFFFFC0];
	v3 =	vmul.f32 v3, v8;
	v11 =	vmax.f32 v11, $0.0e+00;
	v10 =	vadd.f32 v10, v0  }
0x73: {  	v7 =	vmul.f32 v14, v7;
	v20 =	vld [tilespmem:s30+$0xFFFFFFD0];
	v12 =	vmax.f32 v12, $0.0e+00;
	v9 =	vadd.f32 v9, v0  }
0x74: {  	v14 =	vld [tilespmem:s26+$0xFFFFFFD0];
	v15 =	vadd.f32 v16, v15;
	v3 =	vadd.f32 v3, v0;
	v10 =	vmax.f32 v10, $0.0e+00  }
0x75: {  	v6 =	vmul.f32 v13, v6;
	v5 =	vmul.f32 v11, v5;
	v16 =	vld [tilespmem:s30+$0xFFFFFFE0];
	[tilespmem:s25+$0xFFFFFFD0] =	vst v7;
	v7 =	vmax.f32 v9, $0.0e+00  }
0x76: {  	v4 =	vmul.f32 v12, v4;
	v9 =	vld [tilespmem:s26+$0xFFFFFFE0];
	v11 =	vmul.f32 v15, v18;
	v13 =	vmax.f32 v3, $0.0e+00  }
0x77: {  	v1 =	vmul.f32 v10, v1;
	v3 =	vadd.f32 v19, v17;
	v12 =	vld [tilespmem:s30+$0xFFFFFFF0];
	v8 =	vmul.f32 v13, v8;
	[tilespmem:s25+$0xFFFFFFE0] =	vst v6  }
0x78: {  	v2 =	vmul.f32 v7, v2;
	v6 =	vld [tilespmem:s26+$0xFFFFFFF0];
	v10 =	vadd.f32 v11, v0;
	[tilespmem:s25+$0xFFFFFFF0] =	vst v5  }
0x79: {  	v13 =	vadd.f32 v14, v20;
	v5 =	vld [tilespmem:s30+$0x0];
	[tilespmem:s25+$0xFFFFFFC0] =	vst v8  }
0x7a: {  	v8 =	vld [tilespmem:s26+$0x0];
	v7 =	vmax.f32 v10, $0.0e+00;
	[tilespmem:s25+$0x0] =	vst v4  }
0x7b: {  	v15 =	vadd.f32 v9, v16;
	v4 =	vld [tilespmem:s30+$0x10];
	v7 =	vmul.f32 v7, v18;
	[tilespmem:s25+$0x10] =	vst v1  }
0x7c: {  	v1 =	vld [tilespmem:s26+$0x10];
	[tilespmem:s25+$0x20] =	vst v2;
	s25 =	smov.u32 s30  }
0x7d: {  	v11 =	vadd.f32 v6, v12;
	v2 =	vld [tilespmem:s30+$0x20];
	[tilespmem:s30+$0x30] =	vst v7  }
0x7e: {  	v9 =	vld [tilespmem:s26+$0x20]  }
0x7f: {  	v7 =	vld [tilespmem:s28+$0xFFFFFFD0];
	v12 =	vadd.f32 v8, v5  }
0x80: {  	v6 =	vld [tilespmem:s28+$0xFFFFFFE0]  }
.Ltmp2:
0x81: {  	v5 =	vld [tilespmem:s28+$0xFFFFFFF0];
	v10 =	vadd.f32 v1, v4;
	(pc) =	sbr.rel @p2 .LBB2_2-.Ltmp2, $4  }
0x82: {  	v4 =	vld [tilespmem:s28+$0x0]  }
0x83: {  	v1 =	vld [tilespmem:s28+$0x10];
	v9 =	vadd.f32 v9, v2  }
0x84: {  	v14 =	vmul.f32 v13, v7;
	v2 =	vld [tilespmem:s28+$0x20]  }
0x85: {  	s30 =	sadd.s32 $0x80, s30;
	v8 =	vld [tilespmem:s28+$0xFFFFFFC0];
	v13 =	vmul.f32 v15, v6  }
0x86: {  	v14 =	vadd.f32 v14, v0;
	v11 =	vmul.f32 v11, v5  }
0x87: {  	v13 =	vadd.f32 v13, v0  }
0x88: {  	v12 =	vmul.f32 v12, v4;
	v14 =	vmax.f32 v14, $0.0e+00;
	v11 =	vadd.f32 v11, v0  }
0x89: {  	v10 =	vmul.f32 v10, v1;
	v13 =	vmax.f32 v13, $0.0e+00;
	v7 =	vmul.f32 v14, v7  }
0x8a: {  	v12 =	vadd.f32 v12, v0;
	v9 =	vmul.f32 v9, v2;
	v3 =	vmul.f32 v3, v8  }
0x8b: {  	v11 =	vmax.f32 v11, $0.0e+00;
	v6 =	vmul.f32 v13, v6;
	v10 =	vadd.f32 v10, v0  }
0x8c: {  	[tilespmem:s25+$0xFFFFFFD0] =	vst v7;
	v58 =	vmul.f32 v11, v5;
	v59 =	vmax.f32 v12, $0.0e+00;
	v60 =	vadd.f32 v9, v0  }
0x8d: {  	v3 =	vadd.f32 v3, v0;
	[tilespmem:s25+$0xFFFFFFE0] =	vst v6;
	v61 =	vmax.f32 v10, $0.0e+00;
	v62 =	vmul.f32 v59, v4  }
0x8e: {  	[tilespmem:s25+$0xFFFFFFF0] =	vst v58;
	v0 =	vmax.f32 v60, $0.0e+00;
	v63 =	vmul.f32 v61, v1  }
0x8f: {  	v3 =	vmax.f32 v3, $0.0e+00;
	v0 =	vmul.f32 v0, v2;
	[tilespmem:s25+$0x0] =	vst v62  }
0x90: {  	v3 =	vmul.f32 v3, v8;
	[tilespmem:s25+$0x10] =	vst v63  }
0x91: {  	[tilespmem:s25+$0x20] =	vst v0  }
0x92: {  	[tilespmem:s25+$0xFFFFFFC0] =	vst v3  }
0x93: {  	[spmem:s13] =	stream.linear.scatter [tilespmem:s18], [sflag:$0x5], $0x2800, $0x38;
	[tilespmem:$0x17710] =	vst v63  }
0x94: {  	_ =	swait.ge [sflag:s19], $0x2800  }
0x95: {  	s25 =	sshll.u32 @p1 s2, $0x6;
	[sflag:s19] =	ssyncset.done $0x0  }
0x96: {  	s26 =	sshrl.u32 @p1 s14, $0x3;
	s25 =	sor.u32 @p1 $0x1C05, s25;
	[sflag:s19] =	ssyncadd.s32 $0xFFFFD800  }
0x97: {  	[spmem:s26], [sflag:s25] =	dma.local @p1 [hbm:s15], $0x500  }
0x98: {  	s25 =	simm.s32 @p1 $0x5  }
0x99: {  	_ =	swait.ge @p1 [sflag:s25], $0x500  }
0x9a: {  	[sflag:s25] =	ssyncset.done @p1 $0x0  }
0x9b: {  	[sflag:s25] =	ssyncadd.s32 @p1 $0xFFFFFB00;
	s25 =	simm.s32 @!p1 $0xFF00  }
0x9c: {  	[spmem:s14] =	stream.linear.scatter @!p1 [tilespmem:s25], [sflag:$0x5], $0x2800, $0x38;
	[tilespmem:$0x17710] =	vst v63  }
0x9d: {  	s25 =	simm.s32 @!p1 $0x5  }
0x9e: {  	_ =	swait.ge @!p1 [sflag:s25], $0x2800  }
0x9f: {  	[sflag:s25] =	ssyncset.done @!p1 $0x0  }
0xa0: {  	[sflag:s25] =	ssyncadd.s32 @!p1 $0xFFFFD800  }
0xa1: {  	s0 =	simm.s32 $0x4F00;
	s25 =	simm.s32 $0x0;
	[bflag:$0x0] =	sbarrier.arrive $0xFFFF  }
0xa2: {  	[tilespmem:s0], [sflag:$0x1] =	stream.indirect.gather [spmem:s3], $0x10, s25, s24, $0xb8;
	[tilespmem:$0x17710] =	vst v63  }
0xa3: {  	s1 =	simm.s32 $0x5700  }
0xa4: {  	[tilespmem:s1], [sflag:$0x1] =	stream.indirect.gather [spmem:s3], $0x10, s24, s24, $0xb8;
	[tilespmem:$0x17710] =	vst v63  }
0xa5: {  	s26 =	simm.s32 $0x100;
	s1 =	simm.s32 $0x5F00  }
0xa6: {  	[tilespmem:s1], [sflag:$0x1] =	stream.indirect.gather [spmem:s3], $0x10, s26, s24, $0xb8;
	[tilespmem:$0x17710] =	vst v63  }
0xa7: {  	s28 =	simm.s32 $0x180;
	s29 =	simm.s32 $0x6700  }
0xa8: {  	[tilespmem:s29], [sflag:$0x1] =	stream.indirect.gather [spmem:s3], $0x10, s28, s24, $0xb8;
	[tilespmem:$0x17710] =	vst v63  }
.Ltmp3:
0xa9: {  	_ = 	snop;
	(pc) =	sbr.rel .LBB2_4-.Ltmp3, $4  }
0xaa: {  	s30 =	simm.s32 $0x200;
	s31 =	simm.s32 $0x6F00  }
0xab: {  	[tilespmem:s31], [sflag:$0x1] =	stream.indirect.gather [spmem:s3], $0x10, s30, s24, $0xb8;
	[tilespmem:$0x17710] =	vst v63  }
0xac: {  	_ = 	snop  }
0xad: {  	[tilespmem:s21], [sflag:$0x1] =	stream.indirect.gather [spmem:s3], $0x10, s20, s24, $0xb8;
	[tilespmem:$0x17710] =	vst v63  }
.LBB2_6:
0xae: {  	s0 =	smul.u32 $0xC000, s26  }
0xaf: {  	s1 =	smul.u32 $0xC00, s25;
	_ =	sdelay $0x1  }
0xb0: {  	s0 =	sshrl.u32 s0, $0x2;
	s1 =	sshra.s32 s1, $0x2  }
0xb1: {  	s26 =	sadd.s32 $0x3, s26;
	s31 =	sor.u32 $0x4F00, s0;
	s29 =	sadd.s32 $0x2700, s1  }
0xb2: {  	[spmem:s4] =	stream.indirect.scatter.add.f32 [tilespmem:s31], [sflag:s26], $0x10, s29, s24, $0xb8;
	[tilespmem:$0x17710] =	vst v63  }
0xb3: {  	s30 =	sadd.s32 $0x5700, s0;
	s31 =	sadd.s32 $0x2780, s1  }
0xb4: {  	[spmem:s4] =	stream.indirect.scatter.add.f32 [tilespmem:s30], [sflag:s26], $0x10, s31, s24, $0xb8;
	[tilespmem:$0x17710] =	vst v63  }
0xb5: {  	s30 =	sadd.s32 $0x5F00, s0;
	s31 =	sadd.s32 $0x2800, s1  }
0xb6: {  	[spmem:s4] =	stream.indirect.scatter.add.f32 [tilespmem:s30], [sflag:s26], $0x10, s31, s24, $0xb8;
	[tilespmem:$0x17710] =	vst v63  }
0xb7: {  	p2 =	slt.u32 s28, $0xD;
	s30 =	sadd.s32 $0x6700, s0;
	s31 =	sadd.s32 $0x2880, s1  }
0xb8: {  	[spmem:s4] =	stream.indirect.scatter.add.f32 [tilespmem:s30], [sflag:s26], $0x10, s31, s24, $0xb8;
	[tilespmem:$0x17710] =	vst v63  }
.Ltmp4:
0xb9: {  	_ = 	snop;
	(pc) =	sbr.rel @!p2 .LBB2_7-.Ltmp4, $4  }
0xba: {  	s30 =	sadd.s32 $0x6F00, s0;
	s31 =	sadd.s32 $0x2900, s1  }
0xbb: {  	[spmem:s4] =	stream.indirect.scatter.add.f32 [tilespmem:s30], [sflag:s26], $0x10, s31, s24, $0xb8;
	[tilespmem:$0x17710] =	vst v63  }
0xbc: {  	s25 =	smov.u32 s28;
	s0 =	sadd.s32 $0x7700, s0;
	s1 =	sadd.s32 $0x2980, s1  }
0xbd: {  	[spmem:s4] =	stream.indirect.scatter.add.f32 [tilespmem:s0], [sflag:s26], $0x10, s1, s24, $0xb8;
	[tilespmem:$0x17710] =	vst v63  }
.LBB2_4:
0xbe: {  	s26 =	sand.u32 $0x1, s25  }
0xbf: {  	s28 =	sadd.s32 $0x1, s26  }
0xc0: {  	_ =	swait.ge [sflag:s28], $0x800  }
0xc1: {  	[sflag:s28] =	ssyncset.done $0x0  }
0xc2: {  	[sflag:s28] =	ssyncadd.s32 $0xFFFFF800  }
0xc3: {  	_ =	swait.ge [sflag:s28], $0x800  }
0xc4: {  	[sflag:s28] =	ssyncset.done $0x0  }
0xc5: {  	[sflag:s28] =	ssyncadd.s32 $0xFFFFF800  }
0xc6: {  	_ =	swait.ge [sflag:s28], $0x800  }
0xc7: {  	[sflag:s28] =	ssyncset.done $0x0  }
0xc8: {  	[sflag:s28] =	ssyncadd.s32 $0xFFFFF800  }
0xc9: {  	_ =	swait.ge [sflag:s28], $0x800  }
0xca: {  	[sflag:s28] =	ssyncset.done $0x0  }
0xcb: {  	[sflag:s28] =	ssyncadd.s32 $0xFFFFF800  }
0xcc: {  	_ =	swait.ge [sflag:s28], $0x800  }
0xcd: {  	[sflag:s28] =	ssyncset.done $0x0  }
0xce: {  	[sflag:s28] =	ssyncadd.s32 $0xFFFFF800  }
0xcf: {  	p2 =	seq.s32 s25, $0x0;
	_ =	swait.ge [sflag:s28], $0x800  }
0xd0: {  	s29 =	sxor.u32 @!p2 $0x1, s26;
	[sflag:s28] =	ssyncset.done $0x0  }
0xd1: {  	[sflag:s28] =	ssyncadd.s32 $0xFFFFF800;
	s28 =	sadd.s32 @!p2 $0x3, s29  }
0xd2: {  	_ =	swait.ge @!p2 [sflag:s28], $0x800  }
0xd3: {  	[sflag:s28] =	ssyncset.done @!p2 $0x0  }
0xd4: {  	[sflag:s28] =	ssyncadd.s32 @!p2 $0xFFFFF800  }
0xd5: {  	_ =	swait.ge @!p2 [sflag:s28], $0x800  }
0xd6: {  	[sflag:s28] =	ssyncset.done @!p2 $0x0  }
0xd7: {  	[sflag:s28] =	ssyncadd.s32 @!p2 $0xFFFFF800  }
0xd8: {  	_ =	swait.ge @!p2 [sflag:s28], $0x800  }
0xd9: {  	[sflag:s28] =	ssyncset.done @!p2 $0x0  }
0xda: {  	[sflag:s28] =	ssyncadd.s32 @!p2 $0xFFFFF800  }
0xdb: {  	_ =	swait.ge @!p2 [sflag:s28], $0x800  }
0xdc: {  	[sflag:s28] =	ssyncset.done @!p2 $0x0  }
0xdd: {  	p3 =	seq.s32 @!p2 s25, $0xC;
	[sflag:s28] =	ssyncadd.s32 @!p2 $0xFFFFF800  }
0xde: {  	p3 =	por p2, !p3;
	_ =	swait.ge @!p2 [sflag:s28], $0x800  }
.Ltmp5:
0xdf: {  	[sflag:s28] =	ssyncset.done @!p2 $0x0;
	(pc) =	sbr.rel @!p3 .LBB2_6-.Ltmp5, $4  }
0xe0: {  	[sflag:s28] =	ssyncadd.s32 @!p2 $0xFFFFF800  }
0xe1: {  	_ =	swait.ge @!p2 [sflag:s28], $0x800  }
0xe2: {  	[sflag:s28] =	ssyncset.done @!p2 $0x0  }
0xe3: {  	[sflag:s28] =	ssyncadd.s32 @!p2 $0xFFFFF800;
	s28 =	simm.s32 @!p2 $0xD  }
0xe4: {  	s28 =	sadd.s32 @!p2 $0x1, s25;
	s29 =	simm.s32 @p2 $0x1  }
0xe5: {  	s28 =	simm.s32 @p2 $0x1;
	s30 =	smul.u32 $0xC000, s29  }
0xe6: {  	s31 =	smul.u32 $0xC00, s28  }
0xe7: {  	s30 =	sshrl.u32 s30, $0x2  }
0xe8: {  	s29 =	sadd.s32 $0x1, s29;
	s0 =	sor.u32 $0x4F00, s30;
	s31 =	sshra.s32 s31, $0x2  }
0xe9: {  	[tilespmem:s0], [sflag:s29] =	stream.indirect.gather [spmem:s3], $0x10, s31, s24, $0xb8;
	[tilespmem:$0x17710] =	vst v63  }
0xea: {  	s0 =	sadd.s32 $0x5700, s30;
	s1 =	sor.u32 $0x80, s31  }
0xeb: {  	[tilespmem:s0], [sflag:s29] =	stream.indirect.gather [spmem:s3], $0x10, s1, s24, $0xb8;
	[tilespmem:$0x17710] =	vst v63  }
0xec: {  	s0 =	sadd.s32 $0x5F00, s30;
	s1 =	sadd.s32 $0x100, s31  }
0xed: {  	[tilespmem:s0], [sflag:s29] =	stream.indirect.gather [spmem:s3], $0x10, s1, s24, $0xb8;
	[tilespmem:$0x17710] =	vst v63  }
0xee: {  	s0 =	sadd.s32 $0x6700, s30;
	s1 =	sadd.s32 $0x180, s31  }
0xef: {  	[tilespmem:s0], [sflag:s29] =	stream.indirect.gather [spmem:s3], $0x10, s1, s24, $0xb8;
	[tilespmem:$0x17710] =	vst v63  }
.Ltmp6:
0xf0: {  	_ = 	snop;
	(pc) =	sbr.rel .LBB2_6-.Ltmp6, $4  }
0xf1: {  	s0 =	sadd.s32 $0x6F00, s30;
	s1 =	sadd.s32 $0x200, s31  }
0xf2: {  	[tilespmem:s0], [sflag:s29] =	stream.indirect.gather [spmem:s3], $0x10, s1, s24, $0xb8;
	[tilespmem:$0x17710] =	vst v63  }
0xf3: {  	s30 =	sadd.s32 $0x7700, s30;
	s31 =	sadd.s32 $0x280, s31  }
0xf4: {  	[tilespmem:s30], [sflag:s29] =	stream.indirect.gather [spmem:s3], $0x10, s31, s24, $0xb8;
	[tilespmem:$0x17710] =	vst v63  }
.LBB2_8:
0xf5: {  	_ =	sfence.sel $0x180000  }
0xf6: {  	[bflag:$0x0] =	sbarrier.arrive $0xFFFF  }
0xf7: {  	_ =	strace $0x9000004D  }
0xf8: {  	[bflag:$0x2] =	sbarrier.arrive $0xFFFF  }
0xf9: {  	p0 =	sne.s32 s2, $0x0;
	s0 =	rddreg [dreg:$0x5]  }
0xfa: {  	s0 =	sadd.s32 @!p0 $0x100000, s0  }
0xfb: {  	[sflag:s0] =	ssyncadd.tile.s32 @!p0 $0x1;
	_ =	shalt  }
.Lfunc_end2:
_tile_overlayer_lowered:
.L_overlay_start_2:
0xfc: {  	(tag) =	ssettag $0x2  }
0xfd: {  	s0 =	rddreg [dreg:$0x0];
	s2 =	stileid.u32  }
0xfe: {  	s1 =	rddreg [dreg:$0x1];
	p0 =	sne.s32 s2, $0x0  }
0xff: {  	s3 =	rddreg [dreg:$0x2];
	[bflag:$0x3] =	sbarrier.arrive $0xFFFF;
	s2 =	simm.s32 @!p0 $0x1C05  }
0x100: {  	[timem:s3], [sflag:s2] =	dma.local @!p0 [hbm:s0], s1  }
0x101: {  	s0 =	simm.s32 @!p0 $0x5  }
0x102: {  	_ =	swait.ge @!p0 [sflag:s0], s1  }
0x103: {  	s1 =	ssub.s32 @!p0 $0x0, s1;
	[sflag:s0] =	ssyncset.done @!p0 $0x0  }
0x104: {  	[sflag:s0] =	ssyncadd.s32 @!p0 s1  }
0x105: {  	[bflag:$0x3] =	sbarrier.arrive $0xFFFF  }
0x106: {  	_ =	shalt  }

// kernel: kernel.7.cloned.1.call-start
scs
__scs_entry_jumppad:
0x0: {  	(pc) =	sbr.rel $0x88, $3  }
0x1: {  	(tag) =	ssettag $0x0;
	lr =	simm.s32 $0x1  }
0x2: {  	[smem:$0x3F9B] =	sst lr;
	_ =	strace $0xD0000000  }
0x3: {  	_ = 	snop  }
0x4: {  	_ = 	snop  }
0x5: {  	_ = 	snop  }
0x6: {  	_ = 	snop  }
0x7: {  	_ = 	snop  }
__scs_overlays_trampoline_lowered:
0x8: {  	[smem:$0x3FAA] =	sst s0  }
0x9: {  	[smem:$0x3FAB] =	sst s1  }
0xa: {  	[smem:$0x3FAC] =	sst s2  }
0xb: {  	[smem:$0x3FAD] =	sst s3  }
0xc: {  	[smem:$0x3FAE] =	sst s4  }
0xd: {  	[smem:$0x3FAF] =	sst s5  }
0xe: {  	[smem:$0x3FB0] =	sst s6  }
0xf: {  	[smem:$0x3FB1] =	sst s7  }
0x10: {  	[smem:$0x3FB2] =	sst s8  }
0x11: {  	[smem:$0x3FB3] =	sst s9;
	s0 =	simm.s32 @!p0 $0x0  }
0x12: {  	s1 =	sld [smem:$0x3F99];
	s0 =	simm.s32 @p0 $0x1  }
0x13: {  	[smem:$0x3FB4] =	sst s0;
	s0 =	simm.s32 @!p1 $0x0  }
0x14: {  	s2 =	sld [smem:$0x3F98];
	s0 =	simm.s32 @p1 $0x1  }
0x15: {  	[smem:$0x3FB5] =	sst s0;
	s0 =	simm.s32 @!p2 $0x0  }
0x16: {  	s3 =	sld [smem:$0x3FDB];
	s0 =	simm.s32 @p2 $0x1  }
0x17: {  	s4 =	simm.s32 $0x1BF5;
	[smem:$0x3FB7] =	sst s0  }
0x18: {  	s0 =	sld [smem:$0x3F9A];
	_ =	swait.ge [sflag:s4], $0x0  }
0x19: {  	s7 =	sld [smem:$0x3F9B]  }
0x1a: {  	s8 =	sadd.s32 $0xFFFFE003, lr  }
0x1b: {  	s9 =	sadd.s32 $0xFFFFFEF7, lr;
	s5 =	simm.s32 $0xFFFFFFFF;
	p2 =	slt.u32 s8, $0xFFFFF086  }
0x1c: {  	p1 =	slt.u32 s9, $0xF7A;
	s5 =	simm.s32 @!p2 $0x0  }
0x1d: {  	s5 =	simm.s32 @p1 $0x1;
	p0 =	seq.s32 s7, s2  }
0x1e: {  	s7 =	smul.u32 @!p0 $0xF7A, s2;
	p2 =	seq.s32 @!p0 s5, $0x0  }
0x1f: {  	s9 =	smul.u32 $0xF7A, s1;
	s8 =	simm.s32 @!p0 $0x1BF5;
	p2 =	por !p2, p0  }
0x20: {  	[sflag:s8] =	ssyncset.s32 @!p0 $0xFFFFF086;
	s6 =	sadd.s32 @!p0 s3, s7;
	s7 =	simm.s32 @!p0 $0x108  }
0x21: {  	s3 =	sadd.s32 s3, s9;
	s6 =	sadd.s32 @!p0 $0x88, s6;
	s7 =	simm.s32 @p2 $0x1082  }
0x22: {  	[simem:s7], [sflag:s8] =	dma.local @!p0 [hbm:s6], $0xF7A  }
0x23: {  	s9 =	sor.u32 $0xD0000000, s2;
	s6 =	simm.s32 $0x108;
	_ =	swait.ge @!p0 [sflag:s8], $0x0  }
0x24: {  	s3 =	sadd.s32 $0x88, s3;
	s6 =	simm.s32 @!p1 $0x1082;
	[sflag:s4] =	ssyncset.s32 $0xFFFFF086  }
0x25: {  	[simem:s6], [sflag:s4] =	dma.local [hbm:s3], $0xF7A  }
0x26: {  	[smem:$0x3F9B] =	sst s1;
	(tag) =	ssettag s2;
	_ =	strace s9  }
0x27: {  	s1 =	sld [smem:$0x3FAB]  }
0x28: {  	s2 =	sld [smem:$0x3FAC]  }
0x29: {  	s4 =	sld [smem:$0x3FAE]  }
0x2a: {  	p0 =	seq.s32 s5, $0x0;
	s5 =	sld [smem:$0x3FAF]  }
0x2b: {  	s6 =	sld [smem:$0x3FB0]  }
0x2c: {  	s7 =	sld [smem:$0x3FB1]  }
0x2d: {  	s3 =	simm.s32 $0x108;
	s8 =	sld [smem:$0x3FB2]  }
0x2e: {  	s3 =	simm.s32 @!p0 $0x1082;
	s9 =	sld [smem:$0x3FB3]  }
0x2f: {  	lr =	sadd.s32 s0, s3;
	s0 =	sld [smem:$0x3FAA]  }
0x30: {  	s3 =	sld [smem:$0x3FAD]  }
0x31: {  	[smem:$0x3FB6] =	sst s10  }
0x32: {  	s10 =	sld [smem:$0x3FB4];
	_ =	sdelay $0x3  }
0x33: {  	p0 =	seq.s32 s10, $0x1;
	s10 =	sld [smem:$0x3FB6];
	_ =	sdelay $0x3  }
0x34: {  	[smem:$0x3FB6] =	sst s10  }
0x35: {  	s10 =	sld [smem:$0x3FB5];
	_ =	sdelay $0x3  }
0x36: {  	p1 =	seq.s32 s10, $0x1;
	s10 =	sld [smem:$0x3FB6];
	_ =	sdelay $0x3  }
0x37: {  	[smem:$0x3FB6] =	sst s10  }
0x38: {  	s10 =	sld [smem:$0x3FB7]  }
0x39: {  	_ = 	snop;
	(pc) =	sbr.ind lr, $3  }
0x3a: {  	_ = 	snop  }
0x3b: {  	_ = 	snop  }
0x3c: {  	p2 =	seq.s32 s10, $0x1;
	s10 =	sld [smem:$0x3FB6]  }
0x3d: {  	_ =	shalt  }
0x3e: {  	_ =	shalt  }
0x3f: {  	_ =	shalt  }
0x40: {  	_ =	shalt  }
0x41: {  	_ =	shalt  }
0x42: {  	_ =	shalt  }
0x43: {  	_ =	shalt  }
0x44: {  	_ =	shalt  }
0x45: {  	_ =	shalt  }
0x46: {  	_ =	shalt  }
0x47: {  	_ =	shalt  }
0x48: {  	_ =	shalt  }
0x49: {  	_ =	shalt  }
0x4a: {  	_ =	shalt  }
0x4b: {  	_ =	shalt  }
0x4c: {  	_ =	shalt  }
0x4d: {  	_ =	shalt  }
0x4e: {  	_ =	shalt  }
0x4f: {  	_ =	shalt  }
0x50: {  	_ =	shalt  }
0x51: {  	_ =	shalt  }
0x52: {  	_ =	shalt  }
0x53: {  	_ =	shalt  }
0x54: {  	_ =	shalt  }
0x55: {  	_ =	shalt  }
0x56: {  	_ =	shalt  }
0x57: {  	_ =	shalt  }
0x58: {  	_ =	shalt  }
0x59: {  	_ =	shalt  }
0x5a: {  	_ =	shalt  }
0x5b: {  	_ =	shalt  }
0x5c: {  	_ =	shalt  }
0x5d: {  	_ =	shalt  }
0x5e: {  	_ =	shalt  }
0x5f: {  	_ =	shalt  }
0x60: {  	_ =	shalt  }
0x61: {  	_ =	shalt  }
0x62: {  	_ =	shalt  }
0x63: {  	_ =	shalt  }
0x64: {  	_ =	shalt  }
0x65: {  	_ =	shalt  }
0x66: {  	_ =	shalt  }
0x67: {  	_ =	shalt  }
0x68: {  	_ =	shalt  }
0x69: {  	_ =	shalt  }
0x6a: {  	_ =	shalt  }
0x6b: {  	_ =	shalt  }
0x6c: {  	_ =	shalt  }
0x6d: {  	_ =	shalt  }
0x6e: {  	_ =	shalt  }
0x6f: {  	_ =	shalt  }
0x70: {  	_ =	shalt  }
0x71: {  	_ =	shalt  }
0x72: {  	_ =	shalt  }
0x73: {  	_ =	shalt  }
0x74: {  	_ =	shalt  }
0x75: {  	_ =	shalt  }
0x76: {  	_ =	shalt  }
0x77: {  	_ =	shalt  }
0x78: {  	_ =	shalt  }
0x79: {  	_ =	shalt  }
0x7a: {  	_ =	shalt  }
0x7b: {  	_ =	shalt  }
0x7c: {  	_ =	shalt  }
0x7d: {  	_ =	shalt  }
0x7e: {  	_ =	shalt  }
0x7f: {  	_ =	shalt  }
0x80: {  	_ =	shalt  }
0x81: {  	_ =	shalt  }
0x82: {  	_ =	shalt  }
0x83: {  	_ =	shalt  }
0x84: {  	_ =	shalt  }
0x85: {  	_ =	shalt  }
0x86: {  	_ =	shalt  }
0x87: {  	_ =	shalt  }
.Lfunc_end0:
.L_simem_size_0:
called_computation_lowered:
.L_overlay_start_0:
0x88: {  	s2 =	sld [smem:$0x3FD9]  }
0x89: {  	s3 =	sld [smem:$0x3FFE];
	_ =	sdelay $0x1  }
0x8a: {  	s1 =	srdreg.scid  }
0x8b: {  	s0 =	sand.u32 $0x1, s1  }
0x8c: {  	s16 =	sshll.u32 s0, $0xA;
	s2 =	sadd.s32 s3, s2  }
0x8d: {  	s2 =	sadd.s32 s2, s16  }
0x8e: {  	[smem:$0x3FC2] =	sst s2  }
0x8f: {  	_ = 	snop  }
0x90: {  	(tm) =	ssettm $0x1  }
0x91: {  	s17 =	sld [smem:$0x3FFB];
	_ =	sdelay $0x3  }
0x92: {  	_ =	strace s17  }
0x93: {  	s2 =	sld [smem:$0x3FFC];
	_ =	sdelay $0x3  }
0x94: {  	_ =	strace s2  }
0x95: {  	s2 =	sld [smem:$0x3FFD];
	_ =	sdelay $0x3  }
0x96: {  	_ =	strace s2  }
0x97: {  	_ =	strace $0x8FFFFFFF  }
0x98: {  	s18 =	sld [smem:$0x3FDB];
	_ =	sdelay $0x1  }
0x99: {  	s19 =	simm.s32 $_scs_section_size  }
0x9a: {  	s4 =	simm.s32 $_size__tile_overlayer_lowered;
	s5 =	simm.s32 $_tile_overlayer_lowered  }
0x9b: {  	s22 =	simm.s32 $0x1BFF;
	s21 =	sshll.u32 s5, $0x1;
	s2 =	sadd.s32 s19, s18  }
0x9c: {  	s6 =	simm.s32 $0x0;
	s20 =	sshll.u32 s4, $0x1;
	s4 =	sadd.s32 s21, s2  }
0x9d: {  	[timem:s6], [sflag:s22] =	dma.local [hbm:s4], s20  }
0x9e: {  	_ =	swait.ge [sflag:s22], s20  }
0x9f: {  	s3 =	ssub.s32 $0x0, s20;
	[sflag:s22] =	ssyncset.done $0x0  }
0xa0: {  	[sflag:s22] =	ssyncadd.s32 s3;
	_ =	sdelay $0x1  }
0xa1: {  	s23 =	simm.s32 $0x1B8B  }
0xa2: {  	_ =	swait.ge [sflag:s23], $0x1  }
0xa3: {  	[sflag:s23] =	ssyncset.done $0x0  }
0xa4: {  	s25 =	simm.s32 $0x1B8E;
	s24 =	sld [smem:$0x3FFE];
	[sflag:s23] =	ssyncadd.s32 $0xFFFFFFFF  }
0xa5: {  	s26 =	simm.s32 $execute0_lowered;
	[smem:$0x3FD2] =	sst s25  }
0xa6: {  	s4 =	sshll.u32 s26, $0x1;
	_ =	strace $0x80000046;
	[dreg:$0x1] =	wrdreg $0xFFFFFFFF  }
0xa7: {  	s28 =	simm.s32 $_size_execute0_lowered;
	s2 =	sadd.s32 s2, s4;
	[dreg:$0x0] =	wrdreg $0x0  }
0xa8: {  	s4 =	sshll.u32 s28, $0x1;
	[dreg:$0x2] =	wrdreg s2  }
0xa9: {  	[dreg:$0x3] =	wrdreg s4  }
0xaa: {  	[dreg:$0x4] =	wrdreg $0xC0  }
0xab: {  	_ =	task [dreg:s6], $0x5FFFF  }
0xac: {  	[dreg:$0x1] =	wrdreg $0xFFFFFFFF  }
0xad: {  	[dreg:$0x0] =	wrdreg $0x60  }
0xae: {  	[dreg:$0x2] =	wrdreg s24  }
0xaf: {  	[dreg:$0x3] =	wrdreg $0x2F800  }
0xb0: {  	[dreg:$0x4] =	wrdreg $0x9  }
0xb1: {  	_ =	task.clear_ibuf [dreg:s6], $0x5FFFF;
	_ =	strace $0x90000046  }
0xb2: {  	s29 =	simm.s32 $0x9;
	_ =	strace $0x80000048  }
0xb3: {  	_ =	swait.ge [sflag:s29], $0x1  }
0xb4: {  	[sflag:s29] =	ssyncadd.s32 $0xFFFFFFFF  }
0xb5: {  	_ =	strace $0x90000048  }
0xb6: {  	_ =	sfence  }
0xb7: {  	s30 =	sld [smem:$0x0];
	_ =	sdelay $0x2  }
0xb8: {  	s31 =	sshll.u32 s1, $0xD;
	s1 =	sshrl.u32 s1, $0x2  }
0xb9: {  	s3 =	sand.u32 $0x4000, s31;
	s1 =	sadd.s32 s1, s30  }
0xba: {  	s0 =	sor.u32 s3, s0;
	s1 =	sshll.u32 s1, $0x11  }
0xbb: {  	s0 =	sor.u32 s1, s0  }
0xbc: {  	s0 =	sadd.s32 $0x8F2B, s0  }
0xbd: {  	[sflag:s0] =	ssyncadd.remote.s32 $0x1  }
0xbe: {  	_ =	sfence.sel $0xFFFF  }
0xbf: {  	[dreg:$0x0] =	wrdreg $0xFFFFFFFF;
	(pc) =	sbr.abs _section_cstart, $3  }
0xc0: {  	[dreg:$0x1] =	wrdreg $0xFFFFFFFF  }
0xc1: {  	_ =	task.clear_ibuf [dreg:s6], $0x2FFFF;
	_ =	strace $0x9FFFFFFF  }
0xc2: {  	(tm) =	ssettm $0x7FFFFFFF  }
0xc3: {  	_ =	shalt  }
tec
execute0_lowered:
.L_overlay_start_1:
0x0: {  	(tag) =	ssettag $0x1  }
0x1: {  	s5 =	rddreg [dreg:$0x0]  }
0x2: {  	s1 =	rddreg [dreg:$0x1]  }
0x3: {  	s0 =	rddreg [dreg:$0x2];
	s3 =	simm.s32 $0x0;
	s2 =	stileid.u32  }
0x4: {  	s4 =	srdreg.scid;
	s15 =	simm.s32 $0x100;
	s16 =	simm.s32 $0x180  }
0x5: {  	s17 =	simm.s32 $0x200;
	s18 =	simm.s32 $0x280;
	s19 =	simm.s32 $0x1  }
0x6: {  	s20 =	simm.s32 $0x0;
	[smem:$0x7FF] =	sst s3;
	s8 =	sadd.s32 $0x1C00, s5  }
0x7: {  	s6 =	smul.u32 $0x2800, s2;
	s9 =	sand.u32 $0x1, s4;
	s4 =	sadd.s32 $0xBA00, s5  }
0x8: {  	s31 =	sshll.u32 s2, $0x6;
	s14 =	sshll.u32 s2, $0x4;
	_ =	strace $0x80000047  }
0x9: {  	s7 =	ssub.s32 $0x2, s9;
	s10 =	sshll.u32 s9, $0x4;
	p0 =	seq.s32 s9, $0x1  }
0xa: {  	s11 =	sshrl.u32 s6, $0x3;
	s12 =	sshrl.u32 s7, $0x1;
	s13 =	sor.u32 s2, s10  }
0xb: {  	s30 =	sadd.s32 s6, s1;
	s6 =	sor.u32 $0x1C03, s31;
	s26 =	sadd.s32 s11, s5  }
0xc: {  	s28 =	ssub.s32 s7, s12;
	s29 =	smul.u32 $0x4E0, s13;
	s11 =	sshrl.u32 s30, $0x3  }
0xd: {  	s12 =	simm.s32 $0x3;
	s5 =	sadd.s32 $0xBC00, s26;
	s9 =	smax.u32 s28, $0x1  }
0xe: {  	s7 =	sadd.s32 s8, s29;
	s8 =	sadd.s32 s14, s8;
	s14 =	simm.s32 $0x15C00  }
0xf: {  	s8 =	sadd.s32 $0x9C00, s8;
	s14 =	simm.s32 @!p0 $0x10C00;
	p0 =	sgt.u32 s13, $0x3  }
0x10: {  	s13 =	simm.s32 $0x2780;
	s10 =	sadd.s32 s14, s26;
	s14 =	simm.s32 $0x80  }
.LBB2_1:
0x11: {  	[spmem:s11], [sflag:s6] =	dma.local [hbm:s5], $0x500  }
0x12: {  	_ =	swait.ge [sflag:s12], $0x500  }
0x13: {  	[sflag:s12] =	ssyncset.done $0x0  }
0x14: {  	[sflag:s12] =	ssyncadd.s32 $0xFFFFFB00  }
0x15: {  	[tilespmem:s3], [sflag:$0x3] =	stream.linear.gather [hbm4b:s7+s3], $0x2700, $0x38;
	[tilespmem:$0x5780] =	vst v63  }
0x16: {  	_ =	swait.ge [sflag:s12], $0x2700  }
0x17: {  	[sflag:s12] =	ssyncset.done $0x0  }
0x18: {  	[sflag:s12] =	ssyncadd.s32 $0xFFFFD900  }
0x19: {  	[tilespmem:s13], [sflag:$0x3] =	stream.linear.gather [hbm4b:s4+s3], $0x800, $0x38;
	[tilespmem:$0x5780] =	vst v63  }
0x1a: {  	_ =	swait.ge [sflag:s12], $0x800  }
0x1b: {  	[sflag:s12] =	ssyncset.done $0x0  }
0x1c: {  	s21 =	simm.s32 @!p0 $0x0;
	s22 =	simm.s32 @!p0 $0x2700;
	[sflag:s12] =	ssyncadd.s32 $0xFFFFF800  }
0x1d: {  	[tilespmem:s22], [sflag:$0x3] =	stream.linear.gather @!p0 [hbm4b:s8+s21], $0x80, $0x38;
	[tilespmem:$0x5780] =	vst v63  }
0x1e: {  	s21 =	simm.s32 @!p0 $0x3  }
0x1f: {  	_ =	swait.ge @!p0 [sflag:s21], $0x80  }
0x20: {  	[sflag:s21] =	ssyncset.done @!p0 $0x0  }
0x21: {  	[sflag:s21] =	ssyncadd.s32 @!p0 $0xFFFFFF80  }
0x22: {  	[bflag:$0x0] =	sbarrier.arrive $0xFFFF  }
0x23: {  	[spmem:s1] =	stream.indirect.scatter.add.f32 [tilespmem:s13], [sflag:$0x1], $0x10, s3, s14, $0xb8;
	[tilespmem:$0x5780] =	vst v63  }
0x24: {  	_ = 	snop  }
0x25: {  	[spmem:s1] =	stream.indirect.scatter.add.f32 [tilespmem:s13], [sflag:$0x1], $0x10, s14, s14, $0xb8;
	[tilespmem:$0x5780] =	vst v63  }
0x26: {  	_ = 	snop  }
0x27: {  	[spmem:s1] =	stream.indirect.scatter.add.f32 [tilespmem:s13], [sflag:$0x1], $0x10, s15, s14, $0xb8;
	[tilespmem:$0x5780] =	vst v63  }
0x28: {  	_ = 	snop  }
0x29: {  	[spmem:s1] =	stream.indirect.scatter.add.f32 [tilespmem:s13], [sflag:$0x1], $0x10, s16, s14, $0xb8;
	[tilespmem:$0x5780] =	vst v63  }
0x2a: {  	_ = 	snop  }
0x2b: {  	[spmem:s1] =	stream.indirect.scatter.add.f32 [tilespmem:s13], [sflag:$0x1], $0x10, s17, s14, $0xb8;
	[tilespmem:$0x5780] =	vst v63  }
0x2c: {  	s23 =	sand.u32 $0x1, s19  }
0x2d: {  	[spmem:s1] =	stream.indirect.scatter.add.f32 [tilespmem:s13], [sflag:$0x1], $0x10, s18, s14, $0xb8;
	[tilespmem:$0x5780] =	vst v63  }
0x2e: {  	s25 =	simm.s32 $0x300;
	s24 =	sadd.s32 $0x1, s23  }
0x2f: {  	[spmem:s1] =	stream.indirect.scatter.add.f32 [tilespmem:s13], [sflag:s24], $0x10, s25, s14, $0xb8;
	[tilespmem:$0x5780] =	vst v63  }
0x30: {  	s26 =	simm.s32 $0x380  }
0x31: {  	[spmem:s1] =	stream.indirect.scatter.add.f32 [tilespmem:s13], [sflag:s24], $0x10, s26, s14, $0xb8;
	[tilespmem:$0x5780] =	vst v63  }
0x32: {  	s28 =	simm.s32 $0x400  }
0x33: {  	[spmem:s1] =	stream.indirect.scatter.add.f32 [tilespmem:s13], [sflag:s24], $0x10, s28, s14, $0xb8;
	[tilespmem:$0x5780] =	vst v63  }
0x34: {  	s29 =	simm.s32 $0x480  }
0x35: {  	[spmem:s1] =	stream.indirect.scatter.add.f32 [tilespmem:s13], [sflag:s24], $0x10, s29, s14, $0xb8;
	[tilespmem:$0x5780] =	vst v63  }
0x36: {  	s30 =	simm.s32 $0x500;
	s21 =	sxor.u32 $0x1, s23  }
0x37: {  	[spmem:s1] =	stream.indirect.scatter.add.f32 [tilespmem:s13], [sflag:s24], $0x10, s30, s14, $0xb8;
	[tilespmem:$0x5780] =	vst v63  }
0x38: {  	s31 =	simm.s32 $0x580;
	s23 =	sadd.s32 $0x1, s21  }
0x39: {  	[spmem:s1] =	stream.indirect.scatter.add.f32 [tilespmem:s13], [sflag:s24], $0x10, s31, s14, $0xb8;
	[tilespmem:$0x5780] =	vst v63  }
0x3a: {  	_ =	swait.ge [sflag:s23], $0x800  }
0x3b: {  	[sflag:s23] =	ssyncset.done $0x0  }
0x3c: {  	[sflag:s23] =	ssyncadd.s32 $0xFFFFF800  }
0x3d: {  	_ =	swait.ge [sflag:s23], $0x800  }
0x3e: {  	[sflag:s23] =	ssyncset.done $0x0  }
0x3f: {  	[sflag:s23] =	ssyncadd.s32 $0xFFFFF800  }
0x40: {  	_ =	swait.ge [sflag:s23], $0x800  }
0x41: {  	[sflag:s23] =	ssyncset.done $0x0  }
0x42: {  	[sflag:s23] =	ssyncadd.s32 $0xFFFFF800  }
0x43: {  	_ =	swait.ge [sflag:s23], $0x800  }
0x44: {  	[sflag:s23] =	ssyncset.done $0x0  }
0x45: {  	[sflag:s23] =	ssyncadd.s32 $0xFFFFF800  }
0x46: {  	_ =	swait.ge [sflag:s23], $0x800  }
0x47: {  	[sflag:s23] =	ssyncset.done $0x0  }
0x48: {  	[sflag:s23] =	ssyncadd.s32 $0xFFFFF800  }
0x49: {  	s22 =	simm.s32 $0x2;
	_ =	swait.ge [sflag:s23], $0x800  }
0x4a: {  	s21 =	simm.s32 $0xC00;
	s24 =	simm.s32 $0x1800;
	[sflag:s23] =	ssyncset.done $0x0  }
.LBB2_2:
0x4b: {  	s25 =	sand.u32 $0x1, s22  }
0x4c: {  	s26 =	sshra.s32 s21, $0x2;
	[sflag:s23] =	ssyncadd.s32 $0xFFFFF800;
	s21 =	smov.u32 s24  }
0x4d: {  	s23 =	sadd.s32 $0x300, s26;
	s28 =	sadd.s32 $0x1, s25;
	s29 =	sadd.s32 $0x400, s26  }
0x4e: {  	[spmem:s1] =	stream.indirect.scatter.add.f32 [tilespmem:s13], [sflag:s28], $0x10, s23, s14, $0xb8;
	[tilespmem:$0x5780] =	vst v63  }
0x4f: {  	s30 =	sadd.s32 $0xC00, s24;
	s25 =	sxor.u32 $0x1, s25;
	s23 =	sadd.s32 $0x380, s26  }
0x50: {  	[spmem:s1] =	stream.indirect.scatter.add.f32 [tilespmem:s13], [sflag:s28], $0x10, s23, s14, $0xb8;
	[tilespmem:$0x5780] =	vst v63  }
0x51: {  	p1 =	sne.s32 s24, $0x8400  }
0x52: {  	[spmem:s1] =	stream.indirect.scatter.add.f32 [tilespmem:s13], [sflag:s28], $0x10, s29, s14, $0xb8;
	[tilespmem:$0x5780] =	vst v63  }
0x53: {  	s23 =	sadd.s32 $0x480, s26  }
0x54: {  	[spmem:s1] =	stream.indirect.scatter.add.f32 [tilespmem:s13], [sflag:s28], $0x10, s23, s14, $0xb8;
	[tilespmem:$0x5780] =	vst v63  }
0x55: {  	s23 =	sadd.s32 $0x500, s26  }
0x56: {  	[spmem:s1] =	stream.indirect.scatter.add.f32 [tilespmem:s13], [sflag:s28], $0x10, s23, s14, $0xb8;
	[tilespmem:$0x5780] =	vst v63  }
0x57: {  	s24 =	sadd.s32 $0x580, s26;
	s23 =	sadd.s32 $0x1, s25  }
0x58: {  	[spmem:s1] =	stream.indirect.scatter.add.f32 [tilespmem:s13], [sflag:s28], $0x10, s24, s14, $0xb8;
	[tilespmem:$0x5780] =	vst v63  }
0x59: {  	_ =	swait.ge [sflag:s23], $0x800  }
0x5a: {  	[sflag:s23] =	ssyncset.done $0x0  }
0x5b: {  	[sflag:s23] =	ssyncadd.s32 $0xFFFFF800  }
0x5c: {  	_ =	swait.ge [sflag:s23], $0x800  }
0x5d: {  	[sflag:s23] =	ssyncset.done $0x0  }
0x5e: {  	[sflag:s23] =	ssyncadd.s32 $0xFFFFF800  }
0x5f: {  	_ =	swait.ge [sflag:s23], $0x800  }
0x60: {  	[sflag:s23] =	ssyncset.done $0x0  }
0x61: {  	[sflag:s23] =	ssyncadd.s32 $0xFFFFF800  }
0x62: {  	_ =	swait.ge [sflag:s23], $0x800  }
0x63: {  	[sflag:s23] =	ssyncset.done $0x0  }
0x64: {  	[sflag:s23] =	ssyncadd.s32 $0xFFFFF800  }
.Ltmp0:
0x65: {  	_ =	swait.ge [sflag:s23], $0x800;
	(pc) =	sbr.rel @p1 .LBB2_2-.Ltmp0, $4  }
0x66: {  	[sflag:s23] =	ssyncset.done $0x0  }
0x67: {  	[sflag:s23] =	ssyncadd.s32 $0xFFFFF800  }
0x68: {  	_ =	swait.ge [sflag:s23], $0x800  }
0x69: {  	s22 =	sadd.s32 $0x1, s22;
	s24 =	smov.u32 s30;
	[sflag:s23] =	ssyncset.done $0x0  }
0x6a: {  	s22 =	sand.u32 $0x1, s22;
	s21 =	sshra.s32 s21, $0x2  }
0x6b: {  	[sflag:s23] =	ssyncadd.s32 $0xFFFFF800;
	s26 =	sadd.s32 $0x300, s21;
	s24 =	sadd.s32 $0x1, s22  }
0x6c: {  	[spmem:s1] =	stream.indirect.scatter.add.f32 [tilespmem:s13], [sflag:s24], $0x10, s26, s14, $0xb8;
	[tilespmem:$0x5780] =	vst v63  }
0x6d: {  	s28 =	sadd.s32 $0x380, s21  }
0x6e: {  	[spmem:s1] =	stream.indirect.scatter.add.f32 [tilespmem:s13], [sflag:s24], $0x10, s28, s14, $0xb8;
	[tilespmem:$0x5780] =	vst v63  }
0x6f: {  	s29 =	sadd.s32 $0x400, s21  }
0x70: {  	[spmem:s1] =	stream.indirect.scatter.add.f32 [tilespmem:s13], [sflag:s24], $0x10, s29, s14, $0xb8;
	[tilespmem:$0x5780] =	vst v63  }
0x71: {  	s30 =	sadd.s32 $0x480, s21  }
0x72: {  	[spmem:s1] =	stream.indirect.scatter.add.f32 [tilespmem:s13], [sflag:s24], $0x10, s30, s14, $0xb8;
	[tilespmem:$0x5780] =	vst v63  }
0x73: {  	s22 =	sxor.u32 $0x1, s22;
	s31 =	sadd.s32 $0x500, s21  }
0x74: {  	[spmem:s1] =	stream.indirect.scatter.add.f32 [tilespmem:s13], [sflag:s24], $0x10, s31, s14, $0xb8;
	[tilespmem:$0x5780] =	vst v63  }
0x75: {  	s21 =	sadd.s32 $0x580, s21;
	s22 =	sadd.s32 $0x1, s22  }
0x76: {  	[spmem:s1] =	stream.indirect.scatter.add.f32 [tilespmem:s13], [sflag:s24], $0x10, s21, s14, $0xb8;
	[tilespmem:$0x5780] =	vst v63  }
0x77: {  	_ =	swait.ge [sflag:s22], $0x800  }
0x78: {  	[sflag:s22] =	ssyncset.done $0x0  }
0x79: {  	[sflag:s22] =	ssyncadd.s32 $0xFFFFF800  }
0x7a: {  	_ =	swait.ge [sflag:s22], $0x800  }
0x7b: {  	[sflag:s22] =	ssyncset.done $0x0  }
0x7c: {  	[sflag:s22] =	ssyncadd.s32 $0xFFFFF800  }
0x7d: {  	_ =	swait.ge [sflag:s22], $0x800  }
0x7e: {  	[sflag:s22] =	ssyncset.done $0x0  }
0x7f: {  	[sflag:s22] =	ssyncadd.s32 $0xFFFFF800  }
0x80: {  	_ =	swait.ge [sflag:s22], $0x800  }
0x81: {  	[sflag:s22] =	ssyncset.done $0x0  }
0x82: {  	[sflag:s22] =	ssyncadd.s32 $0xFFFFF800  }
0x83: {  	_ =	swait.ge [sflag:s22], $0x800  }
0x84: {  	[sflag:s22] =	ssyncset.done $0x0  }
0x85: {  	[sflag:s22] =	ssyncadd.s32 $0xFFFFF800  }
0x86: {  	_ =	swait.ge [sflag:s22], $0x800  }
0x87: {  	[sflag:s22] =	ssyncset.done $0x0  }
0x88: {  	[sflag:s22] =	ssyncadd.s32 $0xFFFFF800  }
0x89: {  	_ =	swait.ge [sflag:s19], $0x800  }
0x8a: {  	[sflag:s19] =	ssyncset.done $0x0  }
0x8b: {  	[sflag:s19] =	ssyncadd.s32 $0xFFFFF800  }
0x8c: {  	_ =	swait.ge [sflag:s19], $0x800  }
0x8d: {  	[sflag:s19] =	ssyncset.done $0x0  }
0x8e: {  	[sflag:s19] =	ssyncadd.s32 $0xFFFFF800  }
0x8f: {  	_ =	swait.ge [sflag:s19], $0x800  }
0x90: {  	[sflag:s19] =	ssyncset.done $0x0  }
0x91: {  	[sflag:s19] =	ssyncadd.s32 $0xFFFFF800  }
0x92: {  	_ =	swait.ge [sflag:s19], $0x800  }
0x93: {  	[sflag:s19] =	ssyncset.done $0x0  }
0x94: {  	[sflag:s19] =	ssyncadd.s32 $0xFFFFF800  }
0x95: {  	_ =	swait.ge [sflag:s19], $0x800  }
0x96: {  	[sflag:s19] =	ssyncset.done $0x0  }
0x97: {  	[sflag:s19] =	ssyncadd.s32 $0xFFFFF800  }
0x98: {  	_ =	swait.ge [sflag:s19], $0x800  }
0x99: {  	s23 =	simm.s32 @!p0 $0x2780;
	[sflag:s19] =	ssyncset.done $0x0  }
0x9a: {  	s21 =	simm.s32 @!p0 $0x80;
	s22 =	simm.s32 @!p0 $0x2700;
	[sflag:s19] =	ssyncadd.s32 $0xFFFFF800  }
0x9b: {  	[spmem:s1] =	stream.indirect.scatter.add.f32 @!p0 [tilespmem:s23], [sflag:$0x3], $0x10, s22, s21, $0xb8;
	[tilespmem:$0x5780] =	vst v63  }
0x9c: {  	s21 =	simm.s32 @!p0 $0x3  }
0x9d: {  	_ =	swait.ge @!p0 [sflag:s21], $0x800  }
0x9e: {  	s20 =	sadd.s32 $0x1, s20;
	[sflag:s21] =	ssyncset.done @!p0 $0x0  }
0x9f: {  	p1 =	sne.s32 s20, s9;
	[sflag:s21] =	ssyncadd.s32 @!p0 $0xFFFFF800  }
.Ltmp1:
0xa0: {  	[bflag:$0x0] =	sbarrier.arrive $0xFFFF;
	(pc) =	sbr.rel @p1 .LBB2_1-.Ltmp1, $4  }
0xa1: {  	[hbm:s10], [sflag:s6] =	dma.local [spmem:s11], $0x500  }
0xa2: {  	_ =	swait.ge [sflag:s12], $0x500  }
0xa3: {  	[sflag:s12] =	ssyncset.done $0x0  }
0xa4: {  	[sflag:s12] =	ssyncadd.s32 $0xFFFFFB00  }
0xa5: {  	_ =	sfence.sel $0x180000  }
0xa6: {  	[bflag:$0x0] =	sbarrier.arrive $0xFFFF  }
0xa7: {  	p0 =	sne.s32 s2, $0x0;
	_ =	strace $0x90000047  }
0xa8: {  	s0 =	sadd.s32 @!p0 $0x100000, s0;
	[bflag:$0x2] =	sbarrier.arrive $0xFFFF  }
0xa9: {  	[sflag:s0] =	ssyncadd.tile.s32 @!p0 $0x1;
	_ =	shalt  }
.Lfunc_end2:
_tile_overlayer_lowered:
.L_overlay_start_2:
0xaa: {  	(tag) =	ssettag $0x2  }
0xab: {  	s0 =	rddreg [dreg:$0x0];
	s2 =	stileid.u32  }
0xac: {  	s1 =	rddreg [dreg:$0x1];
	p0 =	sne.s32 s2, $0x0  }
0xad: {  	s3 =	rddreg [dreg:$0x2];
	[bflag:$0x3] =	sbarrier.arrive $0xFFFF;
	s2 =	simm.s32 @!p0 $0x1C03  }
0xae: {  	[timem:s3], [sflag:s2] =	dma.local @!p0 [hbm:s0], s1  }
0xaf: {  	s0 =	simm.s32 @!p0 $0x3  }
0xb0: {  	_ =	swait.ge @!p0 [sflag:s0], s1  }
0xb1: {  	s1 =	ssub.s32 @!p0 $0x0, s1;
	[sflag:s0] =	ssyncset.done @!p0 $0x0  }
0xb2: {  	[sflag:s0] =	ssyncadd.s32 @!p0 s1  }
0xb3: {  	[bflag:$0x3] =	sbarrier.arrive $0xFFFF  }
0xb4: {  	_ =	shalt  }

</sc_bundles>
